<compile_context>
chip_gen: v7x
topology: tpu7x:2x2x1
jax: 0.10.2.dev20260603
libtpu: 0.0.44.dev20260713+nightly
codegen_flags: <defaults>
</compile_context>

<pallas_src>
import functools

import jax
import jax.numpy as jnp
from jax import lax
from jax.experimental import pallas as pl
from jax.experimental.pallas import tpu as pltpu
from jax.experimental.pallas import tpu_sc as plsc

NC = 2
NS = 16
NW = NC * NS

B, S, D, N = 4096, 64, 4, 32
R = S * D
KPT = R // NW
CPS = 4
CN = N // CPS
NCHUNK = KPT * CPS


def _sc_permute(xt, idx):
    mesh = plsc.VectorSubcoreMesh(
        core_axis_name="c", subcore_axis_name="s", num_cores=NC, num_subcores=NS
    )

    @functools.partial(
        pl.kernel,
        mesh=mesh,
        compiler_params=pltpu.CompilerParams(needs_layout_passes=False),
        out_type=jax.ShapeDtypeStruct((S, D, N, B), jnp.float32),
        scratch_types=[
            pltpu.VMEM((2, 128), jnp.int32),
            pltpu.SMEM((R,), jnp.int32),
            pltpu.VMEM((3, CN, B), jnp.float32),
            pltpu.SemaphoreType.DMA((3,)),
            pltpu.SemaphoreType.DMA((3,)),
        ],
    )
    def k(x_hbm, idx_hbm, out_hbm, idx_v, idx_s, bufs, isem, osem):
        wid = lax.axis_index("s") * NC + lax.axis_index("c")

        pltpu.sync_copy(idx_hbm, idx_v)
        lane = lax.iota(jnp.int32, 16)
        zero = jnp.zeros((16,), jnp.int32)
        for c in range(R // 16):
            v = idx_v[c // 8, pl.ds((c % 8) * 16, 16)]
            for j in range(16):
                idx_s[c * 16 + j] = jnp.sum(jnp.where(lane == j, v, zero))

        def start_in(t, c):
            kk = wid * KPT + lax.shift_right_logical(c, 2)
            o = lax.bitwise_and(c, CPS - 1) * CN
            p = idx_s[kk]
            d = lax.rem(kk, D)
            pltpu.make_async_copy(
                x_hbm.at[p, d, pl.ds(o, CN)], bufs.at[t], isem.at[t]
            ).start()

        def wait_in(t):
            pltpu.make_async_copy(
                x_hbm.at[0, 0, pl.ds(0, CN)], bufs.at[t], isem.at[t]
            ).wait()

        def start_out(t, c):
            kk = wid * KPT + lax.shift_right_logical(c, 2)
            o = lax.bitwise_and(c, CPS - 1) * CN
            s = lax.div(kk, D)
            d = lax.rem(kk, D)
            pltpu.make_async_copy(
                bufs.at[t], out_hbm.at[s, d, pl.ds(o, CN)], osem.at[t]
            ).start()

        def wait_out(t):
            pltpu.make_async_copy(
                bufs.at[t], out_hbm.at[0, 0, pl.ds(0, CN)], osem.at[t]
            ).wait()

        def body(i, carry):
            t = lax.rem(i, 3)
            u = lax.rem(i + 1, 3)
            pl.when(i >= 3)(lambda: wait_out(t))
            pl.when(i < NCHUNK)(lambda: start_in(t, i))

            def drain_and_store():
                wait_in(u)
                start_out(u, i - 2)

            pl.when(i >= 2)(drain_and_store)
            return carry

        lax.fori_loop(0, NCHUNK + 2, body, 0)
        wait_out((NCHUNK - 1) % 3)

    return k(xt, idx)


@jax.jit
def kernel(x, permutations):
    xt = jnp.transpose(x, (1, 2, 3, 0))
    off = jnp.maximum(permutations, 0).T
    idx = off.reshape(2, 128).astype(jnp.int32)
    yt = _sc_permute(xt, idx)
    return jnp.transpose(yt, (3, 0, 1, 2))

# --- scband reference (transcript-rebuilt; emitter-appended) ---
"""Pipeline reference for scband-permute-and-pad-scopes-22754736734506 (READ-ONLY COPY).

The authoritative reference and input builder live on the scoring server;
editing this copy changes nothing except your own understanding.
"""

import jax, jax.numpy as jnp
import numpy as np


def setup_inputs(seed: int = 0) -> dict:
    key = jax.random.key(seed)
    x = jax.random.normal(key, (4096, 64, 4, 32), dtype=jnp.float32)
    p0 = np.arange(64)
    perms = np.stack([p0, p0[::-1], np.roll(p0, -1), np.roll(p0, -32)]).astype(np.int32)
    return {"x": x, "permutations": jnp.asarray(perms)}


def reference(x, permutations):
    # x: [batch, scopes, decomps, nodes]
    decomps_first = jnp.transpose(x, (2, 1, 0, 3))  # [decomps, scopes, batch, nodes]
    decomps_first_padded = jnp.pad(
        decomps_first, ((0, 0), (1, 0), (0, 0), (0, 0))
    )  # pad a zero-scope at index 0
    gather_indices = permutations + 1  # [decomps, out_scopes]; -1 -> padded zeros
    permuted = jnp.take_along_axis(
        decomps_first_padded, gather_indices[:, :, None, None], axis=1
    )  # per-decomp batched gather over scope axis
    return jnp.transpose(permuted, (2, 1, 0, 3))  # back to [batch, scopes, decomps, nodes]

if __name__ == "__main__":
    import jax
    _d = setup_inputs()
    print(jax.jit(kernel)(*tuple(_d.values())))

</pallas_src>

<mosaic_0001>
#map = affine_map<(d0, d1) -> (0, 0, 0, 0)>
#map1 = affine_map<(d0, d1) -> (0, 0)>
module attributes {stable_mosaic.version = 14 : i64} {
  func.func @k(%arg0: i32, %arg1: i32, %arg2: memref<64x4x32x4096xf32, #tpu.memory_space<hbm>>, %arg3: memref<2x128xi32, #tpu.memory_space<hbm>>, %arg4: memref<64x4x32x4096xf32, #tpu.memory_space<hbm>>, %arg5: memref<2x128xi32, #tpu.memory_space<vmem>>, %arg6: memref<256xi32, #tpu.memory_space<smem>>, %arg7: memref<3x8x4096xf32, #tpu.memory_space<vmem>>, %arg8: memref<3x!tpu.dma_semaphore, #tpu.memory_space<semaphore_mem>>, %arg9: memref<3x!tpu.dma_semaphore, #tpu.memory_space<semaphore_mem>>) attributes {dimension_semantics = [#tpu.dimension_semantics<core_parallel>, #tpu.dimension_semantics<subcore_parallel>], iteration_bounds = array<i64: 2, 16>, scalar_prefetch = 0 : i64, scratch_operands = 5 : i64, tpu.core_type = #tpu.core_type<sc_vector_subcore>, window_params = [{transform_indices = #map}, {transform_indices = #map1}, {transform_indices = #map}]} {
    %mul3A = arith.constant 2 : i32
    %mul3A_0 = arith.muli %arg1, %mul3A : i32
    %add3A = arith.addi %mul3A_0, %arg0 : i32
    "tpu.region"() ({
      %run_scoped3A = tpu.sem_alloc : memref<!tpu.dma_semaphore, #tpu.memory_space<semaphore_mem>>
      tpu.enqueue_dma source(%arg3 : memref<2x128xi32, #tpu.memory_space<hbm>>) target(%arg5 : memref<2x128xi32, #tpu.memory_space<vmem>>) target_semaphore(%run_scoped3A : memref<!tpu.dma_semaphore, #tpu.memory_space<semaphore_mem>>)
      tpu.wait_dma2 semaphore(%run_scoped3A : memref<!tpu.dma_semaphore, #tpu.memory_space<semaphore_mem>>) src(%arg3 : memref<2x128xi32, #tpu.memory_space<hbm>>) dst(%arg5 : memref<2x128xi32, #tpu.memory_space<vmem>>)
      tpu.yield
    }) : () -> ()
    %iota3A = tpu.iota {dimensions = array<i32: 0>} : vector<16xi32>
    %broadcast_in_dim3A = arith.constant 0 : i32
    %broadcast_in_dim3A_1 = vector.broadcast %broadcast_in_dim3A : i32 to vector<16xi32>
    %get3A = arith.constant 0 : i32
    %get3A_2 = arith.index_cast %get3A : i32 to index
    %get3A_3 = arith.constant 0 : index
    %get3A_4 = tpu.vector_load %arg5[%get3A_2, %get3A_3] {strides = array<i32>} : memref<2x128xi32, #tpu.memory_space<vmem>>, vector<16xi32>,
    %eq3A = arith.constant 0 : i32
    %eq3A_5 = vector.broadcast %eq3A : i32 to vector<16xi32>
    %eq3A_6 = arith.cmpi eq, %iota3A, %eq3A_5 : vector<16xi32>
    %select_n3A = arith.select %eq3A_6, %get3A_4, %broadcast_in_dim3A_1 : vector<16xi1>, vector<16xi32>
    %reduce_sum3A = arith.constant true
    %reduce_sum3A_7 = vector.broadcast %reduce_sum3A : i1 to vector<16xi1>
    %reduce_sum3A_8 = tpu.scan <sum>, %select_n3A masked %reduce_sum3A_7 : vector<16xi32>, vector<16xi1> -> vector<16xi32>
    %reduce_sum3A_9 = vector.extract %reduce_sum3A_8[15] : i32 from vector<16xi32>
    %swap3A = arith.constant 0 : i32
    %swap3A_10 = arith.index_cast %swap3A : i32 to index
    %swap3A_11 = memref.load %arg6[%swap3A_10] : memref<256xi32, #tpu.memory_space<smem>>
    memref.store %reduce_sum3A_9, %arg6[%swap3A_10] : memref<256xi32, #tpu.memory_space<smem>>
    %eq3A_12 = arith.constant 1 : i32
    %eq3A_13 = vector.broadcast %eq3A_12 : i32 to vector<16xi32>
    %eq3A_14 = arith.cmpi eq, %iota3A, %eq3A_13 : vector<16xi32>
    %select_n3A_15 = arith.select %eq3A_14, %get3A_4, %broadcast_in_dim3A_1 : vector<16xi1>, vector<16xi32>
    %reduce_sum3A_16 = arith.constant true
    %reduce_sum3A_17 = vector.broadcast %reduce_sum3A_16 : i1 to vector<16xi1>
    %reduce_sum3A_18 = tpu.scan <sum>, %select_n3A_15 masked %reduce_sum3A_17 : vector<16xi32>, vector<16xi1> -> vector<16xi32>
    %reduce_sum3A_19 = vector.extract %reduce_sum3A_18[15] : i32 from vector<16xi32>
    %swap3A_20 = arith.constant 1 : i32
    %swap3A_21 = arith.index_cast %swap3A_20 : i32 to index
    %swap3A_22 = memref.load %arg6[%swap3A_21] : memref<256xi32, #tpu.memory_space<smem>>
    memref.store %reduce_sum3A_19, %arg6[%swap3A_21] : memref<256xi32, #tpu.memory_space<smem>>
    %eq3A_23 = arith.constant 2 : i32
    %eq3A_24 = vector.broadcast %eq3A_23 : i32 to vector<16xi32>
    %eq3A_25 = arith.cmpi eq, %iota3A, %eq3A_24 : vector<16xi32>
    %select_n3A_26 = arith.select %eq3A_25, %get3A_4, %broadcast_in_dim3A_1 : vector<16xi1>, vector<16xi32>
    %reduce_sum3A_27 = arith.constant true
    %reduce_sum3A_28 = vector.broadcast %reduce_sum3A_27 : i1 to vector<16xi1>
    %reduce_sum3A_29 = tpu.scan <sum>, %select_n3A_26 masked %reduce_sum3A_28 : vector<16xi32>, vector<16xi1> -> vector<16xi32>
    %reduce_sum3A_30 = vector.extract %reduce_sum3A_29[15] : i32 from vector<16xi32>
    %swap3A_31 = arith.constant 2 : i32
    %swap3A_32 = arith.index_cast %swap3A_31 : i32 to index
    %swap3A_33 = memref.load %arg6[%swap3A_32] : memref<256xi32, #tpu.memory_space<smem>>
    memref.store %reduce_sum3A_30, %arg6[%swap3A_32] : memref<256xi32, #tpu.memory_space<smem>>
    %eq3A_34 = arith.constant 3 : i32
    %eq3A_35 = vector.broadcast %eq3A_34 : i32 to vector<16xi32>
    %eq3A_36 = arith.cmpi eq, %iota3A, %eq3A_35 : vector<16xi32>
    %select_n3A_37 = arith.select %eq3A_36, %get3A_4, %broadcast_in_dim3A_1 : vector<16xi1>, vector<16xi32>
    %reduce_sum3A_38 = arith.constant true
    %reduce_sum3A_39 = vector.broadcast %reduce_sum3A_38 : i1 to vector<16xi1>
    %reduce_sum3A_40 = tpu.scan <sum>, %select_n3A_37 masked %reduce_sum3A_39 : vector<16xi32>, vector<16xi1> -> vector<16xi32>
    %reduce_sum3A_41 = vector.extract %reduce_sum3A_40[15] : i32 from vector<16xi32>
    %swap3A_42 = arith.constant 3 : i32
    %swap3A_43 = arith.index_cast %swap3A_42 : i32 to index
    %swap3A_44 = memref.load %arg6[%swap3A_43] : memref<256xi32, #tpu.memory_space<smem>>
    memref.store %reduce_sum3A_41, %arg6[%swap3A_43] : memref<256xi32, #tpu.memory_space<smem>>
    %eq3A_45 = arith.constant 4 : i32
    %eq3A_46 = vector.broadcast %eq3A_45 : i32 to vector<16xi32>
    %eq3A_47 = arith.cmpi eq, %iota3A, %eq3A_46 : vector<16xi32>
    %select_n3A_48 = arith.select %eq3A_47, %get3A_4, %broadcast_in_dim3A_1 : vector<16xi1>, vector<16xi32>
    %reduce_sum3A_49 = arith.constant true
    %reduce_sum3A_50 = vector.broadcast %reduce_sum3A_49 : i1 to vector<16xi1>
    %reduce_sum3A_51 = tpu.scan <sum>, %select_n3A_48 masked %reduce_sum3A_50 : vector<16xi32>, vector<16xi1> -> vector<16xi32>
    %reduce_sum3A_52 = vector.extract %reduce_sum3A_51[15] : i32 from vector<16xi32>
    %swap3A_53 = arith.constant 4 : i32
    %swap3A_54 = arith.index_cast %swap3A_53 : i32 to index
    %swap3A_55 = memref.load %arg6[%swap3A_54] : memref<256xi32, #tpu.memory_space<smem>>
    memref.store %reduce_sum3A_52, %arg6[%swap3A_54] : memref<256xi32, #tpu.memory_space<smem>>
    %eq3A_56 = arith.constant 5 : i32
    %eq3A_57 = vector.broadcast %eq3A_56 : i32 to vector<16xi32>
    %eq3A_58 = arith.cmpi eq, %iota3A, %eq3A_57 : vector<16xi32>
    %select_n3A_59 = arith.select %eq3A_58, %get3A_4, %broadcast_in_dim3A_1 : vector<16xi1>, vector<16xi32>
    %reduce_sum3A_60 = arith.constant true
    %reduce_sum3A_61 = vector.broadcast %reduce_sum3A_60 : i1 to vector<16xi1>
    %reduce_sum3A_62 = tpu.scan <sum>, %select_n3A_59 masked %reduce_sum3A_61 : vector<16xi32>, vector<16xi1> -> vector<16xi32>
    %reduce_sum3A_63 = vector.extract %reduce_sum3A_62[15] : i32 from vector<16xi32>
    %swap3A_64 = arith.constant 5 : i32
    %swap3A_65 = arith.index_cast %swap3A_64 : i32 to index
    %swap3A_66 = memref.load %arg6[%swap3A_65] : memref<256xi32, #tpu.memory_space<smem>>
    memref.store %reduce_sum3A_63, %arg6[%swap3A_65] : memref<256xi32, #tpu.memory_space<smem>>
    %eq3A_67 = arith.constant 6 : i32
    %eq3A_68 = vector.broadcast %eq3A_67 : i32 to vector<16xi32>
    %eq3A_69 = arith.cmpi eq, %iota3A, %eq3A_68 : vector<16xi32>
    %select_n3A_70 = arith.select %eq3A_69, %get3A_4, %broadcast_in_dim3A_1 : vector<16xi1>, vector<16xi32>
    %reduce_sum3A_71 = arith.constant true
    %reduce_sum3A_72 = vector.broadcast %reduce_sum3A_71 : i1 to vector<16xi1>
    %reduce_sum3A_73 = tpu.scan <sum>, %select_n3A_70 masked %reduce_sum3A_72 : vector<16xi32>, vector<16xi1> -> vector<16xi32>
    %reduce_sum3A_74 = vector.extract %reduce_sum3A_73[15] : i32 from vector<16xi32>
    %swap3A_75 = arith.constant 6 : i32
    %swap3A_76 = arith.index_cast %swap3A_75 : i32 to index
    %swap3A_77 = memref.load %arg6[%swap3A_76] : memref<256xi32, #tpu.memory_space<smem>>
    memref.store %reduce_sum3A_74, %arg6[%swap3A_76] : memref<256xi32, #tpu.memory_space<smem>>
    %eq3A_78 = arith.constant 7 : i32
    %eq3A_79 = vector.broadcast %eq3A_78 : i32 to vector<16xi32>
    %eq3A_80 = arith.cmpi eq, %iota3A, %eq3A_79 : vector<16xi32>
    %select_n3A_81 = arith.select %eq3A_80, %get3A_4, %broadcast_in_dim3A_1 : vector<16xi1>, vector<16xi32>
    %reduce_sum3A_82 = arith.constant true
    %reduce_sum3A_83 = vector.broadcast %reduce_sum3A_82 : i1 to vector<16xi1>
    %reduce_sum3A_84 = tpu.scan <sum>, %select_n3A_81 masked %reduce_sum3A_83 : vector<16xi32>, vector<16xi1> -> vector<16xi32>
    %reduce_sum3A_85 = vector.extract %reduce_sum3A_84[15] : i32 from vector<16xi32>
    %swap3A_86 = arith.constant 7 : i32
    %swap3A_87 = arith.index_cast %swap3A_86 : i32 to index
    %swap3A_88 = memref.load %arg6[%swap3A_87] : memref<256xi32, #tpu.memory_space<smem>>
    memref.store %reduce_sum3A_85, %arg6[%swap3A_87] : memref<256xi32, #tpu.memory_space<smem>>
    %eq3A_89 = arith.constant 8 : i32
    %eq3A_90 = vector.broadcast %eq3A_89 : i32 to vector<16xi32>
    %eq3A_91 = arith.cmpi eq, %iota3A, %eq3A_90 : vector<16xi32>
    %select_n3A_92 = arith.select %eq3A_91, %get3A_4, %broadcast_in_dim3A_1 : vector<16xi1>, vector<16xi32>
    %reduce_sum3A_93 = arith.constant true
    %reduce_sum3A_94 = vector.broadcast %reduce_sum3A_93 : i1 to vector<16xi1>
    %reduce_sum3A_95 = tpu.scan <sum>, %select_n3A_92 masked %reduce_sum3A_94 : vector<16xi32>, vector<16xi1> -> vector<16xi32>
    %reduce_sum3A_96 = vector.extract %reduce_sum3A_95[15] : i32 from vector<16xi32>
    %swap3A_97 = arith.constant 8 : i32
    %swap3A_98 = arith.index_cast %swap3A_97 : i32 to index
    %swap3A_99 = memref.load %arg6[%swap3A_98] : memref<256xi32, #tpu.memory_space<smem>>
    memref.store %reduce_sum3A_96, %arg6[%swap3A_98] : memref<256xi32, #tpu.memory_space<smem>>
    %eq3A_100 = arith.constant 9 : i32
    %eq3A_101 = vector.broadcast %eq3A_100 : i32 to vector<16xi32>
    %eq3A_102 = arith.cmpi eq, %iota3A, %eq3A_101 : vector<16xi32>
    %select_n3A_103 = arith.select %eq3A_102, %get3A_4, %broadcast_in_dim3A_1 : vector<16xi1>, vector<16xi32>
    %reduce_sum3A_104 = arith.constant true
    %reduce_sum3A_105 = vector.broadcast %reduce_sum3A_104 : i1 to vector<16xi1>
    %reduce_sum3A_106 = tpu.scan <sum>, %select_n3A_103 masked %reduce_sum3A_105 : vector<16xi32>, vector<16xi1> -> vector<16xi32>
    %reduce_sum3A_107 = vector.extract %reduce_sum3A_106[15] : i32 from vector<16xi32>
    %swap3A_108 = arith.constant 9 : i32
    %swap3A_109 = arith.index_cast %swap3A_108 : i32 to index
    %swap3A_110 = memref.load %arg6[%swap3A_109] : memref<256xi32, #tpu.memory_space<smem>>
    memref.store %reduce_sum3A_107, %arg6[%swap3A_109] : memref<256xi32, #tpu.memory_space<smem>>
    %eq3A_111 = arith.constant 10 : i32
    %eq3A_112 = vector.broadcast %eq3A_111 : i32 to vector<16xi32>
    %eq3A_113 = arith.cmpi eq, %iota3A, %eq3A_112 : vector<16xi32>
    %select_n3A_114 = arith.select %eq3A_113, %get3A_4, %broadcast_in_dim3A_1 : vector<16xi1>, vector<16xi32>
    %reduce_sum3A_115 = arith.constant true
    %reduce_sum3A_116 = vector.broadcast %reduce_sum3A_115 : i1 to vector<16xi1>
    %reduce_sum3A_117 = tpu.scan <sum>, %select_n3A_114 masked %reduce_sum3A_116 : vector<16xi32>, vector<16xi1> -> vector<16xi32>
    %reduce_sum3A_118 = vector.extract %reduce_sum3A_117[15] : i32 from vector<16xi32>
    %swap3A_119 = arith.constant 10 : i32
    %swap3A_120 = arith.index_cast %swap3A_119 : i32 to index
    %swap3A_121 = memref.load %arg6[%swap3A_120] : memref<256xi32, #tpu.memory_space<smem>>
    memref.store %reduce_sum3A_118, %arg6[%swap3A_120] : memref<256xi32, #tpu.memory_space<smem>>
    %eq3A_122 = arith.constant 11 : i32
    %eq3A_123 = vector.broadcast %eq3A_122 : i32 to vector<16xi32>
    %eq3A_124 = arith.cmpi eq, %iota3A, %eq3A_123 : vector<16xi32>
    %select_n3A_125 = arith.select %eq3A_124, %get3A_4, %broadcast_in_dim3A_1 : vector<16xi1>, vector<16xi32>
    %reduce_sum3A_126 = arith.constant true
    %reduce_sum3A_127 = vector.broadcast %reduce_sum3A_126 : i1 to vector<16xi1>
    %reduce_sum3A_128 = tpu.scan <sum>, %select_n3A_125 masked %reduce_sum3A_127 : vector<16xi32>, vector<16xi1> -> vector<16xi32>
    %reduce_sum3A_129 = vector.extract %reduce_sum3A_128[15] : i32 from vector<16xi32>
    %swap3A_130 = arith.constant 11 : i32
    %swap3A_131 = arith.index_cast %swap3A_130 : i32 to index
    %swap3A_132 = memref.load %arg6[%swap3A_131] : memref<256xi32, #tpu.memory_space<smem>>
    memref.store %reduce_sum3A_129, %arg6[%swap3A_131] : memref<256xi32, #tpu.memory_space<smem>>
    %eq3A_133 = arith.constant 12 : i32
    %eq3A_134 = vector.broadcast %eq3A_133 : i32 to vector<16xi32>
    %eq3A_135 = arith.cmpi eq, %iota3A, %eq3A_134 : vector<16xi32>
    %select_n3A_136 = arith.select %eq3A_135, %get3A_4, %broadcast_in_dim3A_1 : vector<16xi1>, vector<16xi32>
    %reduce_sum3A_137 = arith.constant true
    %reduce_sum3A_138 = vector.broadcast %reduce_sum3A_137 : i1 to vector<16xi1>
    %reduce_sum3A_139 = tpu.scan <sum>, %select_n3A_136 masked %reduce_sum3A_138 : vector<16xi32>, vector<16xi1> -> vector<16xi32>
    %reduce_sum3A_140 = vector.extract %reduce_sum3A_139[15] : i32 from vector<16xi32>
    %swap3A_141 = arith.constant 12 : i32
    %swap3A_142 = arith.index_cast %swap3A_141 : i32 to index
    %swap3A_143 = memref.load %arg6[%swap3A_142] : memref<256xi32, #tpu.memory_space<smem>>
    memref.store %reduce_sum3A_140, %arg6[%swap3A_142] : memref<256xi32, #tpu.memory_space<smem>>
    %eq3A_144 = arith.constant 13 : i32
    %eq3A_145 = vector.broadcast %eq3A_144 : i32 to vector<16xi32>
    %eq3A_146 = arith.cmpi eq, %iota3A, %eq3A_145 : vector<16xi32>
    %select_n3A_147 = arith.select %eq3A_146, %get3A_4, %broadcast_in_dim3A_1 : vector<16xi1>, vector<16xi32>
    %reduce_sum3A_148 = arith.constant true
    %reduce_sum3A_149 = vector.broadcast %reduce_sum3A_148 : i1 to vector<16xi1>
    %reduce_sum3A_150 = tpu.scan <sum>, %select_n3A_147 masked %reduce_sum3A_149 : vector<16xi32>, vector<16xi1> -> vector<16xi32>
    %reduce_sum3A_151 = vector.extract %reduce_sum3A_150[15] : i32 from vector<16xi32>
    %swap3A_152 = arith.constant 13 : i32
    %swap3A_153 = arith.index_cast %swap3A_152 : i32 to index
    %swap3A_154 = memref.load %arg6[%swap3A_153] : memref<256xi32, #tpu.memory_space<smem>>
    memref.store %reduce_sum3A_151, %arg6[%swap3A_153] : memref<256xi32, #tpu.memory_space<smem>>
    %eq3A_155 = arith.constant 14 : i32
    %eq3A_156 = vector.broadcast %eq3A_155 : i32 to vector<16xi32>
    %eq3A_157 = arith.cmpi eq, %iota3A, %eq3A_156 : vector<16xi32>
    %select_n3A_158 = arith.select %eq3A_157, %get3A_4, %broadcast_in_dim3A_1 : vector<16xi1>, vector<16xi32>
    %reduce_sum3A_159 = arith.constant true
    %reduce_sum3A_160 = vector.broadcast %reduce_sum3A_159 : i1 to vector<16xi1>
    %reduce_sum3A_161 = tpu.scan <sum>, %select_n3A_158 masked %reduce_sum3A_160 : vector<16xi32>, vector<16xi1> -> vector<16xi32>
    %reduce_sum3A_162 = vector.extract %reduce_sum3A_161[15] : i32 from vector<16xi32>
    %swap3A_163 = arith.constant 14 : i32
    %swap3A_164 = arith.index_cast %swap3A_163 : i32 to index
    %swap3A_165 = memref.load %arg6[%swap3A_164] : memref<256xi32, #tpu.memory_space<smem>>
    memref.store %reduce_sum3A_162, %arg6[%swap3A_164] : memref<256xi32, #tpu.memory_space<smem>>
    %eq3A_166 = arith.constant 15 : i32
    %eq3A_167 = vector.broadcast %eq3A_166 : i32 to vector<16xi32>
    %eq3A_168 = arith.cmpi eq, %iota3A, %eq3A_167 : vector<16xi32>
    %select_n3A_169 = arith.select %eq3A_168, %get3A_4, %broadcast_in_dim3A_1 : vector<16xi1>, vector<16xi32>
    %reduce_sum3A_170 = arith.constant true
    %reduce_sum3A_171 = vector.broadcast %reduce_sum3A_170 : i1 to vector<16xi1>
    %reduce_sum3A_172 = tpu.scan <sum>, %select_n3A_169 masked %reduce_sum3A_171 : vector<16xi32>, vector<16xi1> -> vector<16xi32>
    %reduce_sum3A_173 = vector.extract %reduce_sum3A_172[15] : i32 from vector<16xi32>
    %swap3A_174 = arith.constant 15 : i32
    %swap3A_175 = arith.index_cast %swap3A_174 : i32 to index
    %swap3A_176 = memref.load %arg6[%swap3A_175] : memref<256xi32, #tpu.memory_space<smem>>
    memref.store %reduce_sum3A_173, %arg6[%swap3A_175] : memref<256xi32, #tpu.memory_space<smem>>
    %get3A_177 = arith.constant 0 : i32
    %get3A_178 = arith.index_cast %get3A_177 : i32 to index
    %get3A_179 = arith.constant 16 : index
    %get3A_180 = tpu.vector_load %arg5[%get3A_178, %get3A_179] {strides = array<i32>} : memref<2x128xi32, #tpu.memory_space<vmem>>, vector<16xi32>,
    %eq3A_181 = arith.constant 0 : i32
    %eq3A_182 = vector.broadcast %eq3A_181 : i32 to vector<16xi32>
    %eq3A_183 = arith.cmpi eq, %iota3A, %eq3A_182 : vector<16xi32>
    %select_n3A_184 = arith.select %eq3A_183, %get3A_180, %broadcast_in_dim3A_1 : vector<16xi1>, vector<16xi32>
    %reduce_sum3A_185 = arith.constant true
    %reduce_sum3A_186 = vector.broadcast %reduce_sum3A_185 : i1 to vector<16xi1>
    %reduce_sum3A_187 = tpu.scan <sum>, %select_n3A_184 masked %reduce_sum3A_186 : vector<16xi32>, vector<16xi1> -> vector<16xi32>
    %reduce_sum3A_188 = vector.extract %reduce_sum3A_187[15] : i32 from vector<16xi32>
    %swap3A_189 = arith.constant 16 : i32
    %swap3A_190 = arith.index_cast %swap3A_189 : i32 to index
    %swap3A_191 = memref.load %arg6[%swap3A_190] : memref<256xi32, #tpu.memory_space<smem>>
    memref.store %reduce_sum3A_188, %arg6[%swap3A_190] : memref<256xi32, #tpu.memory_space<smem>>
    %eq3A_192 = arith.constant 1 : i32
    %eq3A_193 = vector.broadcast %eq3A_192 : i32 to vector<16xi32>
    %eq3A_194 = arith.cmpi eq, %iota3A, %eq3A_193 : vector<16xi32>
    %select_n3A_195 = arith.select %eq3A_194, %get3A_180, %broadcast_in_dim3A_1 : vector<16xi1>, vector<16xi32>
    %reduce_sum3A_196 = arith.constant true
    %reduce_sum3A_197 = vector.broadcast %reduce_sum3A_196 : i1 to vector<16xi1>
    %reduce_sum3A_198 = tpu.scan <sum>, %select_n3A_195 masked %reduce_sum3A_197 : vector<16xi32>, vector<16xi1> -> vector<16xi32>
    %reduce_sum3A_199 = vector.extract %reduce_sum3A_198[15] : i32 from vector<16xi32>
    %swap3A_200 = arith.constant 17 : i32
    %swap3A_201 = arith.index_cast %swap3A_200 : i32 to index
    %swap3A_202 = memref.load %arg6[%swap3A_201] : memref<256xi32, #tpu.memory_space<smem>>
    memref.store %reduce_sum3A_199, %arg6[%swap3A_201] : memref<256xi32, #tpu.memory_space<smem>>
    %eq3A_203 = arith.constant 2 : i32
    %eq3A_204 = vector.broadcast %eq3A_203 : i32 to vector<16xi32>
    %eq3A_205 = arith.cmpi eq, %iota3A, %eq3A_204 : vector<16xi32>
    %select_n3A_206 = arith.select %eq3A_205, %get3A_180, %broadcast_in_dim3A_1 : vector<16xi1>, vector<16xi32>
    %reduce_sum3A_207 = arith.constant true
    %reduce_sum3A_208 = vector.broadcast %reduce_sum3A_207 : i1 to vector<16xi1>
    %reduce_sum3A_209 = tpu.scan <sum>, %select_n3A_206 masked %reduce_sum3A_208 : vector<16xi32>, vector<16xi1> -> vector<16xi32>
    %reduce_sum3A_210 = vector.extract %reduce_sum3A_209[15] : i32 from vector<16xi32>
    %swap3A_211 = arith.constant 18 : i32
    %swap3A_212 = arith.index_cast %swap3A_211 : i32 to index
    %swap3A_213 = memref.load %arg6[%swap3A_212] : memref<256xi32, #tpu.memory_space<smem>>
    memref.store %reduce_sum3A_210, %arg6[%swap3A_212] : memref<256xi32, #tpu.memory_space<smem>>
    %eq3A_214 = arith.constant 3 : i32
    %eq3A_215 = vector.broadcast %eq3A_214 : i32 to vector<16xi32>
    %eq3A_216 = arith.cmpi eq, %iota3A, %eq3A_215 : vector<16xi32>
    %select_n3A_217 = arith.select %eq3A_216, %get3A_180, %broadcast_in_dim3A_1 : vector<16xi1>, vector<16xi32>
    %reduce_sum3A_218 = arith.constant true
    %reduce_sum3A_219 = vector.broadcast %reduce_sum3A_218 : i1 to vector<16xi1>
    %reduce_sum3A_220 = tpu.scan <sum>, %select_n3A_217 masked %reduce_sum3A_219 : vector<16xi32>, vector<16xi1> -> vector<16xi32>
    %reduce_sum3A_221 = vector.extract %reduce_sum3A_220[15] : i32 from vector<16xi32>
    %swap3A_222 = arith.constant 19 : i32
    %swap3A_223 = arith.index_cast %swap3A_222 : i32 to index
    %swap3A_224 = memref.load %arg6[%swap3A_223] : memref<256xi32, #tpu.memory_space<smem>>
    memref.store %reduce_sum3A_221, %arg6[%swap3A_223] : memref<256xi32, #tpu.memory_space<smem>>
    %eq3A_225 = arith.constant 4 : i32
    %eq3A_226 = vector.broadcast %eq3A_225 : i32 to vector<16xi32>
    %eq3A_227 = arith.cmpi eq, %iota3A, %eq3A_226 : vector<16xi32>
    %select_n3A_228 = arith.select %eq3A_227, %get3A_180, %broadcast_in_dim3A_1 : vector<16xi1>, vector<16xi32>
    %reduce_sum3A_229 = arith.constant true
    %reduce_sum3A_230 = vector.broadcast %reduce_sum3A_229 : i1 to vector<16xi1>
    %reduce_sum3A_231 = tpu.scan <sum>, %select_n3A_228 masked %reduce_sum3A_230 : vector<16xi32>, vector<16xi1> -> vector<16xi32>
    %reduce_sum3A_232 = vector.extract %reduce_sum3A_231[15] : i32 from vector<16xi32>
    %swap3A_233 = arith.constant 20 : i32
    %swap3A_234 = arith.index_cast %swap3A_233 : i32 to index
    %swap3A_235 = memref.load %arg6[%swap3A_234] : memref<256xi32, #tpu.memory_space<smem>>
    memref.store %reduce_sum3A_232, %arg6[%swap3A_234] : memref<256xi32, #tpu.memory_space<smem>>
    %eq3A_236 = arith.constant 5 : i32
    %eq3A_237 = vector.broadcast %eq3A_236 : i32 to vector<16xi32>
    %eq3A_238 = arith.cmpi eq, %iota3A, %eq3A_237 : vector<16xi32>
    %select_n3A_239 = arith.select %eq3A_238, %get3A_180, %broadcast_in_dim3A_1 : vector<16xi1>, vector<16xi32>
    %reduce_sum3A_240 = arith.constant true
    %reduce_sum3A_241 = vector.broadcast %reduce_sum3A_240 : i1 to vector<16xi1>
    %reduce_sum3A_242 = tpu.scan <sum>, %select_n3A_239 masked %reduce_sum3A_241 : vector<16xi32>, vector<16xi1> -> vector<16xi32>
    %reduce_sum3A_243 = vector.extract %reduce_sum3A_242[15] : i32 from vector<16xi32>
    %swap3A_244 = arith.constant 21 : i32
    %swap3A_245 = arith.index_cast %swap3A_244 : i32 to index
    %swap3A_246 = memref.load %arg6[%swap3A_245] : memref<256xi32, #tpu.memory_space<smem>>
    memref.store %reduce_sum3A_243, %arg6[%swap3A_245] : memref<256xi32, #tpu.memory_space<smem>>
    %eq3A_247 = arith.constant 6 : i32
    %eq3A_248 = vector.broadcast %eq3A_247 : i32 to vector<16xi32>
    %eq3A_249 = arith.cmpi eq, %iota3A, %eq3A_248 : vector<16xi32>
    %select_n3A_250 = arith.select %eq3A_249, %get3A_180, %broadcast_in_dim3A_1 : vector<16xi1>, vector<16xi32>
    %reduce_sum3A_251 = arith.constant true
    %reduce_sum3A_252 = vector.broadcast %reduce_sum3A_251 : i1 to vector<16xi1>
    %reduce_sum3A_253 = tpu.scan <sum>, %select_n3A_250 masked %reduce_sum3A_252 : vector<16xi32>, vector<16xi1> -> vector<16xi32>
    %reduce_sum3A_254 = vector.extract %reduce_sum3A_253[15] : i32 from vector<16xi32>
    %swap3A_255 = arith.constant 22 : i32
    %swap3A_256 = arith.index_cast %swap3A_255 : i32 to index
    %swap3A_257 = memref.load %arg6[%swap3A_256] : memref<256xi32, #tpu.memory_space<smem>>
    memref.store %reduce_sum3A_254, %arg6[%swap3A_256] : memref<256xi32, #tpu.memory_space<smem>>
    %eq3A_258 = arith.constant 7 : i32
    %eq3A_259 = vector.broadcast %eq3A_258 : i32 to vector<16xi32>
    %eq3A_260 = arith.cmpi eq, %iota3A, %eq3A_259 : vector<16xi32>
    %select_n3A_261 = arith.select %eq3A_260, %get3A_180, %broadcast_in_dim3A_1 : vector<16xi1>, vector<16xi32>
    %reduce_sum3A_262 = arith.constant true
    %reduce_sum3A_263 = vector.broadcast %reduce_sum3A_262 : i1 to vector<16xi1>
    %reduce_sum3A_264 = tpu.scan <sum>, %select_n3A_261 masked %reduce_sum3A_263 : vector<16xi32>, vector<16xi1> -> vector<16xi32>
    %reduce_sum3A_265 = vector.extract %reduce_sum3A_264[15] : i32 from vector<16xi32>
    %swap3A_266 = arith.constant 23 : i32
    %swap3A_267 = arith.index_cast %swap3A_266 : i32 to index
    %swap3A_268 = memref.load %arg6[%swap3A_267] : memref<256xi32, #tpu.memory_space<smem>>
    memref.store %reduce_sum3A_265, %arg6[%swap3A_267] : memref<256xi32, #tpu.memory_space<smem>>
    %eq3A_269 = arith.constant 8 : i32
    %eq3A_270 = vector.broadcast %eq3A_269 : i32 to vector<16xi32>
    %eq3A_271 = arith.cmpi eq, %iota3A, %eq3A_270 : vector<16xi32>
    %select_n3A_272 = arith.select %eq3A_271, %get3A_180, %broadcast_in_dim3A_1 : vector<16xi1>, vector<16xi32>
    %reduce_sum3A_273 = arith.constant true
    %reduce_sum3A_274 = vector.broadcast %reduce_sum3A_273 : i1 to vector<16xi1>
    %reduce_sum3A_275 = tpu.scan <sum>, %select_n3A_272 masked %reduce_sum3A_274 : vector<16xi32>, vector<16xi1> -> vector<16xi32>
    %reduce_sum3A_276 = vector.extract %reduce_sum3A_275[15] : i32 from vector<16xi32>
    %swap3A_277 = arith.constant 24 : i32
    %swap3A_278 = arith.index_cast %swap3A_277 : i32 to index
    %swap3A_279 = memref.load %arg6[%swap3A_278] : memref<256xi32, #tpu.memory_space<smem>>
    memref.store %reduce_sum3A_276, %arg6[%swap3A_278] : memref<256xi32, #tpu.memory_space<smem>>
    %eq3A_280 = arith.constant 9 : i32
    %eq3A_281 = vector.broadcast %eq3A_280 : i32 to vector<16xi32>
    %eq3A_282 = arith.cmpi eq, %iota3A, %eq3A_281 : vector<16xi32>
    %select_n3A_283 = arith.select %eq3A_282, %get3A_180, %broadcast_in_dim3A_1 : vector<16xi1>, vector<16xi32>
    %reduce_sum3A_284 = arith.constant true
    %reduce_sum3A_285 = vector.broadcast %reduce_sum3A_284 : i1 to vector<16xi1>
    %reduce_sum3A_286 = tpu.scan <sum>, %select_n3A_283 masked %reduce_sum3A_285 : vector<16xi32>, vector<16xi1> -> vector<16xi32>
    %reduce_sum3A_287 = vector.extract %reduce_sum3A_286[15] : i32 from vector<16xi32>
    %swap3A_288 = arith.constant 25 : i32
    %swap3A_289 = arith.index_cast %swap3A_288 : i32 to index
    %swap3A_290 = memref.load %arg6[%swap3A_289] : memref<256xi32, #tpu.memory_space<smem>>
    memref.store %reduce_sum3A_287, %arg6[%swap3A_289] : memref<256xi32, #tpu.memory_space<smem>>
    %eq3A_291 = arith.constant 10 : i32
    %eq3A_292 = vector.broadcast %eq3A_291 : i32 to vector<16xi32>
    %eq3A_293 = arith.cmpi eq, %iota3A, %eq3A_292 : vector<16xi32>
    %select_n3A_294 = arith.select %eq3A_293, %get3A_180, %broadcast_in_dim3A_1 : vector<16xi1>, vector<16xi32>
    %reduce_sum3A_295 = arith.constant true
    %reduce_sum3A_296 = vector.broadcast %reduce_sum3A_295 : i1 to vector<16xi1>
    %reduce_sum3A_297 = tpu.scan <sum>, %select_n3A_294 masked %reduce_sum3A_296 : vector<16xi32>, vector<16xi1> -> vector<16xi32>
    %reduce_sum3A_298 = vector.extract %reduce_sum3A_297[15] : i32 from vector<16xi32>
    %swap3A_299 = arith.constant 26 : i32
    %swap3A_300 = arith.index_cast %swap3A_299 : i32 to index
    %swap3A_301 = memref.load %arg6[%swap3A_300] : memref<256xi32, #tpu.memory_space<smem>>
    memref.store %reduce_sum3A_298, %arg6[%swap3A_300] : memref<256xi32, #tpu.memory_space<smem>>
    %eq3A_302 = arith.constant 11 : i32
    %eq3A_303 = vector.broadcast %eq3A_302 : i32 to vector<16xi32>
    %eq3A_304 = arith.cmpi eq, %iota3A, %eq3A_303 : vector<16xi32>
    %select_n3A_305 = arith.select %eq3A_304, %get3A_180, %broadcast_in_dim3A_1 : vector<16xi1>, vector<16xi32>
    %reduce_sum3A_306 = arith.constant true
    %reduce_sum3A_307 = vector.broadcast %reduce_sum3A_306 : i1 to vector<16xi1>
    %reduce_sum3A_308 = tpu.scan <sum>, %select_n3A_305 masked %reduce_sum3A_307 : vector<16xi32>, vector<16xi1> -> vector<16xi32>
    %reduce_sum3A_309 = vector.extract %reduce_sum3A_308[15] : i32 from vector<16xi32>
    %swap3A_310 = arith.constant 27 : i32
    %swap3A_311 = arith.index_cast %swap3A_310 : i32 to index
    %swap3A_312 = memref.load %arg6[%swap3A_311] : memref<256xi32, #tpu.memory_space<smem>>
    memref.store %reduce_sum3A_309, %arg6[%swap3A_311] : memref<256xi32, #tpu.memory_space<smem>>
    %eq3A_313 = arith.constant 12 : i32
    %eq3A_314 = vector.broadcast %eq3A_313 : i32 to vector<16xi32>
    %eq3A_315 = arith.cmpi eq, %iota3A, %eq3A_314 : vector<16xi32>
    %select_n3A_316 = arith.select %eq3A_315, %get3A_180, %broadcast_in_dim3A_1 : vector<16xi1>, vector<16xi32>
    %reduce_sum3A_317 = arith.constant true
    %reduce_sum3A_318 = vector.broadcast %reduce_sum3A_317 : i1 to vector<16xi1>
    %reduce_sum3A_319 = tpu.scan <sum>, %select_n3A_316 masked %reduce_sum3A_318 : vector<16xi32>, vector<16xi1> -> vector<16xi32>
    %reduce_sum3A_320 = vector.extract %reduce_sum3A_319[15] : i32 from vector<16xi32>
    %swap3A_321 = arith.constant 28 : i32
    %swap3A_322 = arith.index_cast %swap3A_321 : i32 to index
    %swap3A_323 = memref.load %arg6[%swap3A_322] : memref<256xi32, #tpu.memory_space<smem>>
    memref.store %reduce_sum3A_320, %arg6[%swap3A_322] : memref<256xi32, #tpu.memory_space<smem>>
    %eq3A_324 = arith.constant 13 : i32
    %eq3A_325 = vector.broadcast %eq3A_324 : i32 to vector<16xi32>
    %eq3A_326 = arith.cmpi eq, %iota3A, %eq3A_325 : vector<16xi32>
    %select_n3A_327 = arith.select %eq3A_326, %get3A_180, %broadcast_in_dim3A_1 : vector<16xi1>, vector<16xi32>
    %reduce_sum3A_328 = arith.constant true
    %reduce_sum3A_329 = vector.broadcast %reduce_sum3A_328 : i1 to vector<16xi1>
    %reduce_sum3A_330 = tpu.scan <sum>, %select_n3A_327 masked %reduce_sum3A_329 : vector<16xi32>, vector<16xi1> -> vector<16xi32>
    %reduce_sum3A_331 = vector.extract %reduce_sum3A_330[15] : i32 from vector<16xi32>
    %swap3A_332 = arith.constant 29 : i32
    %swap3A_333 = arith.index_cast %swap3A_332 : i32 to index
    %swap3A_334 = memref.load %arg6[%swap3A_333] : memref<256xi32, #tpu.memory_space<smem>>
    memref.store %reduce_sum3A_331, %arg6[%swap3A_333] : memref<256xi32, #tpu.memory_space<smem>>
    %eq3A_335 = arith.constant 14 : i32
    %eq3A_336 = vector.broadcast %eq3A_335 : i32 to vector<16xi32>
    %eq3A_337 = arith.cmpi eq, %iota3A, %eq3A_336 : vector<16xi32>
    %select_n3A_338 = arith.select %eq3A_337, %get3A_180, %broadcast_in_dim3A_1 : vector<16xi1>, vector<16xi32>
    %reduce_sum3A_339 = arith.constant true
    %reduce_sum3A_340 = vector.broadcast %reduce_sum3A_339 : i1 to vector<16xi1>
    %reduce_sum3A_341 = tpu.scan <sum>, %select_n3A_338 masked %reduce_sum3A_340 : vector<16xi32>, vector<16xi1> -> vector<16xi32>
    %reduce_sum3A_342 = vector.extract %reduce_sum3A_341[15] : i32 from vector<16xi32>
    %swap3A_343 = arith.constant 30 : i32
    %swap3A_344 = arith.index_cast %swap3A_343 : i32 to index
    %swap3A_345 = memref.load %arg6[%swap3A_344] : memref<256xi32, #tpu.memory_space<smem>>
    memref.store %reduce_sum3A_342, %arg6[%swap3A_344] : memref<256xi32, #tpu.memory_space<smem>>
    %eq3A_346 = arith.constant 15 : i32
    %eq3A_347 = vector.broadcast %eq3A_346 : i32 to vector<16xi32>
    %eq3A_348 = arith.cmpi eq, %iota3A, %eq3A_347 : vector<16xi32>
    %select_n3A_349 = arith.select %eq3A_348, %get3A_180, %broadcast_in_dim3A_1 : vector<16xi1>, vector<16xi32>
    %reduce_sum3A_350 = arith.constant true
    %reduce_sum3A_351 = vector.broadcast %reduce_sum3A_350 : i1 to vector<16xi1>
    %reduce_sum3A_352 = tpu.scan <sum>, %select_n3A_349 masked %reduce_sum3A_351 : vector<16xi32>, vector<16xi1> -> vector<16xi32>
    %reduce_sum3A_353 = vector.extract %reduce_sum3A_352[15] : i32 from vector<16xi32>
    %swap3A_354 = arith.constant 31 : i32
    %swap3A_355 = arith.index_cast %swap3A_354 : i32 to index
    %swap3A_356 = memref.load %arg6[%swap3A_355] : memref<256xi32, #tpu.memory_space<smem>>
    memref.store %reduce_sum3A_353, %arg6[%swap3A_355] : memref<256xi32, #tpu.memory_space<smem>>
    %get3A_357 = arith.constant 0 : i32
    %get3A_358 = arith.index_cast %get3A_357 : i32 to index
    %get3A_359 = arith.constant 32 : index
    %get3A_360 = tpu.vector_load %arg5[%get3A_358, %get3A_359] {strides = array<i32>} : memref<2x128xi32, #tpu.memory_space<vmem>>, vector<16xi32>,
    %eq3A_361 = arith.constant 0 : i32
    %eq3A_362 = vector.broadcast %eq3A_361 : i32 to vector<16xi32>
    %eq3A_363 = arith.cmpi eq, %iota3A, %eq3A_362 : vector<16xi32>
    %select_n3A_364 = arith.select %eq3A_363, %get3A_360, %broadcast_in_dim3A_1 : vector<16xi1>, vector<16xi32>
    %reduce_sum3A_365 = arith.constant true
    %reduce_sum3A_366 = vector.broadcast %reduce_sum3A_365 : i1 to vector<16xi1>
    %reduce_sum3A_367 = tpu.scan <sum>, %select_n3A_364 masked %reduce_sum3A_366 : vector<16xi32>, vector<16xi1> -> vector<16xi32>
    %reduce_sum3A_368 = vector.extract %reduce_sum3A_367[15] : i32 from vector<16xi32>
    %swap3A_369 = arith.constant 32 : i32
    %swap3A_370 = arith.index_cast %swap3A_369 : i32 to index
    %swap3A_371 = memref.load %arg6[%swap3A_370] : memref<256xi32, #tpu.memory_space<smem>>
    memref.store %reduce_sum3A_368, %arg6[%swap3A_370] : memref<256xi32, #tpu.memory_space<smem>>
    %eq3A_372 = arith.constant 1 : i32
    %eq3A_373 = vector.broadcast %eq3A_372 : i32 to vector<16xi32>
    %eq3A_374 = arith.cmpi eq, %iota3A, %eq3A_373 : vector<16xi32>
    %select_n3A_375 = arith.select %eq3A_374, %get3A_360, %broadcast_in_dim3A_1 : vector<16xi1>, vector<16xi32>
    %reduce_sum3A_376 = arith.constant true
    %reduce_sum3A_377 = vector.broadcast %reduce_sum3A_376 : i1 to vector<16xi1>
    %reduce_sum3A_378 = tpu.scan <sum>, %select_n3A_375 masked %reduce_sum3A_377 : vector<16xi32>, vector<16xi1> -> vector<16xi32>
    %reduce_sum3A_379 = vector.extract %reduce_sum3A_378[15] : i32 from vector<16xi32>
    %swap3A_380 = arith.constant 33 : i32
    %swap3A_381 = arith.index_cast %swap3A_380 : i32 to index
    %swap3A_382 = memref.load %arg6[%swap3A_381] : memref<256xi32, #tpu.memory_space<smem>>
    memref.store %reduce_sum3A_379, %arg6[%swap3A_381] : memref<256xi32, #tpu.memory_space<smem>>
    %eq3A_383 = arith.constant 2 : i32
    %eq3A_384 = vector.broadcast %eq3A_383 : i32 to vector<16xi32>
    %eq3A_385 = arith.cmpi eq, %iota3A, %eq3A_384 : vector<16xi32>
    %select_n3A_386 = arith.select %eq3A_385, %get3A_360, %broadcast_in_dim3A_1 : vector<16xi1>, vector<16xi32>
    %reduce_sum3A_387 = arith.constant true
    %reduce_sum3A_388 = vector.broadcast %reduce_sum3A_387 : i1 to vector<16xi1>
    %reduce_sum3A_389 = tpu.scan <sum>, %select_n3A_386 masked %reduce_sum3A_388 : vector<16xi32>, vector<16xi1> -> vector<16xi32>
    %reduce_sum3A_390 = vector.extract %reduce_sum3A_389[15] : i32 from vector<16xi32>
    %swap3A_391 = arith.constant 34 : i32
    %swap3A_392 = arith.index_cast %swap3A_391 : i32 to index
    %swap3A_393 = memref.load %arg6[%swap3A_392] : memref<256xi32, #tpu.memory_space<smem>>
    memref.store %reduce_sum3A_390, %arg6[%swap3A_392] : memref<256xi32, #tpu.memory_space<smem>>
    %eq3A_394 = arith.constant 3 : i32
    %eq3A_395 = vector.broadcast %eq3A_394 : i32 to vector<16xi32>
    %eq3A_396 = arith.cmpi eq, %iota3A, %eq3A_395 : vector<16xi32>
    %select_n3A_397 = arith.select %eq3A_396, %get3A_360, %broadcast_in_dim3A_1 : vector<16xi1>, vector<16xi32>
    %reduce_sum3A_398 = arith.constant true
    %reduce_sum3A_399 = vector.broadcast %reduce_sum3A_398 : i1 to vector<16xi1>
    %reduce_sum3A_400 = tpu.scan <sum>, %select_n3A_397 masked %reduce_sum3A_399 : vector<16xi32>, vector<16xi1> -> vector<16xi32>
    %reduce_sum3A_401 = vector.extract %reduce_sum3A_400[15] : i32 from vector<16xi32>
    %swap3A_402 = arith.constant 35 : i32
    %swap3A_403 = arith.index_cast %swap3A_402 : i32 to index
    %swap3A_404 = memref.load %arg6[%swap3A_403] : memref<256xi32, #tpu.memory_space<smem>>
    memref.store %reduce_sum3A_401, %arg6[%swap3A_403] : memref<256xi32, #tpu.memory_space<smem>>
    %eq3A_405 = arith.constant 4 : i32
    %eq3A_406 = vector.broadcast %eq3A_405 : i32 to vector<16xi32>
    %eq3A_407 = arith.cmpi eq, %iota3A, %eq3A_406 : vector<16xi32>
    %select_n3A_408 = arith.select %eq3A_407, %get3A_360, %broadcast_in_dim3A_1 : vector<16xi1>, vector<16xi32>
    %reduce_sum3A_409 = arith.constant true
    %reduce_sum3A_410 = vector.broadcast %reduce_sum3A_409 : i1 to vector<16xi1>
    %reduce_sum3A_411 = tpu.scan <sum>, %select_n3A_408 masked %reduce_sum3A_410 : vector<16xi32>, vector<16xi1> -> vector<16xi32>
    %reduce_sum3A_412 = vector.extract %reduce_sum3A_411[15] : i32 from vector<16xi32>
    %swap3A_413 = arith.constant 36 : i32
    %swap3A_414 = arith.index_cast %swap3A_413 : i32 to index
    %swap3A_415 = memref.load %arg6[%swap3A_414] : memref<256xi32, #tpu.memory_space<smem>>
    memref.store %reduce_sum3A_412, %arg6[%swap3A_414] : memref<256xi32, #tpu.memory_space<smem>>
    %eq3A_416 = arith.constant 5 : i32
    %eq3A_417 = vector.broadcast %eq3A_416 : i32 to vector<16xi32>
    %eq3A_418 = arith.cmpi eq, %iota3A, %eq3A_417 : vector<16xi32>
    %select_n3A_419 = arith.select %eq3A_418, %get3A_360, %broadcast_in_dim3A_1 : vector<16xi1>, vector<16xi32>
    %reduce_sum3A_420 = arith.constant true
    %reduce_sum3A_421 = vector.broadcast %reduce_sum3A_420 : i1 to vector<16xi1>
    %reduce_sum3A_422 = tpu.scan <sum>, %select_n3A_419 masked %reduce_sum3A_421 : vector<16xi32>, vector<16xi1> -> vector<16xi32>
    %reduce_sum3A_423 = vector.extract %reduce_sum3A_422[15] : i32 from vector<16xi32>
    %swap3A_424 = arith.constant 37 : i32
    %swap3A_425 = arith.index_cast %swap3A_424 : i32 to index
    %swap3A_426 = memref.load %arg6[%swap3A_425] : memref<256xi32, #tpu.memory_space<smem>>
    memref.store %reduce_sum3A_423, %arg6[%swap3A_425] : memref<256xi32, #tpu.memory_space<smem>>
    %eq3A_427 = arith.constant 6 : i32
    %eq3A_428 = vector.broadcast %eq3A_427 : i32 to vector<16xi32>
    %eq3A_429 = arith.cmpi eq, %iota3A, %eq3A_428 : vector<16xi32>
    %select_n3A_430 = arith.select %eq3A_429, %get3A_360, %broadcast_in_dim3A_1 : vector<16xi1>, vector<16xi32>
    %reduce_sum3A_431 = arith.constant true
    %reduce_sum3A_432 = vector.broadcast %reduce_sum3A_431 : i1 to vector<16xi1>
    %reduce_sum3A_433 = tpu.scan <sum>, %select_n3A_430 masked %reduce_sum3A_432 : vector<16xi32>, vector<16xi1> -> vector<16xi32>
    %reduce_sum3A_434 = vector.extract %reduce_sum3A_433[15] : i32 from vector<16xi32>
    %swap3A_435 = arith.constant 38 : i32
    %swap3A_436 = arith.index_cast %swap3A_435 : i32 to index
    %swap3A_437 = memref.load %arg6[%swap3A_436] : memref<256xi32, #tpu.memory_space<smem>>
    memref.store %reduce_sum3A_434, %arg6[%swap3A_436] : memref<256xi32, #tpu.memory_space<smem>>
    %eq3A_438 = arith.constant 7 : i32
    %eq3A_439 = vector.broadcast %eq3A_438 : i32 to vector<16xi32>
    %eq3A_440 = arith.cmpi eq, %iota3A, %eq3A_439 : vector<16xi32>
    %select_n3A_441 = arith.select %eq3A_440, %get3A_360, %broadcast_in_dim3A_1 : vector<16xi1>, vector<16xi32>
    %reduce_sum3A_442 = arith.constant true
    %reduce_sum3A_443 = vector.broadcast %reduce_sum3A_442 : i1 to vector<16xi1>
    %reduce_sum3A_444 = tpu.scan <sum>, %select_n3A_441 masked %reduce_sum3A_443 : vector<16xi32>, vector<16xi1> -> vector<16xi32>
    %reduce_sum3A_445 = vector.extract %reduce_sum3A_444[15] : i32 from vector<16xi32>
    %swap3A_446 = arith.constant 39 : i32
    %swap3A_447 = arith.index_cast %swap3A_446 : i32 to index
    %swap3A_448 = memref.load %arg6[%swap3A_447] : memref<256xi32, #tpu.memory_space<smem>>
    memref.store %reduce_sum3A_445, %arg6[%swap3A_447] : memref<256xi32, #tpu.memory_space<smem>>
    %eq3A_449 = arith.constant 8 : i32
    %eq3A_450 = vector.broadcast %eq3A_449 : i32 to vector<16xi32>
    %eq3A_451 = arith.cmpi eq, %iota3A, %eq3A_450 : vector<16xi32>
    %select_n3A_452 = arith.select %eq3A_451, %get3A_360, %broadcast_in_dim3A_1 : vector<16xi1>, vector<16xi32>
    %reduce_sum3A_453 = arith.constant true
    %reduce_sum3A_454 = vector.broadcast %reduce_sum3A_453 : i1 to vector<16xi1>
    %reduce_sum3A_455 = tpu.scan <sum>, %select_n3A_452 masked %reduce_sum3A_454 : vector<16xi32>, vector<16xi1> -> vector<16xi32>
    %reduce_sum3A_456 = vector.extract %reduce_sum3A_455[15] : i32 from vector<16xi32>
    %swap3A_457 = arith.constant 40 : i32
    %swap3A_458 = arith.index_cast %swap3A_457 : i32 to index
    %swap3A_459 = memref.load %arg6[%swap3A_458] : memref<256xi32, #tpu.memory_space<smem>>
    memref.store %reduce_sum3A_456, %arg6[%swap3A_458] : memref<256xi32, #tpu.memory_space<smem>>
    %eq3A_460 = arith.constant 9 : i32
    %eq3A_461 = vector.broadcast %eq3A_460 : i32 to vector<16xi32>
    %eq3A_462 = arith.cmpi eq, %iota3A, %eq3A_461 : vector<16xi32>
    %select_n3A_463 = arith.select %eq3A_462, %get3A_360, %broadcast_in_dim3A_1 : vector<16xi1>, vector<16xi32>
    %reduce_sum3A_464 = arith.constant true
    %reduce_sum3A_465 = vector.broadcast %reduce_sum3A_464 : i1 to vector<16xi1>
    %reduce_sum3A_466 = tpu.scan <sum>, %select_n3A_463 masked %reduce_sum3A_465 : vector<16xi32>, vector<16xi1> -> vector<16xi32>
    %reduce_sum3A_467 = vector.extract %reduce_sum3A_466[15] : i32 from vector<16xi32>
    %swap3A_468 = arith.constant 41 : i32
    %swap3A_469 = arith.index_cast %swap3A_468 : i32 to index
    %swap3A_470 = memref.load %arg6[%swap3A_469] : memref<256xi32, #tpu.memory_space<smem>>
    memref.store %reduce_sum3A_467, %arg6[%swap3A_469] : memref<256xi32, #tpu.memory_space<smem>>
    %eq3A_471 = arith.constant 10 : i32
    %eq3A_472 = vector.broadcast %eq3A_471 : i32 to vector<16xi32>
    %eq3A_473 = arith.cmpi eq, %iota3A, %eq3A_472 : vector<16xi32>
    %select_n3A_474 = arith.select %eq3A_473, %get3A_360, %broadcast_in_dim3A_1 : vector<16xi1>, vector<16xi32>
    %reduce_sum3A_475 = arith.constant true
    %reduce_sum3A_476 = vector.broadcast %reduce_sum3A_475 : i1 to vector<16xi1>
    %reduce_sum3A_477 = tpu.scan <sum>, %select_n3A_474 masked %reduce_sum3A_476 : vector<16xi32>, vector<16xi1> -> vector<16xi32>
    %reduce_sum3A_478 = vector.extract %reduce_sum3A_477[15] : i32 from vector<16xi32>
    %swap3A_479 = arith.constant 42 : i32
    %swap3A_480 = arith.index_cast %swap3A_479 : i32 to index
    %swap3A_481 = memref.load %arg6[%swap3A_480] : memref<256xi32, #tpu.memory_space<smem>>
    memref.store %reduce_sum3A_478, %arg6[%swap3A_480] : memref<256xi32, #tpu.memory_space<smem>>
    %eq3A_482 = arith.constant 11 : i32
    %eq3A_483 = vector.broadcast %eq3A_482 : i32 to vector<16xi32>
    %eq3A_484 = arith.cmpi eq, %iota3A, %eq3A_483 : vector<16xi32>
    %select_n3A_485 = arith.select %eq3A_484, %get3A_360, %broadcast_in_dim3A_1 : vector<16xi1>, vector<16xi32>
    %reduce_sum3A_486 = arith.constant true
    %reduce_sum3A_487 = vector.broadcast %reduce_sum3A_486 : i1 to vector<16xi1>
    %reduce_sum3A_488 = tpu.scan <sum>, %select_n3A_485 masked %reduce_sum3A_487 : vector<16xi32>, vector<16xi1> -> vector<16xi32>
    %reduce_sum3A_489 = vector.extract %reduce_sum3A_488[15] : i32 from vector<16xi32>
    %swap3A_490 = arith.constant 43 : i32
    %swap3A_491 = arith.index_cast %swap3A_490 : i32 to index
    %swap3A_492 = memref.load %arg6[%swap3A_491] : memref<256xi32, #tpu.memory_space<smem>>
    memref.store %reduce_sum3A_489, %arg6[%swap3A_491] : memref<256xi32, #tpu.memory_space<smem>>
    %eq3A_493 = arith.constant 12 : i32
    %eq3A_494 = vector.broadcast %eq3A_493 : i32 to vector<16xi32>
    %eq3A_495 = arith.cmpi eq, %iota3A, %eq3A_494 : vector<16xi32>
    %select_n3A_496 = arith.select %eq3A_495, %get3A_360, %broadcast_in_dim3A_1 : vector<16xi1>, vector<16xi32>
    %reduce_sum3A_497 = arith.constant true
    %reduce_sum3A_498 = vector.broadcast %reduce_sum3A_497 : i1 to vector<16xi1>
    %reduce_sum3A_499 = tpu.scan <sum>, %select_n3A_496 masked %reduce_sum3A_498 : vector<16xi32>, vector<16xi1> -> vector<16xi32>
    %reduce_sum3A_500 = vector.extract %reduce_sum3A_499[15] : i32 from vector<16xi32>
    %swap3A_501 = arith.constant 44 : i32
    %swap3A_502 = arith.index_cast %swap3A_501 : i32 to index
    %swap3A_503 = memref.load %arg6[%swap3A_502] : memref<256xi32, #tpu.memory_space<smem>>
    memref.store %reduce_sum3A_500, %arg6[%swap3A_502] : memref<256xi32, #tpu.memory_space<smem>>
    %eq3A_504 = arith.constant 13 : i32
    %eq3A_505 = vector.broadcast %eq3A_504 : i32 to vector<16xi32>
    %eq3A_506 = arith.cmpi eq, %iota3A, %eq3A_505 : vector<16xi32>
    %select_n3A_507 = arith.select %eq3A_506, %get3A_360, %broadcast_in_dim3A_1 : vector<16xi1>, vector<16xi32>
    %reduce_sum3A_508 = arith.constant true
    %reduce_sum3A_509 = vector.broadcast %reduce_sum3A_508 : i1 to vector<16xi1>
    %reduce_sum3A_510 = tpu.scan <sum>, %select_n3A_507 masked %reduce_sum3A_509 : vector<16xi32>, vector<16xi1> -> vector<16xi32>
    %reduce_sum3A_511 = vector.extract %reduce_sum3A_510[15] : i32 from vector<16xi32>
    %swap3A_512 = arith.constant 45 : i32
    %swap3A_513 = arith.index_cast %swap3A_512 : i32 to index
    %swap3A_514 = memref.load %arg6[%swap3A_513] : memref<256xi32, #tpu.memory_space<smem>>
    memref.store %reduce_sum3A_511, %arg6[%swap3A_513] : memref<256xi32, #tpu.memory_space<smem>>
    %eq3A_515 = arith.constant 14 : i32
    %eq3A_516 = vector.broadcast %eq3A_515 : i32 to vector<16xi32>
    %eq3A_517 = arith.cmpi eq, %iota3A, %eq3A_516 : vector<16xi32>
    %select_n3A_518 = arith.select %eq3A_517, %get3A_360, %broadcast_in_dim3A_1 : vector<16xi1>, vector<16xi32>
    %reduce_sum3A_519 = arith.constant true
    %reduce_sum3A_520 = vector.broadcast %reduce_sum3A_519 : i1 to vector<16xi1>
    %reduce_sum3A_521 = tpu.scan <sum>, %select_n3A_518 masked %reduce_sum3A_520 : vector<16xi32>, vector<16xi1> -> vector<16xi32>
    %reduce_sum3A_522 = vector.extract %reduce_sum3A_521[15] : i32 from vector<16xi32>
    %swap3A_523 = arith.constant 46 : i32
    %swap3A_524 = arith.index_cast %swap3A_523 : i32 to index
    %swap3A_525 = memref.load %arg6[%swap3A_524] : memref<256xi32, #tpu.memory_space<smem>>
    memref.store %reduce_sum3A_522, %arg6[%swap3A_524] : memref<256xi32, #tpu.memory_space<smem>>
    %eq3A_526 = arith.constant 15 : i32
    %eq3A_527 = vector.broadcast %eq3A_526 : i32 to vector<16xi32>
    %eq3A_528 = arith.cmpi eq, %iota3A, %eq3A_527 : vector<16xi32>
    %select_n3A_529 = arith.select %eq3A_528, %get3A_360, %broadcast_in_dim3A_1 : vector<16xi1>, vector<16xi32>
    %reduce_sum3A_530 = arith.constant true
    %reduce_sum3A_531 = vector.broadcast %reduce_sum3A_530 : i1 to vector<16xi1>
    %reduce_sum3A_532 = tpu.scan <sum>, %select_n3A_529 masked %reduce_sum3A_531 : vector<16xi32>, vector<16xi1> -> vector<16xi32>
    %reduce_sum3A_533 = vector.extract %reduce_sum3A_532[15] : i32 from vector<16xi32>
    %swap3A_534 = arith.constant 47 : i32
    %swap3A_535 = arith.index_cast %swap3A_534 : i32 to index
    %swap3A_536 = memref.load %arg6[%swap3A_535] : memref<256xi32, #tpu.memory_space<smem>>
    memref.store %reduce_sum3A_533, %arg6[%swap3A_535] : memref<256xi32, #tpu.memory_space<smem>>
    %get3A_537 = arith.constant 0 : i32
    %get3A_538 = arith.index_cast %get3A_537 : i32 to index
    %get3A_539 = arith.constant 48 : index
    %get3A_540 = tpu.vector_load %arg5[%get3A_538, %get3A_539] {strides = array<i32>} : memref<2x128xi32, #tpu.memory_space<vmem>>, vector<16xi32>,
    %eq3A_541 = arith.constant 0 : i32
    %eq3A_542 = vector.broadcast %eq3A_541 : i32 to vector<16xi32>
    %eq3A_543 = arith.cmpi eq, %iota3A, %eq3A_542 : vector<16xi32>
    %select_n3A_544 = arith.select %eq3A_543, %get3A_540, %broadcast_in_dim3A_1 : vector<16xi1>, vector<16xi32>
    %reduce_sum3A_545 = arith.constant true
    %reduce_sum3A_546 = vector.broadcast %reduce_sum3A_545 : i1 to vector<16xi1>
    %reduce_sum3A_547 = tpu.scan <sum>, %select_n3A_544 masked %reduce_sum3A_546 : vector<16xi32>, vector<16xi1> -> vector<16xi32>
    %reduce_sum3A_548 = vector.extract %reduce_sum3A_547[15] : i32 from vector<16xi32>
    %swap3A_549 = arith.constant 48 : i32
    %swap3A_550 = arith.index_cast %swap3A_549 : i32 to index
    %swap3A_551 = memref.load %arg6[%swap3A_550] : memref<256xi32, #tpu.memory_space<smem>>
    memref.store %reduce_sum3A_548, %arg6[%swap3A_550] : memref<256xi32, #tpu.memory_space<smem>>
    %eq3A_552 = arith.constant 1 : i32
    %eq3A_553 = vector.broadcast %eq3A_552 : i32 to vector<16xi32>
    %eq3A_554 = arith.cmpi eq, %iota3A, %eq3A_553 : vector<16xi32>
    %select_n3A_555 = arith.select %eq3A_554, %get3A_540, %broadcast_in_dim3A_1 : vector<16xi1>, vector<16xi32>
    %reduce_sum3A_556 = arith.constant true
    %reduce_sum3A_557 = vector.broadcast %reduce_sum3A_556 : i1 to vector<16xi1>
    %reduce_sum3A_558 = tpu.scan <sum>, %select_n3A_555 masked %reduce_sum3A_557 : vector<16xi32>, vector<16xi1> -> vector<16xi32>
    %reduce_sum3A_559 = vector.extract %reduce_sum3A_558[15] : i32 from vector<16xi32>
    %swap3A_560 = arith.constant 49 : i32
    %swap3A_561 = arith.index_cast %swap3A_560 : i32 to index
    %swap3A_562 = memref.load %arg6[%swap3A_561] : memref<256xi32, #tpu.memory_space<smem>>
    memref.store %reduce_sum3A_559, %arg6[%swap3A_561] : memref<256xi32, #tpu.memory_space<smem>>
    %eq3A_563 = arith.constant 2 : i32
    %eq3A_564 = vector.broadcast %eq3A_563 : i32 to vector<16xi32>
    %eq3A_565 = arith.cmpi eq, %iota3A, %eq3A_564 : vector<16xi32>
    %select_n3A_566 = arith.select %eq3A_565, %get3A_540, %broadcast_in_dim3A_1 : vector<16xi1>, vector<16xi32>
    %reduce_sum3A_567 = arith.constant true
    %reduce_sum3A_568 = vector.broadcast %reduce_sum3A_567 : i1 to vector<16xi1>
    %reduce_sum3A_569 = tpu.scan <sum>, %select_n3A_566 masked %reduce_sum3A_568 : vector<16xi32>, vector<16xi1> -> vector<16xi32>
    %reduce_sum3A_570 = vector.extract %reduce_sum3A_569[15] : i32 from vector<16xi32>
    %swap3A_571 = arith.constant 50 : i32
    %swap3A_572 = arith.index_cast %swap3A_571 : i32 to index
    %swap3A_573 = memref.load %arg6[%swap3A_572] : memref<256xi32, #tpu.memory_space<smem>>
    memref.store %reduce_sum3A_570, %arg6[%swap3A_572] : memref<256xi32, #tpu.memory_space<smem>>
    %eq3A_574 = arith.constant 3 : i32
    %eq3A_575 = vector.broadcast %eq3A_574 : i32 to vector<16xi32>
    %eq3A_576 = arith.cmpi eq, %iota3A, %eq3A_575 : vector<16xi32>
    %select_n3A_577 = arith.select %eq3A_576, %get3A_540, %broadcast_in_dim3A_1 : vector<16xi1>, vector<16xi32>
    %reduce_sum3A_578 = arith.constant true
    %reduce_sum3A_579 = vector.broadcast %reduce_sum3A_578 : i1 to vector<16xi1>
    %reduce_sum3A_580 = tpu.scan <sum>, %select_n3A_577 masked %reduce_sum3A_579 : vector<16xi32>, vector<16xi1> -> vector<16xi32>
    %reduce_sum3A_581 = vector.extract %reduce_sum3A_580[15] : i32 from vector<16xi32>
    %swap3A_582 = arith.constant 51 : i32
    %swap3A_583 = arith.index_cast %swap3A_582 : i32 to index
    %swap3A_584 = memref.load %arg6[%swap3A_583] : memref<256xi32, #tpu.memory_space<smem>>
    memref.store %reduce_sum3A_581, %arg6[%swap3A_583] : memref<256xi32, #tpu.memory_space<smem>>
    %eq3A_585 = arith.constant 4 : i32
    %eq3A_586 = vector.broadcast %eq3A_585 : i32 to vector<16xi32>
    %eq3A_587 = arith.cmpi eq, %iota3A, %eq3A_586 : vector<16xi32>
    %select_n3A_588 = arith.select %eq3A_587, %get3A_540, %broadcast_in_dim3A_1 : vector<16xi1>, vector<16xi32>
    %reduce_sum3A_589 = arith.constant true
    %reduce_sum3A_590 = vector.broadcast %reduce_sum3A_589 : i1 to vector<16xi1>
    %reduce_sum3A_591 = tpu.scan <sum>, %select_n3A_588 masked %reduce_sum3A_590 : vector<16xi32>, vector<16xi1> -> vector<16xi32>
    %reduce_sum3A_592 = vector.extract %reduce_sum3A_591[15] : i32 from vector<16xi32>
    %swap3A_593 = arith.constant 52 : i32
    %swap3A_594 = arith.index_cast %swap3A_593 : i32 to index
    %swap3A_595 = memref.load %arg6[%swap3A_594] : memref<256xi32, #tpu.memory_space<smem>>
    memref.store %reduce_sum3A_592, %arg6[%swap3A_594] : memref<256xi32, #tpu.memory_space<smem>>
    %eq3A_596 = arith.constant 5 : i32
    %eq3A_597 = vector.broadcast %eq3A_596 : i32 to vector<16xi32>
    %eq3A_598 = arith.cmpi eq, %iota3A, %eq3A_597 : vector<16xi32>
    %select_n3A_599 = arith.select %eq3A_598, %get3A_540, %broadcast_in_dim3A_1 : vector<16xi1>, vector<16xi32>
    %reduce_sum3A_600 = arith.constant true
    %reduce_sum3A_601 = vector.broadcast %reduce_sum3A_600 : i1 to vector<16xi1>
    %reduce_sum3A_602 = tpu.scan <sum>, %select_n3A_599 masked %reduce_sum3A_601 : vector<16xi32>, vector<16xi1> -> vector<16xi32>
    %reduce_sum3A_603 = vector.extract %reduce_sum3A_602[15] : i32 from vector<16xi32>
    %swap3A_604 = arith.constant 53 : i32
    %swap3A_605 = arith.index_cast %swap3A_604 : i32 to index
    %swap3A_606 = memref.load %arg6[%swap3A_605] : memref<256xi32, #tpu.memory_space<smem>>
    memref.store %reduce_sum3A_603, %arg6[%swap3A_605] : memref<256xi32, #tpu.memory_space<smem>>
    %eq3A_607 = arith.constant 6 : i32
    %eq3A_608 = vector.broadcast %eq3A_607 : i32 to vector<16xi32>
    %eq3A_609 = arith.cmpi eq, %iota3A, %eq3A_608 : vector<16xi32>
    %select_n3A_610 = arith.select %eq3A_609, %get3A_540, %broadcast_in_dim3A_1 : vector<16xi1>, vector<16xi32>
    %reduce_sum3A_611 = arith.constant true
    %reduce_sum3A_612 = vector.broadcast %reduce_sum3A_611 : i1 to vector<16xi1>
    %reduce_sum3A_613 = tpu.scan <sum>, %select_n3A_610 masked %reduce_sum3A_612 : vector<16xi32>, vector<16xi1> -> vector<16xi32>
    %reduce_sum3A_614 = vector.extract %reduce_sum3A_613[15] : i32 from vector<16xi32>
    %swap3A_615 = arith.constant 54 : i32
    %swap3A_616 = arith.index_cast %swap3A_615 : i32 to index
    %swap3A_617 = memref.load %arg6[%swap3A_616] : memref<256xi32, #tpu.memory_space<smem>>
    memref.store %reduce_sum3A_614, %arg6[%swap3A_616] : memref<256xi32, #tpu.memory_space<smem>>
    %eq3A_618 = arith.constant 7 : i32
    %eq3A_619 = vector.broadcast %eq3A_618 : i32 to vector<16xi32>
    %eq3A_620 = arith.cmpi eq, %iota3A, %eq3A_619 : vector<16xi32>
    %select_n3A_621 = arith.select %eq3A_620, %get3A_540, %broadcast_in_dim3A_1 : vector<16xi1>, vector<16xi32>
    %reduce_sum3A_622 = arith.constant true
    %reduce_sum3A_623 = vector.broadcast %reduce_sum3A_622 : i1 to vector<16xi1>
    %reduce_sum3A_624 = tpu.scan <sum>, %select_n3A_621 masked %reduce_sum3A_623 : vector<16xi32>, vector<16xi1> -> vector<16xi32>
    %reduce_sum3A_625 = vector.extract %reduce_sum3A_624[15] : i32 from vector<16xi32>
    %swap3A_626 = arith.constant 55 : i32
    %swap3A_627 = arith.index_cast %swap3A_626 : i32 to index
    %swap3A_628 = memref.load %arg6[%swap3A_627] : memref<256xi32, #tpu.memory_space<smem>>
    memref.store %reduce_sum3A_625, %arg6[%swap3A_627] : memref<256xi32, #tpu.memory_space<smem>>
    %eq3A_629 = arith.constant 8 : i32
    %eq3A_630 = vector.broadcast %eq3A_629 : i32 to vector<16xi32>
    %eq3A_631 = arith.cmpi eq, %iota3A, %eq3A_630 : vector<16xi32>
    %select_n3A_632 = arith.select %eq3A_631, %get3A_540, %broadcast_in_dim3A_1 : vector<16xi1>, vector<16xi32>
    %reduce_sum3A_633 = arith.constant true
    %reduce_sum3A_634 = vector.broadcast %reduce_sum3A_633 : i1 to vector<16xi1>
    %reduce_sum3A_635 = tpu.scan <sum>, %select_n3A_632 masked %reduce_sum3A_634 : vector<16xi32>, vector<16xi1> -> vector<16xi32>
    %reduce_sum3A_636 = vector.extract %reduce_sum3A_635[15] : i32 from vector<16xi32>
    %swap3A_637 = arith.constant 56 : i32
    %swap3A_638 = arith.index_cast %swap3A_637 : i32 to index
    %swap3A_639 = memref.load %arg6[%swap3A_638] : memref<256xi32, #tpu.memory_space<smem>>
    memref.store %reduce_sum3A_636, %arg6[%swap3A_638] : memref<256xi32, #tpu.memory_space<smem>>
    %eq3A_640 = arith.constant 9 : i32
    %eq3A_641 = vector.broadcast %eq3A_640 : i32 to vector<16xi32>
    %eq3A_642 = arith.cmpi eq, %iota3A, %eq3A_641 : vector<16xi32>
    %select_n3A_643 = arith.select %eq3A_642, %get3A_540, %broadcast_in_dim3A_1 : vector<16xi1>, vector<16xi32>
    %reduce_sum3A_644 = arith.constant true
    %reduce_sum3A_645 = vector.broadcast %reduce_sum3A_644 : i1 to vector<16xi1>
    %reduce_sum3A_646 = tpu.scan <sum>, %select_n3A_643 masked %reduce_sum3A_645 : vector<16xi32>, vector<16xi1> -> vector<16xi32>
    %reduce_sum3A_647 = vector.extract %reduce_sum3A_646[15] : i32 from vector<16xi32>
    %swap3A_648 = arith.constant 57 : i32
    %swap3A_649 = arith.index_cast %swap3A_648 : i32 to index
    %swap3A_650 = memref.load %arg6[%swap3A_649] : memref<256xi32, #tpu.memory_space<smem>>
    memref.store %reduce_sum3A_647, %arg6[%swap3A_649] : memref<256xi32, #tpu.memory_space<smem>>
    %eq3A_651 = arith.constant 10 : i32
    %eq3A_652 = vector.broadcast %eq3A_651 : i32 to vector<16xi32>
    %eq3A_653 = arith.cmpi eq, %iota3A, %eq3A_652 : vector<16xi32>
    %select_n3A_654 = arith.select %eq3A_653, %get3A_540, %broadcast_in_dim3A_1 : vector<16xi1>, vector<16xi32>
    %reduce_sum3A_655 = arith.constant true
    %reduce_sum3A_656 = vector.broadcast %reduce_sum3A_655 : i1 to vector<16xi1>
    %reduce_sum3A_657 = tpu.scan <sum>, %select_n3A_654 masked %reduce_sum3A_656 : vector<16xi32>, vector<16xi1> -> vector<16xi32>
    %reduce_sum3A_658 = vector.extract %reduce_sum3A_657[15] : i32 from vector<16xi32>
    %swap3A_659 = arith.constant 58 : i32
    %swap3A_660 = arith.index_cast %swap3A_659 : i32 to index
    %swap3A_661 = memref.load %arg6[%swap3A_660] : memref<256xi32, #tpu.memory_space<smem>>
    memref.store %reduce_sum3A_658, %arg6[%swap3A_660] : memref<256xi32, #tpu.memory_space<smem>>
    %eq3A_662 = arith.constant 11 : i32
    %eq3A_663 = vector.broadcast %eq3A_662 : i32 to vector<16xi32>
    %eq3A_664 = arith.cmpi eq, %iota3A, %eq3A_663 : vector<16xi32>
    %select_n3A_665 = arith.select %eq3A_664, %get3A_540, %broadcast_in_dim3A_1 : vector<16xi1>, vector<16xi32>
    %reduce_sum3A_666 = arith.constant true
    %reduce_sum3A_667 = vector.broadcast %reduce_sum3A_666 : i1 to vector<16xi1>
    %reduce_sum3A_668 = tpu.scan <sum>, %select_n3A_665 masked %reduce_sum3A_667 : vector<16xi32>, vector<16xi1> -> vector<16xi32>
    %reduce_sum3A_669 = vector.extract %reduce_sum3A_668[15] : i32 from vector<16xi32>
    %swap3A_670 = arith.constant 59 : i32
    %swap3A_671 = arith.index_cast %swap3A_670 : i32 to index
    %swap3A_672 = memref.load %arg6[%swap3A_671] : memref<256xi32, #tpu.memory_space<smem>>
    memref.store %reduce_sum3A_669, %arg6[%swap3A_671] : memref<256xi32, #tpu.memory_space<smem>>
    %eq3A_673 = arith.constant 12 : i32
    %eq3A_674 = vector.broadcast %eq3A_673 : i32 to vector<16xi32>
    %eq3A_675 = arith.cmpi eq, %iota3A, %eq3A_674 : vector<16xi32>
    %select_n3A_676 = arith.select %eq3A_675, %get3A_540, %broadcast_in_dim3A_1 : vector<16xi1>, vector<16xi32>
    %reduce_sum3A_677 = arith.constant true
    %reduce_sum3A_678 = vector.broadcast %reduce_sum3A_677 : i1 to vector<16xi1>
    %reduce_sum3A_679 = tpu.scan <sum>, %select_n3A_676 masked %reduce_sum3A_678 : vector<16xi32>, vector<16xi1> -> vector<16xi32>
    %reduce_sum3A_680 = vector.extract %reduce_sum3A_679[15] : i32 from vector<16xi32>
    %swap3A_681 = arith.constant 60 : i32
    %swap3A_682 = arith.index_cast %swap3A_681 : i32 to index
    %swap3A_683 = memref.load %arg6[%swap3A_682] : memref<256xi32, #tpu.memory_space<smem>>
    memref.store %reduce_sum3A_680, %arg6[%swap3A_682] : memref<256xi32, #tpu.memory_space<smem>>
    %eq3A_684 = arith.constant 13 : i32
    %eq3A_685 = vector.broadcast %eq3A_684 : i32 to vector<16xi32>
    %eq3A_686 = arith.cmpi eq, %iota3A, %eq3A_685 : vector<16xi32>
    %select_n3A_687 = arith.select %eq3A_686, %get3A_540, %broadcast_in_dim3A_1 : vector<16xi1>, vector<16xi32>
    %reduce_sum3A_688 = arith.constant true
    %reduce_sum3A_689 = vector.broadcast %reduce_sum3A_688 : i1 to vector<16xi1>
    %reduce_sum3A_690 = tpu.scan <sum>, %select_n3A_687 masked %reduce_sum3A_689 : vector<16xi32>, vector<16xi1> -> vector<16xi32>
    %reduce_sum3A_691 = vector.extract %reduce_sum3A_690[15] : i32 from vector<16xi32>
    %swap3A_692 = arith.constant 61 : i32
    %swap3A_693 = arith.index_cast %swap3A_692 : i32 to index
    %swap3A_694 = memref.load %arg6[%swap3A_693] : memref<256xi32, #tpu.memory_space<smem>>
    memref.store %reduce_sum3A_691, %arg6[%swap3A_693] : memref<256xi32, #tpu.memory_space<smem>>
    %eq3A_695 = arith.constant 14 : i32
    %eq3A_696 = vector.broadcast %eq3A_695 : i32 to vector<16xi32>
    %eq3A_697 = arith.cmpi eq, %iota3A, %eq3A_696 : vector<16xi32>
    %select_n3A_698 = arith.select %eq3A_697, %get3A_540, %broadcast_in_dim3A_1 : vector<16xi1>, vector<16xi32>
    %reduce_sum3A_699 = arith.constant true
    %reduce_sum3A_700 = vector.broadcast %reduce_sum3A_699 : i1 to vector<16xi1>
    %reduce_sum3A_701 = tpu.scan <sum>, %select_n3A_698 masked %reduce_sum3A_700 : vector<16xi32>, vector<16xi1> -> vector<16xi32>
    %reduce_sum3A_702 = vector.extract %reduce_sum3A_701[15] : i32 from vector<16xi32>
    %swap3A_703 = arith.constant 62 : i32
    %swap3A_704 = arith.index_cast %swap3A_703 : i32 to index
    %swap3A_705 = memref.load %arg6[%swap3A_704] : memref<256xi32, #tpu.memory_space<smem>>
    memref.store %reduce_sum3A_702, %arg6[%swap3A_704] : memref<256xi32, #tpu.memory_space<smem>>
    %eq3A_706 = arith.constant 15 : i32
    %eq3A_707 = vector.broadcast %eq3A_706 : i32 to vector<16xi32>
    %eq3A_708 = arith.cmpi eq, %iota3A, %eq3A_707 : vector<16xi32>
    %select_n3A_709 = arith.select %eq3A_708, %get3A_540, %broadcast_in_dim3A_1 : vector<16xi1>, vector<16xi32>
    %reduce_sum3A_710 = arith.constant true
    %reduce_sum3A_711 = vector.broadcast %reduce_sum3A_710 : i1 to vector<16xi1>
    %reduce_sum3A_712 = tpu.scan <sum>, %select_n3A_709 masked %reduce_sum3A_711 : vector<16xi32>, vector<16xi1> -> vector<16xi32>
    %reduce_sum3A_713 = vector.extract %reduce_sum3A_712[15] : i32 from vector<16xi32>
    %swap3A_714 = arith.constant 63 : i32
    %swap3A_715 = arith.index_cast %swap3A_714 : i32 to index
    %swap3A_716 = memref.load %arg6[%swap3A_715] : memref<256xi32, #tpu.memory_space<smem>>
    memref.store %reduce_sum3A_713, %arg6[%swap3A_715] : memref<256xi32, #tpu.memory_space<smem>>
    %get3A_717 = arith.constant 0 : i32
    %get3A_718 = arith.index_cast %get3A_717 : i32 to index
    %get3A_719 = arith.constant 64 : index
    %get3A_720 = tpu.vector_load %arg5[%get3A_718, %get3A_719] {strides = array<i32>} : memref<2x128xi32, #tpu.memory_space<vmem>>, vector<16xi32>,
    %eq3A_721 = arith.constant 0 : i32
    %eq3A_722 = vector.broadcast %eq3A_721 : i32 to vector<16xi32>
    %eq3A_723 = arith.cmpi eq, %iota3A, %eq3A_722 : vector<16xi32>
    %select_n3A_724 = arith.select %eq3A_723, %get3A_720, %broadcast_in_dim3A_1 : vector<16xi1>, vector<16xi32>
    %reduce_sum3A_725 = arith.constant true
    %reduce_sum3A_726 = vector.broadcast %reduce_sum3A_725 : i1 to vector<16xi1>
    %reduce_sum3A_727 = tpu.scan <sum>, %select_n3A_724 masked %reduce_sum3A_726 : vector<16xi32>, vector<16xi1> -> vector<16xi32>
    %reduce_sum3A_728 = vector.extract %reduce_sum3A_727[15] : i32 from vector<16xi32>
    %swap3A_729 = arith.constant 64 : i32
    %swap3A_730 = arith.index_cast %swap3A_729 : i32 to index
    %swap3A_731 = memref.load %arg6[%swap3A_730] : memref<256xi32, #tpu.memory_space<smem>>
    memref.store %reduce_sum3A_728, %arg6[%swap3A_730] : memref<256xi32, #tpu.memory_space<smem>>
    %eq3A_732 = arith.constant 1 : i32
    %eq3A_733 = vector.broadcast %eq3A_732 : i32 to vector<16xi32>
    %eq3A_734 = arith.cmpi eq, %iota3A, %eq3A_733 : vector<16xi32>
    %select_n3A_735 = arith.select %eq3A_734, %get3A_720, %broadcast_in_dim3A_1 : vector<16xi1>, vector<16xi32>
    %reduce_sum3A_736 = arith.constant true
    %reduce_sum3A_737 = vector.broadcast %reduce_sum3A_736 : i1 to vector<16xi1>
    %reduce_sum3A_738 = tpu.scan <sum>, %select_n3A_735 masked %reduce_sum3A_737 : vector<16xi32>, vector<16xi1> -> vector<16xi32>
    %reduce_sum3A_739 = vector.extract %reduce_sum3A_738[15] : i32 from vector<16xi32>
    %swap3A_740 = arith.constant 65 : i32
    %swap3A_741 = arith.index_cast %swap3A_740 : i32 to index
    %swap3A_742 = memref.load %arg6[%swap3A_741] : memref<256xi32, #tpu.memory_space<smem>>
    memref.store %reduce_sum3A_739, %arg6[%swap3A_741] : memref<256xi32, #tpu.memory_space<smem>>
    %eq3A_743 = arith.constant 2 : i32
    %eq3A_744 = vector.broadcast %eq3A_743 : i32 to vector<16xi32>
    %eq3A_745 = arith.cmpi eq, %iota3A, %eq3A_744 : vector<16xi32>
    %select_n3A_746 = arith.select %eq3A_745, %get3A_720, %broadcast_in_dim3A_1 : vector<16xi1>, vector<16xi32>
    %reduce_sum3A_747 = arith.constant true
    %reduce_sum3A_748 = vector.broadcast %reduce_sum3A_747 : i1 to vector<16xi1>
    %reduce_sum3A_749 = tpu.scan <sum>, %select_n3A_746 masked %reduce_sum3A_748 : vector<16xi32>, vector<16xi1> -> vector<16xi32>
    %reduce_sum3A_750 = vector.extract %reduce_sum3A_749[15] : i32 from vector<16xi32>
    %swap3A_751 = arith.constant 66 : i32
    %swap3A_752 = arith.index_cast %swap3A_751 : i32 to index
    %swap3A_753 = memref.load %arg6[%swap3A_752] : memref<256xi32, #tpu.memory_space<smem>>
    memref.store %reduce_sum3A_750, %arg6[%swap3A_752] : memref<256xi32, #tpu.memory_space<smem>>
    %eq3A_754 = arith.constant 3 : i32
    %eq3A_755 = vector.broadcast %eq3A_754 : i32 to vector<16xi32>
    %eq3A_756 = arith.cmpi eq, %iota3A, %eq3A_755 : vector<16xi32>
    %select_n3A_757 = arith.select %eq3A_756, %get3A_720, %broadcast_in_dim3A_1 : vector<16xi1>, vector<16xi32>
    %reduce_sum3A_758 = arith.constant true
    %reduce_sum3A_759 = vector.broadcast %reduce_sum3A_758 : i1 to vector<16xi1>
    %reduce_sum3A_760 = tpu.scan <sum>, %select_n3A_757 masked %reduce_sum3A_759 : vector<16xi32>, vector<16xi1> -> vector<16xi32>
    %reduce_sum3A_761 = vector.extract %reduce_sum3A_760[15] : i32 from vector<16xi32>
    %swap3A_762 = arith.constant 67 : i32
    %swap3A_763 = arith.index_cast %swap3A_762 : i32 to index
    %swap3A_764 = memref.load %arg6[%swap3A_763] : memref<256xi32, #tpu.memory_space<smem>>
    memref.store %reduce_sum3A_761, %arg6[%swap3A_763] : memref<256xi32, #tpu.memory_space<smem>>
    %eq3A_765 = arith.constant 4 : i32
    %eq3A_766 = vector.broadcast %eq3A_765 : i32 to vector<16xi32>
    %eq3A_767 = arith.cmpi eq, %iota3A, %eq3A_766 : vector<16xi32>
    %select_n3A_768 = arith.select %eq3A_767, %get3A_720, %broadcast_in_dim3A_1 : vector<16xi1>, vector<16xi32>
    %reduce_sum3A_769 = arith.constant true
    %reduce_sum3A_770 = vector.broadcast %reduce_sum3A_769 : i1 to vector<16xi1>
    %reduce_sum3A_771 = tpu.scan <sum>, %select_n3A_768 masked %reduce_sum3A_770 : vector<16xi32>, vector<16xi1> -> vector<16xi32>
    %reduce_sum3A_772 = vector.extract %reduce_sum3A_771[15] : i32 from vector<16xi32>
    %swap3A_773 = arith.constant 68 : i32
    %swap3A_774 = arith.index_cast %swap3A_773 : i32 to index
    %swap3A_775 = memref.load %arg6[%swap3A_774] : memref<256xi32, #tpu.memory_space<smem>>
    memref.store %reduce_sum3A_772, %arg6[%swap3A_774] : memref<256xi32, #tpu.memory_space<smem>>
    %eq3A_776 = arith.constant 5 : i32
    %eq3A_777 = vector.broadcast %eq3A_776 : i32 to vector<16xi32>
    %eq3A_778 = arith.cmpi eq, %iota3A, %eq3A_777 : vector<16xi32>
    %select_n3A_779 = arith.select %eq3A_778, %get3A_720, %broadcast_in_dim3A_1 : vector<16xi1>, vector<16xi32>
    %reduce_sum3A_780 = arith.constant true
    %reduce_sum3A_781 = vector.broadcast %reduce_sum3A_780 : i1 to vector<16xi1>
    %reduce_sum3A_782 = tpu.scan <sum>, %select_n3A_779 masked %reduce_sum3A_781 : vector<16xi32>, vector<16xi1> -> vector<16xi32>
    %reduce_sum3A_783 = vector.extract %reduce_sum3A_782[15] : i32 from vector<16xi32>
    %swap3A_784 = arith.constant 69 : i32
    %swap3A_785 = arith.index_cast %swap3A_784 : i32 to index
    %swap3A_786 = memref.load %arg6[%swap3A_785] : memref<256xi32, #tpu.memory_space<smem>>
    memref.store %reduce_sum3A_783, %arg6[%swap3A_785] : memref<256xi32, #tpu.memory_space<smem>>
    %eq3A_787 = arith.constant 6 : i32
    %eq3A_788 = vector.broadcast %eq3A_787 : i32 to vector<16xi32>
    %eq3A_789 = arith.cmpi eq, %iota3A, %eq3A_788 : vector<16xi32>
    %select_n3A_790 = arith.select %eq3A_789, %get3A_720, %broadcast_in_dim3A_1 : vector<16xi1>, vector<16xi32>
    %reduce_sum3A_791 = arith.constant true
    %reduce_sum3A_792 = vector.broadcast %reduce_sum3A_791 : i1 to vector<16xi1>
    %reduce_sum3A_793 = tpu.scan <sum>, %select_n3A_790 masked %reduce_sum3A_792 : vector<16xi32>, vector<16xi1> -> vector<16xi32>
    %reduce_sum3A_794 = vector.extract %reduce_sum3A_793[15] : i32 from vector<16xi32>
    %swap3A_795 = arith.constant 70 : i32
    %swap3A_796 = arith.index_cast %swap3A_795 : i32 to index
    %swap3A_797 = memref.load %arg6[%swap3A_796] : memref<256xi32, #tpu.memory_space<smem>>
    memref.store %reduce_sum3A_794, %arg6[%swap3A_796] : memref<256xi32, #tpu.memory_space<smem>>
    %eq3A_798 = arith.constant 7 : i32
    %eq3A_799 = vector.broadcast %eq3A_798 : i32 to vector<16xi32>
    %eq3A_800 = arith.cmpi eq, %iota3A, %eq3A_799 : vector<16xi32>
    %select_n3A_801 = arith.select %eq3A_800, %get3A_720, %broadcast_in_dim3A_1 : vector<16xi1>, vector<16xi32>
    %reduce_sum3A_802 = arith.constant true
    %reduce_sum3A_803 = vector.broadcast %reduce_sum3A_802 : i1 to vector<16xi1>
    %reduce_sum3A_804 = tpu.scan <sum>, %select_n3A_801 masked %reduce_sum3A_803 : vector<16xi32>, vector<16xi1> -> vector<16xi32>
    %reduce_sum3A_805 = vector.extract %reduce_sum3A_804[15] : i32 from vector<16xi32>
    %swap3A_806 = arith.constant 71 : i32
    %swap3A_807 = arith.index_cast %swap3A_806 : i32 to index
    %swap3A_808 = memref.load %arg6[%swap3A_807] : memref<256xi32, #tpu.memory_space<smem>>
    memref.store %reduce_sum3A_805, %arg6[%swap3A_807] : memref<256xi32, #tpu.memory_space<smem>>
    %eq3A_809 = arith.constant 8 : i32
    %eq3A_810 = vector.broadcast %eq3A_809 : i32 to vector<16xi32>
    %eq3A_811 = arith.cmpi eq, %iota3A, %eq3A_810 : vector<16xi32>
    %select_n3A_812 = arith.select %eq3A_811, %get3A_720, %broadcast_in_dim3A_1 : vector<16xi1>, vector<16xi32>
    %reduce_sum3A_813 = arith.constant true
    %reduce_sum3A_814 = vector.broadcast %reduce_sum3A_813 : i1 to vector<16xi1>
    %reduce_sum3A_815 = tpu.scan <sum>, %select_n3A_812 masked %reduce_sum3A_814 : vector<16xi32>, vector<16xi1> -> vector<16xi32>
    %reduce_sum3A_816 = vector.extract %reduce_sum3A_815[15] : i32 from vector<16xi32>
    %swap3A_817 = arith.constant 72 : i32
    %swap3A_818 = arith.index_cast %swap3A_817 : i32 to index
    %swap3A_819 = memref.load %arg6[%swap3A_818] : memref<256xi32, #tpu.memory_space<smem>>
    memref.store %reduce_sum3A_816, %arg6[%swap3A_818] : memref<256xi32, #tpu.memory_space<smem>>
    %eq3A_820 = arith.constant 9 : i32
    %eq3A_821 = vector.broadcast %eq3A_820 : i32 to vector<16xi32>
    %eq3A_822 = arith.cmpi eq, %iota3A, %eq3A_821 : vector<16xi32>
    %select_n3A_823 = arith.select %eq3A_822, %get3A_720, %broadcast_in_dim3A_1 : vector<16xi1>, vector<16xi32>
    %reduce_sum3A_824 = arith.constant true
    %reduce_sum3A_825 = vector.broadcast %reduce_sum3A_824 : i1 to vector<16xi1>
    %reduce_sum3A_826 = tpu.scan <sum>, %select_n3A_823 masked %reduce_sum3A_825 : vector<16xi32>, vector<16xi1> -> vector<16xi32>
    %reduce_sum3A_827 = vector.extract %reduce_sum3A_826[15] : i32 from vector<16xi32>
    %swap3A_828 = arith.constant 73 : i32
    %swap3A_829 = arith.index_cast %swap3A_828 : i32 to index
    %swap3A_830 = memref.load %arg6[%swap3A_829] : memref<256xi32, #tpu.memory_space<smem>>
    memref.store %reduce_sum3A_827, %arg6[%swap3A_829] : memref<256xi32, #tpu.memory_space<smem>>
    %eq3A_831 = arith.constant 10 : i32
    %eq3A_832 = vector.broadcast %eq3A_831 : i32 to vector<16xi32>
    %eq3A_833 = arith.cmpi eq, %iota3A, %eq3A_832 : vector<16xi32>
    %select_n3A_834 = arith.select %eq3A_833, %get3A_720, %broadcast_in_dim3A_1 : vector<16xi1>, vector<16xi32>
    %reduce_sum3A_835 = arith.constant true
    %reduce_sum3A_836 = vector.broadcast %reduce_sum3A_835 : i1 to vector<16xi1>
    %reduce_sum3A_837 = tpu.scan <sum>, %select_n3A_834 masked %reduce_sum3A_836 : vector<16xi32>, vector<16xi1> -> vector<16xi32>
    %reduce_sum3A_838 = vector.extract %reduce_sum3A_837[15] : i32 from vector<16xi32>
    %swap3A_839 = arith.constant 74 : i32
    %swap3A_840 = arith.index_cast %swap3A_839 : i32 to index
    %swap3A_841 = memref.load %arg6[%swap3A_840] : memref<256xi32, #tpu.memory_space<smem>>
    memref.store %reduce_sum3A_838, %arg6[%swap3A_840] : memref<256xi32, #tpu.memory_space<smem>>
    %eq3A_842 = arith.constant 11 : i32
    %eq3A_843 = vector.broadcast %eq3A_842 : i32 to vector<16xi32>
    %eq3A_844 = arith.cmpi eq, %iota3A, %eq3A_843 : vector<16xi32>
    %select_n3A_845 = arith.select %eq3A_844, %get3A_720, %broadcast_in_dim3A_1 : vector<16xi1>, vector<16xi32>
    %reduce_sum3A_846 = arith.constant true
    %reduce_sum3A_847 = vector.broadcast %reduce_sum3A_846 : i1 to vector<16xi1>
    %reduce_sum3A_848 = tpu.scan <sum>, %select_n3A_845 masked %reduce_sum3A_847 : vector<16xi32>, vector<16xi1> -> vector<16xi32>
    %reduce_sum3A_849 = vector.extract %reduce_sum3A_848[15] : i32 from vector<16xi32>
    %swap3A_850 = arith.constant 75 : i32
    %swap3A_851 = arith.index_cast %swap3A_850 : i32 to index
    %swap3A_852 = memref.load %arg6[%swap3A_851] : memref<256xi32, #tpu.memory_space<smem>>
    memref.store %reduce_sum3A_849, %arg6[%swap3A_851] : memref<256xi32, #tpu.memory_space<smem>>
    %eq3A_853 = arith.constant 12 : i32
    %eq3A_854 = vector.broadcast %eq3A_853 : i32 to vector<16xi32>
    %eq3A_855 = arith.cmpi eq, %iota3A, %eq3A_854 : vector<16xi32>
    %select_n3A_856 = arith.select %eq3A_855, %get3A_720, %broadcast_in_dim3A_1 : vector<16xi1>, vector<16xi32>
    %reduce_sum3A_857 = arith.constant true
    %reduce_sum3A_858 = vector.broadcast %reduce_sum3A_857 : i1 to vector<16xi1>
    %reduce_sum3A_859 = tpu.scan <sum>, %select_n3A_856 masked %reduce_sum3A_858 : vector<16xi32>, vector<16xi1> -> vector<16xi32>
    %reduce_sum3A_860 = vector.extract %reduce_sum3A_859[15] : i32 from vector<16xi32>
    %swap3A_861 = arith.constant 76 : i32
    %swap3A_862 = arith.index_cast %swap3A_861 : i32 to index
    %swap3A_863 = memref.load %arg6[%swap3A_862] : memref<256xi32, #tpu.memory_space<smem>>
    memref.store %reduce_sum3A_860, %arg6[%swap3A_862] : memref<256xi32, #tpu.memory_space<smem>>
    %eq3A_864 = arith.constant 13 : i32
    %eq3A_865 = vector.broadcast %eq3A_864 : i32 to vector<16xi32>
    %eq3A_866 = arith.cmpi eq, %iota3A, %eq3A_865 : vector<16xi32>
    %select_n3A_867 = arith.select %eq3A_866, %get3A_720, %broadcast_in_dim3A_1 : vector<16xi1>, vector<16xi32>
    %reduce_sum3A_868 = arith.constant true
    %reduce_sum3A_869 = vector.broadcast %reduce_sum3A_868 : i1 to vector<16xi1>
    %reduce_sum3A_870 = tpu.scan <sum>, %select_n3A_867 masked %reduce_sum3A_869 : vector<16xi32>, vector<16xi1> -> vector<16xi32>
    %reduce_sum3A_871 = vector.extract %reduce_sum3A_870[15] : i32 from vector<16xi32>
    %swap3A_872 = arith.constant 77 : i32
    %swap3A_873 = arith.index_cast %swap3A_872 : i32 to index
    %swap3A_874 = memref.load %arg6[%swap3A_873] : memref<256xi32, #tpu.memory_space<smem>>
    memref.store %reduce_sum3A_871, %arg6[%swap3A_873] : memref<256xi32, #tpu.memory_space<smem>>
    %eq3A_875 = arith.constant 14 : i32
    %eq3A_876 = vector.broadcast %eq3A_875 : i32 to vector<16xi32>
    %eq3A_877 = arith.cmpi eq, %iota3A, %eq3A_876 : vector<16xi32>
    %select_n3A_878 = arith.select %eq3A_877, %get3A_720, %broadcast_in_dim3A_1 : vector<16xi1>, vector<16xi32>
    %reduce_sum3A_879 = arith.constant true
    %reduce_sum3A_880 = vector.broadcast %reduce_sum3A_879 : i1 to vector<16xi1>
    %reduce_sum3A_881 = tpu.scan <sum>, %select_n3A_878 masked %reduce_sum3A_880 : vector<16xi32>, vector<16xi1> -> vector<16xi32>
    %reduce_sum3A_882 = vector.extract %reduce_sum3A_881[15] : i32 from vector<16xi32>
    %swap3A_883 = arith.constant 78 : i32
    %swap3A_884 = arith.index_cast %swap3A_883 : i32 to index
    %swap3A_885 = memref.load %arg6[%swap3A_884] : memref<256xi32, #tpu.memory_space<smem>>
    memref.store %reduce_sum3A_882, %arg6[%swap3A_884] : memref<256xi32, #tpu.memory_space<smem>>
    %eq3A_886 = arith.constant 15 : i32
    %eq3A_887 = vector.broadcast %eq3A_886 : i32 to vector<16xi32>
    %eq3A_888 = arith.cmpi eq, %iota3A, %eq3A_887 : vector<16xi32>
    %select_n3A_889 = arith.select %eq3A_888, %get3A_720, %broadcast_in_dim3A_1 : vector<16xi1>, vector<16xi32>
    %reduce_sum3A_890 = arith.constant true
    %reduce_sum3A_891 = vector.broadcast %reduce_sum3A_890 : i1 to vector<16xi1>
    %reduce_sum3A_892 = tpu.scan <sum>, %select_n3A_889 masked %reduce_sum3A_891 : vector<16xi32>, vector<16xi1> -> vector<16xi32>
    %reduce_sum3A_893 = vector.extract %reduce_sum3A_892[15] : i32 from vector<16xi32>
    %swap3A_894 = arith.constant 79 : i32
    %swap3A_895 = arith.index_cast %swap3A_894 : i32 to index
    %swap3A_896 = memref.load %arg6[%swap3A_895] : memref<256xi32, #tpu.memory_space<smem>>
    memref.store %reduce_sum3A_893, %arg6[%swap3A_895] : memref<256xi32, #tpu.memory_space<smem>>
    %get3A_897 = arith.constant 0 : i32
    %get3A_898 = arith.index_cast %get3A_897 : i32 to index
    %get3A_899 = arith.constant 80 : index
    %get3A_900 = tpu.vector_load %arg5[%get3A_898, %get3A_899] {strides = array<i32>} : memref<2x128xi32, #tpu.memory_space<vmem>>, vector<16xi32>,
    %eq3A_901 = arith.constant 0 : i32
    %eq3A_902 = vector.broadcast %eq3A_901 : i32 to vector<16xi32>
    %eq3A_903 = arith.cmpi eq, %iota3A, %eq3A_902 : vector<16xi32>
    %select_n3A_904 = arith.select %eq3A_903, %get3A_900, %broadcast_in_dim3A_1 : vector<16xi1>, vector<16xi32>
    %reduce_sum3A_905 = arith.constant true
    %reduce_sum3A_906 = vector.broadcast %reduce_sum3A_905 : i1 to vector<16xi1>
    %reduce_sum3A_907 = tpu.scan <sum>, %select_n3A_904 masked %reduce_sum3A_906 : vector<16xi32>, vector<16xi1> -> vector<16xi32>
    %reduce_sum3A_908 = vector.extract %reduce_sum3A_907[15] : i32 from vector<16xi32>
    %swap3A_909 = arith.constant 80 : i32
    %swap3A_910 = arith.index_cast %swap3A_909 : i32 to index
    %swap3A_911 = memref.load %arg6[%swap3A_910] : memref<256xi32, #tpu.memory_space<smem>>
    memref.store %reduce_sum3A_908, %arg6[%swap3A_910] : memref<256xi32, #tpu.memory_space<smem>>
    %eq3A_912 = arith.constant 1 : i32
    %eq3A_913 = vector.broadcast %eq3A_912 : i32 to vector<16xi32>
    %eq3A_914 = arith.cmpi eq, %iota3A, %eq3A_913 : vector<16xi32>
    %select_n3A_915 = arith.select %eq3A_914, %get3A_900, %broadcast_in_dim3A_1 : vector<16xi1>, vector<16xi32>
    %reduce_sum3A_916 = arith.constant true
    %reduce_sum3A_917 = vector.broadcast %reduce_sum3A_916 : i1 to vector<16xi1>
    %reduce_sum3A_918 = tpu.scan <sum>, %select_n3A_915 masked %reduce_sum3A_917 : vector<16xi32>, vector<16xi1> -> vector<16xi32>
    %reduce_sum3A_919 = vector.extract %reduce_sum3A_918[15] : i32 from vector<16xi32>
    %swap3A_920 = arith.constant 81 : i32
    %swap3A_921 = arith.index_cast %swap3A_920 : i32 to index
    %swap3A_922 = memref.load %arg6[%swap3A_921] : memref<256xi32, #tpu.memory_space<smem>>
    memref.store %reduce_sum3A_919, %arg6[%swap3A_921] : memref<256xi32, #tpu.memory_space<smem>>
    %eq3A_923 = arith.constant 2 : i32
    %eq3A_924 = vector.broadcast %eq3A_923 : i32 to vector<16xi32>
    %eq3A_925 = arith.cmpi eq, %iota3A, %eq3A_924 : vector<16xi32>
    %select_n3A_926 = arith.select %eq3A_925, %get3A_900, %broadcast_in_dim3A_1 : vector<16xi1>, vector<16xi32>
    %reduce_sum3A_927 = arith.constant true
    %reduce_sum3A_928 = vector.broadcast %reduce_sum3A_927 : i1 to vector<16xi1>
    %reduce_sum3A_929 = tpu.scan <sum>, %select_n3A_926 masked %reduce_sum3A_928 : vector<16xi32>, vector<16xi1> -> vector<16xi32>
    %reduce_sum3A_930 = vector.extract %reduce_sum3A_929[15] : i32 from vector<16xi32>
    %swap3A_931 = arith.constant 82 : i32
    %swap3A_932 = arith.index_cast %swap3A_931 : i32 to index
    %swap3A_933 = memref.load %arg6[%swap3A_932] : memref<256xi32, #tpu.memory_space<smem>>
    memref.store %reduce_sum3A_930, %arg6[%swap3A_932] : memref<256xi32, #tpu.memory_space<smem>>
    %eq3A_934 = arith.constant 3 : i32
    %eq3A_935 = vector.broadcast %eq3A_934 : i32 to vector<16xi32>
    %eq3A_936 = arith.cmpi eq, %iota3A, %eq3A_935 : vector<16xi32>
    %select_n3A_937 = arith.select %eq3A_936, %get3A_900, %broadcast_in_dim3A_1 : vector<16xi1>, vector<16xi32>
    %reduce_sum3A_938 = arith.constant true
    %reduce_sum3A_939 = vector.broadcast %reduce_sum3A_938 : i1 to vector<16xi1>
    %reduce_sum3A_940 = tpu.scan <sum>, %select_n3A_937 masked %reduce_sum3A_939 : vector<16xi32>, vector<16xi1> -> vector<16xi32>
    %reduce_sum3A_941 = vector.extract %reduce_sum3A_940[15] : i32 from vector<16xi32>
    %swap3A_942 = arith.constant 83 : i32
    %swap3A_943 = arith.index_cast %swap3A_942 : i32 to index
    %swap3A_944 = memref.load %arg6[%swap3A_943] : memref<256xi32, #tpu.memory_space<smem>>
    memref.store %reduce_sum3A_941, %arg6[%swap3A_943] : memref<256xi32, #tpu.memory_space<smem>>
    %eq3A_945 = arith.constant 4 : i32
    %eq3A_946 = vector.broadcast %eq3A_945 : i32 to vector<16xi32>
    %eq3A_947 = arith.cmpi eq, %iota3A, %eq3A_946 : vector<16xi32>
    %select_n3A_948 = arith.select %eq3A_947, %get3A_900, %broadcast_in_dim3A_1 : vector<16xi1>, vector<16xi32>
    %reduce_sum3A_949 = arith.constant true
    %reduce_sum3A_950 = vector.broadcast %reduce_sum3A_949 : i1 to vector<16xi1>
    %reduce_sum3A_951 = tpu.scan <sum>, %select_n3A_948 masked %reduce_sum3A_950 : vector<16xi32>, vector<16xi1> -> vector<16xi32>
    %reduce_sum3A_952 = vector.extract %reduce_sum3A_951[15] : i32 from vector<16xi32>
    %swap3A_953 = arith.constant 84 : i32
    %swap3A_954 = arith.index_cast %swap3A_953 : i32 to index
    %swap3A_955 = memref.load %arg6[%swap3A_954] : memref<256xi32, #tpu.memory_space<smem>>
    memref.store %reduce_sum3A_952, %arg6[%swap3A_954] : memref<256xi32, #tpu.memory_space<smem>>
    %eq3A_956 = arith.constant 5 : i32
    %eq3A_957 = vector.broadcast %eq3A_956 : i32 to vector<16xi32>
    %eq3A_958 = arith.cmpi eq, %iota3A, %eq3A_957 : vector<16xi32>
    %select_n3A_959 = arith.select %eq3A_958, %get3A_900, %broadcast_in_dim3A_1 : vector<16xi1>, vector<16xi32>
    %reduce_sum3A_960 = arith.constant true
    %reduce_sum3A_961 = vector.broadcast %reduce_sum3A_960 : i1 to vector<16xi1>
    %reduce_sum3A_962 = tpu.scan <sum>, %select_n3A_959 masked %reduce_sum3A_961 : vector<16xi32>, vector<16xi1> -> vector<16xi32>
    %reduce_sum3A_963 = vector.extract %reduce_sum3A_962[15] : i32 from vector<16xi32>
    %swap3A_964 = arith.constant 85 : i32
    %swap3A_965 = arith.index_cast %swap3A_964 : i32 to index
    %swap3A_966 = memref.load %arg6[%swap3A_965] : memref<256xi32, #tpu.memory_space<smem>>
    memref.store %reduce_sum3A_963, %arg6[%swap3A_965] : memref<256xi32, #tpu.memory_space<smem>>
    %eq3A_967 = arith.constant 6 : i32
    %eq3A_968 = vector.broadcast %eq3A_967 : i32 to vector<16xi32>
    %eq3A_969 = arith.cmpi eq, %iota3A, %eq3A_968 : vector<16xi32>
    %select_n3A_970 = arith.select %eq3A_969, %get3A_900, %broadcast_in_dim3A_1 : vector<16xi1>, vector<16xi32>
    %reduce_sum3A_971 = arith.constant true
    %reduce_sum3A_972 = vector.broadcast %reduce_sum3A_971 : i1 to vector<16xi1>
    %reduce_sum3A_973 = tpu.scan <sum>, %select_n3A_970 masked %reduce_sum3A_972 : vector<16xi32>, vector<16xi1> -> vector<16xi32>
    %reduce_sum3A_974 = vector.extract %reduce_sum3A_973[15] : i32 from vector<16xi32>
    %swap3A_975 = arith.constant 86 : i32
    %swap3A_976 = arith.index_cast %swap3A_975 : i32 to index
    %swap3A_977 = memref.load %arg6[%swap3A_976] : memref<256xi32, #tpu.memory_space<smem>>
    memref.store %reduce_sum3A_974, %arg6[%swap3A_976] : memref<256xi32, #tpu.memory_space<smem>>
    %eq3A_978 = arith.constant 7 : i32
    %eq3A_979 = vector.broadcast %eq3A_978 : i32 to vector<16xi32>
    %eq3A_980 = arith.cmpi eq, %iota3A, %eq3A_979 : vector<16xi32>
    %select_n3A_981 = arith.select %eq3A_980, %get3A_900, %broadcast_in_dim3A_1 : vector<16xi1>, vector<16xi32>
    %reduce_sum3A_982 = arith.constant true
    %reduce_sum3A_983 = vector.broadcast %reduce_sum3A_982 : i1 to vector<16xi1>
    %reduce_sum3A_984 = tpu.scan <sum>, %select_n3A_981 masked %reduce_sum3A_983 : vector<16xi32>, vector<16xi1> -> vector<16xi32>
    %reduce_sum3A_985 = vector.extract %reduce_sum3A_984[15] : i32 from vector<16xi32>
    %swap3A_986 = arith.constant 87 : i32
    %swap3A_987 = arith.index_cast %swap3A_986 : i32 to index
    %swap3A_988 = memref.load %arg6[%swap3A_987] : memref<256xi32, #tpu.memory_space<smem>>
    memref.store %reduce_sum3A_985, %arg6[%swap3A_987] : memref<256xi32, #tpu.memory_space<smem>>
    %eq3A_989 = arith.constant 8 : i32
    %eq3A_990 = vector.broadcast %eq3A_989 : i32 to vector<16xi32>
    %eq3A_991 = arith.cmpi eq, %iota3A, %eq3A_990 : vector<16xi32>
    %select_n3A_992 = arith.select %eq3A_991, %get3A_900, %broadcast_in_dim3A_1 : vector<16xi1>, vector<16xi32>
    %reduce_sum3A_993 = arith.constant true
    %reduce_sum3A_994 = vector.broadcast %reduce_sum3A_993 : i1 to vector<16xi1>
    %reduce_sum3A_995 = tpu.scan <sum>, %select_n3A_992 masked %reduce_sum3A_994 : vector<16xi32>, vector<16xi1> -> vector<16xi32>
    %reduce_sum3A_996 = vector.extract %reduce_sum3A_995[15] : i32 from vector<16xi32>
    %swap3A_997 = arith.constant 88 : i32
    %swap3A_998 = arith.index_cast %swap3A_997 : i32 to index
    %swap3A_999 = memref.load %arg6[%swap3A_998] : memref<256xi32, #tpu.memory_space<smem>>
    memref.store %reduce_sum3A_996, %arg6[%swap3A_998] : memref<256xi32, #tpu.memory_space<smem>>
    %eq3A_1000 = arith.constant 9 : i32
    %eq3A_1001 = vector.broadcast %eq3A_1000 : i32 to vector<16xi32>
    %eq3A_1002 = arith.cmpi eq, %iota3A, %eq3A_1001 : vector<16xi32>
    %select_n3A_1003 = arith.select %eq3A_1002, %get3A_900, %broadcast_in_dim3A_1 : vector<16xi1>, vector<16xi32>
    %reduce_sum3A_1004 = arith.constant true
    %reduce_sum3A_1005 = vector.broadcast %reduce_sum3A_1004 : i1 to vector<16xi1>
    %reduce_sum3A_1006 = tpu.scan <sum>, %select_n3A_1003 masked %reduce_sum3A_1005 : vector<16xi32>, vector<16xi1> -> vector<16xi32>
    %reduce_sum3A_1007 = vector.extract %reduce_sum3A_1006[15] : i32 from vector<16xi32>
    %swap3A_1008 = arith.constant 89 : i32
    %swap3A_1009 = arith.index_cast %swap3A_1008 : i32 to index
    %swap3A_1010 = memref.load %arg6[%swap3A_1009] : memref<256xi32, #tpu.memory_space<smem>>
    memref.store %reduce_sum3A_1007, %arg6[%swap3A_1009] : memref<256xi32, #tpu.memory_space<smem>>
    %eq3A_1011 = arith.constant 10 : i32
    %eq3A_1012 = vector.broadcast %eq3A_1011 : i32 to vector<16xi32>
    %eq3A_1013 = arith.cmpi eq, %iota3A, %eq3A_1012 : vector<16xi32>
    %select_n3A_1014 = arith.select %eq3A_1013, %get3A_900, %broadcast_in_dim3A_1 : vector<16xi1>, vector<16xi32>
    %reduce_sum3A_1015 = arith.constant true
    %reduce_sum3A_1016 = vector.broadcast %reduce_sum3A_1015 : i1 to vector<16xi1>
    %reduce_sum3A_1017 = tpu.scan <sum>, %select_n3A_1014 masked %reduce_sum3A_1016 : vector<16xi32>, vector<16xi1> -> vector<16xi32>
    %reduce_sum3A_1018 = vector.extract %reduce_sum3A_1017[15] : i32 from vector<16xi32>
    %swap3A_1019 = arith.constant 90 : i32
    %swap3A_1020 = arith.index_cast %swap3A_1019 : i32 to index
    %swap3A_1021 = memref.load %arg6[%swap3A_1020] : memref<256xi32, #tpu.memory_space<smem>>
    memref.store %reduce_sum3A_1018, %arg6[%swap3A_1020] : memref<256xi32, #tpu.memory_space<smem>>
    %eq3A_1022 = arith.constant 11 : i32
    %eq3A_1023 = vector.broadcast %eq3A_1022 : i32 to vector<16xi32>
    %eq3A_1024 = arith.cmpi eq, %iota3A, %eq3A_1023 : vector<16xi32>
    %select_n3A_1025 = arith.select %eq3A_1024, %get3A_900, %broadcast_in_dim3A_1 : vector<16xi1>, vector<16xi32>
    %reduce_sum3A_1026 = arith.constant true
    %reduce_sum3A_1027 = vector.broadcast %reduce_sum3A_1026 : i1 to vector<16xi1>
    %reduce_sum3A_1028 = tpu.scan <sum>, %select_n3A_1025 masked %reduce_sum3A_1027 : vector<16xi32>, vector<16xi1> -> vector<16xi32>
    %reduce_sum3A_1029 = vector.extract %reduce_sum3A_1028[15] : i32 from vector<16xi32>
    %swap3A_1030 = arith.constant 91 : i32
    %swap3A_1031 = arith.index_cast %swap3A_1030 : i32 to index
    %swap3A_1032 = memref.load %arg6[%swap3A_1031] : memref<256xi32, #tpu.memory_space<smem>>
    memref.store %reduce_sum3A_1029, %arg6[%swap3A_1031] : memref<256xi32, #tpu.memory_space<smem>>
    %eq3A_1033 = arith.constant 12 : i32
    %eq3A_1034 = vector.broadcast %eq3A_1033 : i32 to vector<16xi32>
    %eq3A_1035 = arith.cmpi eq, %iota3A, %eq3A_1034 : vector<16xi32>
    %select_n3A_1036 = arith.select %eq3A_1035, %get3A_900, %broadcast_in_dim3A_1 : vector<16xi1>, vector<16xi32>
    %reduce_sum3A_1037 = arith.constant true
    %reduce_sum3A_1038 = vector.broadcast %reduce_sum3A_1037 : i1 to vector<16xi1>
    %reduce_sum3A_1039 = tpu.scan <sum>, %select_n3A_1036 masked %reduce_sum3A_1038 : vector<16xi32>, vector<16xi1> -> vector<16xi32>
    %reduce_sum3A_1040 = vector.extract %reduce_sum3A_1039[15] : i32 from vector<16xi32>
    %swap3A_1041 = arith.constant 92 : i32
    %swap3A_1042 = arith.index_cast %swap3A_1041 : i32 to index
    %swap3A_1043 = memref.load %arg6[%swap3A_1042] : memref<256xi32, #tpu.memory_space<smem>>
    memref.store %reduce_sum3A_1040, %arg6[%swap3A_1042] : memref<256xi32, #tpu.memory_space<smem>>
    %eq3A_1044 = arith.constant 13 : i32
    %eq3A_1045 = vector.broadcast %eq3A_1044 : i32 to vector<16xi32>
    %eq3A_1046 = arith.cmpi eq, %iota3A, %eq3A_1045 : vector<16xi32>
    %select_n3A_1047 = arith.select %eq3A_1046, %get3A_900, %broadcast_in_dim3A_1 : vector<16xi1>, vector<16xi32>
    %reduce_sum3A_1048 = arith.constant true
    %reduce_sum3A_1049 = vector.broadcast %reduce_sum3A_1048 : i1 to vector<16xi1>
    %reduce_sum3A_1050 = tpu.scan <sum>, %select_n3A_1047 masked %reduce_sum3A_1049 : vector<16xi32>, vector<16xi1> -> vector<16xi32>
    %reduce_sum3A_1051 = vector.extract %reduce_sum3A_1050[15] : i32 from vector<16xi32>
    %swap3A_1052 = arith.constant 93 : i32
    %swap3A_1053 = arith.index_cast %swap3A_1052 : i32 to index
    %swap3A_1054 = memref.load %arg6[%swap3A_1053] : memref<256xi32, #tpu.memory_space<smem>>
    memref.store %reduce_sum3A_1051, %arg6[%swap3A_1053] : memref<256xi32, #tpu.memory_space<smem>>
    %eq3A_1055 = arith.constant 14 : i32
    %eq3A_1056 = vector.broadcast %eq3A_1055 : i32 to vector<16xi32>
    %eq3A_1057 = arith.cmpi eq, %iota3A, %eq3A_1056 : vector<16xi32>
    %select_n3A_1058 = arith.select %eq3A_1057, %get3A_900, %broadcast_in_dim3A_1 : vector<16xi1>, vector<16xi32>
    %reduce_sum3A_1059 = arith.constant true
    %reduce_sum3A_1060 = vector.broadcast %reduce_sum3A_1059 : i1 to vector<16xi1>
    %reduce_sum3A_1061 = tpu.scan <sum>, %select_n3A_1058 masked %reduce_sum3A_1060 : vector<16xi32>, vector<16xi1> -> vector<16xi32>
    %reduce_sum3A_1062 = vector.extract %reduce_sum3A_1061[15] : i32 from vector<16xi32>
    %swap3A_1063 = arith.constant 94 : i32
    %swap3A_1064 = arith.index_cast %swap3A_1063 : i32 to index
    %swap3A_1065 = memref.load %arg6[%swap3A_1064] : memref<256xi32, #tpu.memory_space<smem>>
    memref.store %reduce_sum3A_1062, %arg6[%swap3A_1064] : memref<256xi32, #tpu.memory_space<smem>>
    %eq3A_1066 = arith.constant 15 : i32
    %eq3A_1067 = vector.broadcast %eq3A_1066 : i32 to vector<16xi32>
    %eq3A_1068 = arith.cmpi eq, %iota3A, %eq3A_1067 : vector<16xi32>
    %select_n3A_1069 = arith.select %eq3A_1068, %get3A_900, %broadcast_in_dim3A_1 : vector<16xi1>, vector<16xi32>
    %reduce_sum3A_1070 = arith.constant true
    %reduce_sum3A_1071 = vector.broadcast %reduce_sum3A_1070 : i1 to vector<16xi1>
    %reduce_sum3A_1072 = tpu.scan <sum>, %select_n3A_1069 masked %reduce_sum3A_1071 : vector<16xi32>, vector<16xi1> -> vector<16xi32>
    %reduce_sum3A_1073 = vector.extract %reduce_sum3A_1072[15] : i32 from vector<16xi32>
    %swap3A_1074 = arith.constant 95 : i32
    %swap3A_1075 = arith.index_cast %swap3A_1074 : i32 to index
    %swap3A_1076 = memref.load %arg6[%swap3A_1075] : memref<256xi32, #tpu.memory_space<smem>>
    memref.store %reduce_sum3A_1073, %arg6[%swap3A_1075] : memref<256xi32, #tpu.memory_space<smem>>
    %get3A_1077 = arith.constant 0 : i32
    %get3A_1078 = arith.index_cast %get3A_1077 : i32 to index
    %get3A_1079 = arith.constant 96 : index
    %get3A_1080 = tpu.vector_load %arg5[%get3A_1078, %get3A_1079] {strides = array<i32>} : memref<2x128xi32, #tpu.memory_space<vmem>>, vector<16xi32>,
    %eq3A_1081 = arith.constant 0 : i32
    %eq3A_1082 = vector.broadcast %eq3A_1081 : i32 to vector<16xi32>
    %eq3A_1083 = arith.cmpi eq, %iota3A, %eq3A_1082 : vector<16xi32>
    %select_n3A_1084 = arith.select %eq3A_1083, %get3A_1080, %broadcast_in_dim3A_1 : vector<16xi1>, vector<16xi32>
    %reduce_sum3A_1085 = arith.constant true
    %reduce_sum3A_1086 = vector.broadcast %reduce_sum3A_1085 : i1 to vector<16xi1>
    %reduce_sum3A_1087 = tpu.scan <sum>, %select_n3A_1084 masked %reduce_sum3A_1086 : vector<16xi32>, vector<16xi1> -> vector<16xi32>
    %reduce_sum3A_1088 = vector.extract %reduce_sum3A_1087[15] : i32 from vector<16xi32>
    %swap3A_1089 = arith.constant 96 : i32
    %swap3A_1090 = arith.index_cast %swap3A_1089 : i32 to index
    %swap3A_1091 = memref.load %arg6[%swap3A_1090] : memref<256xi32, #tpu.memory_space<smem>>
    memref.store %reduce_sum3A_1088, %arg6[%swap3A_1090] : memref<256xi32, #tpu.memory_space<smem>>
    %eq3A_1092 = arith.constant 1 : i32
    %eq3A_1093 = vector.broadcast %eq3A_1092 : i32 to vector<16xi32>
    %eq3A_1094 = arith.cmpi eq, %iota3A, %eq3A_1093 : vector<16xi32>
    %select_n3A_1095 = arith.select %eq3A_1094, %get3A_1080, %broadcast_in_dim3A_1 : vector<16xi1>, vector<16xi32>
    %reduce_sum3A_1096 = arith.constant true
    %reduce_sum3A_1097 = vector.broadcast %reduce_sum3A_1096 : i1 to vector<16xi1>
    %reduce_sum3A_1098 = tpu.scan <sum>, %select_n3A_1095 masked %reduce_sum3A_1097 : vector<16xi32>, vector<16xi1> -> vector<16xi32>
    %reduce_sum3A_1099 = vector.extract %reduce_sum3A_1098[15] : i32 from vector<16xi32>
    %swap3A_1100 = arith.constant 97 : i32
    %swap3A_1101 = arith.index_cast %swap3A_1100 : i32 to index
    %swap3A_1102 = memref.load %arg6[%swap3A_1101] : memref<256xi32, #tpu.memory_space<smem>>
    memref.store %reduce_sum3A_1099, %arg6[%swap3A_1101] : memref<256xi32, #tpu.memory_space<smem>>
    %eq3A_1103 = arith.constant 2 : i32
    %eq3A_1104 = vector.broadcast %eq3A_1103 : i32 to vector<16xi32>
    %eq3A_1105 = arith.cmpi eq, %iota3A, %eq3A_1104 : vector<16xi32>
    %select_n3A_1106 = arith.select %eq3A_1105, %get3A_1080, %broadcast_in_dim3A_1 : vector<16xi1>, vector<16xi32>
    %reduce_sum3A_1107 = arith.constant true
    %reduce_sum3A_1108 = vector.broadcast %reduce_sum3A_1107 : i1 to vector<16xi1>
    %reduce_sum3A_1109 = tpu.scan <sum>, %select_n3A_1106 masked %reduce_sum3A_1108 : vector<16xi32>, vector<16xi1> -> vector<16xi32>
    %reduce_sum3A_1110 = vector.extract %reduce_sum3A_1109[15] : i32 from vector<16xi32>
    %swap3A_1111 = arith.constant 98 : i32
    %swap3A_1112 = arith.index_cast %swap3A_1111 : i32 to index
    %swap3A_1113 = memref.load %arg6[%swap3A_1112] : memref<256xi32, #tpu.memory_space<smem>>
    memref.store %reduce_sum3A_1110, %arg6[%swap3A_1112] : memref<256xi32, #tpu.memory_space<smem>>
    %eq3A_1114 = arith.constant 3 : i32
    %eq3A_1115 = vector.broadcast %eq3A_1114 : i32 to vector<16xi32>
    %eq3A_1116 = arith.cmpi eq, %iota3A, %eq3A_1115 : vector<16xi32>
    %select_n3A_1117 = arith.select %eq3A_1116, %get3A_1080, %broadcast_in_dim3A_1 : vector<16xi1>, vector<16xi32>
    %reduce_sum3A_1118 = arith.constant true
    %reduce_sum3A_1119 = vector.broadcast %reduce_sum3A_1118 : i1 to vector<16xi1>
    %reduce_sum3A_1120 = tpu.scan <sum>, %select_n3A_1117 masked %reduce_sum3A_1119 : vector<16xi32>, vector<16xi1> -> vector<16xi32>
    %reduce_sum3A_1121 = vector.extract %reduce_sum3A_1120[15] : i32 from vector<16xi32>
    %swap3A_1122 = arith.constant 99 : i32
    %swap3A_1123 = arith.index_cast %swap3A_1122 : i32 to index
    %swap3A_1124 = memref.load %arg6[%swap3A_1123] : memref<256xi32, #tpu.memory_space<smem>>
    memref.store %reduce_sum3A_1121, %arg6[%swap3A_1123] : memref<256xi32, #tpu.memory_space<smem>>
    %eq3A_1125 = arith.constant 4 : i32
    %eq3A_1126 = vector.broadcast %eq3A_1125 : i32 to vector<16xi32>
    %eq3A_1127 = arith.cmpi eq, %iota3A, %eq3A_1126 : vector<16xi32>
    %select_n3A_1128 = arith.select %eq3A_1127, %get3A_1080, %broadcast_in_dim3A_1 : vector<16xi1>, vector<16xi32>
    %reduce_sum3A_1129 = arith.constant true
    %reduce_sum3A_1130 = vector.broadcast %reduce_sum3A_1129 : i1 to vector<16xi1>
    %reduce_sum3A_1131 = tpu.scan <sum>, %select_n3A_1128 masked %reduce_sum3A_1130 : vector<16xi32>, vector<16xi1> -> vector<16xi32>
    %reduce_sum3A_1132 = vector.extract %reduce_sum3A_1131[15] : i32 from vector<16xi32>
    %swap3A_1133 = arith.constant 100 : i32
    %swap3A_1134 = arith.index_cast %swap3A_1133 : i32 to index
    %swap3A_1135 = memref.load %arg6[%swap3A_1134] : memref<256xi32, #tpu.memory_space<smem>>
    memref.store %reduce_sum3A_1132, %arg6[%swap3A_1134] : memref<256xi32, #tpu.memory_space<smem>>
    %eq3A_1136 = arith.constant 5 : i32
    %eq3A_1137 = vector.broadcast %eq3A_1136 : i32 to vector<16xi32>
    %eq3A_1138 = arith.cmpi eq, %iota3A, %eq3A_1137 : vector<16xi32>
    %select_n3A_1139 = arith.select %eq3A_1138, %get3A_1080, %broadcast_in_dim3A_1 : vector<16xi1>, vector<16xi32>
    %reduce_sum3A_1140 = arith.constant true
    %reduce_sum3A_1141 = vector.broadcast %reduce_sum3A_1140 : i1 to vector<16xi1>
    %reduce_sum3A_1142 = tpu.scan <sum>, %select_n3A_1139 masked %reduce_sum3A_1141 : vector<16xi32>, vector<16xi1> -> vector<16xi32>
    %reduce_sum3A_1143 = vector.extract %reduce_sum3A_1142[15] : i32 from vector<16xi32>
    %swap3A_1144 = arith.constant 101 : i32
    %swap3A_1145 = arith.index_cast %swap3A_1144 : i32 to index
    %swap3A_1146 = memref.load %arg6[%swap3A_1145] : memref<256xi32, #tpu.memory_space<smem>>
    memref.store %reduce_sum3A_1143, %arg6[%swap3A_1145] : memref<256xi32, #tpu.memory_space<smem>>
    %eq3A_1147 = arith.constant 6 : i32
    %eq3A_1148 = vector.broadcast %eq3A_1147 : i32 to vector<16xi32>
    %eq3A_1149 = arith.cmpi eq, %iota3A, %eq3A_1148 : vector<16xi32>
    %select_n3A_1150 = arith.select %eq3A_1149, %get3A_1080, %broadcast_in_dim3A_1 : vector<16xi1>, vector<16xi32>
    %reduce_sum3A_1151 = arith.constant true
    %reduce_sum3A_1152 = vector.broadcast %reduce_sum3A_1151 : i1 to vector<16xi1>
    %reduce_sum3A_1153 = tpu.scan <sum>, %select_n3A_1150 masked %reduce_sum3A_1152 : vector<16xi32>, vector<16xi1> -> vector<16xi32>
    %reduce_sum3A_1154 = vector.extract %reduce_sum3A_1153[15] : i32 from vector<16xi32>
    %swap3A_1155 = arith.constant 102 : i32
    %swap3A_1156 = arith.index_cast %swap3A_1155 : i32 to index
    %swap3A_1157 = memref.load %arg6[%swap3A_1156] : memref<256xi32, #tpu.memory_space<smem>>
    memref.store %reduce_sum3A_1154, %arg6[%swap3A_1156] : memref<256xi32, #tpu.memory_space<smem>>
    %eq3A_1158 = arith.constant 7 : i32
    %eq3A_1159 = vector.broadcast %eq3A_1158 : i32 to vector<16xi32>
    %eq3A_1160 = arith.cmpi eq, %iota3A, %eq3A_1159 : vector<16xi32>
    %select_n3A_1161 = arith.select %eq3A_1160, %get3A_1080, %broadcast_in_dim3A_1 : vector<16xi1>, vector<16xi32>
    %reduce_sum3A_1162 = arith.constant true
    %reduce_sum3A_1163 = vector.broadcast %reduce_sum3A_1162 : i1 to vector<16xi1>
    %reduce_sum3A_1164 = tpu.scan <sum>, %select_n3A_1161 masked %reduce_sum3A_1163 : vector<16xi32>, vector<16xi1> -> vector<16xi32>
    %reduce_sum3A_1165 = vector.extract %reduce_sum3A_1164[15] : i32 from vector<16xi32>
    %swap3A_1166 = arith.constant 103 : i32
    %swap3A_1167 = arith.index_cast %swap3A_1166 : i32 to index
    %swap3A_1168 = memref.load %arg6[%swap3A_1167] : memref<256xi32, #tpu.memory_space<smem>>
    memref.store %reduce_sum3A_1165, %arg6[%swap3A_1167] : memref<256xi32, #tpu.memory_space<smem>>
    %eq3A_1169 = arith.constant 8 : i32
    %eq3A_1170 = vector.broadcast %eq3A_1169 : i32 to vector<16xi32>
    %eq3A_1171 = arith.cmpi eq, %iota3A, %eq3A_1170 : vector<16xi32>
    %select_n3A_1172 = arith.select %eq3A_1171, %get3A_1080, %broadcast_in_dim3A_1 : vector<16xi1>, vector<16xi32>
    %reduce_sum3A_1173 = arith.constant true
    %reduce_sum3A_1174 = vector.broadcast %reduce_sum3A_1173 : i1 to vector<16xi1>
    %reduce_sum3A_1175 = tpu.scan <sum>, %select_n3A_1172 masked %reduce_sum3A_1174 : vector<16xi32>, vector<16xi1> -> vector<16xi32>
    %reduce_sum3A_1176 = vector.extract %reduce_sum3A_1175[15] : i32 from vector<16xi32>
    %swap3A_1177 = arith.constant 104 : i32
    %swap3A_1178 = arith.index_cast %swap3A_1177 : i32 to index
    %swap3A_1179 = memref.load %arg6[%swap3A_1178] : memref<256xi32, #tpu.memory_space<smem>>
    memref.store %reduce_sum3A_1176, %arg6[%swap3A_1178] : memref<256xi32, #tpu.memory_space<smem>>
    %eq3A_1180 = arith.constant 9 : i32
    %eq3A_1181 = vector.broadcast %eq3A_1180 : i32 to vector<16xi32>
    %eq3A_1182 = arith.cmpi eq, %iota3A, %eq3A_1181 : vector<16xi32>
    %select_n3A_1183 = arith.select %eq3A_1182, %get3A_1080, %broadcast_in_dim3A_1 : vector<16xi1>, vector<16xi32>
    %reduce_sum3A_1184 = arith.constant true
    %reduce_sum3A_1185 = vector.broadcast %reduce_sum3A_1184 : i1 to vector<16xi1>
    %reduce_sum3A_1186 = tpu.scan <sum>, %select_n3A_1183 masked %reduce_sum3A_1185 : vector<16xi32>, vector<16xi1> -> vector<16xi32>
    %reduce_sum3A_1187 = vector.extract %reduce_sum3A_1186[15] : i32 from vector<16xi32>
    %swap3A_1188 = arith.constant 105 : i32
    %swap3A_1189 = arith.index_cast %swap3A_1188 : i32 to index
    %swap3A_1190 = memref.load %arg6[%swap3A_1189] : memref<256xi32, #tpu.memory_space<smem>>
    memref.store %reduce_sum3A_1187, %arg6[%swap3A_1189] : memref<256xi32, #tpu.memory_space<smem>>
    %eq3A_1191 = arith.constant 10 : i32
    %eq3A_1192 = vector.broadcast %eq3A_1191 : i32 to vector<16xi32>
    %eq3A_1193 = arith.cmpi eq, %iota3A, %eq3A_1192 : vector<16xi32>
    %select_n3A_1194 = arith.select %eq3A_1193, %get3A_1080, %broadcast_in_dim3A_1 : vector<16xi1>, vector<16xi32>
    %reduce_sum3A_1195 = arith.constant true
    %reduce_sum3A_1196 = vector.broadcast %reduce_sum3A_1195 : i1 to vector<16xi1>
    %reduce_sum3A_1197 = tpu.scan <sum>, %select_n3A_1194 masked %reduce_sum3A_1196 : vector<16xi32>, vector<16xi1> -> vector<16xi32>
    %reduce_sum3A_1198 = vector.extract %reduce_sum3A_1197[15] : i32 from vector<16xi32>
    %swap3A_1199 = arith.constant 106 : i32
    %swap3A_1200 = arith.index_cast %swap3A_1199 : i32 to index
    %swap3A_1201 = memref.load %arg6[%swap3A_1200] : memref<256xi32, #tpu.memory_space<smem>>
    memref.store %reduce_sum3A_1198, %arg6[%swap3A_1200] : memref<256xi32, #tpu.memory_space<smem>>
    %eq3A_1202 = arith.constant 11 : i32
    %eq3A_1203 = vector.broadcast %eq3A_1202 : i32 to vector<16xi32>
    %eq3A_1204 = arith.cmpi eq, %iota3A, %eq3A_1203 : vector<16xi32>
    %select_n3A_1205 = arith.select %eq3A_1204, %get3A_1080, %broadcast_in_dim3A_1 : vector<16xi1>, vector<16xi32>
    %reduce_sum3A_1206 = arith.constant true
    %reduce_sum3A_1207 = vector.broadcast %reduce_sum3A_1206 : i1 to vector<16xi1>
    %reduce_sum3A_1208 = tpu.scan <sum>, %select_n3A_1205 masked %reduce_sum3A_1207 : vector<16xi32>, vector<16xi1> -> vector<16xi32>
    %reduce_sum3A_1209 = vector.extract %reduce_sum3A_1208[15] : i32 from vector<16xi32>
    %swap3A_1210 = arith.constant 107 : i32
    %swap3A_1211 = arith.index_cast %swap3A_1210 : i32 to index
    %swap3A_1212 = memref.load %arg6[%swap3A_1211] : memref<256xi32, #tpu.memory_space<smem>>
    memref.store %reduce_sum3A_1209, %arg6[%swap3A_1211] : memref<256xi32, #tpu.memory_space<smem>>
    %eq3A_1213 = arith.constant 12 : i32
    %eq3A_1214 = vector.broadcast %eq3A_1213 : i32 to vector<16xi32>
    %eq3A_1215 = arith.cmpi eq, %iota3A, %eq3A_1214 : vector<16xi32>
    %select_n3A_1216 = arith.select %eq3A_1215, %get3A_1080, %broadcast_in_dim3A_1 : vector<16xi1>, vector<16xi32>
    %reduce_sum3A_1217 = arith.constant true
    %reduce_sum3A_1218 = vector.broadcast %reduce_sum3A_1217 : i1 to vector<16xi1>
    %reduce_sum3A_1219 = tpu.scan <sum>, %select_n3A_1216 masked %reduce_sum3A_1218 : vector<16xi32>, vector<16xi1> -> vector<16xi32>
    %reduce_sum3A_1220 = vector.extract %reduce_sum3A_1219[15] : i32 from vector<16xi32>
    %swap3A_1221 = arith.constant 108 : i32
    %swap3A_1222 = arith.index_cast %swap3A_1221 : i32 to index
    %swap3A_1223 = memref.load %arg6[%swap3A_1222] : memref<256xi32, #tpu.memory_space<smem>>
    memref.store %reduce_sum3A_1220, %arg6[%swap3A_1222] : memref<256xi32, #tpu.memory_space<smem>>
    %eq3A_1224 = arith.constant 13 : i32
    %eq3A_1225 = vector.broadcast %eq3A_1224 : i32 to vector<16xi32>
    %eq3A_1226 = arith.cmpi eq, %iota3A, %eq3A_1225 : vector<16xi32>
    %select_n3A_1227 = arith.select %eq3A_1226, %get3A_1080, %broadcast_in_dim3A_1 : vector<16xi1>, vector<16xi32>
    %reduce_sum3A_1228 = arith.constant true
    %reduce_sum3A_1229 = vector.broadcast %reduce_sum3A_1228 : i1 to vector<16xi1>
    %reduce_sum3A_1230 = tpu.scan <sum>, %select_n3A_1227 masked %reduce_sum3A_1229 : vector<16xi32>, vector<16xi1> -> vector<16xi32>
    %reduce_sum3A_1231 = vector.extract %reduce_sum3A_1230[15] : i32 from vector<16xi32>
    %swap3A_1232 = arith.constant 109 : i32
    %swap3A_1233 = arith.index_cast %swap3A_1232 : i32 to index
    %swap3A_1234 = memref.load %arg6[%swap3A_1233] : memref<256xi32, #tpu.memory_space<smem>>
    memref.store %reduce_sum3A_1231, %arg6[%swap3A_1233] : memref<256xi32, #tpu.memory_space<smem>>
    %eq3A_1235 = arith.constant 14 : i32
    %eq3A_1236 = vector.broadcast %eq3A_1235 : i32 to vector<16xi32>
    %eq3A_1237 = arith.cmpi eq, %iota3A, %eq3A_1236 : vector<16xi32>
    %select_n3A_1238 = arith.select %eq3A_1237, %get3A_1080, %broadcast_in_dim3A_1 : vector<16xi1>, vector<16xi32>
    %reduce_sum3A_1239 = arith.constant true
    %reduce_sum3A_1240 = vector.broadcast %reduce_sum3A_1239 : i1 to vector<16xi1>
    %reduce_sum3A_1241 = tpu.scan <sum>, %select_n3A_1238 masked %reduce_sum3A_1240 : vector<16xi32>, vector<16xi1> -> vector<16xi32>
    %reduce_sum3A_1242 = vector.extract %reduce_sum3A_1241[15] : i32 from vector<16xi32>
    %swap3A_1243 = arith.constant 110 : i32
    %swap3A_1244 = arith.index_cast %swap3A_1243 : i32 to index
    %swap3A_1245 = memref.load %arg6[%swap3A_1244] : memref<256xi32, #tpu.memory_space<smem>>
    memref.store %reduce_sum3A_1242, %arg6[%swap3A_1244] : memref<256xi32, #tpu.memory_space<smem>>
    %eq3A_1246 = arith.constant 15 : i32
    %eq3A_1247 = vector.broadcast %eq3A_1246 : i32 to vector<16xi32>
    %eq3A_1248 = arith.cmpi eq, %iota3A, %eq3A_1247 : vector<16xi32>
    %select_n3A_1249 = arith.select %eq3A_1248, %get3A_1080, %broadcast_in_dim3A_1 : vector<16xi1>, vector<16xi32>
    %reduce_sum3A_1250 = arith.constant true
    %reduce_sum3A_1251 = vector.broadcast %reduce_sum3A_1250 : i1 to vector<16xi1>
    %reduce_sum3A_1252 = tpu.scan <sum>, %select_n3A_1249 masked %reduce_sum3A_1251 : vector<16xi32>, vector<16xi1> -> vector<16xi32>
    %reduce_sum3A_1253 = vector.extract %reduce_sum3A_1252[15] : i32 from vector<16xi32>
    %swap3A_1254 = arith.constant 111 : i32
    %swap3A_1255 = arith.index_cast %swap3A_1254 : i32 to index
    %swap3A_1256 = memref.load %arg6[%swap3A_1255] : memref<256xi32, #tpu.memory_space<smem>>
    memref.store %reduce_sum3A_1253, %arg6[%swap3A_1255] : memref<256xi32, #tpu.memory_space<smem>>
    %get3A_1257 = arith.constant 0 : i32
    %get3A_1258 = arith.index_cast %get3A_1257 : i32 to index
    %get3A_1259 = arith.constant 112 : index
    %get3A_1260 = tpu.vector_load %arg5[%get3A_1258, %get3A_1259] {strides = array<i32>} : memref<2x128xi32, #tpu.memory_space<vmem>>, vector<16xi32>,
    %eq3A_1261 = arith.constant 0 : i32
    %eq3A_1262 = vector.broadcast %eq3A_1261 : i32 to vector<16xi32>
    %eq3A_1263 = arith.cmpi eq, %iota3A, %eq3A_1262 : vector<16xi32>
    %select_n3A_1264 = arith.select %eq3A_1263, %get3A_1260, %broadcast_in_dim3A_1 : vector<16xi1>, vector<16xi32>
    %reduce_sum3A_1265 = arith.constant true
    %reduce_sum3A_1266 = vector.broadcast %reduce_sum3A_1265 : i1 to vector<16xi1>
    %reduce_sum3A_1267 = tpu.scan <sum>, %select_n3A_1264 masked %reduce_sum3A_1266 : vector<16xi32>, vector<16xi1> -> vector<16xi32>
    %reduce_sum3A_1268 = vector.extract %reduce_sum3A_1267[15] : i32 from vector<16xi32>
    %swap3A_1269 = arith.constant 112 : i32
    %swap3A_1270 = arith.index_cast %swap3A_1269 : i32 to index
    %swap3A_1271 = memref.load %arg6[%swap3A_1270] : memref<256xi32, #tpu.memory_space<smem>>
    memref.store %reduce_sum3A_1268, %arg6[%swap3A_1270] : memref<256xi32, #tpu.memory_space<smem>>
    %eq3A_1272 = arith.constant 1 : i32
    %eq3A_1273 = vector.broadcast %eq3A_1272 : i32 to vector<16xi32>
    %eq3A_1274 = arith.cmpi eq, %iota3A, %eq3A_1273 : vector<16xi32>
    %select_n3A_1275 = arith.select %eq3A_1274, %get3A_1260, %broadcast_in_dim3A_1 : vector<16xi1>, vector<16xi32>
    %reduce_sum3A_1276 = arith.constant true
    %reduce_sum3A_1277 = vector.broadcast %reduce_sum3A_1276 : i1 to vector<16xi1>
    %reduce_sum3A_1278 = tpu.scan <sum>, %select_n3A_1275 masked %reduce_sum3A_1277 : vector<16xi32>, vector<16xi1> -> vector<16xi32>
    %reduce_sum3A_1279 = vector.extract %reduce_sum3A_1278[15] : i32 from vector<16xi32>
    %swap3A_1280 = arith.constant 113 : i32
    %swap3A_1281 = arith.index_cast %swap3A_1280 : i32 to index
    %swap3A_1282 = memref.load %arg6[%swap3A_1281] : memref<256xi32, #tpu.memory_space<smem>>
    memref.store %reduce_sum3A_1279, %arg6[%swap3A_1281] : memref<256xi32, #tpu.memory_space<smem>>
    %eq3A_1283 = arith.constant 2 : i32
    %eq3A_1284 = vector.broadcast %eq3A_1283 : i32 to vector<16xi32>
    %eq3A_1285 = arith.cmpi eq, %iota3A, %eq3A_1284 : vector<16xi32>
    %select_n3A_1286 = arith.select %eq3A_1285, %get3A_1260, %broadcast_in_dim3A_1 : vector<16xi1>, vector<16xi32>
    %reduce_sum3A_1287 = arith.constant true
    %reduce_sum3A_1288 = vector.broadcast %reduce_sum3A_1287 : i1 to vector<16xi1>
    %reduce_sum3A_1289 = tpu.scan <sum>, %select_n3A_1286 masked %reduce_sum3A_1288 : vector<16xi32>, vector<16xi1> -> vector<16xi32>
    %reduce_sum3A_1290 = vector.extract %reduce_sum3A_1289[15] : i32 from vector<16xi32>
    %swap3A_1291 = arith.constant 114 : i32
    %swap3A_1292 = arith.index_cast %swap3A_1291 : i32 to index
    %swap3A_1293 = memref.load %arg6[%swap3A_1292] : memref<256xi32, #tpu.memory_space<smem>>
    memref.store %reduce_sum3A_1290, %arg6[%swap3A_1292] : memref<256xi32, #tpu.memory_space<smem>>
    %eq3A_1294 = arith.constant 3 : i32
    %eq3A_1295 = vector.broadcast %eq3A_1294 : i32 to vector<16xi32>
    %eq3A_1296 = arith.cmpi eq, %iota3A, %eq3A_1295 : vector<16xi32>
    %select_n3A_1297 = arith.select %eq3A_1296, %get3A_1260, %broadcast_in_dim3A_1 : vector<16xi1>, vector<16xi32>
    %reduce_sum3A_1298 = arith.constant true
    %reduce_sum3A_1299 = vector.broadcast %reduce_sum3A_1298 : i1 to vector<16xi1>
    %reduce_sum3A_1300 = tpu.scan <sum>, %select_n3A_1297 masked %reduce_sum3A_1299 : vector<16xi32>, vector<16xi1> -> vector<16xi32>
    %reduce_sum3A_1301 = vector.extract %reduce_sum3A_1300[15] : i32 from vector<16xi32>
    %swap3A_1302 = arith.constant 115 : i32
    %swap3A_1303 = arith.index_cast %swap3A_1302 : i32 to index
    %swap3A_1304 = memref.load %arg6[%swap3A_1303] : memref<256xi32, #tpu.memory_space<smem>>
    memref.store %reduce_sum3A_1301, %arg6[%swap3A_1303] : memref<256xi32, #tpu.memory_space<smem>>
    %eq3A_1305 = arith.constant 4 : i32
    %eq3A_1306 = vector.broadcast %eq3A_1305 : i32 to vector<16xi32>
    %eq3A_1307 = arith.cmpi eq, %iota3A, %eq3A_1306 : vector<16xi32>
    %select_n3A_1308 = arith.select %eq3A_1307, %get3A_1260, %broadcast_in_dim3A_1 : vector<16xi1>, vector<16xi32>
    %reduce_sum3A_1309 = arith.constant true
    %reduce_sum3A_1310 = vector.broadcast %reduce_sum3A_1309 : i1 to vector<16xi1>
    %reduce_sum3A_1311 = tpu.scan <sum>, %select_n3A_1308 masked %reduce_sum3A_1310 : vector<16xi32>, vector<16xi1> -> vector<16xi32>
    %reduce_sum3A_1312 = vector.extract %reduce_sum3A_1311[15] : i32 from vector<16xi32>
    %swap3A_1313 = arith.constant 116 : i32
    %swap3A_1314 = arith.index_cast %swap3A_1313 : i32 to index
    %swap3A_1315 = memref.load %arg6[%swap3A_1314] : memref<256xi32, #tpu.memory_space<smem>>
    memref.store %reduce_sum3A_1312, %arg6[%swap3A_1314] : memref<256xi32, #tpu.memory_space<smem>>
    %eq3A_1316 = arith.constant 5 : i32
    %eq3A_1317 = vector.broadcast %eq3A_1316 : i32 to vector<16xi32>
    %eq3A_1318 = arith.cmpi eq, %iota3A, %eq3A_1317 : vector<16xi32>
    %select_n3A_1319 = arith.select %eq3A_1318, %get3A_1260, %broadcast_in_dim3A_1 : vector<16xi1>, vector<16xi32>
    %reduce_sum3A_1320 = arith.constant true
    %reduce_sum3A_1321 = vector.broadcast %reduce_sum3A_1320 : i1 to vector<16xi1>
    %reduce_sum3A_1322 = tpu.scan <sum>, %select_n3A_1319 masked %reduce_sum3A_1321 : vector<16xi32>, vector<16xi1> -> vector<16xi32>
    %reduce_sum3A_1323 = vector.extract %reduce_sum3A_1322[15] : i32 from vector<16xi32>
    %swap3A_1324 = arith.constant 117 : i32
    %swap3A_1325 = arith.index_cast %swap3A_1324 : i32 to index
    %swap3A_1326 = memref.load %arg6[%swap3A_1325] : memref<256xi32, #tpu.memory_space<smem>>
    memref.store %reduce_sum3A_1323, %arg6[%swap3A_1325] : memref<256xi32, #tpu.memory_space<smem>>
    %eq3A_1327 = arith.constant 6 : i32
    %eq3A_1328 = vector.broadcast %eq3A_1327 : i32 to vector<16xi32>
    %eq3A_1329 = arith.cmpi eq, %iota3A, %eq3A_1328 : vector<16xi32>
    %select_n3A_1330 = arith.select %eq3A_1329, %get3A_1260, %broadcast_in_dim3A_1 : vector<16xi1>, vector<16xi32>
    %reduce_sum3A_1331 = arith.constant true
    %reduce_sum3A_1332 = vector.broadcast %reduce_sum3A_1331 : i1 to vector<16xi1>
    %reduce_sum3A_1333 = tpu.scan <sum>, %select_n3A_1330 masked %reduce_sum3A_1332 : vector<16xi32>, vector<16xi1> -> vector<16xi32>
    %reduce_sum3A_1334 = vector.extract %reduce_sum3A_1333[15] : i32 from vector<16xi32>
    %swap3A_1335 = arith.constant 118 : i32
    %swap3A_1336 = arith.index_cast %swap3A_1335 : i32 to index
    %swap3A_1337 = memref.load %arg6[%swap3A_1336] : memref<256xi32, #tpu.memory_space<smem>>
    memref.store %reduce_sum3A_1334, %arg6[%swap3A_1336] : memref<256xi32, #tpu.memory_space<smem>>
    %eq3A_1338 = arith.constant 7 : i32
    %eq3A_1339 = vector.broadcast %eq3A_1338 : i32 to vector<16xi32>
    %eq3A_1340 = arith.cmpi eq, %iota3A, %eq3A_1339 : vector<16xi32>
    %select_n3A_1341 = arith.select %eq3A_1340, %get3A_1260, %broadcast_in_dim3A_1 : vector<16xi1>, vector<16xi32>
    %reduce_sum3A_1342 = arith.constant true
    %reduce_sum3A_1343 = vector.broadcast %reduce_sum3A_1342 : i1 to vector<16xi1>
    %reduce_sum3A_1344 = tpu.scan <sum>, %select_n3A_1341 masked %reduce_sum3A_1343 : vector<16xi32>, vector<16xi1> -> vector<16xi32>
    %reduce_sum3A_1345 = vector.extract %reduce_sum3A_1344[15] : i32 from vector<16xi32>
    %swap3A_1346 = arith.constant 119 : i32
    %swap3A_1347 = arith.index_cast %swap3A_1346 : i32 to index
    %swap3A_1348 = memref.load %arg6[%swap3A_1347] : memref<256xi32, #tpu.memory_space<smem>>
    memref.store %reduce_sum3A_1345, %arg6[%swap3A_1347] : memref<256xi32, #tpu.memory_space<smem>>
    %eq3A_1349 = arith.constant 8 : i32
    %eq3A_1350 = vector.broadcast %eq3A_1349 : i32 to vector<16xi32>
    %eq3A_1351 = arith.cmpi eq, %iota3A, %eq3A_1350 : vector<16xi32>
    %select_n3A_1352 = arith.select %eq3A_1351, %get3A_1260, %broadcast_in_dim3A_1 : vector<16xi1>, vector<16xi32>
    %reduce_sum3A_1353 = arith.constant true
    %reduce_sum3A_1354 = vector.broadcast %reduce_sum3A_1353 : i1 to vector<16xi1>
    %reduce_sum3A_1355 = tpu.scan <sum>, %select_n3A_1352 masked %reduce_sum3A_1354 : vector<16xi32>, vector<16xi1> -> vector<16xi32>
    %reduce_sum3A_1356 = vector.extract %reduce_sum3A_1355[15] : i32 from vector<16xi32>
    %swap3A_1357 = arith.constant 120 : i32
    %swap3A_1358 = arith.index_cast %swap3A_1357 : i32 to index
    %swap3A_1359 = memref.load %arg6[%swap3A_1358] : memref<256xi32, #tpu.memory_space<smem>>
    memref.store %reduce_sum3A_1356, %arg6[%swap3A_1358] : memref<256xi32, #tpu.memory_space<smem>>
    %eq3A_1360 = arith.constant 9 : i32
    %eq3A_1361 = vector.broadcast %eq3A_1360 : i32 to vector<16xi32>
    %eq3A_1362 = arith.cmpi eq, %iota3A, %eq3A_1361 : vector<16xi32>
    %select_n3A_1363 = arith.select %eq3A_1362, %get3A_1260, %broadcast_in_dim3A_1 : vector<16xi1>, vector<16xi32>
    %reduce_sum3A_1364 = arith.constant true
    %reduce_sum3A_1365 = vector.broadcast %reduce_sum3A_1364 : i1 to vector<16xi1>
    %reduce_sum3A_1366 = tpu.scan <sum>, %select_n3A_1363 masked %reduce_sum3A_1365 : vector<16xi32>, vector<16xi1> -> vector<16xi32>
    %reduce_sum3A_1367 = vector.extract %reduce_sum3A_1366[15] : i32 from vector<16xi32>
    %swap3A_1368 = arith.constant 121 : i32
    %swap3A_1369 = arith.index_cast %swap3A_1368 : i32 to index
    %swap3A_1370 = memref.load %arg6[%swap3A_1369] : memref<256xi32, #tpu.memory_space<smem>>
    memref.store %reduce_sum3A_1367, %arg6[%swap3A_1369] : memref<256xi32, #tpu.memory_space<smem>>
    %eq3A_1371 = arith.constant 10 : i32
    %eq3A_1372 = vector.broadcast %eq3A_1371 : i32 to vector<16xi32>
    %eq3A_1373 = arith.cmpi eq, %iota3A, %eq3A_1372 : vector<16xi32>
    %select_n3A_1374 = arith.select %eq3A_1373, %get3A_1260, %broadcast_in_dim3A_1 : vector<16xi1>, vector<16xi32>
    %reduce_sum3A_1375 = arith.constant true
    %reduce_sum3A_1376 = vector.broadcast %reduce_sum3A_1375 : i1 to vector<16xi1>
    %reduce_sum3A_1377 = tpu.scan <sum>, %select_n3A_1374 masked %reduce_sum3A_1376 : vector<16xi32>, vector<16xi1> -> vector<16xi32>
    %reduce_sum3A_1378 = vector.extract %reduce_sum3A_1377[15] : i32 from vector<16xi32>
    %swap3A_1379 = arith.constant 122 : i32
    %swap3A_1380 = arith.index_cast %swap3A_1379 : i32 to index
    %swap3A_1381 = memref.load %arg6[%swap3A_1380] : memref<256xi32, #tpu.memory_space<smem>>
    memref.store %reduce_sum3A_1378, %arg6[%swap3A_1380] : memref<256xi32, #tpu.memory_space<smem>>
    %eq3A_1382 = arith.constant 11 : i32
    %eq3A_1383 = vector.broadcast %eq3A_1382 : i32 to vector<16xi32>
    %eq3A_1384 = arith.cmpi eq, %iota3A, %eq3A_1383 : vector<16xi32>
    %select_n3A_1385 = arith.select %eq3A_1384, %get3A_1260, %broadcast_in_dim3A_1 : vector<16xi1>, vector<16xi32>
    %reduce_sum3A_1386 = arith.constant true
    %reduce_sum3A_1387 = vector.broadcast %reduce_sum3A_1386 : i1 to vector<16xi1>
    %reduce_sum3A_1388 = tpu.scan <sum>, %select_n3A_1385 masked %reduce_sum3A_1387 : vector<16xi32>, vector<16xi1> -> vector<16xi32>
    %reduce_sum3A_1389 = vector.extract %reduce_sum3A_1388[15] : i32 from vector<16xi32>
    %swap3A_1390 = arith.constant 123 : i32
    %swap3A_1391 = arith.index_cast %swap3A_1390 : i32 to index
    %swap3A_1392 = memref.load %arg6[%swap3A_1391] : memref<256xi32, #tpu.memory_space<smem>>
    memref.store %reduce_sum3A_1389, %arg6[%swap3A_1391] : memref<256xi32, #tpu.memory_space<smem>>
    %eq3A_1393 = arith.constant 12 : i32
    %eq3A_1394 = vector.broadcast %eq3A_1393 : i32 to vector<16xi32>
    %eq3A_1395 = arith.cmpi eq, %iota3A, %eq3A_1394 : vector<16xi32>
    %select_n3A_1396 = arith.select %eq3A_1395, %get3A_1260, %broadcast_in_dim3A_1 : vector<16xi1>, vector<16xi32>
    %reduce_sum3A_1397 = arith.constant true
    %reduce_sum3A_1398 = vector.broadcast %reduce_sum3A_1397 : i1 to vector<16xi1>
    %reduce_sum3A_1399 = tpu.scan <sum>, %select_n3A_1396 masked %reduce_sum3A_1398 : vector<16xi32>, vector<16xi1> -> vector<16xi32>
    %reduce_sum3A_1400 = vector.extract %reduce_sum3A_1399[15] : i32 from vector<16xi32>
    %swap3A_1401 = arith.constant 124 : i32
    %swap3A_1402 = arith.index_cast %swap3A_1401 : i32 to index
    %swap3A_1403 = memref.load %arg6[%swap3A_1402] : memref<256xi32, #tpu.memory_space<smem>>
    memref.store %reduce_sum3A_1400, %arg6[%swap3A_1402] : memref<256xi32, #tpu.memory_space<smem>>
    %eq3A_1404 = arith.constant 13 : i32
    %eq3A_1405 = vector.broadcast %eq3A_1404 : i32 to vector<16xi32>
    %eq3A_1406 = arith.cmpi eq, %iota3A, %eq3A_1405 : vector<16xi32>
    %select_n3A_1407 = arith.select %eq3A_1406, %get3A_1260, %broadcast_in_dim3A_1 : vector<16xi1>, vector<16xi32>
    %reduce_sum3A_1408 = arith.constant true
    %reduce_sum3A_1409 = vector.broadcast %reduce_sum3A_1408 : i1 to vector<16xi1>
    %reduce_sum3A_1410 = tpu.scan <sum>, %select_n3A_1407 masked %reduce_sum3A_1409 : vector<16xi32>, vector<16xi1> -> vector<16xi32>
    %reduce_sum3A_1411 = vector.extract %reduce_sum3A_1410[15] : i32 from vector<16xi32>
    %swap3A_1412 = arith.constant 125 : i32
    %swap3A_1413 = arith.index_cast %swap3A_1412 : i32 to index
    %swap3A_1414 = memref.load %arg6[%swap3A_1413] : memref<256xi32, #tpu.memory_space<smem>>
    memref.store %reduce_sum3A_1411, %arg6[%swap3A_1413] : memref<256xi32, #tpu.memory_space<smem>>
    %eq3A_1415 = arith.constant 14 : i32
    %eq3A_1416 = vector.broadcast %eq3A_1415 : i32 to vector<16xi32>
    %eq3A_1417 = arith.cmpi eq, %iota3A, %eq3A_1416 : vector<16xi32>
    %select_n3A_1418 = arith.select %eq3A_1417, %get3A_1260, %broadcast_in_dim3A_1 : vector<16xi1>, vector<16xi32>
    %reduce_sum3A_1419 = arith.constant true
    %reduce_sum3A_1420 = vector.broadcast %reduce_sum3A_1419 : i1 to vector<16xi1>
    %reduce_sum3A_1421 = tpu.scan <sum>, %select_n3A_1418 masked %reduce_sum3A_1420 : vector<16xi32>, vector<16xi1> -> vector<16xi32>
    %reduce_sum3A_1422 = vector.extract %reduce_sum3A_1421[15] : i32 from vector<16xi32>
    %swap3A_1423 = arith.constant 126 : i32
    %swap3A_1424 = arith.index_cast %swap3A_1423 : i32 to index
    %swap3A_1425 = memref.load %arg6[%swap3A_1424] : memref<256xi32, #tpu.memory_space<smem>>
    memref.store %reduce_sum3A_1422, %arg6[%swap3A_1424] : memref<256xi32, #tpu.memory_space<smem>>
    %eq3A_1426 = arith.constant 15 : i32
    %eq3A_1427 = vector.broadcast %eq3A_1426 : i32 to vector<16xi32>
    %eq3A_1428 = arith.cmpi eq, %iota3A, %eq3A_1427 : vector<16xi32>
    %select_n3A_1429 = arith.select %eq3A_1428, %get3A_1260, %broadcast_in_dim3A_1 : vector<16xi1>, vector<16xi32>
    %reduce_sum3A_1430 = arith.constant true
    %reduce_sum3A_1431 = vector.broadcast %reduce_sum3A_1430 : i1 to vector<16xi1>
    %reduce_sum3A_1432 = tpu.scan <sum>, %select_n3A_1429 masked %reduce_sum3A_1431 : vector<16xi32>, vector<16xi1> -> vector<16xi32>
    %reduce_sum3A_1433 = vector.extract %reduce_sum3A_1432[15] : i32 from vector<16xi32>
    %swap3A_1434 = arith.constant 127 : i32
    %swap3A_1435 = arith.index_cast %swap3A_1434 : i32 to index
    %swap3A_1436 = memref.load %arg6[%swap3A_1435] : memref<256xi32, #tpu.memory_space<smem>>
    memref.store %reduce_sum3A_1433, %arg6[%swap3A_1435] : memref<256xi32, #tpu.memory_space<smem>>
    %get3A_1437 = arith.constant 1 : i32
    %get3A_1438 = arith.index_cast %get3A_1437 : i32 to index
    %get3A_1439 = arith.constant 0 : index
    %get3A_1440 = tpu.vector_load %arg5[%get3A_1438, %get3A_1439] {strides = array<i32>} : memref<2x128xi32, #tpu.memory_space<vmem>>, vector<16xi32>,
    %eq3A_1441 = arith.constant 0 : i32
    %eq3A_1442 = vector.broadcast %eq3A_1441 : i32 to vector<16xi32>
    %eq3A_1443 = arith.cmpi eq, %iota3A, %eq3A_1442 : vector<16xi32>
    %select_n3A_1444 = arith.select %eq3A_1443, %get3A_1440, %broadcast_in_dim3A_1 : vector<16xi1>, vector<16xi32>
    %reduce_sum3A_1445 = arith.constant true
    %reduce_sum3A_1446 = vector.broadcast %reduce_sum3A_1445 : i1 to vector<16xi1>
    %reduce_sum3A_1447 = tpu.scan <sum>, %select_n3A_1444 masked %reduce_sum3A_1446 : vector<16xi32>, vector<16xi1> -> vector<16xi32>
    %reduce_sum3A_1448 = vector.extract %reduce_sum3A_1447[15] : i32 from vector<16xi32>
    %swap3A_1449 = arith.constant 128 : i32
    %swap3A_1450 = arith.index_cast %swap3A_1449 : i32 to index
    %swap3A_1451 = memref.load %arg6[%swap3A_1450] : memref<256xi32, #tpu.memory_space<smem>>
    memref.store %reduce_sum3A_1448, %arg6[%swap3A_1450] : memref<256xi32, #tpu.memory_space<smem>>
    %eq3A_1452 = arith.constant 1 : i32
    %eq3A_1453 = vector.broadcast %eq3A_1452 : i32 to vector<16xi32>
    %eq3A_1454 = arith.cmpi eq, %iota3A, %eq3A_1453 : vector<16xi32>
    %select_n3A_1455 = arith.select %eq3A_1454, %get3A_1440, %broadcast_in_dim3A_1 : vector<16xi1>, vector<16xi32>
    %reduce_sum3A_1456 = arith.constant true
    %reduce_sum3A_1457 = vector.broadcast %reduce_sum3A_1456 : i1 to vector<16xi1>
    %reduce_sum3A_1458 = tpu.scan <sum>, %select_n3A_1455 masked %reduce_sum3A_1457 : vector<16xi32>, vector<16xi1> -> vector<16xi32>
    %reduce_sum3A_1459 = vector.extract %reduce_sum3A_1458[15] : i32 from vector<16xi32>
    %swap3A_1460 = arith.constant 129 : i32
    %swap3A_1461 = arith.index_cast %swap3A_1460 : i32 to index
    %swap3A_1462 = memref.load %arg6[%swap3A_1461] : memref<256xi32, #tpu.memory_space<smem>>
    memref.store %reduce_sum3A_1459, %arg6[%swap3A_1461] : memref<256xi32, #tpu.memory_space<smem>>
    %eq3A_1463 = arith.constant 2 : i32
    %eq3A_1464 = vector.broadcast %eq3A_1463 : i32 to vector<16xi32>
    %eq3A_1465 = arith.cmpi eq, %iota3A, %eq3A_1464 : vector<16xi32>
    %select_n3A_1466 = arith.select %eq3A_1465, %get3A_1440, %broadcast_in_dim3A_1 : vector<16xi1>, vector<16xi32>
    %reduce_sum3A_1467 = arith.constant true
    %reduce_sum3A_1468 = vector.broadcast %reduce_sum3A_1467 : i1 to vector<16xi1>
    %reduce_sum3A_1469 = tpu.scan <sum>, %select_n3A_1466 masked %reduce_sum3A_1468 : vector<16xi32>, vector<16xi1> -> vector<16xi32>
    %reduce_sum3A_1470 = vector.extract %reduce_sum3A_1469[15] : i32 from vector<16xi32>
    %swap3A_1471 = arith.constant 130 : i32
    %swap3A_1472 = arith.index_cast %swap3A_1471 : i32 to index
    %swap3A_1473 = memref.load %arg6[%swap3A_1472] : memref<256xi32, #tpu.memory_space<smem>>
    memref.store %reduce_sum3A_1470, %arg6[%swap3A_1472] : memref<256xi32, #tpu.memory_space<smem>>
    %eq3A_1474 = arith.constant 3 : i32
    %eq3A_1475 = vector.broadcast %eq3A_1474 : i32 to vector<16xi32>
    %eq3A_1476 = arith.cmpi eq, %iota3A, %eq3A_1475 : vector<16xi32>
    %select_n3A_1477 = arith.select %eq3A_1476, %get3A_1440, %broadcast_in_dim3A_1 : vector<16xi1>, vector<16xi32>
    %reduce_sum3A_1478 = arith.constant true
    %reduce_sum3A_1479 = vector.broadcast %reduce_sum3A_1478 : i1 to vector<16xi1>
    %reduce_sum3A_1480 = tpu.scan <sum>, %select_n3A_1477 masked %reduce_sum3A_1479 : vector<16xi32>, vector<16xi1> -> vector<16xi32>
    %reduce_sum3A_1481 = vector.extract %reduce_sum3A_1480[15] : i32 from vector<16xi32>
    %swap3A_1482 = arith.constant 131 : i32
    %swap3A_1483 = arith.index_cast %swap3A_1482 : i32 to index
    %swap3A_1484 = memref.load %arg6[%swap3A_1483] : memref<256xi32, #tpu.memory_space<smem>>
    memref.store %reduce_sum3A_1481, %arg6[%swap3A_1483] : memref<256xi32, #tpu.memory_space<smem>>
    %eq3A_1485 = arith.constant 4 : i32
    %eq3A_1486 = vector.broadcast %eq3A_1485 : i32 to vector<16xi32>
    %eq3A_1487 = arith.cmpi eq, %iota3A, %eq3A_1486 : vector<16xi32>
    %select_n3A_1488 = arith.select %eq3A_1487, %get3A_1440, %broadcast_in_dim3A_1 : vector<16xi1>, vector<16xi32>
    %reduce_sum3A_1489 = arith.constant true
    %reduce_sum3A_1490 = vector.broadcast %reduce_sum3A_1489 : i1 to vector<16xi1>
    %reduce_sum3A_1491 = tpu.scan <sum>, %select_n3A_1488 masked %reduce_sum3A_1490 : vector<16xi32>, vector<16xi1> -> vector<16xi32>
    %reduce_sum3A_1492 = vector.extract %reduce_sum3A_1491[15] : i32 from vector<16xi32>
    %swap3A_1493 = arith.constant 132 : i32
    %swap3A_1494 = arith.index_cast %swap3A_1493 : i32 to index
    %swap3A_1495 = memref.load %arg6[%swap3A_1494] : memref<256xi32, #tpu.memory_space<smem>>
    memref.store %reduce_sum3A_1492, %arg6[%swap3A_1494] : memref<256xi32, #tpu.memory_space<smem>>
    %eq3A_1496 = arith.constant 5 : i32
    %eq3A_1497 = vector.broadcast %eq3A_1496 : i32 to vector<16xi32>
    %eq3A_1498 = arith.cmpi eq, %iota3A, %eq3A_1497 : vector<16xi32>
    %select_n3A_1499 = arith.select %eq3A_1498, %get3A_1440, %broadcast_in_dim3A_1 : vector<16xi1>, vector<16xi32>
    %reduce_sum3A_1500 = arith.constant true
    %reduce_sum3A_1501 = vector.broadcast %reduce_sum3A_1500 : i1 to vector<16xi1>
    %reduce_sum3A_1502 = tpu.scan <sum>, %select_n3A_1499 masked %reduce_sum3A_1501 : vector<16xi32>, vector<16xi1> -> vector<16xi32>
    %reduce_sum3A_1503 = vector.extract %reduce_sum3A_1502[15] : i32 from vector<16xi32>
    %swap3A_1504 = arith.constant 133 : i32
    %swap3A_1505 = arith.index_cast %swap3A_1504 : i32 to index
    %swap3A_1506 = memref.load %arg6[%swap3A_1505] : memref<256xi32, #tpu.memory_space<smem>>
    memref.store %reduce_sum3A_1503, %arg6[%swap3A_1505] : memref<256xi32, #tpu.memory_space<smem>>
    %eq3A_1507 = arith.constant 6 : i32
    %eq3A_1508 = vector.broadcast %eq3A_1507 : i32 to vector<16xi32>
    %eq3A_1509 = arith.cmpi eq, %iota3A, %eq3A_1508 : vector<16xi32>
    %select_n3A_1510 = arith.select %eq3A_1509, %get3A_1440, %broadcast_in_dim3A_1 : vector<16xi1>, vector<16xi32>
    %reduce_sum3A_1511 = arith.constant true
    %reduce_sum3A_1512 = vector.broadcast %reduce_sum3A_1511 : i1 to vector<16xi1>
    %reduce_sum3A_1513 = tpu.scan <sum>, %select_n3A_1510 masked %reduce_sum3A_1512 : vector<16xi32>, vector<16xi1> -> vector<16xi32>
    %reduce_sum3A_1514 = vector.extract %reduce_sum3A_1513[15] : i32 from vector<16xi32>
    %swap3A_1515 = arith.constant 134 : i32
    %swap3A_1516 = arith.index_cast %swap3A_1515 : i32 to index
    %swap3A_1517 = memref.load %arg6[%swap3A_1516] : memref<256xi32, #tpu.memory_space<smem>>
    memref.store %reduce_sum3A_1514, %arg6[%swap3A_1516] : memref<256xi32, #tpu.memory_space<smem>>
    %eq3A_1518 = arith.constant 7 : i32
    %eq3A_1519 = vector.broadcast %eq3A_1518 : i32 to vector<16xi32>
    %eq3A_1520 = arith.cmpi eq, %iota3A, %eq3A_1519 : vector<16xi32>
    %select_n3A_1521 = arith.select %eq3A_1520, %get3A_1440, %broadcast_in_dim3A_1 : vector<16xi1>, vector<16xi32>
    %reduce_sum3A_1522 = arith.constant true
    %reduce_sum3A_1523 = vector.broadcast %reduce_sum3A_1522 : i1 to vector<16xi1>
    %reduce_sum3A_1524 = tpu.scan <sum>, %select_n3A_1521 masked %reduce_sum3A_1523 : vector<16xi32>, vector<16xi1> -> vector<16xi32>
    %reduce_sum3A_1525 = vector.extract %reduce_sum3A_1524[15] : i32 from vector<16xi32>
    %swap3A_1526 = arith.constant 135 : i32
    %swap3A_1527 = arith.index_cast %swap3A_1526 : i32 to index
    %swap3A_1528 = memref.load %arg6[%swap3A_1527] : memref<256xi32, #tpu.memory_space<smem>>
    memref.store %reduce_sum3A_1525, %arg6[%swap3A_1527] : memref<256xi32, #tpu.memory_space<smem>>
    %eq3A_1529 = arith.constant 8 : i32
    %eq3A_1530 = vector.broadcast %eq3A_1529 : i32 to vector<16xi32>
    %eq3A_1531 = arith.cmpi eq, %iota3A, %eq3A_1530 : vector<16xi32>
    %select_n3A_1532 = arith.select %eq3A_1531, %get3A_1440, %broadcast_in_dim3A_1 : vector<16xi1>, vector<16xi32>
    %reduce_sum3A_1533 = arith.constant true
    %reduce_sum3A_1534 = vector.broadcast %reduce_sum3A_1533 : i1 to vector<16xi1>
    %reduce_sum3A_1535 = tpu.scan <sum>, %select_n3A_1532 masked %reduce_sum3A_1534 : vector<16xi32>, vector<16xi1> -> vector<16xi32>
    %reduce_sum3A_1536 = vector.extract %reduce_sum3A_1535[15] : i32 from vector<16xi32>
    %swap3A_1537 = arith.constant 136 : i32
    %swap3A_1538 = arith.index_cast %swap3A_1537 : i32 to index
    %swap3A_1539 = memref.load %arg6[%swap3A_1538] : memref<256xi32, #tpu.memory_space<smem>>
    memref.store %reduce_sum3A_1536, %arg6[%swap3A_1538] : memref<256xi32, #tpu.memory_space<smem>>
    %eq3A_1540 = arith.constant 9 : i32
    %eq3A_1541 = vector.broadcast %eq3A_1540 : i32 to vector<16xi32>
    %eq3A_1542 = arith.cmpi eq, %iota3A, %eq3A_1541 : vector<16xi32>
    %select_n3A_1543 = arith.select %eq3A_1542, %get3A_1440, %broadcast_in_dim3A_1 : vector<16xi1>, vector<16xi32>
    %reduce_sum3A_1544 = arith.constant true
    %reduce_sum3A_1545 = vector.broadcast %reduce_sum3A_1544 : i1 to vector<16xi1>
    %reduce_sum3A_1546 = tpu.scan <sum>, %select_n3A_1543 masked %reduce_sum3A_1545 : vector<16xi32>, vector<16xi1> -> vector<16xi32>
    %reduce_sum3A_1547 = vector.extract %reduce_sum3A_1546[15] : i32 from vector<16xi32>
    %swap3A_1548 = arith.constant 137 : i32
    %swap3A_1549 = arith.index_cast %swap3A_1548 : i32 to index
    %swap3A_1550 = memref.load %arg6[%swap3A_1549] : memref<256xi32, #tpu.memory_space<smem>>
    memref.store %reduce_sum3A_1547, %arg6[%swap3A_1549] : memref<256xi32, #tpu.memory_space<smem>>
    %eq3A_1551 = arith.constant 10 : i32
    %eq3A_1552 = vector.broadcast %eq3A_1551 : i32 to vector<16xi32>
    %eq3A_1553 = arith.cmpi eq, %iota3A, %eq3A_1552 : vector<16xi32>
    %select_n3A_1554 = arith.select %eq3A_1553, %get3A_1440, %broadcast_in_dim3A_1 : vector<16xi1>, vector<16xi32>
    %reduce_sum3A_1555 = arith.constant true
    %reduce_sum3A_1556 = vector.broadcast %reduce_sum3A_1555 : i1 to vector<16xi1>
    %reduce_sum3A_1557 = tpu.scan <sum>, %select_n3A_1554 masked %reduce_sum3A_1556 : vector<16xi32>, vector<16xi1> -> vector<16xi32>
    %reduce_sum3A_1558 = vector.extract %reduce_sum3A_1557[15] : i32 from vector<16xi32>
    %swap3A_1559 = arith.constant 138 : i32
    %swap3A_1560 = arith.index_cast %swap3A_1559 : i32 to index
    %swap3A_1561 = memref.load %arg6[%swap3A_1560] : memref<256xi32, #tpu.memory_space<smem>>
    memref.store %reduce_sum3A_1558, %arg6[%swap3A_1560] : memref<256xi32, #tpu.memory_space<smem>>
    %eq3A_1562 = arith.constant 11 : i32
    %eq3A_1563 = vector.broadcast %eq3A_1562 : i32 to vector<16xi32>
    %eq3A_1564 = arith.cmpi eq, %iota3A, %eq3A_1563 : vector<16xi32>
    %select_n3A_1565 = arith.select %eq3A_1564, %get3A_1440, %broadcast_in_dim3A_1 : vector<16xi1>, vector<16xi32>
    %reduce_sum3A_1566 = arith.constant true
    %reduce_sum3A_1567 = vector.broadcast %reduce_sum3A_1566 : i1 to vector<16xi1>
    %reduce_sum3A_1568 = tpu.scan <sum>, %select_n3A_1565 masked %reduce_sum3A_1567 : vector<16xi32>, vector<16xi1> -> vector<16xi32>
    %reduce_sum3A_1569 = vector.extract %reduce_sum3A_1568[15] : i32 from vector<16xi32>
    %swap3A_1570 = arith.constant 139 : i32
    %swap3A_1571 = arith.index_cast %swap3A_1570 : i32 to index
    %swap3A_1572 = memref.load %arg6[%swap3A_1571] : memref<256xi32, #tpu.memory_space<smem>>
    memref.store %reduce_sum3A_1569, %arg6[%swap3A_1571] : memref<256xi32, #tpu.memory_space<smem>>
    %eq3A_1573 = arith.constant 12 : i32
    %eq3A_1574 = vector.broadcast %eq3A_1573 : i32 to vector<16xi32>
    %eq3A_1575 = arith.cmpi eq, %iota3A, %eq3A_1574 : vector<16xi32>
    %select_n3A_1576 = arith.select %eq3A_1575, %get3A_1440, %broadcast_in_dim3A_1 : vector<16xi1>, vector<16xi32>
    %reduce_sum3A_1577 = arith.constant true
    %reduce_sum3A_1578 = vector.broadcast %reduce_sum3A_1577 : i1 to vector<16xi1>
    %reduce_sum3A_1579 = tpu.scan <sum>, %select_n3A_1576 masked %reduce_sum3A_1578 : vector<16xi32>, vector<16xi1> -> vector<16xi32>
    %reduce_sum3A_1580 = vector.extract %reduce_sum3A_1579[15] : i32 from vector<16xi32>
    %swap3A_1581 = arith.constant 140 : i32
    %swap3A_1582 = arith.index_cast %swap3A_1581 : i32 to index
    %swap3A_1583 = memref.load %arg6[%swap3A_1582] : memref<256xi32, #tpu.memory_space<smem>>
    memref.store %reduce_sum3A_1580, %arg6[%swap3A_1582] : memref<256xi32, #tpu.memory_space<smem>>
    %eq3A_1584 = arith.constant 13 : i32
    %eq3A_1585 = vector.broadcast %eq3A_1584 : i32 to vector<16xi32>
    %eq3A_1586 = arith.cmpi eq, %iota3A, %eq3A_1585 : vector<16xi32>
    %select_n3A_1587 = arith.select %eq3A_1586, %get3A_1440, %broadcast_in_dim3A_1 : vector<16xi1>, vector<16xi32>
    %reduce_sum3A_1588 = arith.constant true
    %reduce_sum3A_1589 = vector.broadcast %reduce_sum3A_1588 : i1 to vector<16xi1>
    %reduce_sum3A_1590 = tpu.scan <sum>, %select_n3A_1587 masked %reduce_sum3A_1589 : vector<16xi32>, vector<16xi1> -> vector<16xi32>
    %reduce_sum3A_1591 = vector.extract %reduce_sum3A_1590[15] : i32 from vector<16xi32>
    %swap3A_1592 = arith.constant 141 : i32
    %swap3A_1593 = arith.index_cast %swap3A_1592 : i32 to index
    %swap3A_1594 = memref.load %arg6[%swap3A_1593] : memref<256xi32, #tpu.memory_space<smem>>
    memref.store %reduce_sum3A_1591, %arg6[%swap3A_1593] : memref<256xi32, #tpu.memory_space<smem>>
    %eq3A_1595 = arith.constant 14 : i32
    %eq3A_1596 = vector.broadcast %eq3A_1595 : i32 to vector<16xi32>
    %eq3A_1597 = arith.cmpi eq, %iota3A, %eq3A_1596 : vector<16xi32>
    %select_n3A_1598 = arith.select %eq3A_1597, %get3A_1440, %broadcast_in_dim3A_1 : vector<16xi1>, vector<16xi32>
    %reduce_sum3A_1599 = arith.constant true
    %reduce_sum3A_1600 = vector.broadcast %reduce_sum3A_1599 : i1 to vector<16xi1>
    %reduce_sum3A_1601 = tpu.scan <sum>, %select_n3A_1598 masked %reduce_sum3A_1600 : vector<16xi32>, vector<16xi1> -> vector<16xi32>
    %reduce_sum3A_1602 = vector.extract %reduce_sum3A_1601[15] : i32 from vector<16xi32>
    %swap3A_1603 = arith.constant 142 : i32
    %swap3A_1604 = arith.index_cast %swap3A_1603 : i32 to index
    %swap3A_1605 = memref.load %arg6[%swap3A_1604] : memref<256xi32, #tpu.memory_space<smem>>
    memref.store %reduce_sum3A_1602, %arg6[%swap3A_1604] : memref<256xi32, #tpu.memory_space<smem>>
    %eq3A_1606 = arith.constant 15 : i32
    %eq3A_1607 = vector.broadcast %eq3A_1606 : i32 to vector<16xi32>
    %eq3A_1608 = arith.cmpi eq, %iota3A, %eq3A_1607 : vector<16xi32>
    %select_n3A_1609 = arith.select %eq3A_1608, %get3A_1440, %broadcast_in_dim3A_1 : vector<16xi1>, vector<16xi32>
    %reduce_sum3A_1610 = arith.constant true
    %reduce_sum3A_1611 = vector.broadcast %reduce_sum3A_1610 : i1 to vector<16xi1>
    %reduce_sum3A_1612 = tpu.scan <sum>, %select_n3A_1609 masked %reduce_sum3A_1611 : vector<16xi32>, vector<16xi1> -> vector<16xi32>
    %reduce_sum3A_1613 = vector.extract %reduce_sum3A_1612[15] : i32 from vector<16xi32>
    %swap3A_1614 = arith.constant 143 : i32
    %swap3A_1615 = arith.index_cast %swap3A_1614 : i32 to index
    %swap3A_1616 = memref.load %arg6[%swap3A_1615] : memref<256xi32, #tpu.memory_space<smem>>
    memref.store %reduce_sum3A_1613, %arg6[%swap3A_1615] : memref<256xi32, #tpu.memory_space<smem>>
    %get3A_1617 = arith.constant 1 : i32
    %get3A_1618 = arith.index_cast %get3A_1617 : i32 to index
    %get3A_1619 = arith.constant 16 : index
    %get3A_1620 = tpu.vector_load %arg5[%get3A_1618, %get3A_1619] {strides = array<i32>} : memref<2x128xi32, #tpu.memory_space<vmem>>, vector<16xi32>,
    %eq3A_1621 = arith.constant 0 : i32
    %eq3A_1622 = vector.broadcast %eq3A_1621 : i32 to vector<16xi32>
    %eq3A_1623 = arith.cmpi eq, %iota3A, %eq3A_1622 : vector<16xi32>
    %select_n3A_1624 = arith.select %eq3A_1623, %get3A_1620, %broadcast_in_dim3A_1 : vector<16xi1>, vector<16xi32>
    %reduce_sum3A_1625 = arith.constant true
    %reduce_sum3A_1626 = vector.broadcast %reduce_sum3A_1625 : i1 to vector<16xi1>
    %reduce_sum3A_1627 = tpu.scan <sum>, %select_n3A_1624 masked %reduce_sum3A_1626 : vector<16xi32>, vector<16xi1> -> vector<16xi32>
    %reduce_sum3A_1628 = vector.extract %reduce_sum3A_1627[15] : i32 from vector<16xi32>
    %swap3A_1629 = arith.constant 144 : i32
    %swap3A_1630 = arith.index_cast %swap3A_1629 : i32 to index
    %swap3A_1631 = memref.load %arg6[%swap3A_1630] : memref<256xi32, #tpu.memory_space<smem>>
    memref.store %reduce_sum3A_1628, %arg6[%swap3A_1630] : memref<256xi32, #tpu.memory_space<smem>>
    %eq3A_1632 = arith.constant 1 : i32
    %eq3A_1633 = vector.broadcast %eq3A_1632 : i32 to vector<16xi32>
    %eq3A_1634 = arith.cmpi eq, %iota3A, %eq3A_1633 : vector<16xi32>
    %select_n3A_1635 = arith.select %eq3A_1634, %get3A_1620, %broadcast_in_dim3A_1 : vector<16xi1>, vector<16xi32>
    %reduce_sum3A_1636 = arith.constant true
    %reduce_sum3A_1637 = vector.broadcast %reduce_sum3A_1636 : i1 to vector<16xi1>
    %reduce_sum3A_1638 = tpu.scan <sum>, %select_n3A_1635 masked %reduce_sum3A_1637 : vector<16xi32>, vector<16xi1> -> vector<16xi32>
    %reduce_sum3A_1639 = vector.extract %reduce_sum3A_1638[15] : i32 from vector<16xi32>
    %swap3A_1640 = arith.constant 145 : i32
    %swap3A_1641 = arith.index_cast %swap3A_1640 : i32 to index
    %swap3A_1642 = memref.load %arg6[%swap3A_1641] : memref<256xi32, #tpu.memory_space<smem>>
    memref.store %reduce_sum3A_1639, %arg6[%swap3A_1641] : memref<256xi32, #tpu.memory_space<smem>>
    %eq3A_1643 = arith.constant 2 : i32
    %eq3A_1644 = vector.broadcast %eq3A_1643 : i32 to vector<16xi32>
    %eq3A_1645 = arith.cmpi eq, %iota3A, %eq3A_1644 : vector<16xi32>
    %select_n3A_1646 = arith.select %eq3A_1645, %get3A_1620, %broadcast_in_dim3A_1 : vector<16xi1>, vector<16xi32>
    %reduce_sum3A_1647 = arith.constant true
    %reduce_sum3A_1648 = vector.broadcast %reduce_sum3A_1647 : i1 to vector<16xi1>
    %reduce_sum3A_1649 = tpu.scan <sum>, %select_n3A_1646 masked %reduce_sum3A_1648 : vector<16xi32>, vector<16xi1> -> vector<16xi32>
    %reduce_sum3A_1650 = vector.extract %reduce_sum3A_1649[15] : i32 from vector<16xi32>
    %swap3A_1651 = arith.constant 146 : i32
    %swap3A_1652 = arith.index_cast %swap3A_1651 : i32 to index
    %swap3A_1653 = memref.load %arg6[%swap3A_1652] : memref<256xi32, #tpu.memory_space<smem>>
    memref.store %reduce_sum3A_1650, %arg6[%swap3A_1652] : memref<256xi32, #tpu.memory_space<smem>>
    %eq3A_1654 = arith.constant 3 : i32
    %eq3A_1655 = vector.broadcast %eq3A_1654 : i32 to vector<16xi32>
    %eq3A_1656 = arith.cmpi eq, %iota3A, %eq3A_1655 : vector<16xi32>
    %select_n3A_1657 = arith.select %eq3A_1656, %get3A_1620, %broadcast_in_dim3A_1 : vector<16xi1>, vector<16xi32>
    %reduce_sum3A_1658 = arith.constant true
    %reduce_sum3A_1659 = vector.broadcast %reduce_sum3A_1658 : i1 to vector<16xi1>
    %reduce_sum3A_1660 = tpu.scan <sum>, %select_n3A_1657 masked %reduce_sum3A_1659 : vector<16xi32>, vector<16xi1> -> vector<16xi32>
    %reduce_sum3A_1661 = vector.extract %reduce_sum3A_1660[15] : i32 from vector<16xi32>
    %swap3A_1662 = arith.constant 147 : i32
    %swap3A_1663 = arith.index_cast %swap3A_1662 : i32 to index
    %swap3A_1664 = memref.load %arg6[%swap3A_1663] : memref<256xi32, #tpu.memory_space<smem>>
    memref.store %reduce_sum3A_1661, %arg6[%swap3A_1663] : memref<256xi32, #tpu.memory_space<smem>>
    %eq3A_1665 = arith.constant 4 : i32
    %eq3A_1666 = vector.broadcast %eq3A_1665 : i32 to vector<16xi32>
    %eq3A_1667 = arith.cmpi eq, %iota3A, %eq3A_1666 : vector<16xi32>
    %select_n3A_1668 = arith.select %eq3A_1667, %get3A_1620, %broadcast_in_dim3A_1 : vector<16xi1>, vector<16xi32>
    %reduce_sum3A_1669 = arith.constant true
    %reduce_sum3A_1670 = vector.broadcast %reduce_sum3A_1669 : i1 to vector<16xi1>
    %reduce_sum3A_1671 = tpu.scan <sum>, %select_n3A_1668 masked %reduce_sum3A_1670 : vector<16xi32>, vector<16xi1> -> vector<16xi32>
    %reduce_sum3A_1672 = vector.extract %reduce_sum3A_1671[15] : i32 from vector<16xi32>
    %swap3A_1673 = arith.constant 148 : i32
    %swap3A_1674 = arith.index_cast %swap3A_1673 : i32 to index
    %swap3A_1675 = memref.load %arg6[%swap3A_1674] : memref<256xi32, #tpu.memory_space<smem>>
    memref.store %reduce_sum3A_1672, %arg6[%swap3A_1674] : memref<256xi32, #tpu.memory_space<smem>>
    %eq3A_1676 = arith.constant 5 : i32
    %eq3A_1677 = vector.broadcast %eq3A_1676 : i32 to vector<16xi32>
    %eq3A_1678 = arith.cmpi eq, %iota3A, %eq3A_1677 : vector<16xi32>
    %select_n3A_1679 = arith.select %eq3A_1678, %get3A_1620, %broadcast_in_dim3A_1 : vector<16xi1>, vector<16xi32>
    %reduce_sum3A_1680 = arith.constant true
    %reduce_sum3A_1681 = vector.broadcast %reduce_sum3A_1680 : i1 to vector<16xi1>
    %reduce_sum3A_1682 = tpu.scan <sum>, %select_n3A_1679 masked %reduce_sum3A_1681 : vector<16xi32>, vector<16xi1> -> vector<16xi32>
    %reduce_sum3A_1683 = vector.extract %reduce_sum3A_1682[15] : i32 from vector<16xi32>
    %swap3A_1684 = arith.constant 149 : i32
    %swap3A_1685 = arith.index_cast %swap3A_1684 : i32 to index
    %swap3A_1686 = memref.load %arg6[%swap3A_1685] : memref<256xi32, #tpu.memory_space<smem>>
    memref.store %reduce_sum3A_1683, %arg6[%swap3A_1685] : memref<256xi32, #tpu.memory_space<smem>>
    %eq3A_1687 = arith.constant 6 : i32
    %eq3A_1688 = vector.broadcast %eq3A_1687 : i32 to vector<16xi32>
    %eq3A_1689 = arith.cmpi eq, %iota3A, %eq3A_1688 : vector<16xi32>
    %select_n3A_1690 = arith.select %eq3A_1689, %get3A_1620, %broadcast_in_dim3A_1 : vector<16xi1>, vector<16xi32>
    %reduce_sum3A_1691 = arith.constant true
    %reduce_sum3A_1692 = vector.broadcast %reduce_sum3A_1691 : i1 to vector<16xi1>
    %reduce_sum3A_1693 = tpu.scan <sum>, %select_n3A_1690 masked %reduce_sum3A_1692 : vector<16xi32>, vector<16xi1> -> vector<16xi32>
    %reduce_sum3A_1694 = vector.extract %reduce_sum3A_1693[15] : i32 from vector<16xi32>
    %swap3A_1695 = arith.constant 150 : i32
    %swap3A_1696 = arith.index_cast %swap3A_1695 : i32 to index
    %swap3A_1697 = memref.load %arg6[%swap3A_1696] : memref<256xi32, #tpu.memory_space<smem>>
    memref.store %reduce_sum3A_1694, %arg6[%swap3A_1696] : memref<256xi32, #tpu.memory_space<smem>>
    %eq3A_1698 = arith.constant 7 : i32
    %eq3A_1699 = vector.broadcast %eq3A_1698 : i32 to vector<16xi32>
    %eq3A_1700 = arith.cmpi eq, %iota3A, %eq3A_1699 : vector<16xi32>
    %select_n3A_1701 = arith.select %eq3A_1700, %get3A_1620, %broadcast_in_dim3A_1 : vector<16xi1>, vector<16xi32>
    %reduce_sum3A_1702 = arith.constant true
    %reduce_sum3A_1703 = vector.broadcast %reduce_sum3A_1702 : i1 to vector<16xi1>
    %reduce_sum3A_1704 = tpu.scan <sum>, %select_n3A_1701 masked %reduce_sum3A_1703 : vector<16xi32>, vector<16xi1> -> vector<16xi32>
    %reduce_sum3A_1705 = vector.extract %reduce_sum3A_1704[15] : i32 from vector<16xi32>
    %swap3A_1706 = arith.constant 151 : i32
    %swap3A_1707 = arith.index_cast %swap3A_1706 : i32 to index
    %swap3A_1708 = memref.load %arg6[%swap3A_1707] : memref<256xi32, #tpu.memory_space<smem>>
    memref.store %reduce_sum3A_1705, %arg6[%swap3A_1707] : memref<256xi32, #tpu.memory_space<smem>>
    %eq3A_1709 = arith.constant 8 : i32
    %eq3A_1710 = vector.broadcast %eq3A_1709 : i32 to vector<16xi32>
    %eq3A_1711 = arith.cmpi eq, %iota3A, %eq3A_1710 : vector<16xi32>
    %select_n3A_1712 = arith.select %eq3A_1711, %get3A_1620, %broadcast_in_dim3A_1 : vector<16xi1>, vector<16xi32>
    %reduce_sum3A_1713 = arith.constant true
    %reduce_sum3A_1714 = vector.broadcast %reduce_sum3A_1713 : i1 to vector<16xi1>
    %reduce_sum3A_1715 = tpu.scan <sum>, %select_n3A_1712 masked %reduce_sum3A_1714 : vector<16xi32>, vector<16xi1> -> vector<16xi32>
    %reduce_sum3A_1716 = vector.extract %reduce_sum3A_1715[15] : i32 from vector<16xi32>
    %swap3A_1717 = arith.constant 152 : i32
    %swap3A_1718 = arith.index_cast %swap3A_1717 : i32 to index
    %swap3A_1719 = memref.load %arg6[%swap3A_1718] : memref<256xi32, #tpu.memory_space<smem>>
    memref.store %reduce_sum3A_1716, %arg6[%swap3A_1718] : memref<256xi32, #tpu.memory_space<smem>>
    %eq3A_1720 = arith.constant 9 : i32
    %eq3A_1721 = vector.broadcast %eq3A_1720 : i32 to vector<16xi32>
    %eq3A_1722 = arith.cmpi eq, %iota3A, %eq3A_1721 : vector<16xi32>
    %select_n3A_1723 = arith.select %eq3A_1722, %get3A_1620, %broadcast_in_dim3A_1 : vector<16xi1>, vector<16xi32>
    %reduce_sum3A_1724 = arith.constant true
    %reduce_sum3A_1725 = vector.broadcast %reduce_sum3A_1724 : i1 to vector<16xi1>
    %reduce_sum3A_1726 = tpu.scan <sum>, %select_n3A_1723 masked %reduce_sum3A_1725 : vector<16xi32>, vector<16xi1> -> vector<16xi32>
    %reduce_sum3A_1727 = vector.extract %reduce_sum3A_1726[15] : i32 from vector<16xi32>
    %swap3A_1728 = arith.constant 153 : i32
    %swap3A_1729 = arith.index_cast %swap3A_1728 : i32 to index
    %swap3A_1730 = memref.load %arg6[%swap3A_1729] : memref<256xi32, #tpu.memory_space<smem>>
    memref.store %reduce_sum3A_1727, %arg6[%swap3A_1729] : memref<256xi32, #tpu.memory_space<smem>>
    %eq3A_1731 = arith.constant 10 : i32
    %eq3A_1732 = vector.broadcast %eq3A_1731 : i32 to vector<16xi32>
    %eq3A_1733 = arith.cmpi eq, %iota3A, %eq3A_1732 : vector<16xi32>
    %select_n3A_1734 = arith.select %eq3A_1733, %get3A_1620, %broadcast_in_dim3A_1 : vector<16xi1>, vector<16xi32>
    %reduce_sum3A_1735 = arith.constant true
    %reduce_sum3A_1736 = vector.broadcast %reduce_sum3A_1735 : i1 to vector<16xi1>
    %reduce_sum3A_1737 = tpu.scan <sum>, %select_n3A_1734 masked %reduce_sum3A_1736 : vector<16xi32>, vector<16xi1> -> vector<16xi32>
    %reduce_sum3A_1738 = vector.extract %reduce_sum3A_1737[15] : i32 from vector<16xi32>
    %swap3A_1739 = arith.constant 154 : i32
    %swap3A_1740 = arith.index_cast %swap3A_1739 : i32 to index
    %swap3A_1741 = memref.load %arg6[%swap3A_1740] : memref<256xi32, #tpu.memory_space<smem>>
    memref.store %reduce_sum3A_1738, %arg6[%swap3A_1740] : memref<256xi32, #tpu.memory_space<smem>>
    %eq3A_1742 = arith.constant 11 : i32
    %eq3A_1743 = vector.broadcast %eq3A_1742 : i32 to vector<16xi32>
    %eq3A_1744 = arith.cmpi eq, %iota3A, %eq3A_1743 : vector<16xi32>
    %select_n3A_1745 = arith.select %eq3A_1744, %get3A_1620, %broadcast_in_dim3A_1 : vector<16xi1>, vector<16xi32>
    %reduce_sum3A_1746 = arith.constant true
    %reduce_sum3A_1747 = vector.broadcast %reduce_sum3A_1746 : i1 to vector<16xi1>
    %reduce_sum3A_1748 = tpu.scan <sum>, %select_n3A_1745 masked %reduce_sum3A_1747 : vector<16xi32>, vector<16xi1> -> vector<16xi32>
    %reduce_sum3A_1749 = vector.extract %reduce_sum3A_1748[15] : i32 from vector<16xi32>
    %swap3A_1750 = arith.constant 155 : i32
    %swap3A_1751 = arith.index_cast %swap3A_1750 : i32 to index
    %swap3A_1752 = memref.load %arg6[%swap3A_1751] : memref<256xi32, #tpu.memory_space<smem>>
    memref.store %reduce_sum3A_1749, %arg6[%swap3A_1751] : memref<256xi32, #tpu.memory_space<smem>>
    %eq3A_1753 = arith.constant 12 : i32
    %eq3A_1754 = vector.broadcast %eq3A_1753 : i32 to vector<16xi32>
    %eq3A_1755 = arith.cmpi eq, %iota3A, %eq3A_1754 : vector<16xi32>
    %select_n3A_1756 = arith.select %eq3A_1755, %get3A_1620, %broadcast_in_dim3A_1 : vector<16xi1>, vector<16xi32>
    %reduce_sum3A_1757 = arith.constant true
    %reduce_sum3A_1758 = vector.broadcast %reduce_sum3A_1757 : i1 to vector<16xi1>
    %reduce_sum3A_1759 = tpu.scan <sum>, %select_n3A_1756 masked %reduce_sum3A_1758 : vector<16xi32>, vector<16xi1> -> vector<16xi32>
    %reduce_sum3A_1760 = vector.extract %reduce_sum3A_1759[15] : i32 from vector<16xi32>
    %swap3A_1761 = arith.constant 156 : i32
    %swap3A_1762 = arith.index_cast %swap3A_1761 : i32 to index
    %swap3A_1763 = memref.load %arg6[%swap3A_1762] : memref<256xi32, #tpu.memory_space<smem>>
    memref.store %reduce_sum3A_1760, %arg6[%swap3A_1762] : memref<256xi32, #tpu.memory_space<smem>>
    %eq3A_1764 = arith.constant 13 : i32
    %eq3A_1765 = vector.broadcast %eq3A_1764 : i32 to vector<16xi32>
    %eq3A_1766 = arith.cmpi eq, %iota3A, %eq3A_1765 : vector<16xi32>
    %select_n3A_1767 = arith.select %eq3A_1766, %get3A_1620, %broadcast_in_dim3A_1 : vector<16xi1>, vector<16xi32>
    %reduce_sum3A_1768 = arith.constant true
    %reduce_sum3A_1769 = vector.broadcast %reduce_sum3A_1768 : i1 to vector<16xi1>
    %reduce_sum3A_1770 = tpu.scan <sum>, %select_n3A_1767 masked %reduce_sum3A_1769 : vector<16xi32>, vector<16xi1> -> vector<16xi32>
    %reduce_sum3A_1771 = vector.extract %reduce_sum3A_1770[15] : i32 from vector<16xi32>
    %swap3A_1772 = arith.constant 157 : i32
    %swap3A_1773 = arith.index_cast %swap3A_1772 : i32 to index
    %swap3A_1774 = memref.load %arg6[%swap3A_1773] : memref<256xi32, #tpu.memory_space<smem>>
    memref.store %reduce_sum3A_1771, %arg6[%swap3A_1773] : memref<256xi32, #tpu.memory_space<smem>>
    %eq3A_1775 = arith.constant 14 : i32
    %eq3A_1776 = vector.broadcast %eq3A_1775 : i32 to vector<16xi32>
    %eq3A_1777 = arith.cmpi eq, %iota3A, %eq3A_1776 : vector<16xi32>
    %select_n3A_1778 = arith.select %eq3A_1777, %get3A_1620, %broadcast_in_dim3A_1 : vector<16xi1>, vector<16xi32>
    %reduce_sum3A_1779 = arith.constant true
    %reduce_sum3A_1780 = vector.broadcast %reduce_sum3A_1779 : i1 to vector<16xi1>
    %reduce_sum3A_1781 = tpu.scan <sum>, %select_n3A_1778 masked %reduce_sum3A_1780 : vector<16xi32>, vector<16xi1> -> vector<16xi32>
    %reduce_sum3A_1782 = vector.extract %reduce_sum3A_1781[15] : i32 from vector<16xi32>
    %swap3A_1783 = arith.constant 158 : i32
    %swap3A_1784 = arith.index_cast %swap3A_1783 : i32 to index
    %swap3A_1785 = memref.load %arg6[%swap3A_1784] : memref<256xi32, #tpu.memory_space<smem>>
    memref.store %reduce_sum3A_1782, %arg6[%swap3A_1784] : memref<256xi32, #tpu.memory_space<smem>>
    %eq3A_1786 = arith.constant 15 : i32
    %eq3A_1787 = vector.broadcast %eq3A_1786 : i32 to vector<16xi32>
    %eq3A_1788 = arith.cmpi eq, %iota3A, %eq3A_1787 : vector<16xi32>
    %select_n3A_1789 = arith.select %eq3A_1788, %get3A_1620, %broadcast_in_dim3A_1 : vector<16xi1>, vector<16xi32>
    %reduce_sum3A_1790 = arith.constant true
    %reduce_sum3A_1791 = vector.broadcast %reduce_sum3A_1790 : i1 to vector<16xi1>
    %reduce_sum3A_1792 = tpu.scan <sum>, %select_n3A_1789 masked %reduce_sum3A_1791 : vector<16xi32>, vector<16xi1> -> vector<16xi32>
    %reduce_sum3A_1793 = vector.extract %reduce_sum3A_1792[15] : i32 from vector<16xi32>
    %swap3A_1794 = arith.constant 159 : i32
    %swap3A_1795 = arith.index_cast %swap3A_1794 : i32 to index
    %swap3A_1796 = memref.load %arg6[%swap3A_1795] : memref<256xi32, #tpu.memory_space<smem>>
    memref.store %reduce_sum3A_1793, %arg6[%swap3A_1795] : memref<256xi32, #tpu.memory_space<smem>>
    %get3A_1797 = arith.constant 1 : i32
    %get3A_1798 = arith.index_cast %get3A_1797 : i32 to index
    %get3A_1799 = arith.constant 32 : index
    %get3A_1800 = tpu.vector_load %arg5[%get3A_1798, %get3A_1799] {strides = array<i32>} : memref<2x128xi32, #tpu.memory_space<vmem>>, vector<16xi32>,
    %eq3A_1801 = arith.constant 0 : i32
    %eq3A_1802 = vector.broadcast %eq3A_1801 : i32 to vector<16xi32>
    %eq3A_1803 = arith.cmpi eq, %iota3A, %eq3A_1802 : vector<16xi32>
    %select_n3A_1804 = arith.select %eq3A_1803, %get3A_1800, %broadcast_in_dim3A_1 : vector<16xi1>, vector<16xi32>
    %reduce_sum3A_1805 = arith.constant true
    %reduce_sum3A_1806 = vector.broadcast %reduce_sum3A_1805 : i1 to vector<16xi1>
    %reduce_sum3A_1807 = tpu.scan <sum>, %select_n3A_1804 masked %reduce_sum3A_1806 : vector<16xi32>, vector<16xi1> -> vector<16xi32>
    %reduce_sum3A_1808 = vector.extract %reduce_sum3A_1807[15] : i32 from vector<16xi32>
    %swap3A_1809 = arith.constant 160 : i32
    %swap3A_1810 = arith.index_cast %swap3A_1809 : i32 to index
    %swap3A_1811 = memref.load %arg6[%swap3A_1810] : memref<256xi32, #tpu.memory_space<smem>>
    memref.store %reduce_sum3A_1808, %arg6[%swap3A_1810] : memref<256xi32, #tpu.memory_space<smem>>
    %eq3A_1812 = arith.constant 1 : i32
    %eq3A_1813 = vector.broadcast %eq3A_1812 : i32 to vector<16xi32>
    %eq3A_1814 = arith.cmpi eq, %iota3A, %eq3A_1813 : vector<16xi32>
    %select_n3A_1815 = arith.select %eq3A_1814, %get3A_1800, %broadcast_in_dim3A_1 : vector<16xi1>, vector<16xi32>
    %reduce_sum3A_1816 = arith.constant true
    %reduce_sum3A_1817 = vector.broadcast %reduce_sum3A_1816 : i1 to vector<16xi1>
    %reduce_sum3A_1818 = tpu.scan <sum>, %select_n3A_1815 masked %reduce_sum3A_1817 : vector<16xi32>, vector<16xi1> -> vector<16xi32>
    %reduce_sum3A_1819 = vector.extract %reduce_sum3A_1818[15] : i32 from vector<16xi32>
    %swap3A_1820 = arith.constant 161 : i32
    %swap3A_1821 = arith.index_cast %swap3A_1820 : i32 to index
    %swap3A_1822 = memref.load %arg6[%swap3A_1821] : memref<256xi32, #tpu.memory_space<smem>>
    memref.store %reduce_sum3A_1819, %arg6[%swap3A_1821] : memref<256xi32, #tpu.memory_space<smem>>
    %eq3A_1823 = arith.constant 2 : i32
    %eq3A_1824 = vector.broadcast %eq3A_1823 : i32 to vector<16xi32>
    %eq3A_1825 = arith.cmpi eq, %iota3A, %eq3A_1824 : vector<16xi32>
    %select_n3A_1826 = arith.select %eq3A_1825, %get3A_1800, %broadcast_in_dim3A_1 : vector<16xi1>, vector<16xi32>
    %reduce_sum3A_1827 = arith.constant true
    %reduce_sum3A_1828 = vector.broadcast %reduce_sum3A_1827 : i1 to vector<16xi1>
    %reduce_sum3A_1829 = tpu.scan <sum>, %select_n3A_1826 masked %reduce_sum3A_1828 : vector<16xi32>, vector<16xi1> -> vector<16xi32>
    %reduce_sum3A_1830 = vector.extract %reduce_sum3A_1829[15] : i32 from vector<16xi32>
    %swap3A_1831 = arith.constant 162 : i32
    %swap3A_1832 = arith.index_cast %swap3A_1831 : i32 to index
    %swap3A_1833 = memref.load %arg6[%swap3A_1832] : memref<256xi32, #tpu.memory_space<smem>>
    memref.store %reduce_sum3A_1830, %arg6[%swap3A_1832] : memref<256xi32, #tpu.memory_space<smem>>
    %eq3A_1834 = arith.constant 3 : i32
    %eq3A_1835 = vector.broadcast %eq3A_1834 : i32 to vector<16xi32>
    %eq3A_1836 = arith.cmpi eq, %iota3A, %eq3A_1835 : vector<16xi32>
    %select_n3A_1837 = arith.select %eq3A_1836, %get3A_1800, %broadcast_in_dim3A_1 : vector<16xi1>, vector<16xi32>
    %reduce_sum3A_1838 = arith.constant true
    %reduce_sum3A_1839 = vector.broadcast %reduce_sum3A_1838 : i1 to vector<16xi1>
    %reduce_sum3A_1840 = tpu.scan <sum>, %select_n3A_1837 masked %reduce_sum3A_1839 : vector<16xi32>, vector<16xi1> -> vector<16xi32>
    %reduce_sum3A_1841 = vector.extract %reduce_sum3A_1840[15] : i32 from vector<16xi32>
    %swap3A_1842 = arith.constant 163 : i32
    %swap3A_1843 = arith.index_cast %swap3A_1842 : i32 to index
    %swap3A_1844 = memref.load %arg6[%swap3A_1843] : memref<256xi32, #tpu.memory_space<smem>>
    memref.store %reduce_sum3A_1841, %arg6[%swap3A_1843] : memref<256xi32, #tpu.memory_space<smem>>
    %eq3A_1845 = arith.constant 4 : i32
    %eq3A_1846 = vector.broadcast %eq3A_1845 : i32 to vector<16xi32>
    %eq3A_1847 = arith.cmpi eq, %iota3A, %eq3A_1846 : vector<16xi32>
    %select_n3A_1848 = arith.select %eq3A_1847, %get3A_1800, %broadcast_in_dim3A_1 : vector<16xi1>, vector<16xi32>
    %reduce_sum3A_1849 = arith.constant true
    %reduce_sum3A_1850 = vector.broadcast %reduce_sum3A_1849 : i1 to vector<16xi1>
    %reduce_sum3A_1851 = tpu.scan <sum>, %select_n3A_1848 masked %reduce_sum3A_1850 : vector<16xi32>, vector<16xi1> -> vector<16xi32>
    %reduce_sum3A_1852 = vector.extract %reduce_sum3A_1851[15] : i32 from vector<16xi32>
    %swap3A_1853 = arith.constant 164 : i32
    %swap3A_1854 = arith.index_cast %swap3A_1853 : i32 to index
    %swap3A_1855 = memref.load %arg6[%swap3A_1854] : memref<256xi32, #tpu.memory_space<smem>>
    memref.store %reduce_sum3A_1852, %arg6[%swap3A_1854] : memref<256xi32, #tpu.memory_space<smem>>
    %eq3A_1856 = arith.constant 5 : i32
    %eq3A_1857 = vector.broadcast %eq3A_1856 : i32 to vector<16xi32>
    %eq3A_1858 = arith.cmpi eq, %iota3A, %eq3A_1857 : vector<16xi32>
    %select_n3A_1859 = arith.select %eq3A_1858, %get3A_1800, %broadcast_in_dim3A_1 : vector<16xi1>, vector<16xi32>
    %reduce_sum3A_1860 = arith.constant true
    %reduce_sum3A_1861 = vector.broadcast %reduce_sum3A_1860 : i1 to vector<16xi1>
    %reduce_sum3A_1862 = tpu.scan <sum>, %select_n3A_1859 masked %reduce_sum3A_1861 : vector<16xi32>, vector<16xi1> -> vector<16xi32>
    %reduce_sum3A_1863 = vector.extract %reduce_sum3A_1862[15] : i32 from vector<16xi32>
    %swap3A_1864 = arith.constant 165 : i32
    %swap3A_1865 = arith.index_cast %swap3A_1864 : i32 to index
    %swap3A_1866 = memref.load %arg6[%swap3A_1865] : memref<256xi32, #tpu.memory_space<smem>>
    memref.store %reduce_sum3A_1863, %arg6[%swap3A_1865] : memref<256xi32, #tpu.memory_space<smem>>
    %eq3A_1867 = arith.constant 6 : i32
    %eq3A_1868 = vector.broadcast %eq3A_1867 : i32 to vector<16xi32>
    %eq3A_1869 = arith.cmpi eq, %iota3A, %eq3A_1868 : vector<16xi32>
    %select_n3A_1870 = arith.select %eq3A_1869, %get3A_1800, %broadcast_in_dim3A_1 : vector<16xi1>, vector<16xi32>
    %reduce_sum3A_1871 = arith.constant true
    %reduce_sum3A_1872 = vector.broadcast %reduce_sum3A_1871 : i1 to vector<16xi1>
    %reduce_sum3A_1873 = tpu.scan <sum>, %select_n3A_1870 masked %reduce_sum3A_1872 : vector<16xi32>, vector<16xi1> -> vector<16xi32>
    %reduce_sum3A_1874 = vector.extract %reduce_sum3A_1873[15] : i32 from vector<16xi32>
    %swap3A_1875 = arith.constant 166 : i32
    %swap3A_1876 = arith.index_cast %swap3A_1875 : i32 to index
    %swap3A_1877 = memref.load %arg6[%swap3A_1876] : memref<256xi32, #tpu.memory_space<smem>>
    memref.store %reduce_sum3A_1874, %arg6[%swap3A_1876] : memref<256xi32, #tpu.memory_space<smem>>
    %eq3A_1878 = arith.constant 7 : i32
    %eq3A_1879 = vector.broadcast %eq3A_1878 : i32 to vector<16xi32>
    %eq3A_1880 = arith.cmpi eq, %iota3A, %eq3A_1879 : vector<16xi32>
    %select_n3A_1881 = arith.select %eq3A_1880, %get3A_1800, %broadcast_in_dim3A_1 : vector<16xi1>, vector<16xi32>
    %reduce_sum3A_1882 = arith.constant true
    %reduce_sum3A_1883 = vector.broadcast %reduce_sum3A_1882 : i1 to vector<16xi1>
    %reduce_sum3A_1884 = tpu.scan <sum>, %select_n3A_1881 masked %reduce_sum3A_1883 : vector<16xi32>, vector<16xi1> -> vector<16xi32>
    %reduce_sum3A_1885 = vector.extract %reduce_sum3A_1884[15] : i32 from vector<16xi32>
    %swap3A_1886 = arith.constant 167 : i32
    %swap3A_1887 = arith.index_cast %swap3A_1886 : i32 to index
    %swap3A_1888 = memref.load %arg6[%swap3A_1887] : memref<256xi32, #tpu.memory_space<smem>>
    memref.store %reduce_sum3A_1885, %arg6[%swap3A_1887] : memref<256xi32, #tpu.memory_space<smem>>
    %eq3A_1889 = arith.constant 8 : i32
    %eq3A_1890 = vector.broadcast %eq3A_1889 : i32 to vector<16xi32>
    %eq3A_1891 = arith.cmpi eq, %iota3A, %eq3A_1890 : vector<16xi32>
    %select_n3A_1892 = arith.select %eq3A_1891, %get3A_1800, %broadcast_in_dim3A_1 : vector<16xi1>, vector<16xi32>
    %reduce_sum3A_1893 = arith.constant true
    %reduce_sum3A_1894 = vector.broadcast %reduce_sum3A_1893 : i1 to vector<16xi1>
    %reduce_sum3A_1895 = tpu.scan <sum>, %select_n3A_1892 masked %reduce_sum3A_1894 : vector<16xi32>, vector<16xi1> -> vector<16xi32>
    %reduce_sum3A_1896 = vector.extract %reduce_sum3A_1895[15] : i32 from vector<16xi32>
    %swap3A_1897 = arith.constant 168 : i32
    %swap3A_1898 = arith.index_cast %swap3A_1897 : i32 to index
    %swap3A_1899 = memref.load %arg6[%swap3A_1898] : memref<256xi32, #tpu.memory_space<smem>>
    memref.store %reduce_sum3A_1896, %arg6[%swap3A_1898] : memref<256xi32, #tpu.memory_space<smem>>
    %eq3A_1900 = arith.constant 9 : i32
    %eq3A_1901 = vector.broadcast %eq3A_1900 : i32 to vector<16xi32>
    %eq3A_1902 = arith.cmpi eq, %iota3A, %eq3A_1901 : vector<16xi32>
    %select_n3A_1903 = arith.select %eq3A_1902, %get3A_1800, %broadcast_in_dim3A_1 : vector<16xi1>, vector<16xi32>
    %reduce_sum3A_1904 = arith.constant true
    %reduce_sum3A_1905 = vector.broadcast %reduce_sum3A_1904 : i1 to vector<16xi1>
    %reduce_sum3A_1906 = tpu.scan <sum>, %select_n3A_1903 masked %reduce_sum3A_1905 : vector<16xi32>, vector<16xi1> -> vector<16xi32>
    %reduce_sum3A_1907 = vector.extract %reduce_sum3A_1906[15] : i32 from vector<16xi32>
    %swap3A_1908 = arith.constant 169 : i32
    %swap3A_1909 = arith.index_cast %swap3A_1908 : i32 to index
    %swap3A_1910 = memref.load %arg6[%swap3A_1909] : memref<256xi32, #tpu.memory_space<smem>>
    memref.store %reduce_sum3A_1907, %arg6[%swap3A_1909] : memref<256xi32, #tpu.memory_space<smem>>
    %eq3A_1911 = arith.constant 10 : i32
    %eq3A_1912 = vector.broadcast %eq3A_1911 : i32 to vector<16xi32>
    %eq3A_1913 = arith.cmpi eq, %iota3A, %eq3A_1912 : vector<16xi32>
    %select_n3A_1914 = arith.select %eq3A_1913, %get3A_1800, %broadcast_in_dim3A_1 : vector<16xi1>, vector<16xi32>
    %reduce_sum3A_1915 = arith.constant true
    %reduce_sum3A_1916 = vector.broadcast %reduce_sum3A_1915 : i1 to vector<16xi1>
    %reduce_sum3A_1917 = tpu.scan <sum>, %select_n3A_1914 masked %reduce_sum3A_1916 : vector<16xi32>, vector<16xi1> -> vector<16xi32>
    %reduce_sum3A_1918 = vector.extract %reduce_sum3A_1917[15] : i32 from vector<16xi32>
    %swap3A_1919 = arith.constant 170 : i32
    %swap3A_1920 = arith.index_cast %swap3A_1919 : i32 to index
    %swap3A_1921 = memref.load %arg6[%swap3A_1920] : memref<256xi32, #tpu.memory_space<smem>>
    memref.store %reduce_sum3A_1918, %arg6[%swap3A_1920] : memref<256xi32, #tpu.memory_space<smem>>
    %eq3A_1922 = arith.constant 11 : i32
    %eq3A_1923 = vector.broadcast %eq3A_1922 : i32 to vector<16xi32>
    %eq3A_1924 = arith.cmpi eq, %iota3A, %eq3A_1923 : vector<16xi32>
    %select_n3A_1925 = arith.select %eq3A_1924, %get3A_1800, %broadcast_in_dim3A_1 : vector<16xi1>, vector<16xi32>
    %reduce_sum3A_1926 = arith.constant true
    %reduce_sum3A_1927 = vector.broadcast %reduce_sum3A_1926 : i1 to vector<16xi1>
    %reduce_sum3A_1928 = tpu.scan <sum>, %select_n3A_1925 masked %reduce_sum3A_1927 : vector<16xi32>, vector<16xi1> -> vector<16xi32>
    %reduce_sum3A_1929 = vector.extract %reduce_sum3A_1928[15] : i32 from vector<16xi32>
    %swap3A_1930 = arith.constant 171 : i32
    %swap3A_1931 = arith.index_cast %swap3A_1930 : i32 to index
    %swap3A_1932 = memref.load %arg6[%swap3A_1931] : memref<256xi32, #tpu.memory_space<smem>>
    memref.store %reduce_sum3A_1929, %arg6[%swap3A_1931] : memref<256xi32, #tpu.memory_space<smem>>
    %eq3A_1933 = arith.constant 12 : i32
    %eq3A_1934 = vector.broadcast %eq3A_1933 : i32 to vector<16xi32>
    %eq3A_1935 = arith.cmpi eq, %iota3A, %eq3A_1934 : vector<16xi32>
    %select_n3A_1936 = arith.select %eq3A_1935, %get3A_1800, %broadcast_in_dim3A_1 : vector<16xi1>, vector<16xi32>
    %reduce_sum3A_1937 = arith.constant true
    %reduce_sum3A_1938 = vector.broadcast %reduce_sum3A_1937 : i1 to vector<16xi1>
    %reduce_sum3A_1939 = tpu.scan <sum>, %select_n3A_1936 masked %reduce_sum3A_1938 : vector<16xi32>, vector<16xi1> -> vector<16xi32>
    %reduce_sum3A_1940 = vector.extract %reduce_sum3A_1939[15] : i32 from vector<16xi32>
    %swap3A_1941 = arith.constant 172 : i32
    %swap3A_1942 = arith.index_cast %swap3A_1941 : i32 to index
    %swap3A_1943 = memref.load %arg6[%swap3A_1942] : memref<256xi32, #tpu.memory_space<smem>>
    memref.store %reduce_sum3A_1940, %arg6[%swap3A_1942] : memref<256xi32, #tpu.memory_space<smem>>
    %eq3A_1944 = arith.constant 13 : i32
    %eq3A_1945 = vector.broadcast %eq3A_1944 : i32 to vector<16xi32>
    %eq3A_1946 = arith.cmpi eq, %iota3A, %eq3A_1945 : vector<16xi32>
    %select_n3A_1947 = arith.select %eq3A_1946, %get3A_1800, %broadcast_in_dim3A_1 : vector<16xi1>, vector<16xi32>
    %reduce_sum3A_1948 = arith.constant true
    %reduce_sum3A_1949 = vector.broadcast %reduce_sum3A_1948 : i1 to vector<16xi1>
    %reduce_sum3A_1950 = tpu.scan <sum>, %select_n3A_1947 masked %reduce_sum3A_1949 : vector<16xi32>, vector<16xi1> -> vector<16xi32>
    %reduce_sum3A_1951 = vector.extract %reduce_sum3A_1950[15] : i32 from vector<16xi32>
    %swap3A_1952 = arith.constant 173 : i32
    %swap3A_1953 = arith.index_cast %swap3A_1952 : i32 to index
    %swap3A_1954 = memref.load %arg6[%swap3A_1953] : memref<256xi32, #tpu.memory_space<smem>>
    memref.store %reduce_sum3A_1951, %arg6[%swap3A_1953] : memref<256xi32, #tpu.memory_space<smem>>
    %eq3A_1955 = arith.constant 14 : i32
    %eq3A_1956 = vector.broadcast %eq3A_1955 : i32 to vector<16xi32>
    %eq3A_1957 = arith.cmpi eq, %iota3A, %eq3A_1956 : vector<16xi32>
    %select_n3A_1958 = arith.select %eq3A_1957, %get3A_1800, %broadcast_in_dim3A_1 : vector<16xi1>, vector<16xi32>
    %reduce_sum3A_1959 = arith.constant true
    %reduce_sum3A_1960 = vector.broadcast %reduce_sum3A_1959 : i1 to vector<16xi1>
    %reduce_sum3A_1961 = tpu.scan <sum>, %select_n3A_1958 masked %reduce_sum3A_1960 : vector<16xi32>, vector<16xi1> -> vector<16xi32>
    %reduce_sum3A_1962 = vector.extract %reduce_sum3A_1961[15] : i32 from vector<16xi32>
    %swap3A_1963 = arith.constant 174 : i32
    %swap3A_1964 = arith.index_cast %swap3A_1963 : i32 to index
    %swap3A_1965 = memref.load %arg6[%swap3A_1964] : memref<256xi32, #tpu.memory_space<smem>>
    memref.store %reduce_sum3A_1962, %arg6[%swap3A_1964] : memref<256xi32, #tpu.memory_space<smem>>
    %eq3A_1966 = arith.constant 15 : i32
    %eq3A_1967 = vector.broadcast %eq3A_1966 : i32 to vector<16xi32>
    %eq3A_1968 = arith.cmpi eq, %iota3A, %eq3A_1967 : vector<16xi32>
    %select_n3A_1969 = arith.select %eq3A_1968, %get3A_1800, %broadcast_in_dim3A_1 : vector<16xi1>, vector<16xi32>
    %reduce_sum3A_1970 = arith.constant true
    %reduce_sum3A_1971 = vector.broadcast %reduce_sum3A_1970 : i1 to vector<16xi1>
    %reduce_sum3A_1972 = tpu.scan <sum>, %select_n3A_1969 masked %reduce_sum3A_1971 : vector<16xi32>, vector<16xi1> -> vector<16xi32>
    %reduce_sum3A_1973 = vector.extract %reduce_sum3A_1972[15] : i32 from vector<16xi32>
    %swap3A_1974 = arith.constant 175 : i32
    %swap3A_1975 = arith.index_cast %swap3A_1974 : i32 to index
    %swap3A_1976 = memref.load %arg6[%swap3A_1975] : memref<256xi32, #tpu.memory_space<smem>>
    memref.store %reduce_sum3A_1973, %arg6[%swap3A_1975] : memref<256xi32, #tpu.memory_space<smem>>
    %get3A_1977 = arith.constant 1 : i32
    %get3A_1978 = arith.index_cast %get3A_1977 : i32 to index
    %get3A_1979 = arith.constant 48 : index
    %get3A_1980 = tpu.vector_load %arg5[%get3A_1978, %get3A_1979] {strides = array<i32>} : memref<2x128xi32, #tpu.memory_space<vmem>>, vector<16xi32>,
    %eq3A_1981 = arith.constant 0 : i32
    %eq3A_1982 = vector.broadcast %eq3A_1981 : i32 to vector<16xi32>
    %eq3A_1983 = arith.cmpi eq, %iota3A, %eq3A_1982 : vector<16xi32>
    %select_n3A_1984 = arith.select %eq3A_1983, %get3A_1980, %broadcast_in_dim3A_1 : vector<16xi1>, vector<16xi32>
    %reduce_sum3A_1985 = arith.constant true
    %reduce_sum3A_1986 = vector.broadcast %reduce_sum3A_1985 : i1 to vector<16xi1>
    %reduce_sum3A_1987 = tpu.scan <sum>, %select_n3A_1984 masked %reduce_sum3A_1986 : vector<16xi32>, vector<16xi1> -> vector<16xi32>
    %reduce_sum3A_1988 = vector.extract %reduce_sum3A_1987[15] : i32 from vector<16xi32>
    %swap3A_1989 = arith.constant 176 : i32
    %swap3A_1990 = arith.index_cast %swap3A_1989 : i32 to index
    %swap3A_1991 = memref.load %arg6[%swap3A_1990] : memref<256xi32, #tpu.memory_space<smem>>
    memref.store %reduce_sum3A_1988, %arg6[%swap3A_1990] : memref<256xi32, #tpu.memory_space<smem>>
    %eq3A_1992 = arith.constant 1 : i32
    %eq3A_1993 = vector.broadcast %eq3A_1992 : i32 to vector<16xi32>
    %eq3A_1994 = arith.cmpi eq, %iota3A, %eq3A_1993 : vector<16xi32>
    %select_n3A_1995 = arith.select %eq3A_1994, %get3A_1980, %broadcast_in_dim3A_1 : vector<16xi1>, vector<16xi32>
    %reduce_sum3A_1996 = arith.constant true
    %reduce_sum3A_1997 = vector.broadcast %reduce_sum3A_1996 : i1 to vector<16xi1>
    %reduce_sum3A_1998 = tpu.scan <sum>, %select_n3A_1995 masked %reduce_sum3A_1997 : vector<16xi32>, vector<16xi1> -> vector<16xi32>
    %reduce_sum3A_1999 = vector.extract %reduce_sum3A_1998[15] : i32 from vector<16xi32>
    %swap3A_2000 = arith.constant 177 : i32
    %swap3A_2001 = arith.index_cast %swap3A_2000 : i32 to index
    %swap3A_2002 = memref.load %arg6[%swap3A_2001] : memref<256xi32, #tpu.memory_space<smem>>
    memref.store %reduce_sum3A_1999, %arg6[%swap3A_2001] : memref<256xi32, #tpu.memory_space<smem>>
    %eq3A_2003 = arith.constant 2 : i32
    %eq3A_2004 = vector.broadcast %eq3A_2003 : i32 to vector<16xi32>
    %eq3A_2005 = arith.cmpi eq, %iota3A, %eq3A_2004 : vector<16xi32>
    %select_n3A_2006 = arith.select %eq3A_2005, %get3A_1980, %broadcast_in_dim3A_1 : vector<16xi1>, vector<16xi32>
    %reduce_sum3A_2007 = arith.constant true
    %reduce_sum3A_2008 = vector.broadcast %reduce_sum3A_2007 : i1 to vector<16xi1>
    %reduce_sum3A_2009 = tpu.scan <sum>, %select_n3A_2006 masked %reduce_sum3A_2008 : vector<16xi32>, vector<16xi1> -> vector<16xi32>
    %reduce_sum3A_2010 = vector.extract %reduce_sum3A_2009[15] : i32 from vector<16xi32>
    %swap3A_2011 = arith.constant 178 : i32
    %swap3A_2012 = arith.index_cast %swap3A_2011 : i32 to index
    %swap3A_2013 = memref.load %arg6[%swap3A_2012] : memref<256xi32, #tpu.memory_space<smem>>
    memref.store %reduce_sum3A_2010, %arg6[%swap3A_2012] : memref<256xi32, #tpu.memory_space<smem>>
    %eq3A_2014 = arith.constant 3 : i32
    %eq3A_2015 = vector.broadcast %eq3A_2014 : i32 to vector<16xi32>
    %eq3A_2016 = arith.cmpi eq, %iota3A, %eq3A_2015 : vector<16xi32>
    %select_n3A_2017 = arith.select %eq3A_2016, %get3A_1980, %broadcast_in_dim3A_1 : vector<16xi1>, vector<16xi32>
    %reduce_sum3A_2018 = arith.constant true
    %reduce_sum3A_2019 = vector.broadcast %reduce_sum3A_2018 : i1 to vector<16xi1>
    %reduce_sum3A_2020 = tpu.scan <sum>, %select_n3A_2017 masked %reduce_sum3A_2019 : vector<16xi32>, vector<16xi1> -> vector<16xi32>
    %reduce_sum3A_2021 = vector.extract %reduce_sum3A_2020[15] : i32 from vector<16xi32>
    %swap3A_2022 = arith.constant 179 : i32
    %swap3A_2023 = arith.index_cast %swap3A_2022 : i32 to index
    %swap3A_2024 = memref.load %arg6[%swap3A_2023] : memref<256xi32, #tpu.memory_space<smem>>
    memref.store %reduce_sum3A_2021, %arg6[%swap3A_2023] : memref<256xi32, #tpu.memory_space<smem>>
    %eq3A_2025 = arith.constant 4 : i32
    %eq3A_2026 = vector.broadcast %eq3A_2025 : i32 to vector<16xi32>
    %eq3A_2027 = arith.cmpi eq, %iota3A, %eq3A_2026 : vector<16xi32>
    %select_n3A_2028 = arith.select %eq3A_2027, %get3A_1980, %broadcast_in_dim3A_1 : vector<16xi1>, vector<16xi32>
    %reduce_sum3A_2029 = arith.constant true
    %reduce_sum3A_2030 = vector.broadcast %reduce_sum3A_2029 : i1 to vector<16xi1>
    %reduce_sum3A_2031 = tpu.scan <sum>, %select_n3A_2028 masked %reduce_sum3A_2030 : vector<16xi32>, vector<16xi1> -> vector<16xi32>
    %reduce_sum3A_2032 = vector.extract %reduce_sum3A_2031[15] : i32 from vector<16xi32>
    %swap3A_2033 = arith.constant 180 : i32
    %swap3A_2034 = arith.index_cast %swap3A_2033 : i32 to index
    %swap3A_2035 = memref.load %arg6[%swap3A_2034] : memref<256xi32, #tpu.memory_space<smem>>
    memref.store %reduce_sum3A_2032, %arg6[%swap3A_2034] : memref<256xi32, #tpu.memory_space<smem>>
    %eq3A_2036 = arith.constant 5 : i32
    %eq3A_2037 = vector.broadcast %eq3A_2036 : i32 to vector<16xi32>
    %eq3A_2038 = arith.cmpi eq, %iota3A, %eq3A_2037 : vector<16xi32>
    %select_n3A_2039 = arith.select %eq3A_2038, %get3A_1980, %broadcast_in_dim3A_1 : vector<16xi1>, vector<16xi32>
    %reduce_sum3A_2040 = arith.constant true
    %reduce_sum3A_2041 = vector.broadcast %reduce_sum3A_2040 : i1 to vector<16xi1>
    %reduce_sum3A_2042 = tpu.scan <sum>, %select_n3A_2039 masked %reduce_sum3A_2041 : vector<16xi32>, vector<16xi1> -> vector<16xi32>
    %reduce_sum3A_2043 = vector.extract %reduce_sum3A_2042[15] : i32 from vector<16xi32>
    %swap3A_2044 = arith.constant 181 : i32
    %swap3A_2045 = arith.index_cast %swap3A_2044 : i32 to index
    %swap3A_2046 = memref.load %arg6[%swap3A_2045] : memref<256xi32, #tpu.memory_space<smem>>
    memref.store %reduce_sum3A_2043, %arg6[%swap3A_2045] : memref<256xi32, #tpu.memory_space<smem>>
    %eq3A_2047 = arith.constant 6 : i32
    %eq3A_2048 = vector.broadcast %eq3A_2047 : i32 to vector<16xi32>
    %eq3A_2049 = arith.cmpi eq, %iota3A, %eq3A_2048 : vector<16xi32>
    %select_n3A_2050 = arith.select %eq3A_2049, %get3A_1980, %broadcast_in_dim3A_1 : vector<16xi1>, vector<16xi32>
    %reduce_sum3A_2051 = arith.constant true
    %reduce_sum3A_2052 = vector.broadcast %reduce_sum3A_2051 : i1 to vector<16xi1>
    %reduce_sum3A_2053 = tpu.scan <sum>, %select_n3A_2050 masked %reduce_sum3A_2052 : vector<16xi32>, vector<16xi1> -> vector<16xi32>
    %reduce_sum3A_2054 = vector.extract %reduce_sum3A_2053[15] : i32 from vector<16xi32>
    %swap3A_2055 = arith.constant 182 : i32
    %swap3A_2056 = arith.index_cast %swap3A_2055 : i32 to index
    %swap3A_2057 = memref.load %arg6[%swap3A_2056] : memref<256xi32, #tpu.memory_space<smem>>
    memref.store %reduce_sum3A_2054, %arg6[%swap3A_2056] : memref<256xi32, #tpu.memory_space<smem>>
    %eq3A_2058 = arith.constant 7 : i32
    %eq3A_2059 = vector.broadcast %eq3A_2058 : i32 to vector<16xi32>
    %eq3A_2060 = arith.cmpi eq, %iota3A, %eq3A_2059 : vector<16xi32>
    %select_n3A_2061 = arith.select %eq3A_2060, %get3A_1980, %broadcast_in_dim3A_1 : vector<16xi1>, vector<16xi32>
    %reduce_sum3A_2062 = arith.constant true
    %reduce_sum3A_2063 = vector.broadcast %reduce_sum3A_2062 : i1 to vector<16xi1>
    %reduce_sum3A_2064 = tpu.scan <sum>, %select_n3A_2061 masked %reduce_sum3A_2063 : vector<16xi32>, vector<16xi1> -> vector<16xi32>
    %reduce_sum3A_2065 = vector.extract %reduce_sum3A_2064[15] : i32 from vector<16xi32>
    %swap3A_2066 = arith.constant 183 : i32
    %swap3A_2067 = arith.index_cast %swap3A_2066 : i32 to index
    %swap3A_2068 = memref.load %arg6[%swap3A_2067] : memref<256xi32, #tpu.memory_space<smem>>
    memref.store %reduce_sum3A_2065, %arg6[%swap3A_2067] : memref<256xi32, #tpu.memory_space<smem>>
    %eq3A_2069 = arith.constant 8 : i32
    %eq3A_2070 = vector.broadcast %eq3A_2069 : i32 to vector<16xi32>
    %eq3A_2071 = arith.cmpi eq, %iota3A, %eq3A_2070 : vector<16xi32>
    %select_n3A_2072 = arith.select %eq3A_2071, %get3A_1980, %broadcast_in_dim3A_1 : vector<16xi1>, vector<16xi32>
    %reduce_sum3A_2073 = arith.constant true
    %reduce_sum3A_2074 = vector.broadcast %reduce_sum3A_2073 : i1 to vector<16xi1>
    %reduce_sum3A_2075 = tpu.scan <sum>, %select_n3A_2072 masked %reduce_sum3A_2074 : vector<16xi32>, vector<16xi1> -> vector<16xi32>
    %reduce_sum3A_2076 = vector.extract %reduce_sum3A_2075[15] : i32 from vector<16xi32>
    %swap3A_2077 = arith.constant 184 : i32
    %swap3A_2078 = arith.index_cast %swap3A_2077 : i32 to index
    %swap3A_2079 = memref.load %arg6[%swap3A_2078] : memref<256xi32, #tpu.memory_space<smem>>
    memref.store %reduce_sum3A_2076, %arg6[%swap3A_2078] : memref<256xi32, #tpu.memory_space<smem>>
    %eq3A_2080 = arith.constant 9 : i32
    %eq3A_2081 = vector.broadcast %eq3A_2080 : i32 to vector<16xi32>
    %eq3A_2082 = arith.cmpi eq, %iota3A, %eq3A_2081 : vector<16xi32>
    %select_n3A_2083 = arith.select %eq3A_2082, %get3A_1980, %broadcast_in_dim3A_1 : vector<16xi1>, vector<16xi32>
    %reduce_sum3A_2084 = arith.constant true
    %reduce_sum3A_2085 = vector.broadcast %reduce_sum3A_2084 : i1 to vector<16xi1>
    %reduce_sum3A_2086 = tpu.scan <sum>, %select_n3A_2083 masked %reduce_sum3A_2085 : vector<16xi32>, vector<16xi1> -> vector<16xi32>
    %reduce_sum3A_2087 = vector.extract %reduce_sum3A_2086[15] : i32 from vector<16xi32>
    %swap3A_2088 = arith.constant 185 : i32
    %swap3A_2089 = arith.index_cast %swap3A_2088 : i32 to index
    %swap3A_2090 = memref.load %arg6[%swap3A_2089] : memref<256xi32, #tpu.memory_space<smem>>
    memref.store %reduce_sum3A_2087, %arg6[%swap3A_2089] : memref<256xi32, #tpu.memory_space<smem>>
    %eq3A_2091 = arith.constant 10 : i32
    %eq3A_2092 = vector.broadcast %eq3A_2091 : i32 to vector<16xi32>
    %eq3A_2093 = arith.cmpi eq, %iota3A, %eq3A_2092 : vector<16xi32>
    %select_n3A_2094 = arith.select %eq3A_2093, %get3A_1980, %broadcast_in_dim3A_1 : vector<16xi1>, vector<16xi32>
    %reduce_sum3A_2095 = arith.constant true
    %reduce_sum3A_2096 = vector.broadcast %reduce_sum3A_2095 : i1 to vector<16xi1>
    %reduce_sum3A_2097 = tpu.scan <sum>, %select_n3A_2094 masked %reduce_sum3A_2096 : vector<16xi32>, vector<16xi1> -> vector<16xi32>
    %reduce_sum3A_2098 = vector.extract %reduce_sum3A_2097[15] : i32 from vector<16xi32>
    %swap3A_2099 = arith.constant 186 : i32
    %swap3A_2100 = arith.index_cast %swap3A_2099 : i32 to index
    %swap3A_2101 = memref.load %arg6[%swap3A_2100] : memref<256xi32, #tpu.memory_space<smem>>
    memref.store %reduce_sum3A_2098, %arg6[%swap3A_2100] : memref<256xi32, #tpu.memory_space<smem>>
    %eq3A_2102 = arith.constant 11 : i32
    %eq3A_2103 = vector.broadcast %eq3A_2102 : i32 to vector<16xi32>
    %eq3A_2104 = arith.cmpi eq, %iota3A, %eq3A_2103 : vector<16xi32>
    %select_n3A_2105 = arith.select %eq3A_2104, %get3A_1980, %broadcast_in_dim3A_1 : vector<16xi1>, vector<16xi32>
    %reduce_sum3A_2106 = arith.constant true
    %reduce_sum3A_2107 = vector.broadcast %reduce_sum3A_2106 : i1 to vector<16xi1>
    %reduce_sum3A_2108 = tpu.scan <sum>, %select_n3A_2105 masked %reduce_sum3A_2107 : vector<16xi32>, vector<16xi1> -> vector<16xi32>
    %reduce_sum3A_2109 = vector.extract %reduce_sum3A_2108[15] : i32 from vector<16xi32>
    %swap3A_2110 = arith.constant 187 : i32
    %swap3A_2111 = arith.index_cast %swap3A_2110 : i32 to index
    %swap3A_2112 = memref.load %arg6[%swap3A_2111] : memref<256xi32, #tpu.memory_space<smem>>
    memref.store %reduce_sum3A_2109, %arg6[%swap3A_2111] : memref<256xi32, #tpu.memory_space<smem>>
    %eq3A_2113 = arith.constant 12 : i32
    %eq3A_2114 = vector.broadcast %eq3A_2113 : i32 to vector<16xi32>
    %eq3A_2115 = arith.cmpi eq, %iota3A, %eq3A_2114 : vector<16xi32>
    %select_n3A_2116 = arith.select %eq3A_2115, %get3A_1980, %broadcast_in_dim3A_1 : vector<16xi1>, vector<16xi32>
    %reduce_sum3A_2117 = arith.constant true
    %reduce_sum3A_2118 = vector.broadcast %reduce_sum3A_2117 : i1 to vector<16xi1>
    %reduce_sum3A_2119 = tpu.scan <sum>, %select_n3A_2116 masked %reduce_sum3A_2118 : vector<16xi32>, vector<16xi1> -> vector<16xi32>
    %reduce_sum3A_2120 = vector.extract %reduce_sum3A_2119[15] : i32 from vector<16xi32>
    %swap3A_2121 = arith.constant 188 : i32
    %swap3A_2122 = arith.index_cast %swap3A_2121 : i32 to index
    %swap3A_2123 = memref.load %arg6[%swap3A_2122] : memref<256xi32, #tpu.memory_space<smem>>
    memref.store %reduce_sum3A_2120, %arg6[%swap3A_2122] : memref<256xi32, #tpu.memory_space<smem>>
    %eq3A_2124 = arith.constant 13 : i32
    %eq3A_2125 = vector.broadcast %eq3A_2124 : i32 to vector<16xi32>
    %eq3A_2126 = arith.cmpi eq, %iota3A, %eq3A_2125 : vector<16xi32>
    %select_n3A_2127 = arith.select %eq3A_2126, %get3A_1980, %broadcast_in_dim3A_1 : vector<16xi1>, vector<16xi32>
    %reduce_sum3A_2128 = arith.constant true
    %reduce_sum3A_2129 = vector.broadcast %reduce_sum3A_2128 : i1 to vector<16xi1>
    %reduce_sum3A_2130 = tpu.scan <sum>, %select_n3A_2127 masked %reduce_sum3A_2129 : vector<16xi32>, vector<16xi1> -> vector<16xi32>
    %reduce_sum3A_2131 = vector.extract %reduce_sum3A_2130[15] : i32 from vector<16xi32>
    %swap3A_2132 = arith.constant 189 : i32
    %swap3A_2133 = arith.index_cast %swap3A_2132 : i32 to index
    %swap3A_2134 = memref.load %arg6[%swap3A_2133] : memref<256xi32, #tpu.memory_space<smem>>
    memref.store %reduce_sum3A_2131, %arg6[%swap3A_2133] : memref<256xi32, #tpu.memory_space<smem>>
    %eq3A_2135 = arith.constant 14 : i32
    %eq3A_2136 = vector.broadcast %eq3A_2135 : i32 to vector<16xi32>
    %eq3A_2137 = arith.cmpi eq, %iota3A, %eq3A_2136 : vector<16xi32>
    %select_n3A_2138 = arith.select %eq3A_2137, %get3A_1980, %broadcast_in_dim3A_1 : vector<16xi1>, vector<16xi32>
    %reduce_sum3A_2139 = arith.constant true
    %reduce_sum3A_2140 = vector.broadcast %reduce_sum3A_2139 : i1 to vector<16xi1>
    %reduce_sum3A_2141 = tpu.scan <sum>, %select_n3A_2138 masked %reduce_sum3A_2140 : vector<16xi32>, vector<16xi1> -> vector<16xi32>
    %reduce_sum3A_2142 = vector.extract %reduce_sum3A_2141[15] : i32 from vector<16xi32>
    %swap3A_2143 = arith.constant 190 : i32
    %swap3A_2144 = arith.index_cast %swap3A_2143 : i32 to index
    %swap3A_2145 = memref.load %arg6[%swap3A_2144] : memref<256xi32, #tpu.memory_space<smem>>
    memref.store %reduce_sum3A_2142, %arg6[%swap3A_2144] : memref<256xi32, #tpu.memory_space<smem>>
    %eq3A_2146 = arith.constant 15 : i32
    %eq3A_2147 = vector.broadcast %eq3A_2146 : i32 to vector<16xi32>
    %eq3A_2148 = arith.cmpi eq, %iota3A, %eq3A_2147 : vector<16xi32>
    %select_n3A_2149 = arith.select %eq3A_2148, %get3A_1980, %broadcast_in_dim3A_1 : vector<16xi1>, vector<16xi32>
    %reduce_sum3A_2150 = arith.constant true
    %reduce_sum3A_2151 = vector.broadcast %reduce_sum3A_2150 : i1 to vector<16xi1>
    %reduce_sum3A_2152 = tpu.scan <sum>, %select_n3A_2149 masked %reduce_sum3A_2151 : vector<16xi32>, vector<16xi1> -> vector<16xi32>
    %reduce_sum3A_2153 = vector.extract %reduce_sum3A_2152[15] : i32 from vector<16xi32>
    %swap3A_2154 = arith.constant 191 : i32
    %swap3A_2155 = arith.index_cast %swap3A_2154 : i32 to index
    %swap3A_2156 = memref.load %arg6[%swap3A_2155] : memref<256xi32, #tpu.memory_space<smem>>
    memref.store %reduce_sum3A_2153, %arg6[%swap3A_2155] : memref<256xi32, #tpu.memory_space<smem>>
    %get3A_2157 = arith.constant 1 : i32
    %get3A_2158 = arith.index_cast %get3A_2157 : i32 to index
    %get3A_2159 = arith.constant 64 : index
    %get3A_2160 = tpu.vector_load %arg5[%get3A_2158, %get3A_2159] {strides = array<i32>} : memref<2x128xi32, #tpu.memory_space<vmem>>, vector<16xi32>,
    %eq3A_2161 = arith.constant 0 : i32
    %eq3A_2162 = vector.broadcast %eq3A_2161 : i32 to vector<16xi32>
    %eq3A_2163 = arith.cmpi eq, %iota3A, %eq3A_2162 : vector<16xi32>
    %select_n3A_2164 = arith.select %eq3A_2163, %get3A_2160, %broadcast_in_dim3A_1 : vector<16xi1>, vector<16xi32>
    %reduce_sum3A_2165 = arith.constant true
    %reduce_sum3A_2166 = vector.broadcast %reduce_sum3A_2165 : i1 to vector<16xi1>
    %reduce_sum3A_2167 = tpu.scan <sum>, %select_n3A_2164 masked %reduce_sum3A_2166 : vector<16xi32>, vector<16xi1> -> vector<16xi32>
    %reduce_sum3A_2168 = vector.extract %reduce_sum3A_2167[15] : i32 from vector<16xi32>
    %swap3A_2169 = arith.constant 192 : i32
    %swap3A_2170 = arith.index_cast %swap3A_2169 : i32 to index
    %swap3A_2171 = memref.load %arg6[%swap3A_2170] : memref<256xi32, #tpu.memory_space<smem>>
    memref.store %reduce_sum3A_2168, %arg6[%swap3A_2170] : memref<256xi32, #tpu.memory_space<smem>>
    %eq3A_2172 = arith.constant 1 : i32
    %eq3A_2173 = vector.broadcast %eq3A_2172 : i32 to vector<16xi32>
    %eq3A_2174 = arith.cmpi eq, %iota3A, %eq3A_2173 : vector<16xi32>
    %select_n3A_2175 = arith.select %eq3A_2174, %get3A_2160, %broadcast_in_dim3A_1 : vector<16xi1>, vector<16xi32>
    %reduce_sum3A_2176 = arith.constant true
    %reduce_sum3A_2177 = vector.broadcast %reduce_sum3A_2176 : i1 to vector<16xi1>
    %reduce_sum3A_2178 = tpu.scan <sum>, %select_n3A_2175 masked %reduce_sum3A_2177 : vector<16xi32>, vector<16xi1> -> vector<16xi32>
    %reduce_sum3A_2179 = vector.extract %reduce_sum3A_2178[15] : i32 from vector<16xi32>
    %swap3A_2180 = arith.constant 193 : i32
    %swap3A_2181 = arith.index_cast %swap3A_2180 : i32 to index
    %swap3A_2182 = memref.load %arg6[%swap3A_2181] : memref<256xi32, #tpu.memory_space<smem>>
    memref.store %reduce_sum3A_2179, %arg6[%swap3A_2181] : memref<256xi32, #tpu.memory_space<smem>>
    %eq3A_2183 = arith.constant 2 : i32
    %eq3A_2184 = vector.broadcast %eq3A_2183 : i32 to vector<16xi32>
    %eq3A_2185 = arith.cmpi eq, %iota3A, %eq3A_2184 : vector<16xi32>
    %select_n3A_2186 = arith.select %eq3A_2185, %get3A_2160, %broadcast_in_dim3A_1 : vector<16xi1>, vector<16xi32>
    %reduce_sum3A_2187 = arith.constant true
    %reduce_sum3A_2188 = vector.broadcast %reduce_sum3A_2187 : i1 to vector<16xi1>
    %reduce_sum3A_2189 = tpu.scan <sum>, %select_n3A_2186 masked %reduce_sum3A_2188 : vector<16xi32>, vector<16xi1> -> vector<16xi32>
    %reduce_sum3A_2190 = vector.extract %reduce_sum3A_2189[15] : i32 from vector<16xi32>
    %swap3A_2191 = arith.constant 194 : i32
    %swap3A_2192 = arith.index_cast %swap3A_2191 : i32 to index
    %swap3A_2193 = memref.load %arg6[%swap3A_2192] : memref<256xi32, #tpu.memory_space<smem>>
    memref.store %reduce_sum3A_2190, %arg6[%swap3A_2192] : memref<256xi32, #tpu.memory_space<smem>>
    %eq3A_2194 = arith.constant 3 : i32
    %eq3A_2195 = vector.broadcast %eq3A_2194 : i32 to vector<16xi32>
    %eq3A_2196 = arith.cmpi eq, %iota3A, %eq3A_2195 : vector<16xi32>
    %select_n3A_2197 = arith.select %eq3A_2196, %get3A_2160, %broadcast_in_dim3A_1 : vector<16xi1>, vector<16xi32>
    %reduce_sum3A_2198 = arith.constant true
    %reduce_sum3A_2199 = vector.broadcast %reduce_sum3A_2198 : i1 to vector<16xi1>
    %reduce_sum3A_2200 = tpu.scan <sum>, %select_n3A_2197 masked %reduce_sum3A_2199 : vector<16xi32>, vector<16xi1> -> vector<16xi32>
    %reduce_sum3A_2201 = vector.extract %reduce_sum3A_2200[15] : i32 from vector<16xi32>
    %swap3A_2202 = arith.constant 195 : i32
    %swap3A_2203 = arith.index_cast %swap3A_2202 : i32 to index
    %swap3A_2204 = memref.load %arg6[%swap3A_2203] : memref<256xi32, #tpu.memory_space<smem>>
    memref.store %reduce_sum3A_2201, %arg6[%swap3A_2203] : memref<256xi32, #tpu.memory_space<smem>>
    %eq3A_2205 = arith.constant 4 : i32
    %eq3A_2206 = vector.broadcast %eq3A_2205 : i32 to vector<16xi32>
    %eq3A_2207 = arith.cmpi eq, %iota3A, %eq3A_2206 : vector<16xi32>
    %select_n3A_2208 = arith.select %eq3A_2207, %get3A_2160, %broadcast_in_dim3A_1 : vector<16xi1>, vector<16xi32>
    %reduce_sum3A_2209 = arith.constant true
    %reduce_sum3A_2210 = vector.broadcast %reduce_sum3A_2209 : i1 to vector<16xi1>
    %reduce_sum3A_2211 = tpu.scan <sum>, %select_n3A_2208 masked %reduce_sum3A_2210 : vector<16xi32>, vector<16xi1> -> vector<16xi32>
    %reduce_sum3A_2212 = vector.extract %reduce_sum3A_2211[15] : i32 from vector<16xi32>
    %swap3A_2213 = arith.constant 196 : i32
    %swap3A_2214 = arith.index_cast %swap3A_2213 : i32 to index
    %swap3A_2215 = memref.load %arg6[%swap3A_2214] : memref<256xi32, #tpu.memory_space<smem>>
    memref.store %reduce_sum3A_2212, %arg6[%swap3A_2214] : memref<256xi32, #tpu.memory_space<smem>>
    %eq3A_2216 = arith.constant 5 : i32
    %eq3A_2217 = vector.broadcast %eq3A_2216 : i32 to vector<16xi32>
    %eq3A_2218 = arith.cmpi eq, %iota3A, %eq3A_2217 : vector<16xi32>
    %select_n3A_2219 = arith.select %eq3A_2218, %get3A_2160, %broadcast_in_dim3A_1 : vector<16xi1>, vector<16xi32>
    %reduce_sum3A_2220 = arith.constant true
    %reduce_sum3A_2221 = vector.broadcast %reduce_sum3A_2220 : i1 to vector<16xi1>
    %reduce_sum3A_2222 = tpu.scan <sum>, %select_n3A_2219 masked %reduce_sum3A_2221 : vector<16xi32>, vector<16xi1> -> vector<16xi32>
    %reduce_sum3A_2223 = vector.extract %reduce_sum3A_2222[15] : i32 from vector<16xi32>
    %swap3A_2224 = arith.constant 197 : i32
    %swap3A_2225 = arith.index_cast %swap3A_2224 : i32 to index
    %swap3A_2226 = memref.load %arg6[%swap3A_2225] : memref<256xi32, #tpu.memory_space<smem>>
    memref.store %reduce_sum3A_2223, %arg6[%swap3A_2225] : memref<256xi32, #tpu.memory_space<smem>>
    %eq3A_2227 = arith.constant 6 : i32
    %eq3A_2228 = vector.broadcast %eq3A_2227 : i32 to vector<16xi32>
    %eq3A_2229 = arith.cmpi eq, %iota3A, %eq3A_2228 : vector<16xi32>
    %select_n3A_2230 = arith.select %eq3A_2229, %get3A_2160, %broadcast_in_dim3A_1 : vector<16xi1>, vector<16xi32>
    %reduce_sum3A_2231 = arith.constant true
    %reduce_sum3A_2232 = vector.broadcast %reduce_sum3A_2231 : i1 to vector<16xi1>
    %reduce_sum3A_2233 = tpu.scan <sum>, %select_n3A_2230 masked %reduce_sum3A_2232 : vector<16xi32>, vector<16xi1> -> vector<16xi32>
    %reduce_sum3A_2234 = vector.extract %reduce_sum3A_2233[15] : i32 from vector<16xi32>
    %swap3A_2235 = arith.constant 198 : i32
    %swap3A_2236 = arith.index_cast %swap3A_2235 : i32 to index
    %swap3A_2237 = memref.load %arg6[%swap3A_2236] : memref<256xi32, #tpu.memory_space<smem>>
    memref.store %reduce_sum3A_2234, %arg6[%swap3A_2236] : memref<256xi32, #tpu.memory_space<smem>>
    %eq3A_2238 = arith.constant 7 : i32
    %eq3A_2239 = vector.broadcast %eq3A_2238 : i32 to vector<16xi32>
    %eq3A_2240 = arith.cmpi eq, %iota3A, %eq3A_2239 : vector<16xi32>
    %select_n3A_2241 = arith.select %eq3A_2240, %get3A_2160, %broadcast_in_dim3A_1 : vector<16xi1>, vector<16xi32>
    %reduce_sum3A_2242 = arith.constant true
    %reduce_sum3A_2243 = vector.broadcast %reduce_sum3A_2242 : i1 to vector<16xi1>
    %reduce_sum3A_2244 = tpu.scan <sum>, %select_n3A_2241 masked %reduce_sum3A_2243 : vector<16xi32>, vector<16xi1> -> vector<16xi32>
    %reduce_sum3A_2245 = vector.extract %reduce_sum3A_2244[15] : i32 from vector<16xi32>
    %swap3A_2246 = arith.constant 199 : i32
    %swap3A_2247 = arith.index_cast %swap3A_2246 : i32 to index
    %swap3A_2248 = memref.load %arg6[%swap3A_2247] : memref<256xi32, #tpu.memory_space<smem>>
    memref.store %reduce_sum3A_2245, %arg6[%swap3A_2247] : memref<256xi32, #tpu.memory_space<smem>>
    %eq3A_2249 = arith.constant 8 : i32
    %eq3A_2250 = vector.broadcast %eq3A_2249 : i32 to vector<16xi32>
    %eq3A_2251 = arith.cmpi eq, %iota3A, %eq3A_2250 : vector<16xi32>
    %select_n3A_2252 = arith.select %eq3A_2251, %get3A_2160, %broadcast_in_dim3A_1 : vector<16xi1>, vector<16xi32>
    %reduce_sum3A_2253 = arith.constant true
    %reduce_sum3A_2254 = vector.broadcast %reduce_sum3A_2253 : i1 to vector<16xi1>
    %reduce_sum3A_2255 = tpu.scan <sum>, %select_n3A_2252 masked %reduce_sum3A_2254 : vector<16xi32>, vector<16xi1> -> vector<16xi32>
    %reduce_sum3A_2256 = vector.extract %reduce_sum3A_2255[15] : i32 from vector<16xi32>
    %swap3A_2257 = arith.constant 200 : i32
    %swap3A_2258 = arith.index_cast %swap3A_2257 : i32 to index
    %swap3A_2259 = memref.load %arg6[%swap3A_2258] : memref<256xi32, #tpu.memory_space<smem>>
    memref.store %reduce_sum3A_2256, %arg6[%swap3A_2258] : memref<256xi32, #tpu.memory_space<smem>>
    %eq3A_2260 = arith.constant 9 : i32
    %eq3A_2261 = vector.broadcast %eq3A_2260 : i32 to vector<16xi32>
    %eq3A_2262 = arith.cmpi eq, %iota3A, %eq3A_2261 : vector<16xi32>
    %select_n3A_2263 = arith.select %eq3A_2262, %get3A_2160, %broadcast_in_dim3A_1 : vector<16xi1>, vector<16xi32>
    %reduce_sum3A_2264 = arith.constant true
    %reduce_sum3A_2265 = vector.broadcast %reduce_sum3A_2264 : i1 to vector<16xi1>
    %reduce_sum3A_2266 = tpu.scan <sum>, %select_n3A_2263 masked %reduce_sum3A_2265 : vector<16xi32>, vector<16xi1> -> vector<16xi32>
    %reduce_sum3A_2267 = vector.extract %reduce_sum3A_2266[15] : i32 from vector<16xi32>
    %swap3A_2268 = arith.constant 201 : i32
    %swap3A_2269 = arith.index_cast %swap3A_2268 : i32 to index
    %swap3A_2270 = memref.load %arg6[%swap3A_2269] : memref<256xi32, #tpu.memory_space<smem>>
    memref.store %reduce_sum3A_2267, %arg6[%swap3A_2269] : memref<256xi32, #tpu.memory_space<smem>>
    %eq3A_2271 = arith.constant 10 : i32
    %eq3A_2272 = vector.broadcast %eq3A_2271 : i32 to vector<16xi32>
    %eq3A_2273 = arith.cmpi eq, %iota3A, %eq3A_2272 : vector<16xi32>
    %select_n3A_2274 = arith.select %eq3A_2273, %get3A_2160, %broadcast_in_dim3A_1 : vector<16xi1>, vector<16xi32>
    %reduce_sum3A_2275 = arith.constant true
    %reduce_sum3A_2276 = vector.broadcast %reduce_sum3A_2275 : i1 to vector<16xi1>
    %reduce_sum3A_2277 = tpu.scan <sum>, %select_n3A_2274 masked %reduce_sum3A_2276 : vector<16xi32>, vector<16xi1> -> vector<16xi32>
    %reduce_sum3A_2278 = vector.extract %reduce_sum3A_2277[15] : i32 from vector<16xi32>
    %swap3A_2279 = arith.constant 202 : i32
    %swap3A_2280 = arith.index_cast %swap3A_2279 : i32 to index
    %swap3A_2281 = memref.load %arg6[%swap3A_2280] : memref<256xi32, #tpu.memory_space<smem>>
    memref.store %reduce_sum3A_2278, %arg6[%swap3A_2280] : memref<256xi32, #tpu.memory_space<smem>>
    %eq3A_2282 = arith.constant 11 : i32
    %eq3A_2283 = vector.broadcast %eq3A_2282 : i32 to vector<16xi32>
    %eq3A_2284 = arith.cmpi eq, %iota3A, %eq3A_2283 : vector<16xi32>
    %select_n3A_2285 = arith.select %eq3A_2284, %get3A_2160, %broadcast_in_dim3A_1 : vector<16xi1>, vector<16xi32>
    %reduce_sum3A_2286 = arith.constant true
    %reduce_sum3A_2287 = vector.broadcast %reduce_sum3A_2286 : i1 to vector<16xi1>
    %reduce_sum3A_2288 = tpu.scan <sum>, %select_n3A_2285 masked %reduce_sum3A_2287 : vector<16xi32>, vector<16xi1> -> vector<16xi32>
    %reduce_sum3A_2289 = vector.extract %reduce_sum3A_2288[15] : i32 from vector<16xi32>
    %swap3A_2290 = arith.constant 203 : i32
    %swap3A_2291 = arith.index_cast %swap3A_2290 : i32 to index
    %swap3A_2292 = memref.load %arg6[%swap3A_2291] : memref<256xi32, #tpu.memory_space<smem>>
    memref.store %reduce_sum3A_2289, %arg6[%swap3A_2291] : memref<256xi32, #tpu.memory_space<smem>>
    %eq3A_2293 = arith.constant 12 : i32
    %eq3A_2294 = vector.broadcast %eq3A_2293 : i32 to vector<16xi32>
    %eq3A_2295 = arith.cmpi eq, %iota3A, %eq3A_2294 : vector<16xi32>
    %select_n3A_2296 = arith.select %eq3A_2295, %get3A_2160, %broadcast_in_dim3A_1 : vector<16xi1>, vector<16xi32>
    %reduce_sum3A_2297 = arith.constant true
    %reduce_sum3A_2298 = vector.broadcast %reduce_sum3A_2297 : i1 to vector<16xi1>
    %reduce_sum3A_2299 = tpu.scan <sum>, %select_n3A_2296 masked %reduce_sum3A_2298 : vector<16xi32>, vector<16xi1> -> vector<16xi32>
    %reduce_sum3A_2300 = vector.extract %reduce_sum3A_2299[15] : i32 from vector<16xi32>
    %swap3A_2301 = arith.constant 204 : i32
    %swap3A_2302 = arith.index_cast %swap3A_2301 : i32 to index
    %swap3A_2303 = memref.load %arg6[%swap3A_2302] : memref<256xi32, #tpu.memory_space<smem>>
    memref.store %reduce_sum3A_2300, %arg6[%swap3A_2302] : memref<256xi32, #tpu.memory_space<smem>>
    %eq3A_2304 = arith.constant 13 : i32
    %eq3A_2305 = vector.broadcast %eq3A_2304 : i32 to vector<16xi32>
    %eq3A_2306 = arith.cmpi eq, %iota3A, %eq3A_2305 : vector<16xi32>
    %select_n3A_2307 = arith.select %eq3A_2306, %get3A_2160, %broadcast_in_dim3A_1 : vector<16xi1>, vector<16xi32>
    %reduce_sum3A_2308 = arith.constant true
    %reduce_sum3A_2309 = vector.broadcast %reduce_sum3A_2308 : i1 to vector<16xi1>
    %reduce_sum3A_2310 = tpu.scan <sum>, %select_n3A_2307 masked %reduce_sum3A_2309 : vector<16xi32>, vector<16xi1> -> vector<16xi32>
    %reduce_sum3A_2311 = vector.extract %reduce_sum3A_2310[15] : i32 from vector<16xi32>
    %swap3A_2312 = arith.constant 205 : i32
    %swap3A_2313 = arith.index_cast %swap3A_2312 : i32 to index
    %swap3A_2314 = memref.load %arg6[%swap3A_2313] : memref<256xi32, #tpu.memory_space<smem>>
    memref.store %reduce_sum3A_2311, %arg6[%swap3A_2313] : memref<256xi32, #tpu.memory_space<smem>>
    %eq3A_2315 = arith.constant 14 : i32
    %eq3A_2316 = vector.broadcast %eq3A_2315 : i32 to vector<16xi32>
    %eq3A_2317 = arith.cmpi eq, %iota3A, %eq3A_2316 : vector<16xi32>
    %select_n3A_2318 = arith.select %eq3A_2317, %get3A_2160, %broadcast_in_dim3A_1 : vector<16xi1>, vector<16xi32>
    %reduce_sum3A_2319 = arith.constant true
    %reduce_sum3A_2320 = vector.broadcast %reduce_sum3A_2319 : i1 to vector<16xi1>
    %reduce_sum3A_2321 = tpu.scan <sum>, %select_n3A_2318 masked %reduce_sum3A_2320 : vector<16xi32>, vector<16xi1> -> vector<16xi32>
    %reduce_sum3A_2322 = vector.extract %reduce_sum3A_2321[15] : i32 from vector<16xi32>
    %swap3A_2323 = arith.constant 206 : i32
    %swap3A_2324 = arith.index_cast %swap3A_2323 : i32 to index
    %swap3A_2325 = memref.load %arg6[%swap3A_2324] : memref<256xi32, #tpu.memory_space<smem>>
    memref.store %reduce_sum3A_2322, %arg6[%swap3A_2324] : memref<256xi32, #tpu.memory_space<smem>>
    %eq3A_2326 = arith.constant 15 : i32
    %eq3A_2327 = vector.broadcast %eq3A_2326 : i32 to vector<16xi32>
    %eq3A_2328 = arith.cmpi eq, %iota3A, %eq3A_2327 : vector<16xi32>
    %select_n3A_2329 = arith.select %eq3A_2328, %get3A_2160, %broadcast_in_dim3A_1 : vector<16xi1>, vector<16xi32>
    %reduce_sum3A_2330 = arith.constant true
    %reduce_sum3A_2331 = vector.broadcast %reduce_sum3A_2330 : i1 to vector<16xi1>
    %reduce_sum3A_2332 = tpu.scan <sum>, %select_n3A_2329 masked %reduce_sum3A_2331 : vector<16xi32>, vector<16xi1> -> vector<16xi32>
    %reduce_sum3A_2333 = vector.extract %reduce_sum3A_2332[15] : i32 from vector<16xi32>
    %swap3A_2334 = arith.constant 207 : i32
    %swap3A_2335 = arith.index_cast %swap3A_2334 : i32 to index
    %swap3A_2336 = memref.load %arg6[%swap3A_2335] : memref<256xi32, #tpu.memory_space<smem>>
    memref.store %reduce_sum3A_2333, %arg6[%swap3A_2335] : memref<256xi32, #tpu.memory_space<smem>>
    %get3A_2337 = arith.constant 1 : i32
    %get3A_2338 = arith.index_cast %get3A_2337 : i32 to index
    %get3A_2339 = arith.constant 80 : index
    %get3A_2340 = tpu.vector_load %arg5[%get3A_2338, %get3A_2339] {strides = array<i32>} : memref<2x128xi32, #tpu.memory_space<vmem>>, vector<16xi32>,
    %eq3A_2341 = arith.constant 0 : i32
    %eq3A_2342 = vector.broadcast %eq3A_2341 : i32 to vector<16xi32>
    %eq3A_2343 = arith.cmpi eq, %iota3A, %eq3A_2342 : vector<16xi32>
    %select_n3A_2344 = arith.select %eq3A_2343, %get3A_2340, %broadcast_in_dim3A_1 : vector<16xi1>, vector<16xi32>
    %reduce_sum3A_2345 = arith.constant true
    %reduce_sum3A_2346 = vector.broadcast %reduce_sum3A_2345 : i1 to vector<16xi1>
    %reduce_sum3A_2347 = tpu.scan <sum>, %select_n3A_2344 masked %reduce_sum3A_2346 : vector<16xi32>, vector<16xi1> -> vector<16xi32>
    %reduce_sum3A_2348 = vector.extract %reduce_sum3A_2347[15] : i32 from vector<16xi32>
    %swap3A_2349 = arith.constant 208 : i32
    %swap3A_2350 = arith.index_cast %swap3A_2349 : i32 to index
    %swap3A_2351 = memref.load %arg6[%swap3A_2350] : memref<256xi32, #tpu.memory_space<smem>>
    memref.store %reduce_sum3A_2348, %arg6[%swap3A_2350] : memref<256xi32, #tpu.memory_space<smem>>
    %eq3A_2352 = arith.constant 1 : i32
    %eq3A_2353 = vector.broadcast %eq3A_2352 : i32 to vector<16xi32>
    %eq3A_2354 = arith.cmpi eq, %iota3A, %eq3A_2353 : vector<16xi32>
    %select_n3A_2355 = arith.select %eq3A_2354, %get3A_2340, %broadcast_in_dim3A_1 : vector<16xi1>, vector<16xi32>
    %reduce_sum3A_2356 = arith.constant true
    %reduce_sum3A_2357 = vector.broadcast %reduce_sum3A_2356 : i1 to vector<16xi1>
    %reduce_sum3A_2358 = tpu.scan <sum>, %select_n3A_2355 masked %reduce_sum3A_2357 : vector<16xi32>, vector<16xi1> -> vector<16xi32>
    %reduce_sum3A_2359 = vector.extract %reduce_sum3A_2358[15] : i32 from vector<16xi32>
    %swap3A_2360 = arith.constant 209 : i32
    %swap3A_2361 = arith.index_cast %swap3A_2360 : i32 to index
    %swap3A_2362 = memref.load %arg6[%swap3A_2361] : memref<256xi32, #tpu.memory_space<smem>>
    memref.store %reduce_sum3A_2359, %arg6[%swap3A_2361] : memref<256xi32, #tpu.memory_space<smem>>
    %eq3A_2363 = arith.constant 2 : i32
    %eq3A_2364 = vector.broadcast %eq3A_2363 : i32 to vector<16xi32>
    %eq3A_2365 = arith.cmpi eq, %iota3A, %eq3A_2364 : vector<16xi32>
    %select_n3A_2366 = arith.select %eq3A_2365, %get3A_2340, %broadcast_in_dim3A_1 : vector<16xi1>, vector<16xi32>
    %reduce_sum3A_2367 = arith.constant true
    %reduce_sum3A_2368 = vector.broadcast %reduce_sum3A_2367 : i1 to vector<16xi1>
    %reduce_sum3A_2369 = tpu.scan <sum>, %select_n3A_2366 masked %reduce_sum3A_2368 : vector<16xi32>, vector<16xi1> -> vector<16xi32>
    %reduce_sum3A_2370 = vector.extract %reduce_sum3A_2369[15] : i32 from vector<16xi32>
    %swap3A_2371 = arith.constant 210 : i32
    %swap3A_2372 = arith.index_cast %swap3A_2371 : i32 to index
    %swap3A_2373 = memref.load %arg6[%swap3A_2372] : memref<256xi32, #tpu.memory_space<smem>>
    memref.store %reduce_sum3A_2370, %arg6[%swap3A_2372] : memref<256xi32, #tpu.memory_space<smem>>
    %eq3A_2374 = arith.constant 3 : i32
    %eq3A_2375 = vector.broadcast %eq3A_2374 : i32 to vector<16xi32>
    %eq3A_2376 = arith.cmpi eq, %iota3A, %eq3A_2375 : vector<16xi32>
    %select_n3A_2377 = arith.select %eq3A_2376, %get3A_2340, %broadcast_in_dim3A_1 : vector<16xi1>, vector<16xi32>
    %reduce_sum3A_2378 = arith.constant true
    %reduce_sum3A_2379 = vector.broadcast %reduce_sum3A_2378 : i1 to vector<16xi1>
    %reduce_sum3A_2380 = tpu.scan <sum>, %select_n3A_2377 masked %reduce_sum3A_2379 : vector<16xi32>, vector<16xi1> -> vector<16xi32>
    %reduce_sum3A_2381 = vector.extract %reduce_sum3A_2380[15] : i32 from vector<16xi32>
    %swap3A_2382 = arith.constant 211 : i32
    %swap3A_2383 = arith.index_cast %swap3A_2382 : i32 to index
    %swap3A_2384 = memref.load %arg6[%swap3A_2383] : memref<256xi32, #tpu.memory_space<smem>>
    memref.store %reduce_sum3A_2381, %arg6[%swap3A_2383] : memref<256xi32, #tpu.memory_space<smem>>
    %eq3A_2385 = arith.constant 4 : i32
    %eq3A_2386 = vector.broadcast %eq3A_2385 : i32 to vector<16xi32>
    %eq3A_2387 = arith.cmpi eq, %iota3A, %eq3A_2386 : vector<16xi32>
    %select_n3A_2388 = arith.select %eq3A_2387, %get3A_2340, %broadcast_in_dim3A_1 : vector<16xi1>, vector<16xi32>
    %reduce_sum3A_2389 = arith.constant true
    %reduce_sum3A_2390 = vector.broadcast %reduce_sum3A_2389 : i1 to vector<16xi1>
    %reduce_sum3A_2391 = tpu.scan <sum>, %select_n3A_2388 masked %reduce_sum3A_2390 : vector<16xi32>, vector<16xi1> -> vector<16xi32>
    %reduce_sum3A_2392 = vector.extract %reduce_sum3A_2391[15] : i32 from vector<16xi32>
    %swap3A_2393 = arith.constant 212 : i32
    %swap3A_2394 = arith.index_cast %swap3A_2393 : i32 to index
    %swap3A_2395 = memref.load %arg6[%swap3A_2394] : memref<256xi32, #tpu.memory_space<smem>>
    memref.store %reduce_sum3A_2392, %arg6[%swap3A_2394] : memref<256xi32, #tpu.memory_space<smem>>
    %eq3A_2396 = arith.constant 5 : i32
    %eq3A_2397 = vector.broadcast %eq3A_2396 : i32 to vector<16xi32>
    %eq3A_2398 = arith.cmpi eq, %iota3A, %eq3A_2397 : vector<16xi32>
    %select_n3A_2399 = arith.select %eq3A_2398, %get3A_2340, %broadcast_in_dim3A_1 : vector<16xi1>, vector<16xi32>
    %reduce_sum3A_2400 = arith.constant true
    %reduce_sum3A_2401 = vector.broadcast %reduce_sum3A_2400 : i1 to vector<16xi1>
    %reduce_sum3A_2402 = tpu.scan <sum>, %select_n3A_2399 masked %reduce_sum3A_2401 : vector<16xi32>, vector<16xi1> -> vector<16xi32>
    %reduce_sum3A_2403 = vector.extract %reduce_sum3A_2402[15] : i32 from vector<16xi32>
    %swap3A_2404 = arith.constant 213 : i32
    %swap3A_2405 = arith.index_cast %swap3A_2404 : i32 to index
    %swap3A_2406 = memref.load %arg6[%swap3A_2405] : memref<256xi32, #tpu.memory_space<smem>>
    memref.store %reduce_sum3A_2403, %arg6[%swap3A_2405] : memref<256xi32, #tpu.memory_space<smem>>
    %eq3A_2407 = arith.constant 6 : i32
    %eq3A_2408 = vector.broadcast %eq3A_2407 : i32 to vector<16xi32>
    %eq3A_2409 = arith.cmpi eq, %iota3A, %eq3A_2408 : vector<16xi32>
    %select_n3A_2410 = arith.select %eq3A_2409, %get3A_2340, %broadcast_in_dim3A_1 : vector<16xi1>, vector<16xi32>
    %reduce_sum3A_2411 = arith.constant true
    %reduce_sum3A_2412 = vector.broadcast %reduce_sum3A_2411 : i1 to vector<16xi1>
    %reduce_sum3A_2413 = tpu.scan <sum>, %select_n3A_2410 masked %reduce_sum3A_2412 : vector<16xi32>, vector<16xi1> -> vector<16xi32>
    %reduce_sum3A_2414 = vector.extract %reduce_sum3A_2413[15] : i32 from vector<16xi32>
    %swap3A_2415 = arith.constant 214 : i32
    %swap3A_2416 = arith.index_cast %swap3A_2415 : i32 to index
    %swap3A_2417 = memref.load %arg6[%swap3A_2416] : memref<256xi32, #tpu.memory_space<smem>>
    memref.store %reduce_sum3A_2414, %arg6[%swap3A_2416] : memref<256xi32, #tpu.memory_space<smem>>
    %eq3A_2418 = arith.constant 7 : i32
    %eq3A_2419 = vector.broadcast %eq3A_2418 : i32 to vector<16xi32>
    %eq3A_2420 = arith.cmpi eq, %iota3A, %eq3A_2419 : vector<16xi32>
    %select_n3A_2421 = arith.select %eq3A_2420, %get3A_2340, %broadcast_in_dim3A_1 : vector<16xi1>, vector<16xi32>
    %reduce_sum3A_2422 = arith.constant true
    %reduce_sum3A_2423 = vector.broadcast %reduce_sum3A_2422 : i1 to vector<16xi1>
    %reduce_sum3A_2424 = tpu.scan <sum>, %select_n3A_2421 masked %reduce_sum3A_2423 : vector<16xi32>, vector<16xi1> -> vector<16xi32>
    %reduce_sum3A_2425 = vector.extract %reduce_sum3A_2424[15] : i32 from vector<16xi32>
    %swap3A_2426 = arith.constant 215 : i32
    %swap3A_2427 = arith.index_cast %swap3A_2426 : i32 to index
    %swap3A_2428 = memref.load %arg6[%swap3A_2427] : memref<256xi32, #tpu.memory_space<smem>>
    memref.store %reduce_sum3A_2425, %arg6[%swap3A_2427] : memref<256xi32, #tpu.memory_space<smem>>
    %eq3A_2429 = arith.constant 8 : i32
    %eq3A_2430 = vector.broadcast %eq3A_2429 : i32 to vector<16xi32>
    %eq3A_2431 = arith.cmpi eq, %iota3A, %eq3A_2430 : vector<16xi32>
    %select_n3A_2432 = arith.select %eq3A_2431, %get3A_2340, %broadcast_in_dim3A_1 : vector<16xi1>, vector<16xi32>
    %reduce_sum3A_2433 = arith.constant true
    %reduce_sum3A_2434 = vector.broadcast %reduce_sum3A_2433 : i1 to vector<16xi1>
    %reduce_sum3A_2435 = tpu.scan <sum>, %select_n3A_2432 masked %reduce_sum3A_2434 : vector<16xi32>, vector<16xi1> -> vector<16xi32>
    %reduce_sum3A_2436 = vector.extract %reduce_sum3A_2435[15] : i32 from vector<16xi32>
    %swap3A_2437 = arith.constant 216 : i32
    %swap3A_2438 = arith.index_cast %swap3A_2437 : i32 to index
    %swap3A_2439 = memref.load %arg6[%swap3A_2438] : memref<256xi32, #tpu.memory_space<smem>>
    memref.store %reduce_sum3A_2436, %arg6[%swap3A_2438] : memref<256xi32, #tpu.memory_space<smem>>
    %eq3A_2440 = arith.constant 9 : i32
    %eq3A_2441 = vector.broadcast %eq3A_2440 : i32 to vector<16xi32>
    %eq3A_2442 = arith.cmpi eq, %iota3A, %eq3A_2441 : vector<16xi32>
    %select_n3A_2443 = arith.select %eq3A_2442, %get3A_2340, %broadcast_in_dim3A_1 : vector<16xi1>, vector<16xi32>
    %reduce_sum3A_2444 = arith.constant true
    %reduce_sum3A_2445 = vector.broadcast %reduce_sum3A_2444 : i1 to vector<16xi1>
    %reduce_sum3A_2446 = tpu.scan <sum>, %select_n3A_2443 masked %reduce_sum3A_2445 : vector<16xi32>, vector<16xi1> -> vector<16xi32>
    %reduce_sum3A_2447 = vector.extract %reduce_sum3A_2446[15] : i32 from vector<16xi32>
    %swap3A_2448 = arith.constant 217 : i32
    %swap3A_2449 = arith.index_cast %swap3A_2448 : i32 to index
    %swap3A_2450 = memref.load %arg6[%swap3A_2449] : memref<256xi32, #tpu.memory_space<smem>>
    memref.store %reduce_sum3A_2447, %arg6[%swap3A_2449] : memref<256xi32, #tpu.memory_space<smem>>
    %eq3A_2451 = arith.constant 10 : i32
    %eq3A_2452 = vector.broadcast %eq3A_2451 : i32 to vector<16xi32>
    %eq3A_2453 = arith.cmpi eq, %iota3A, %eq3A_2452 : vector<16xi32>
    %select_n3A_2454 = arith.select %eq3A_2453, %get3A_2340, %broadcast_in_dim3A_1 : vector<16xi1>, vector<16xi32>
    %reduce_sum3A_2455 = arith.constant true
    %reduce_sum3A_2456 = vector.broadcast %reduce_sum3A_2455 : i1 to vector<16xi1>
    %reduce_sum3A_2457 = tpu.scan <sum>, %select_n3A_2454 masked %reduce_sum3A_2456 : vector<16xi32>, vector<16xi1> -> vector<16xi32>
    %reduce_sum3A_2458 = vector.extract %reduce_sum3A_2457[15] : i32 from vector<16xi32>
    %swap3A_2459 = arith.constant 218 : i32
    %swap3A_2460 = arith.index_cast %swap3A_2459 : i32 to index
    %swap3A_2461 = memref.load %arg6[%swap3A_2460] : memref<256xi32, #tpu.memory_space<smem>>
    memref.store %reduce_sum3A_2458, %arg6[%swap3A_2460] : memref<256xi32, #tpu.memory_space<smem>>
    %eq3A_2462 = arith.constant 11 : i32
    %eq3A_2463 = vector.broadcast %eq3A_2462 : i32 to vector<16xi32>
    %eq3A_2464 = arith.cmpi eq, %iota3A, %eq3A_2463 : vector<16xi32>
    %select_n3A_2465 = arith.select %eq3A_2464, %get3A_2340, %broadcast_in_dim3A_1 : vector<16xi1>, vector<16xi32>
    %reduce_sum3A_2466 = arith.constant true
    %reduce_sum3A_2467 = vector.broadcast %reduce_sum3A_2466 : i1 to vector<16xi1>
    %reduce_sum3A_2468 = tpu.scan <sum>, %select_n3A_2465 masked %reduce_sum3A_2467 : vector<16xi32>, vector<16xi1> -> vector<16xi32>
    %reduce_sum3A_2469 = vector.extract %reduce_sum3A_2468[15] : i32 from vector<16xi32>
    %swap3A_2470 = arith.constant 219 : i32
    %swap3A_2471 = arith.index_cast %swap3A_2470 : i32 to index
    %swap3A_2472 = memref.load %arg6[%swap3A_2471] : memref<256xi32, #tpu.memory_space<smem>>
    memref.store %reduce_sum3A_2469, %arg6[%swap3A_2471] : memref<256xi32, #tpu.memory_space<smem>>
    %eq3A_2473 = arith.constant 12 : i32
    %eq3A_2474 = vector.broadcast %eq3A_2473 : i32 to vector<16xi32>
    %eq3A_2475 = arith.cmpi eq, %iota3A, %eq3A_2474 : vector<16xi32>
    %select_n3A_2476 = arith.select %eq3A_2475, %get3A_2340, %broadcast_in_dim3A_1 : vector<16xi1>, vector<16xi32>
    %reduce_sum3A_2477 = arith.constant true
    %reduce_sum3A_2478 = vector.broadcast %reduce_sum3A_2477 : i1 to vector<16xi1>
    %reduce_sum3A_2479 = tpu.scan <sum>, %select_n3A_2476 masked %reduce_sum3A_2478 : vector<16xi32>, vector<16xi1> -> vector<16xi32>
    %reduce_sum3A_2480 = vector.extract %reduce_sum3A_2479[15] : i32 from vector<16xi32>
    %swap3A_2481 = arith.constant 220 : i32
    %swap3A_2482 = arith.index_cast %swap3A_2481 : i32 to index
    %swap3A_2483 = memref.load %arg6[%swap3A_2482] : memref<256xi32, #tpu.memory_space<smem>>
    memref.store %reduce_sum3A_2480, %arg6[%swap3A_2482] : memref<256xi32, #tpu.memory_space<smem>>
    %eq3A_2484 = arith.constant 13 : i32
    %eq3A_2485 = vector.broadcast %eq3A_2484 : i32 to vector<16xi32>
    %eq3A_2486 = arith.cmpi eq, %iota3A, %eq3A_2485 : vector<16xi32>
    %select_n3A_2487 = arith.select %eq3A_2486, %get3A_2340, %broadcast_in_dim3A_1 : vector<16xi1>, vector<16xi32>
    %reduce_sum3A_2488 = arith.constant true
    %reduce_sum3A_2489 = vector.broadcast %reduce_sum3A_2488 : i1 to vector<16xi1>
    %reduce_sum3A_2490 = tpu.scan <sum>, %select_n3A_2487 masked %reduce_sum3A_2489 : vector<16xi32>, vector<16xi1> -> vector<16xi32>
    %reduce_sum3A_2491 = vector.extract %reduce_sum3A_2490[15] : i32 from vector<16xi32>
    %swap3A_2492 = arith.constant 221 : i32
    %swap3A_2493 = arith.index_cast %swap3A_2492 : i32 to index
    %swap3A_2494 = memref.load %arg6[%swap3A_2493] : memref<256xi32, #tpu.memory_space<smem>>
    memref.store %reduce_sum3A_2491, %arg6[%swap3A_2493] : memref<256xi32, #tpu.memory_space<smem>>
    %eq3A_2495 = arith.constant 14 : i32
    %eq3A_2496 = vector.broadcast %eq3A_2495 : i32 to vector<16xi32>
    %eq3A_2497 = arith.cmpi eq, %iota3A, %eq3A_2496 : vector<16xi32>
    %select_n3A_2498 = arith.select %eq3A_2497, %get3A_2340, %broadcast_in_dim3A_1 : vector<16xi1>, vector<16xi32>
    %reduce_sum3A_2499 = arith.constant true
    %reduce_sum3A_2500 = vector.broadcast %reduce_sum3A_2499 : i1 to vector<16xi1>
    %reduce_sum3A_2501 = tpu.scan <sum>, %select_n3A_2498 masked %reduce_sum3A_2500 : vector<16xi32>, vector<16xi1> -> vector<16xi32>
    %reduce_sum3A_2502 = vector.extract %reduce_sum3A_2501[15] : i32 from vector<16xi32>
    %swap3A_2503 = arith.constant 222 : i32
    %swap3A_2504 = arith.index_cast %swap3A_2503 : i32 to index
    %swap3A_2505 = memref.load %arg6[%swap3A_2504] : memref<256xi32, #tpu.memory_space<smem>>
    memref.store %reduce_sum3A_2502, %arg6[%swap3A_2504] : memref<256xi32, #tpu.memory_space<smem>>
    %eq3A_2506 = arith.constant 15 : i32
    %eq3A_2507 = vector.broadcast %eq3A_2506 : i32 to vector<16xi32>
    %eq3A_2508 = arith.cmpi eq, %iota3A, %eq3A_2507 : vector<16xi32>
    %select_n3A_2509 = arith.select %eq3A_2508, %get3A_2340, %broadcast_in_dim3A_1 : vector<16xi1>, vector<16xi32>
    %reduce_sum3A_2510 = arith.constant true
    %reduce_sum3A_2511 = vector.broadcast %reduce_sum3A_2510 : i1 to vector<16xi1>
    %reduce_sum3A_2512 = tpu.scan <sum>, %select_n3A_2509 masked %reduce_sum3A_2511 : vector<16xi32>, vector<16xi1> -> vector<16xi32>
    %reduce_sum3A_2513 = vector.extract %reduce_sum3A_2512[15] : i32 from vector<16xi32>
    %swap3A_2514 = arith.constant 223 : i32
    %swap3A_2515 = arith.index_cast %swap3A_2514 : i32 to index
    %swap3A_2516 = memref.load %arg6[%swap3A_2515] : memref<256xi32, #tpu.memory_space<smem>>
    memref.store %reduce_sum3A_2513, %arg6[%swap3A_2515] : memref<256xi32, #tpu.memory_space<smem>>
    %get3A_2517 = arith.constant 1 : i32
    %get3A_2518 = arith.index_cast %get3A_2517 : i32 to index
    %get3A_2519 = arith.constant 96 : index
    %get3A_2520 = tpu.vector_load %arg5[%get3A_2518, %get3A_2519] {strides = array<i32>} : memref<2x128xi32, #tpu.memory_space<vmem>>, vector<16xi32>,
    %eq3A_2521 = arith.constant 0 : i32
    %eq3A_2522 = vector.broadcast %eq3A_2521 : i32 to vector<16xi32>
    %eq3A_2523 = arith.cmpi eq, %iota3A, %eq3A_2522 : vector<16xi32>
    %select_n3A_2524 = arith.select %eq3A_2523, %get3A_2520, %broadcast_in_dim3A_1 : vector<16xi1>, vector<16xi32>
    %reduce_sum3A_2525 = arith.constant true
    %reduce_sum3A_2526 = vector.broadcast %reduce_sum3A_2525 : i1 to vector<16xi1>
    %reduce_sum3A_2527 = tpu.scan <sum>, %select_n3A_2524 masked %reduce_sum3A_2526 : vector<16xi32>, vector<16xi1> -> vector<16xi32>
    %reduce_sum3A_2528 = vector.extract %reduce_sum3A_2527[15] : i32 from vector<16xi32>
    %swap3A_2529 = arith.constant 224 : i32
    %swap3A_2530 = arith.index_cast %swap3A_2529 : i32 to index
    %swap3A_2531 = memref.load %arg6[%swap3A_2530] : memref<256xi32, #tpu.memory_space<smem>>
    memref.store %reduce_sum3A_2528, %arg6[%swap3A_2530] : memref<256xi32, #tpu.memory_space<smem>>
    %eq3A_2532 = arith.constant 1 : i32
    %eq3A_2533 = vector.broadcast %eq3A_2532 : i32 to vector<16xi32>
    %eq3A_2534 = arith.cmpi eq, %iota3A, %eq3A_2533 : vector<16xi32>
    %select_n3A_2535 = arith.select %eq3A_2534, %get3A_2520, %broadcast_in_dim3A_1 : vector<16xi1>, vector<16xi32>
    %reduce_sum3A_2536 = arith.constant true
    %reduce_sum3A_2537 = vector.broadcast %reduce_sum3A_2536 : i1 to vector<16xi1>
    %reduce_sum3A_2538 = tpu.scan <sum>, %select_n3A_2535 masked %reduce_sum3A_2537 : vector<16xi32>, vector<16xi1> -> vector<16xi32>
    %reduce_sum3A_2539 = vector.extract %reduce_sum3A_2538[15] : i32 from vector<16xi32>
    %swap3A_2540 = arith.constant 225 : i32
    %swap3A_2541 = arith.index_cast %swap3A_2540 : i32 to index
    %swap3A_2542 = memref.load %arg6[%swap3A_2541] : memref<256xi32, #tpu.memory_space<smem>>
    memref.store %reduce_sum3A_2539, %arg6[%swap3A_2541] : memref<256xi32, #tpu.memory_space<smem>>
    %eq3A_2543 = arith.constant 2 : i32
    %eq3A_2544 = vector.broadcast %eq3A_2543 : i32 to vector<16xi32>
    %eq3A_2545 = arith.cmpi eq, %iota3A, %eq3A_2544 : vector<16xi32>
    %select_n3A_2546 = arith.select %eq3A_2545, %get3A_2520, %broadcast_in_dim3A_1 : vector<16xi1>, vector<16xi32>
    %reduce_sum3A_2547 = arith.constant true
    %reduce_sum3A_2548 = vector.broadcast %reduce_sum3A_2547 : i1 to vector<16xi1>
    %reduce_sum3A_2549 = tpu.scan <sum>, %select_n3A_2546 masked %reduce_sum3A_2548 : vector<16xi32>, vector<16xi1> -> vector<16xi32>
    %reduce_sum3A_2550 = vector.extract %reduce_sum3A_2549[15] : i32 from vector<16xi32>
    %swap3A_2551 = arith.constant 226 : i32
    %swap3A_2552 = arith.index_cast %swap3A_2551 : i32 to index
    %swap3A_2553 = memref.load %arg6[%swap3A_2552] : memref<256xi32, #tpu.memory_space<smem>>
    memref.store %reduce_sum3A_2550, %arg6[%swap3A_2552] : memref<256xi32, #tpu.memory_space<smem>>
    %eq3A_2554 = arith.constant 3 : i32
    %eq3A_2555 = vector.broadcast %eq3A_2554 : i32 to vector<16xi32>
    %eq3A_2556 = arith.cmpi eq, %iota3A, %eq3A_2555 : vector<16xi32>
    %select_n3A_2557 = arith.select %eq3A_2556, %get3A_2520, %broadcast_in_dim3A_1 : vector<16xi1>, vector<16xi32>
    %reduce_sum3A_2558 = arith.constant true
    %reduce_sum3A_2559 = vector.broadcast %reduce_sum3A_2558 : i1 to vector<16xi1>
    %reduce_sum3A_2560 = tpu.scan <sum>, %select_n3A_2557 masked %reduce_sum3A_2559 : vector<16xi32>, vector<16xi1> -> vector<16xi32>
    %reduce_sum3A_2561 = vector.extract %reduce_sum3A_2560[15] : i32 from vector<16xi32>
    %swap3A_2562 = arith.constant 227 : i32
    %swap3A_2563 = arith.index_cast %swap3A_2562 : i32 to index
    %swap3A_2564 = memref.load %arg6[%swap3A_2563] : memref<256xi32, #tpu.memory_space<smem>>
    memref.store %reduce_sum3A_2561, %arg6[%swap3A_2563] : memref<256xi32, #tpu.memory_space<smem>>
    %eq3A_2565 = arith.constant 4 : i32
    %eq3A_2566 = vector.broadcast %eq3A_2565 : i32 to vector<16xi32>
    %eq3A_2567 = arith.cmpi eq, %iota3A, %eq3A_2566 : vector<16xi32>
    %select_n3A_2568 = arith.select %eq3A_2567, %get3A_2520, %broadcast_in_dim3A_1 : vector<16xi1>, vector<16xi32>
    %reduce_sum3A_2569 = arith.constant true
    %reduce_sum3A_2570 = vector.broadcast %reduce_sum3A_2569 : i1 to vector<16xi1>
    %reduce_sum3A_2571 = tpu.scan <sum>, %select_n3A_2568 masked %reduce_sum3A_2570 : vector<16xi32>, vector<16xi1> -> vector<16xi32>
    %reduce_sum3A_2572 = vector.extract %reduce_sum3A_2571[15] : i32 from vector<16xi32>
    %swap3A_2573 = arith.constant 228 : i32
    %swap3A_2574 = arith.index_cast %swap3A_2573 : i32 to index
    %swap3A_2575 = memref.load %arg6[%swap3A_2574] : memref<256xi32, #tpu.memory_space<smem>>
    memref.store %reduce_sum3A_2572, %arg6[%swap3A_2574] : memref<256xi32, #tpu.memory_space<smem>>
    %eq3A_2576 = arith.constant 5 : i32
    %eq3A_2577 = vector.broadcast %eq3A_2576 : i32 to vector<16xi32>
    %eq3A_2578 = arith.cmpi eq, %iota3A, %eq3A_2577 : vector<16xi32>
    %select_n3A_2579 = arith.select %eq3A_2578, %get3A_2520, %broadcast_in_dim3A_1 : vector<16xi1>, vector<16xi32>
    %reduce_sum3A_2580 = arith.constant true
    %reduce_sum3A_2581 = vector.broadcast %reduce_sum3A_2580 : i1 to vector<16xi1>
    %reduce_sum3A_2582 = tpu.scan <sum>, %select_n3A_2579 masked %reduce_sum3A_2581 : vector<16xi32>, vector<16xi1> -> vector<16xi32>
    %reduce_sum3A_2583 = vector.extract %reduce_sum3A_2582[15] : i32 from vector<16xi32>
    %swap3A_2584 = arith.constant 229 : i32
    %swap3A_2585 = arith.index_cast %swap3A_2584 : i32 to index
    %swap3A_2586 = memref.load %arg6[%swap3A_2585] : memref<256xi32, #tpu.memory_space<smem>>
    memref.store %reduce_sum3A_2583, %arg6[%swap3A_2585] : memref<256xi32, #tpu.memory_space<smem>>
    %eq3A_2587 = arith.constant 6 : i32
    %eq3A_2588 = vector.broadcast %eq3A_2587 : i32 to vector<16xi32>
    %eq3A_2589 = arith.cmpi eq, %iota3A, %eq3A_2588 : vector<16xi32>
    %select_n3A_2590 = arith.select %eq3A_2589, %get3A_2520, %broadcast_in_dim3A_1 : vector<16xi1>, vector<16xi32>
    %reduce_sum3A_2591 = arith.constant true
    %reduce_sum3A_2592 = vector.broadcast %reduce_sum3A_2591 : i1 to vector<16xi1>
    %reduce_sum3A_2593 = tpu.scan <sum>, %select_n3A_2590 masked %reduce_sum3A_2592 : vector<16xi32>, vector<16xi1> -> vector<16xi32>
    %reduce_sum3A_2594 = vector.extract %reduce_sum3A_2593[15] : i32 from vector<16xi32>
    %swap3A_2595 = arith.constant 230 : i32
    %swap3A_2596 = arith.index_cast %swap3A_2595 : i32 to index
    %swap3A_2597 = memref.load %arg6[%swap3A_2596] : memref<256xi32, #tpu.memory_space<smem>>
    memref.store %reduce_sum3A_2594, %arg6[%swap3A_2596] : memref<256xi32, #tpu.memory_space<smem>>
    %eq3A_2598 = arith.constant 7 : i32
    %eq3A_2599 = vector.broadcast %eq3A_2598 : i32 to vector<16xi32>
    %eq3A_2600 = arith.cmpi eq, %iota3A, %eq3A_2599 : vector<16xi32>
    %select_n3A_2601 = arith.select %eq3A_2600, %get3A_2520, %broadcast_in_dim3A_1 : vector<16xi1>, vector<16xi32>
    %reduce_sum3A_2602 = arith.constant true
    %reduce_sum3A_2603 = vector.broadcast %reduce_sum3A_2602 : i1 to vector<16xi1>
    %reduce_sum3A_2604 = tpu.scan <sum>, %select_n3A_2601 masked %reduce_sum3A_2603 : vector<16xi32>, vector<16xi1> -> vector<16xi32>
    %reduce_sum3A_2605 = vector.extract %reduce_sum3A_2604[15] : i32 from vector<16xi32>
    %swap3A_2606 = arith.constant 231 : i32
    %swap3A_2607 = arith.index_cast %swap3A_2606 : i32 to index
    %swap3A_2608 = memref.load %arg6[%swap3A_2607] : memref<256xi32, #tpu.memory_space<smem>>
    memref.store %reduce_sum3A_2605, %arg6[%swap3A_2607] : memref<256xi32, #tpu.memory_space<smem>>
    %eq3A_2609 = arith.constant 8 : i32
    %eq3A_2610 = vector.broadcast %eq3A_2609 : i32 to vector<16xi32>
    %eq3A_2611 = arith.cmpi eq, %iota3A, %eq3A_2610 : vector<16xi32>
    %select_n3A_2612 = arith.select %eq3A_2611, %get3A_2520, %broadcast_in_dim3A_1 : vector<16xi1>, vector<16xi32>
    %reduce_sum3A_2613 = arith.constant true
    %reduce_sum3A_2614 = vector.broadcast %reduce_sum3A_2613 : i1 to vector<16xi1>
    %reduce_sum3A_2615 = tpu.scan <sum>, %select_n3A_2612 masked %reduce_sum3A_2614 : vector<16xi32>, vector<16xi1> -> vector<16xi32>
    %reduce_sum3A_2616 = vector.extract %reduce_sum3A_2615[15] : i32 from vector<16xi32>
    %swap3A_2617 = arith.constant 232 : i32
    %swap3A_2618 = arith.index_cast %swap3A_2617 : i32 to index
    %swap3A_2619 = memref.load %arg6[%swap3A_2618] : memref<256xi32, #tpu.memory_space<smem>>
    memref.store %reduce_sum3A_2616, %arg6[%swap3A_2618] : memref<256xi32, #tpu.memory_space<smem>>
    %eq3A_2620 = arith.constant 9 : i32
    %eq3A_2621 = vector.broadcast %eq3A_2620 : i32 to vector<16xi32>
    %eq3A_2622 = arith.cmpi eq, %iota3A, %eq3A_2621 : vector<16xi32>
    %select_n3A_2623 = arith.select %eq3A_2622, %get3A_2520, %broadcast_in_dim3A_1 : vector<16xi1>, vector<16xi32>
    %reduce_sum3A_2624 = arith.constant true
    %reduce_sum3A_2625 = vector.broadcast %reduce_sum3A_2624 : i1 to vector<16xi1>
    %reduce_sum3A_2626 = tpu.scan <sum>, %select_n3A_2623 masked %reduce_sum3A_2625 : vector<16xi32>, vector<16xi1> -> vector<16xi32>
    %reduce_sum3A_2627 = vector.extract %reduce_sum3A_2626[15] : i32 from vector<16xi32>
    %swap3A_2628 = arith.constant 233 : i32
    %swap3A_2629 = arith.index_cast %swap3A_2628 : i32 to index
    %swap3A_2630 = memref.load %arg6[%swap3A_2629] : memref<256xi32, #tpu.memory_space<smem>>
    memref.store %reduce_sum3A_2627, %arg6[%swap3A_2629] : memref<256xi32, #tpu.memory_space<smem>>
    %eq3A_2631 = arith.constant 10 : i32
    %eq3A_2632 = vector.broadcast %eq3A_2631 : i32 to vector<16xi32>
    %eq3A_2633 = arith.cmpi eq, %iota3A, %eq3A_2632 : vector<16xi32>
    %select_n3A_2634 = arith.select %eq3A_2633, %get3A_2520, %broadcast_in_dim3A_1 : vector<16xi1>, vector<16xi32>
    %reduce_sum3A_2635 = arith.constant true
    %reduce_sum3A_2636 = vector.broadcast %reduce_sum3A_2635 : i1 to vector<16xi1>
    %reduce_sum3A_2637 = tpu.scan <sum>, %select_n3A_2634 masked %reduce_sum3A_2636 : vector<16xi32>, vector<16xi1> -> vector<16xi32>
    %reduce_sum3A_2638 = vector.extract %reduce_sum3A_2637[15] : i32 from vector<16xi32>
    %swap3A_2639 = arith.constant 234 : i32
    %swap3A_2640 = arith.index_cast %swap3A_2639 : i32 to index
    %swap3A_2641 = memref.load %arg6[%swap3A_2640] : memref<256xi32, #tpu.memory_space<smem>>
    memref.store %reduce_sum3A_2638, %arg6[%swap3A_2640] : memref<256xi32, #tpu.memory_space<smem>>
    %eq3A_2642 = arith.constant 11 : i32
    %eq3A_2643 = vector.broadcast %eq3A_2642 : i32 to vector<16xi32>
    %eq3A_2644 = arith.cmpi eq, %iota3A, %eq3A_2643 : vector<16xi32>
    %select_n3A_2645 = arith.select %eq3A_2644, %get3A_2520, %broadcast_in_dim3A_1 : vector<16xi1>, vector<16xi32>
    %reduce_sum3A_2646 = arith.constant true
    %reduce_sum3A_2647 = vector.broadcast %reduce_sum3A_2646 : i1 to vector<16xi1>
    %reduce_sum3A_2648 = tpu.scan <sum>, %select_n3A_2645 masked %reduce_sum3A_2647 : vector<16xi32>, vector<16xi1> -> vector<16xi32>
    %reduce_sum3A_2649 = vector.extract %reduce_sum3A_2648[15] : i32 from vector<16xi32>
    %swap3A_2650 = arith.constant 235 : i32
    %swap3A_2651 = arith.index_cast %swap3A_2650 : i32 to index
    %swap3A_2652 = memref.load %arg6[%swap3A_2651] : memref<256xi32, #tpu.memory_space<smem>>
    memref.store %reduce_sum3A_2649, %arg6[%swap3A_2651] : memref<256xi32, #tpu.memory_space<smem>>
    %eq3A_2653 = arith.constant 12 : i32
    %eq3A_2654 = vector.broadcast %eq3A_2653 : i32 to vector<16xi32>
    %eq3A_2655 = arith.cmpi eq, %iota3A, %eq3A_2654 : vector<16xi32>
    %select_n3A_2656 = arith.select %eq3A_2655, %get3A_2520, %broadcast_in_dim3A_1 : vector<16xi1>, vector<16xi32>
    %reduce_sum3A_2657 = arith.constant true
    %reduce_sum3A_2658 = vector.broadcast %reduce_sum3A_2657 : i1 to vector<16xi1>
    %reduce_sum3A_2659 = tpu.scan <sum>, %select_n3A_2656 masked %reduce_sum3A_2658 : vector<16xi32>, vector<16xi1> -> vector<16xi32>
    %reduce_sum3A_2660 = vector.extract %reduce_sum3A_2659[15] : i32 from vector<16xi32>
    %swap3A_2661 = arith.constant 236 : i32
    %swap3A_2662 = arith.index_cast %swap3A_2661 : i32 to index
    %swap3A_2663 = memref.load %arg6[%swap3A_2662] : memref<256xi32, #tpu.memory_space<smem>>
    memref.store %reduce_sum3A_2660, %arg6[%swap3A_2662] : memref<256xi32, #tpu.memory_space<smem>>
    %eq3A_2664 = arith.constant 13 : i32
    %eq3A_2665 = vector.broadcast %eq3A_2664 : i32 to vector<16xi32>
    %eq3A_2666 = arith.cmpi eq, %iota3A, %eq3A_2665 : vector<16xi32>
    %select_n3A_2667 = arith.select %eq3A_2666, %get3A_2520, %broadcast_in_dim3A_1 : vector<16xi1>, vector<16xi32>
    %reduce_sum3A_2668 = arith.constant true
    %reduce_sum3A_2669 = vector.broadcast %reduce_sum3A_2668 : i1 to vector<16xi1>
    %reduce_sum3A_2670 = tpu.scan <sum>, %select_n3A_2667 masked %reduce_sum3A_2669 : vector<16xi32>, vector<16xi1> -> vector<16xi32>
    %reduce_sum3A_2671 = vector.extract %reduce_sum3A_2670[15] : i32 from vector<16xi32>
    %swap3A_2672 = arith.constant 237 : i32
    %swap3A_2673 = arith.index_cast %swap3A_2672 : i32 to index
    %swap3A_2674 = memref.load %arg6[%swap3A_2673] : memref<256xi32, #tpu.memory_space<smem>>
    memref.store %reduce_sum3A_2671, %arg6[%swap3A_2673] : memref<256xi32, #tpu.memory_space<smem>>
    %eq3A_2675 = arith.constant 14 : i32
    %eq3A_2676 = vector.broadcast %eq3A_2675 : i32 to vector<16xi32>
    %eq3A_2677 = arith.cmpi eq, %iota3A, %eq3A_2676 : vector<16xi32>
    %select_n3A_2678 = arith.select %eq3A_2677, %get3A_2520, %broadcast_in_dim3A_1 : vector<16xi1>, vector<16xi32>
    %reduce_sum3A_2679 = arith.constant true
    %reduce_sum3A_2680 = vector.broadcast %reduce_sum3A_2679 : i1 to vector<16xi1>
    %reduce_sum3A_2681 = tpu.scan <sum>, %select_n3A_2678 masked %reduce_sum3A_2680 : vector<16xi32>, vector<16xi1> -> vector<16xi32>
    %reduce_sum3A_2682 = vector.extract %reduce_sum3A_2681[15] : i32 from vector<16xi32>
    %swap3A_2683 = arith.constant 238 : i32
    %swap3A_2684 = arith.index_cast %swap3A_2683 : i32 to index
    %swap3A_2685 = memref.load %arg6[%swap3A_2684] : memref<256xi32, #tpu.memory_space<smem>>
    memref.store %reduce_sum3A_2682, %arg6[%swap3A_2684] : memref<256xi32, #tpu.memory_space<smem>>
    %eq3A_2686 = arith.constant 15 : i32
    %eq3A_2687 = vector.broadcast %eq3A_2686 : i32 to vector<16xi32>
    %eq3A_2688 = arith.cmpi eq, %iota3A, %eq3A_2687 : vector<16xi32>
    %select_n3A_2689 = arith.select %eq3A_2688, %get3A_2520, %broadcast_in_dim3A_1 : vector<16xi1>, vector<16xi32>
    %reduce_sum3A_2690 = arith.constant true
    %reduce_sum3A_2691 = vector.broadcast %reduce_sum3A_2690 : i1 to vector<16xi1>
    %reduce_sum3A_2692 = tpu.scan <sum>, %select_n3A_2689 masked %reduce_sum3A_2691 : vector<16xi32>, vector<16xi1> -> vector<16xi32>
    %reduce_sum3A_2693 = vector.extract %reduce_sum3A_2692[15] : i32 from vector<16xi32>
    %swap3A_2694 = arith.constant 239 : i32
    %swap3A_2695 = arith.index_cast %swap3A_2694 : i32 to index
    %swap3A_2696 = memref.load %arg6[%swap3A_2695] : memref<256xi32, #tpu.memory_space<smem>>
    memref.store %reduce_sum3A_2693, %arg6[%swap3A_2695] : memref<256xi32, #tpu.memory_space<smem>>
    %get3A_2697 = arith.constant 1 : i32
    %get3A_2698 = arith.index_cast %get3A_2697 : i32 to index
    %get3A_2699 = arith.constant 112 : index
    %get3A_2700 = tpu.vector_load %arg5[%get3A_2698, %get3A_2699] {strides = array<i32>} : memref<2x128xi32, #tpu.memory_space<vmem>>, vector<16xi32>,
    %eq3A_2701 = arith.constant 0 : i32
    %eq3A_2702 = vector.broadcast %eq3A_2701 : i32 to vector<16xi32>
    %eq3A_2703 = arith.cmpi eq, %iota3A, %eq3A_2702 : vector<16xi32>
    %select_n3A_2704 = arith.select %eq3A_2703, %get3A_2700, %broadcast_in_dim3A_1 : vector<16xi1>, vector<16xi32>
    %reduce_sum3A_2705 = arith.constant true
    %reduce_sum3A_2706 = vector.broadcast %reduce_sum3A_2705 : i1 to vector<16xi1>
    %reduce_sum3A_2707 = tpu.scan <sum>, %select_n3A_2704 masked %reduce_sum3A_2706 : vector<16xi32>, vector<16xi1> -> vector<16xi32>
    %reduce_sum3A_2708 = vector.extract %reduce_sum3A_2707[15] : i32 from vector<16xi32>
    %swap3A_2709 = arith.constant 240 : i32
    %swap3A_2710 = arith.index_cast %swap3A_2709 : i32 to index
    %swap3A_2711 = memref.load %arg6[%swap3A_2710] : memref<256xi32, #tpu.memory_space<smem>>
    memref.store %reduce_sum3A_2708, %arg6[%swap3A_2710] : memref<256xi32, #tpu.memory_space<smem>>
    %eq3A_2712 = arith.constant 1 : i32
    %eq3A_2713 = vector.broadcast %eq3A_2712 : i32 to vector<16xi32>
    %eq3A_2714 = arith.cmpi eq, %iota3A, %eq3A_2713 : vector<16xi32>
    %select_n3A_2715 = arith.select %eq3A_2714, %get3A_2700, %broadcast_in_dim3A_1 : vector<16xi1>, vector<16xi32>
    %reduce_sum3A_2716 = arith.constant true
    %reduce_sum3A_2717 = vector.broadcast %reduce_sum3A_2716 : i1 to vector<16xi1>
    %reduce_sum3A_2718 = tpu.scan <sum>, %select_n3A_2715 masked %reduce_sum3A_2717 : vector<16xi32>, vector<16xi1> -> vector<16xi32>
    %reduce_sum3A_2719 = vector.extract %reduce_sum3A_2718[15] : i32 from vector<16xi32>
    %swap3A_2720 = arith.constant 241 : i32
    %swap3A_2721 = arith.index_cast %swap3A_2720 : i32 to index
    %swap3A_2722 = memref.load %arg6[%swap3A_2721] : memref<256xi32, #tpu.memory_space<smem>>
    memref.store %reduce_sum3A_2719, %arg6[%swap3A_2721] : memref<256xi32, #tpu.memory_space<smem>>
    %eq3A_2723 = arith.constant 2 : i32
    %eq3A_2724 = vector.broadcast %eq3A_2723 : i32 to vector<16xi32>
    %eq3A_2725 = arith.cmpi eq, %iota3A, %eq3A_2724 : vector<16xi32>
    %select_n3A_2726 = arith.select %eq3A_2725, %get3A_2700, %broadcast_in_dim3A_1 : vector<16xi1>, vector<16xi32>
    %reduce_sum3A_2727 = arith.constant true
    %reduce_sum3A_2728 = vector.broadcast %reduce_sum3A_2727 : i1 to vector<16xi1>
    %reduce_sum3A_2729 = tpu.scan <sum>, %select_n3A_2726 masked %reduce_sum3A_2728 : vector<16xi32>, vector<16xi1> -> vector<16xi32>
    %reduce_sum3A_2730 = vector.extract %reduce_sum3A_2729[15] : i32 from vector<16xi32>
    %swap3A_2731 = arith.constant 242 : i32
    %swap3A_2732 = arith.index_cast %swap3A_2731 : i32 to index
    %swap3A_2733 = memref.load %arg6[%swap3A_2732] : memref<256xi32, #tpu.memory_space<smem>>
    memref.store %reduce_sum3A_2730, %arg6[%swap3A_2732] : memref<256xi32, #tpu.memory_space<smem>>
    %eq3A_2734 = arith.constant 3 : i32
    %eq3A_2735 = vector.broadcast %eq3A_2734 : i32 to vector<16xi32>
    %eq3A_2736 = arith.cmpi eq, %iota3A, %eq3A_2735 : vector<16xi32>
    %select_n3A_2737 = arith.select %eq3A_2736, %get3A_2700, %broadcast_in_dim3A_1 : vector<16xi1>, vector<16xi32>
    %reduce_sum3A_2738 = arith.constant true
    %reduce_sum3A_2739 = vector.broadcast %reduce_sum3A_2738 : i1 to vector<16xi1>
    %reduce_sum3A_2740 = tpu.scan <sum>, %select_n3A_2737 masked %reduce_sum3A_2739 : vector<16xi32>, vector<16xi1> -> vector<16xi32>
    %reduce_sum3A_2741 = vector.extract %reduce_sum3A_2740[15] : i32 from vector<16xi32>
    %swap3A_2742 = arith.constant 243 : i32
    %swap3A_2743 = arith.index_cast %swap3A_2742 : i32 to index
    %swap3A_2744 = memref.load %arg6[%swap3A_2743] : memref<256xi32, #tpu.memory_space<smem>>
    memref.store %reduce_sum3A_2741, %arg6[%swap3A_2743] : memref<256xi32, #tpu.memory_space<smem>>
    %eq3A_2745 = arith.constant 4 : i32
    %eq3A_2746 = vector.broadcast %eq3A_2745 : i32 to vector<16xi32>
    %eq3A_2747 = arith.cmpi eq, %iota3A, %eq3A_2746 : vector<16xi32>
    %select_n3A_2748 = arith.select %eq3A_2747, %get3A_2700, %broadcast_in_dim3A_1 : vector<16xi1>, vector<16xi32>
    %reduce_sum3A_2749 = arith.constant true
    %reduce_sum3A_2750 = vector.broadcast %reduce_sum3A_2749 : i1 to vector<16xi1>
    %reduce_sum3A_2751 = tpu.scan <sum>, %select_n3A_2748 masked %reduce_sum3A_2750 : vector<16xi32>, vector<16xi1> -> vector<16xi32>
    %reduce_sum3A_2752 = vector.extract %reduce_sum3A_2751[15] : i32 from vector<16xi32>
    %swap3A_2753 = arith.constant 244 : i32
    %swap3A_2754 = arith.index_cast %swap3A_2753 : i32 to index
    %swap3A_2755 = memref.load %arg6[%swap3A_2754] : memref<256xi32, #tpu.memory_space<smem>>
    memref.store %reduce_sum3A_2752, %arg6[%swap3A_2754] : memref<256xi32, #tpu.memory_space<smem>>
    %eq3A_2756 = arith.constant 5 : i32
    %eq3A_2757 = vector.broadcast %eq3A_2756 : i32 to vector<16xi32>
    %eq3A_2758 = arith.cmpi eq, %iota3A, %eq3A_2757 : vector<16xi32>
    %select_n3A_2759 = arith.select %eq3A_2758, %get3A_2700, %broadcast_in_dim3A_1 : vector<16xi1>, vector<16xi32>
    %reduce_sum3A_2760 = arith.constant true
    %reduce_sum3A_2761 = vector.broadcast %reduce_sum3A_2760 : i1 to vector<16xi1>
    %reduce_sum3A_2762 = tpu.scan <sum>, %select_n3A_2759 masked %reduce_sum3A_2761 : vector<16xi32>, vector<16xi1> -> vector<16xi32>
    %reduce_sum3A_2763 = vector.extract %reduce_sum3A_2762[15] : i32 from vector<16xi32>
    %swap3A_2764 = arith.constant 245 : i32
    %swap3A_2765 = arith.index_cast %swap3A_2764 : i32 to index
    %swap3A_2766 = memref.load %arg6[%swap3A_2765] : memref<256xi32, #tpu.memory_space<smem>>
    memref.store %reduce_sum3A_2763, %arg6[%swap3A_2765] : memref<256xi32, #tpu.memory_space<smem>>
    %eq3A_2767 = arith.constant 6 : i32
    %eq3A_2768 = vector.broadcast %eq3A_2767 : i32 to vector<16xi32>
    %eq3A_2769 = arith.cmpi eq, %iota3A, %eq3A_2768 : vector<16xi32>
    %select_n3A_2770 = arith.select %eq3A_2769, %get3A_2700, %broadcast_in_dim3A_1 : vector<16xi1>, vector<16xi32>
    %reduce_sum3A_2771 = arith.constant true
    %reduce_sum3A_2772 = vector.broadcast %reduce_sum3A_2771 : i1 to vector<16xi1>
    %reduce_sum3A_2773 = tpu.scan <sum>, %select_n3A_2770 masked %reduce_sum3A_2772 : vector<16xi32>, vector<16xi1> -> vector<16xi32>
    %reduce_sum3A_2774 = vector.extract %reduce_sum3A_2773[15] : i32 from vector<16xi32>
    %swap3A_2775 = arith.constant 246 : i32
    %swap3A_2776 = arith.index_cast %swap3A_2775 : i32 to index
    %swap3A_2777 = memref.load %arg6[%swap3A_2776] : memref<256xi32, #tpu.memory_space<smem>>
    memref.store %reduce_sum3A_2774, %arg6[%swap3A_2776] : memref<256xi32, #tpu.memory_space<smem>>
    %eq3A_2778 = arith.constant 7 : i32
    %eq3A_2779 = vector.broadcast %eq3A_2778 : i32 to vector<16xi32>
    %eq3A_2780 = arith.cmpi eq, %iota3A, %eq3A_2779 : vector<16xi32>
    %select_n3A_2781 = arith.select %eq3A_2780, %get3A_2700, %broadcast_in_dim3A_1 : vector<16xi1>, vector<16xi32>
    %reduce_sum3A_2782 = arith.constant true
    %reduce_sum3A_2783 = vector.broadcast %reduce_sum3A_2782 : i1 to vector<16xi1>
    %reduce_sum3A_2784 = tpu.scan <sum>, %select_n3A_2781 masked %reduce_sum3A_2783 : vector<16xi32>, vector<16xi1> -> vector<16xi32>
    %reduce_sum3A_2785 = vector.extract %reduce_sum3A_2784[15] : i32 from vector<16xi32>
    %swap3A_2786 = arith.constant 247 : i32
    %swap3A_2787 = arith.index_cast %swap3A_2786 : i32 to index
    %swap3A_2788 = memref.load %arg6[%swap3A_2787] : memref<256xi32, #tpu.memory_space<smem>>
    memref.store %reduce_sum3A_2785, %arg6[%swap3A_2787] : memref<256xi32, #tpu.memory_space<smem>>
    %eq3A_2789 = arith.constant 8 : i32
    %eq3A_2790 = vector.broadcast %eq3A_2789 : i32 to vector<16xi32>
    %eq3A_2791 = arith.cmpi eq, %iota3A, %eq3A_2790 : vector<16xi32>
    %select_n3A_2792 = arith.select %eq3A_2791, %get3A_2700, %broadcast_in_dim3A_1 : vector<16xi1>, vector<16xi32>
    %reduce_sum3A_2793 = arith.constant true
    %reduce_sum3A_2794 = vector.broadcast %reduce_sum3A_2793 : i1 to vector<16xi1>
    %reduce_sum3A_2795 = tpu.scan <sum>, %select_n3A_2792 masked %reduce_sum3A_2794 : vector<16xi32>, vector<16xi1> -> vector<16xi32>
    %reduce_sum3A_2796 = vector.extract %reduce_sum3A_2795[15] : i32 from vector<16xi32>
    %swap3A_2797 = arith.constant 248 : i32
    %swap3A_2798 = arith.index_cast %swap3A_2797 : i32 to index
    %swap3A_2799 = memref.load %arg6[%swap3A_2798] : memref<256xi32, #tpu.memory_space<smem>>
    memref.store %reduce_sum3A_2796, %arg6[%swap3A_2798] : memref<256xi32, #tpu.memory_space<smem>>
    %eq3A_2800 = arith.constant 9 : i32
    %eq3A_2801 = vector.broadcast %eq3A_2800 : i32 to vector<16xi32>
    %eq3A_2802 = arith.cmpi eq, %iota3A, %eq3A_2801 : vector<16xi32>
    %select_n3A_2803 = arith.select %eq3A_2802, %get3A_2700, %broadcast_in_dim3A_1 : vector<16xi1>, vector<16xi32>
    %reduce_sum3A_2804 = arith.constant true
    %reduce_sum3A_2805 = vector.broadcast %reduce_sum3A_2804 : i1 to vector<16xi1>
    %reduce_sum3A_2806 = tpu.scan <sum>, %select_n3A_2803 masked %reduce_sum3A_2805 : vector<16xi32>, vector<16xi1> -> vector<16xi32>
    %reduce_sum3A_2807 = vector.extract %reduce_sum3A_2806[15] : i32 from vector<16xi32>
    %swap3A_2808 = arith.constant 249 : i32
    %swap3A_2809 = arith.index_cast %swap3A_2808 : i32 to index
    %swap3A_2810 = memref.load %arg6[%swap3A_2809] : memref<256xi32, #tpu.memory_space<smem>>
    memref.store %reduce_sum3A_2807, %arg6[%swap3A_2809] : memref<256xi32, #tpu.memory_space<smem>>
    %eq3A_2811 = arith.constant 10 : i32
    %eq3A_2812 = vector.broadcast %eq3A_2811 : i32 to vector<16xi32>
    %eq3A_2813 = arith.cmpi eq, %iota3A, %eq3A_2812 : vector<16xi32>
    %select_n3A_2814 = arith.select %eq3A_2813, %get3A_2700, %broadcast_in_dim3A_1 : vector<16xi1>, vector<16xi32>
    %reduce_sum3A_2815 = arith.constant true
    %reduce_sum3A_2816 = vector.broadcast %reduce_sum3A_2815 : i1 to vector<16xi1>
    %reduce_sum3A_2817 = tpu.scan <sum>, %select_n3A_2814 masked %reduce_sum3A_2816 : vector<16xi32>, vector<16xi1> -> vector<16xi32>
    %reduce_sum3A_2818 = vector.extract %reduce_sum3A_2817[15] : i32 from vector<16xi32>
    %swap3A_2819 = arith.constant 250 : i32
    %swap3A_2820 = arith.index_cast %swap3A_2819 : i32 to index
    %swap3A_2821 = memref.load %arg6[%swap3A_2820] : memref<256xi32, #tpu.memory_space<smem>>
    memref.store %reduce_sum3A_2818, %arg6[%swap3A_2820] : memref<256xi32, #tpu.memory_space<smem>>
    %eq3A_2822 = arith.constant 11 : i32
    %eq3A_2823 = vector.broadcast %eq3A_2822 : i32 to vector<16xi32>
    %eq3A_2824 = arith.cmpi eq, %iota3A, %eq3A_2823 : vector<16xi32>
    %select_n3A_2825 = arith.select %eq3A_2824, %get3A_2700, %broadcast_in_dim3A_1 : vector<16xi1>, vector<16xi32>
    %reduce_sum3A_2826 = arith.constant true
    %reduce_sum3A_2827 = vector.broadcast %reduce_sum3A_2826 : i1 to vector<16xi1>
    %reduce_sum3A_2828 = tpu.scan <sum>, %select_n3A_2825 masked %reduce_sum3A_2827 : vector<16xi32>, vector<16xi1> -> vector<16xi32>
    %reduce_sum3A_2829 = vector.extract %reduce_sum3A_2828[15] : i32 from vector<16xi32>
    %swap3A_2830 = arith.constant 251 : i32
    %swap3A_2831 = arith.index_cast %swap3A_2830 : i32 to index
    %swap3A_2832 = memref.load %arg6[%swap3A_2831] : memref<256xi32, #tpu.memory_space<smem>>
    memref.store %reduce_sum3A_2829, %arg6[%swap3A_2831] : memref<256xi32, #tpu.memory_space<smem>>
    %eq3A_2833 = arith.constant 12 : i32
    %eq3A_2834 = vector.broadcast %eq3A_2833 : i32 to vector<16xi32>
    %eq3A_2835 = arith.cmpi eq, %iota3A, %eq3A_2834 : vector<16xi32>
    %select_n3A_2836 = arith.select %eq3A_2835, %get3A_2700, %broadcast_in_dim3A_1 : vector<16xi1>, vector<16xi32>
    %reduce_sum3A_2837 = arith.constant true
    %reduce_sum3A_2838 = vector.broadcast %reduce_sum3A_2837 : i1 to vector<16xi1>
    %reduce_sum3A_2839 = tpu.scan <sum>, %select_n3A_2836 masked %reduce_sum3A_2838 : vector<16xi32>, vector<16xi1> -> vector<16xi32>
    %reduce_sum3A_2840 = vector.extract %reduce_sum3A_2839[15] : i32 from vector<16xi32>
    %swap3A_2841 = arith.constant 252 : i32
    %swap3A_2842 = arith.index_cast %swap3A_2841 : i32 to index
    %swap3A_2843 = memref.load %arg6[%swap3A_2842] : memref<256xi32, #tpu.memory_space<smem>>
    memref.store %reduce_sum3A_2840, %arg6[%swap3A_2842] : memref<256xi32, #tpu.memory_space<smem>>
    %eq3A_2844 = arith.constant 13 : i32
    %eq3A_2845 = vector.broadcast %eq3A_2844 : i32 to vector<16xi32>
    %eq3A_2846 = arith.cmpi eq, %iota3A, %eq3A_2845 : vector<16xi32>
    %select_n3A_2847 = arith.select %eq3A_2846, %get3A_2700, %broadcast_in_dim3A_1 : vector<16xi1>, vector<16xi32>
    %reduce_sum3A_2848 = arith.constant true
    %reduce_sum3A_2849 = vector.broadcast %reduce_sum3A_2848 : i1 to vector<16xi1>
    %reduce_sum3A_2850 = tpu.scan <sum>, %select_n3A_2847 masked %reduce_sum3A_2849 : vector<16xi32>, vector<16xi1> -> vector<16xi32>
    %reduce_sum3A_2851 = vector.extract %reduce_sum3A_2850[15] : i32 from vector<16xi32>
    %swap3A_2852 = arith.constant 253 : i32
    %swap3A_2853 = arith.index_cast %swap3A_2852 : i32 to index
    %swap3A_2854 = memref.load %arg6[%swap3A_2853] : memref<256xi32, #tpu.memory_space<smem>>
    memref.store %reduce_sum3A_2851, %arg6[%swap3A_2853] : memref<256xi32, #tpu.memory_space<smem>>
    %eq3A_2855 = arith.constant 14 : i32
    %eq3A_2856 = vector.broadcast %eq3A_2855 : i32 to vector<16xi32>
    %eq3A_2857 = arith.cmpi eq, %iota3A, %eq3A_2856 : vector<16xi32>
    %select_n3A_2858 = arith.select %eq3A_2857, %get3A_2700, %broadcast_in_dim3A_1 : vector<16xi1>, vector<16xi32>
    %reduce_sum3A_2859 = arith.constant true
    %reduce_sum3A_2860 = vector.broadcast %reduce_sum3A_2859 : i1 to vector<16xi1>
    %reduce_sum3A_2861 = tpu.scan <sum>, %select_n3A_2858 masked %reduce_sum3A_2860 : vector<16xi32>, vector<16xi1> -> vector<16xi32>
    %reduce_sum3A_2862 = vector.extract %reduce_sum3A_2861[15] : i32 from vector<16xi32>
    %swap3A_2863 = arith.constant 254 : i32
    %swap3A_2864 = arith.index_cast %swap3A_2863 : i32 to index
    %swap3A_2865 = memref.load %arg6[%swap3A_2864] : memref<256xi32, #tpu.memory_space<smem>>
    memref.store %reduce_sum3A_2862, %arg6[%swap3A_2864] : memref<256xi32, #tpu.memory_space<smem>>
    %eq3A_2866 = arith.constant 15 : i32
    %eq3A_2867 = vector.broadcast %eq3A_2866 : i32 to vector<16xi32>
    %eq3A_2868 = arith.cmpi eq, %iota3A, %eq3A_2867 : vector<16xi32>
    %select_n3A_2869 = arith.select %eq3A_2868, %get3A_2700, %broadcast_in_dim3A_1 : vector<16xi1>, vector<16xi32>
    %reduce_sum3A_2870 = arith.constant true
    %reduce_sum3A_2871 = vector.broadcast %reduce_sum3A_2870 : i1 to vector<16xi1>
    %reduce_sum3A_2872 = tpu.scan <sum>, %select_n3A_2869 masked %reduce_sum3A_2871 : vector<16xi32>, vector<16xi1> -> vector<16xi32>
    %reduce_sum3A_2873 = vector.extract %reduce_sum3A_2872[15] : i32 from vector<16xi32>
    %swap3A_2874 = arith.constant 255 : i32
    %swap3A_2875 = arith.index_cast %swap3A_2874 : i32 to index
    %swap3A_2876 = memref.load %arg6[%swap3A_2875] : memref<256xi32, #tpu.memory_space<smem>>
    memref.store %reduce_sum3A_2873, %arg6[%swap3A_2875] : memref<256xi32, #tpu.memory_space<smem>>
    %scan3A = arith.constant 0 : i32
    %scan3A_2877 = arith.constant 0 : i32
    %scan3A_2878 = arith.constant 34 : i32
    %scan3A_2879 = arith.addi %scan3A_2877, %scan3A_2878 : i32
    %scan3A_2880 = arith.constant 1 : i32
    scf.for %scan3A_2903 = %scan3A_2877 to %scan3A_2879 step %scan3A_2880  : i32 {
      %rem3A = arith.constant 3 : i32
      %rem3A_2904 = arith.remsi %scan3A_2903, %rem3A : i32
      %add3A_2905 = arith.constant 1 : i32
      %add3A_2906 = arith.addi %scan3A_2903, %add3A_2905 : i32
      %rem3A_2907 = arith.constant 3 : i32
      %rem3A_2908 = arith.remsi %add3A_2906, %rem3A_2907 : i32
      %ge3A = arith.constant 3 : i32
      %ge3A_2909 = arith.cmpi sge, %scan3A_2903, %ge3A : i32
      %convert_element_type3A = arith.extui %ge3A_2909 : i1 to i32
      %cond3A = arith.constant 0 : i32
      %cond3A_2910 = arith.cmpi ne, %convert_element_type3A, %cond3A : i32
      scf.if %cond3A_2910 {
        %dma_wait3A_2920 = arith.constant 0 : i32
        %dma_wait3A_2921 = arith.constant 0 : i32
        %dma_wait3A_2922 = arith.constant 0 : i32
        %dma_wait3A_2923 = arith.constant 0 : i32
        %dma_wait3A_2924 = tpu.memref_slice %arg7[%rem3A_2904, %dma_wait3A_2922, %dma_wait3A_2923] : memref<3x8x4096xf32, #tpu.memory_space<vmem>> -> memref<1x8x4096xf32, #tpu.memory_space<vmem>>
        %dma_wait3A_2925 = tpu.memref_squeeze %dma_wait3A_2924 : memref<1x8x4096xf32, #tpu.memory_space<vmem>> -> memref<8x4096xf32, #tpu.memory_space<vmem>>
        %dma_wait3A_2926 = arith.constant 0 : i32
        %dma_wait3A_2927 = arith.constant 0 : i32
        %dma_wait3A_2928 = tpu.memref_slice %arg4[%dma_wait3A_2920, %dma_wait3A_2921, %dma_wait3A_2926, %dma_wait3A_2927] : memref<64x4x32x4096xf32, #tpu.memory_space<hbm>> -> memref<1x1x8x4096xf32, #tpu.memory_space<hbm>>
        %dma_wait3A_2929 = tpu.memref_squeeze %dma_wait3A_2928 : memref<1x1x8x4096xf32, #tpu.memory_space<hbm>> -> memref<8x4096xf32, #tpu.memory_space<hbm>>
        %dma_wait3A_2930 = tpu.memref_slice %arg9[%rem3A_2904] : memref<3x!tpu.dma_semaphore, #tpu.memory_space<semaphore_mem>> -> memref<1x!tpu.dma_semaphore, #tpu.memory_space<semaphore_mem>>
        %dma_wait3A_2931 = tpu.memref_squeeze %dma_wait3A_2930 : memref<1x!tpu.dma_semaphore, #tpu.memory_space<semaphore_mem>> -> memref<!tpu.dma_semaphore, #tpu.memory_space<semaphore_mem>>
        %dma_wait3A_2932 = arith.constant 0 : i32
        %dma_wait3A_2933 = arith.constant 0 : i32
        %dma_wait3A_2934 = tpu.memref_slice %arg4[%dma_wait3A_2920, %dma_wait3A_2921, %dma_wait3A_2932, %dma_wait3A_2933] : memref<64x4x32x4096xf32, #tpu.memory_space<hbm>> -> memref<1x1x8x4096xf32, #tpu.memory_space<hbm>>
        %dma_wait3A_2935 = tpu.memref_squeeze %dma_wait3A_2934 : memref<1x1x8x4096xf32, #tpu.memory_space<hbm>> -> memref<8x4096xf32, #tpu.memory_space<hbm>>
        %dma_wait3A_2936 = arith.constant 0 : i32
        %dma_wait3A_2937 = arith.constant 0 : i32
        %dma_wait3A_2938 = tpu.memref_slice %arg7[%rem3A_2904, %dma_wait3A_2936, %dma_wait3A_2937] : memref<3x8x4096xf32, #tpu.memory_space<vmem>> -> memref<1x8x4096xf32, #tpu.memory_space<vmem>>
        %dma_wait3A_2939 = tpu.memref_squeeze %dma_wait3A_2938 : memref<1x8x4096xf32, #tpu.memory_space<vmem>> -> memref<8x4096xf32, #tpu.memory_space<vmem>>
        tpu.wait_dma2 semaphore(%dma_wait3A_2931 : memref<!tpu.dma_semaphore, #tpu.memory_space<semaphore_mem>>) src(%dma_wait3A_2939 : memref<8x4096xf32, #tpu.memory_space<vmem>>) dst(%dma_wait3A_2935 : memref<8x4096xf32, #tpu.memory_space<hbm>>)
      } else {
      }
      %lt3A = arith.constant 32 : i32
      %lt3A_2911 = arith.cmpi slt, %scan3A_2903, %lt3A : i32
      %convert_element_type3A_2912 = arith.extui %lt3A_2911 : i1 to i32
      %cond3A_2913 = arith.constant 0 : i32
      %cond3A_2914 = arith.cmpi ne, %convert_element_type3A_2912, %cond3A_2913 : i32
      scf.if %cond3A_2914 {
        %mul3A_2920 = arith.constant 8 : i32
        %mul3A_2921 = arith.muli %add3A, %mul3A_2920 : i32
        %shift_right_logical3A = arith.constant 2 : i32
        %shift_right_logical3A_2922 = arith.shrui %scan3A_2903, %shift_right_logical3A : i32
        %add3A_2923 = arith.addi %mul3A_2921, %shift_right_logical3A_2922 : i32
        %and3A = arith.constant 3 : i32
        %and3A_2924 = arith.andi %scan3A_2903, %and3A : i32
        %mul3A_2925 = arith.constant 8 : i32
        %mul3A_2926 = arith.muli %and3A_2924, %mul3A_2925 : i32
        %get3A_2927 = arith.index_cast %add3A_2923 : i32 to index
        %get3A_2928 = memref.load %arg6[%get3A_2927] : memref<256xi32, #tpu.memory_space<smem>>
        %rem3A_2929 = arith.constant 4 : i32
        %rem3A_2930 = arith.remsi %add3A_2923, %rem3A_2929 : i32
        %dma_start3A = arith.constant 0 : i32
        %dma_start3A_2931 = arith.constant 0 : i32
        %dma_start3A_2932 = tpu.memref_slice %arg7[%rem3A_2904, %dma_start3A, %dma_start3A_2931] : memref<3x8x4096xf32, #tpu.memory_space<vmem>> -> memref<1x8x4096xf32, #tpu.memory_space<vmem>>
        %dma_start3A_2933 = tpu.memref_squeeze %dma_start3A_2932 : memref<1x8x4096xf32, #tpu.memory_space<vmem>> -> memref<8x4096xf32, #tpu.memory_space<vmem>>
        %dma_start3A_2934 = arith.constant 0 : i32
        %dma_start3A_2935 = tpu.memref_slice %arg2[%get3A_2928, %rem3A_2930, %mul3A_2926, %dma_start3A_2934] : memref<64x4x32x4096xf32, #tpu.memory_space<hbm>> -> memref<1x1x8x4096xf32, #tpu.memory_space<hbm>>
        %dma_start3A_2936 = tpu.memref_squeeze %dma_start3A_2935 : memref<1x1x8x4096xf32, #tpu.memory_space<hbm>> -> memref<8x4096xf32, #tpu.memory_space<hbm>>
        %dma_start3A_2937 = tpu.memref_slice %arg8[%rem3A_2904] : memref<3x!tpu.dma_semaphore, #tpu.memory_space<semaphore_mem>> -> memref<1x!tpu.dma_semaphore, #tpu.memory_space<semaphore_mem>>
        %dma_start3A_2938 = tpu.memref_squeeze %dma_start3A_2937 : memref<1x!tpu.dma_semaphore, #tpu.memory_space<semaphore_mem>> -> memref<!tpu.dma_semaphore, #tpu.memory_space<semaphore_mem>>
        %dma_start3A_2939 = arith.constant 0 : i32
        %dma_start3A_2940 = arith.constant 0 : i32
        %dma_start3A_2941 = tpu.memref_slice %arg7[%rem3A_2904, %dma_start3A_2939, %dma_start3A_2940] : memref<3x8x4096xf32, #tpu.memory_space<vmem>> -> memref<1x8x4096xf32, #tpu.memory_space<vmem>>
        %dma_start3A_2942 = tpu.memref_squeeze %dma_start3A_2941 : memref<1x8x4096xf32, #tpu.memory_space<vmem>> -> memref<8x4096xf32, #tpu.memory_space<vmem>>
        %dma_start3A_2943 = arith.constant 0 : i32
        %dma_start3A_2944 = tpu.memref_slice %arg2[%get3A_2928, %rem3A_2930, %mul3A_2926, %dma_start3A_2943] : memref<64x4x32x4096xf32, #tpu.memory_space<hbm>> -> memref<1x1x8x4096xf32, #tpu.memory_space<hbm>>
        %dma_start3A_2945 = tpu.memref_squeeze %dma_start3A_2944 : memref<1x1x8x4096xf32, #tpu.memory_space<hbm>> -> memref<8x4096xf32, #tpu.memory_space<hbm>>
        tpu.enqueue_dma source(%dma_start3A_2945 : memref<8x4096xf32, #tpu.memory_space<hbm>>) target(%dma_start3A_2942 : memref<8x4096xf32, #tpu.memory_space<vmem>>) target_semaphore(%dma_start3A_2938 : memref<!tpu.dma_semaphore, #tpu.memory_space<semaphore_mem>>)
      } else {
      }
      %ge3A_2915 = arith.constant 2 : i32
      %ge3A_2916 = arith.cmpi sge, %scan3A_2903, %ge3A_2915 : i32
      %convert_element_type3A_2917 = arith.extui %ge3A_2916 : i1 to i32
      %cond3A_2918 = arith.constant 0 : i32
      %cond3A_2919 = arith.cmpi ne, %convert_element_type3A_2917, %cond3A_2918 : i32
      scf.if %cond3A_2919 {
        %dma_wait3A_2920 = arith.constant 0 : i32
        %dma_wait3A_2921 = arith.constant 0 : i32
        %dma_wait3A_2922 = arith.constant 0 : i32
        %dma_wait3A_2923 = arith.constant 0 : i32
        %dma_wait3A_2924 = tpu.memref_slice %arg7[%rem3A_2908, %dma_wait3A_2922, %dma_wait3A_2923] : memref<3x8x4096xf32, #tpu.memory_space<vmem>> -> memref<1x8x4096xf32, #tpu.memory_space<vmem>>
        %dma_wait3A_2925 = tpu.memref_squeeze %dma_wait3A_2924 : memref<1x8x4096xf32, #tpu.memory_space<vmem>> -> memref<8x4096xf32, #tpu.memory_space<vmem>>
        %dma_wait3A_2926 = arith.constant 0 : i32
        %dma_wait3A_2927 = arith.constant 0 : i32
        %dma_wait3A_2928 = tpu.memref_slice %arg2[%dma_wait3A_2920, %dma_wait3A_2921, %dma_wait3A_2926, %dma_wait3A_2927] : memref<64x4x32x4096xf32, #tpu.memory_space<hbm>> -> memref<1x1x8x4096xf32, #tpu.memory_space<hbm>>
        %dma_wait3A_2929 = tpu.memref_squeeze %dma_wait3A_2928 : memref<1x1x8x4096xf32, #tpu.memory_space<hbm>> -> memref<8x4096xf32, #tpu.memory_space<hbm>>
        %dma_wait3A_2930 = tpu.memref_slice %arg8[%rem3A_2908] : memref<3x!tpu.dma_semaphore, #tpu.memory_space<semaphore_mem>> -> memref<1x!tpu.dma_semaphore, #tpu.memory_space<semaphore_mem>>
        %dma_wait3A_2931 = tpu.memref_squeeze %dma_wait3A_2930 : memref<1x!tpu.dma_semaphore, #tpu.memory_space<semaphore_mem>> -> memref<!tpu.dma_semaphore, #tpu.memory_space<semaphore_mem>>
        %dma_wait3A_2932 = arith.constant 0 : i32
        %dma_wait3A_2933 = arith.constant 0 : i32
        %dma_wait3A_2934 = tpu.memref_slice %arg7[%rem3A_2908, %dma_wait3A_2932, %dma_wait3A_2933] : memref<3x8x4096xf32, #tpu.memory_space<vmem>> -> memref<1x8x4096xf32, #tpu.memory_space<vmem>>
        %dma_wait3A_2935 = tpu.memref_squeeze %dma_wait3A_2934 : memref<1x8x4096xf32, #tpu.memory_space<vmem>> -> memref<8x4096xf32, #tpu.memory_space<vmem>>
        %dma_wait3A_2936 = arith.constant 0 : i32
        %dma_wait3A_2937 = arith.constant 0 : i32
        %dma_wait3A_2938 = tpu.memref_slice %arg2[%dma_wait3A_2920, %dma_wait3A_2921, %dma_wait3A_2936, %dma_wait3A_2937] : memref<64x4x32x4096xf32, #tpu.memory_space<hbm>> -> memref<1x1x8x4096xf32, #tpu.memory_space<hbm>>
        %dma_wait3A_2939 = tpu.memref_squeeze %dma_wait3A_2938 : memref<1x1x8x4096xf32, #tpu.memory_space<hbm>> -> memref<8x4096xf32, #tpu.memory_space<hbm>>
        tpu.wait_dma2 semaphore(%dma_wait3A_2931 : memref<!tpu.dma_semaphore, #tpu.memory_space<semaphore_mem>>) src(%dma_wait3A_2939 : memref<8x4096xf32, #tpu.memory_space<hbm>>) dst(%dma_wait3A_2935 : memref<8x4096xf32, #tpu.memory_space<vmem>>)
        %sub3A = arith.constant 2 : i32
        %sub3A_2940 = arith.subi %scan3A_2903, %sub3A : i32
        %mul3A_2941 = arith.constant 8 : i32
        %mul3A_2942 = arith.muli %add3A, %mul3A_2941 : i32
        %shift_right_logical3A = arith.constant 2 : i32
        %shift_right_logical3A_2943 = arith.shrui %sub3A_2940, %shift_right_logical3A : i32
        %add3A_2944 = arith.addi %mul3A_2942, %shift_right_logical3A_2943 : i32
        %and3A = arith.constant 3 : i32
        %and3A_2945 = arith.andi %sub3A_2940, %and3A : i32
        %mul3A_2946 = arith.constant 8 : i32
        %mul3A_2947 = arith.muli %and3A_2945, %mul3A_2946 : i32
        %div3A = arith.constant 4 : i32
        %div3A_2948 = arith.divsi %add3A_2944, %div3A : i32
        %rem3A_2949 = arith.constant 4 : i32
        %rem3A_2950 = arith.remsi %add3A_2944, %rem3A_2949 : i32
        %dma_start3A = arith.constant 0 : i32
        %dma_start3A_2951 = arith.constant 0 : i32
        %dma_start3A_2952 = tpu.memref_slice %arg7[%rem3A_2908, %dma_start3A, %dma_start3A_2951] : memref<3x8x4096xf32, #tpu.memory_space<vmem>> -> memref<1x8x4096xf32, #tpu.memory_space<vmem>>
        %dma_start3A_2953 = tpu.memref_squeeze %dma_start3A_2952 : memref<1x8x4096xf32, #tpu.memory_space<vmem>> -> memref<8x4096xf32, #tpu.memory_space<vmem>>
        %dma_start3A_2954 = arith.constant 0 : i32
        %dma_start3A_2955 = tpu.memref_slice %arg4[%div3A_2948, %rem3A_2950, %mul3A_2947, %dma_start3A_2954] : memref<64x4x32x4096xf32, #tpu.memory_space<hbm>> -> memref<1x1x8x4096xf32, #tpu.memory_space<hbm>>
        %dma_start3A_2956 = tpu.memref_squeeze %dma_start3A_2955 : memref<1x1x8x4096xf32, #tpu.memory_space<hbm>> -> memref<8x4096xf32, #tpu.memory_space<hbm>>
        %dma_start3A_2957 = tpu.memref_slice %arg9[%rem3A_2908] : memref<3x!tpu.dma_semaphore, #tpu.memory_space<semaphore_mem>> -> memref<1x!tpu.dma_semaphore, #tpu.memory_space<semaphore_mem>>
        %dma_start3A_2958 = tpu.memref_squeeze %dma_start3A_2957 : memref<1x!tpu.dma_semaphore, #tpu.memory_space<semaphore_mem>> -> memref<!tpu.dma_semaphore, #tpu.memory_space<semaphore_mem>>
        %dma_start3A_2959 = arith.constant 0 : i32
        %dma_start3A_2960 = tpu.memref_slice %arg4[%div3A_2948, %rem3A_2950, %mul3A_2947, %dma_start3A_2959] : memref<64x4x32x4096xf32, #tpu.memory_space<hbm>> -> memref<1x1x8x4096xf32, #tpu.memory_space<hbm>>
        %dma_start3A_2961 = tpu.memref_squeeze %dma_start3A_2960 : memref<1x1x8x4096xf32, #tpu.memory_space<hbm>> -> memref<8x4096xf32, #tpu.memory_space<hbm>>
        %dma_start3A_2962 = arith.constant 0 : i32
        %dma_start3A_2963 = arith.constant 0 : i32
        %dma_start3A_2964 = tpu.memref_slice %arg7[%rem3A_2908, %dma_start3A_2962, %dma_start3A_2963] : memref<3x8x4096xf32, #tpu.memory_space<vmem>> -> memref<1x8x4096xf32, #tpu.memory_space<vmem>>
        %dma_start3A_2965 = tpu.memref_squeeze %dma_start3A_2964 : memref<1x8x4096xf32, #tpu.memory_space<vmem>> -> memref<8x4096xf32, #tpu.memory_space<vmem>>
        tpu.enqueue_dma source(%dma_start3A_2965 : memref<8x4096xf32, #tpu.memory_space<vmem>>) target(%dma_start3A_2961 : memref<8x4096xf32, #tpu.memory_space<hbm>>) target_semaphore(%dma_start3A_2958 : memref<!tpu.dma_semaphore, #tpu.memory_space<semaphore_mem>>)
      } else {
      }
    }
    %scan3A_2881 = arith.constant 34 : i32
    %dma_wait3A = arith.constant 1 : i32
    %dma_wait3A_2882 = arith.constant 0 : i32
    %dma_wait3A_2883 = arith.constant 0 : i32
    %dma_wait3A_2884 = arith.constant 1 : i32
    %dma_wait3A_2885 = arith.constant 0 : i32
    %dma_wait3A_2886 = arith.constant 0 : i32
    %dma_wait3A_2887 = tpu.memref_slice %arg7[%dma_wait3A, %dma_wait3A_2885, %dma_wait3A_2886] : memref<3x8x4096xf32, #tpu.memory_space<vmem>> -> memref<1x8x4096xf32, #tpu.memory_space<vmem>>
    %dma_wait3A_2888 = tpu.memref_squeeze %dma_wait3A_2887 : memref<1x8x4096xf32, #tpu.memory_space<vmem>> -> memref<8x4096xf32, #tpu.memory_space<vmem>>
    %dma_wait3A_2889 = arith.constant 0 : i32
    %dma_wait3A_2890 = arith.constant 0 : i32
    %dma_wait3A_2891 = tpu.memref_slice %arg4[%dma_wait3A_2882, %dma_wait3A_2883, %dma_wait3A_2889, %dma_wait3A_2890] : memref<64x4x32x4096xf32, #tpu.memory_space<hbm>> -> memref<1x1x8x4096xf32, #tpu.memory_space<hbm>>
    %dma_wait3A_2892 = tpu.memref_squeeze %dma_wait3A_2891 : memref<1x1x8x4096xf32, #tpu.memory_space<hbm>> -> memref<8x4096xf32, #tpu.memory_space<hbm>>
    %dma_wait3A_2893 = tpu.memref_slice %arg9[%dma_wait3A_2884] : memref<3x!tpu.dma_semaphore, #tpu.memory_space<semaphore_mem>> -> memref<1x!tpu.dma_semaphore, #tpu.memory_space<semaphore_mem>>
    %dma_wait3A_2894 = tpu.memref_squeeze %dma_wait3A_2893 : memref<1x!tpu.dma_semaphore, #tpu.memory_space<semaphore_mem>> -> memref<!tpu.dma_semaphore, #tpu.memory_space<semaphore_mem>>
    %dma_wait3A_2895 = arith.constant 0 : i32
    %dma_wait3A_2896 = arith.constant 0 : i32
    %dma_wait3A_2897 = tpu.memref_slice %arg4[%dma_wait3A_2882, %dma_wait3A_2883, %dma_wait3A_2895, %dma_wait3A_2896] : memref<64x4x32x4096xf32, #tpu.memory_space<hbm>> -> memref<1x1x8x4096xf32, #tpu.memory_space<hbm>>
    %dma_wait3A_2898 = tpu.memref_squeeze %dma_wait3A_2897 : memref<1x1x8x4096xf32, #tpu.memory_space<hbm>> -> memref<8x4096xf32, #tpu.memory_space<hbm>>
    %dma_wait3A_2899 = arith.constant 0 : i32
    %dma_wait3A_2900 = arith.constant 0 : i32
    %dma_wait3A_2901 = tpu.memref_slice %arg7[%dma_wait3A, %dma_wait3A_2899, %dma_wait3A_2900] : memref<3x8x4096xf32, #tpu.memory_space<vmem>> -> memref<1x8x4096xf32, #tpu.memory_space<vmem>>
    %dma_wait3A_2902 = tpu.memref_squeeze %dma_wait3A_2901 : memref<1x8x4096xf32, #tpu.memory_space<vmem>> -> memref<8x4096xf32, #tpu.memory_space<vmem>>
    tpu.wait_dma2 semaphore(%dma_wait3A_2894 : memref<!tpu.dma_semaphore, #tpu.memory_space<semaphore_mem>>) src(%dma_wait3A_2902 : memref<8x4096xf32, #tpu.memory_space<vmem>>) dst(%dma_wait3A_2898 : memref<8x4096xf32, #tpu.memory_space<hbm>>)
    return
  }
}

</mosaic_0001>

<sc_bundles>
// kernel: kernel.3.cloned.1.call-start
scs
__scs_entry_jumppad:
0x0: {  	(pc) =	sbr.rel $0x88, $3  }
0x1: {  	(tag) =	ssettag $0x0;
	lr =	simm.s32 $0x1  }
0x2: {  	[smem:$0x3F9F] =	sst lr;
	_ =	strace $0xD0000000  }
0x3: {  	_ = 	snop  }
0x4: {  	_ = 	snop  }
0x5: {  	_ = 	snop  }
0x6: {  	_ = 	snop  }
0x7: {  	_ = 	snop  }
__scs_overlays_trampoline_lowered:
0x8: {  	[smem:$0x3FAE] =	sst s0  }
0x9: {  	[smem:$0x3FAF] =	sst s1  }
0xa: {  	[smem:$0x3FB0] =	sst s2  }
0xb: {  	[smem:$0x3FB1] =	sst s3  }
0xc: {  	[smem:$0x3FB2] =	sst s4  }
0xd: {  	[smem:$0x3FB3] =	sst s5  }
0xe: {  	[smem:$0x3FB4] =	sst s6  }
0xf: {  	[smem:$0x3FB5] =	sst s7  }
0x10: {  	[smem:$0x3FB6] =	sst s8  }
0x11: {  	[smem:$0x3FB7] =	sst s9;
	s0 =	simm.s32 @!p0 $0x0  }
0x12: {  	s1 =	sld [smem:$0x3F9D];
	s0 =	simm.s32 @p0 $0x1  }
0x13: {  	[smem:$0x3FB8] =	sst s0;
	s0 =	simm.s32 @!p1 $0x0  }
0x14: {  	s2 =	sld [smem:$0x3F9C];
	s0 =	simm.s32 @p1 $0x1  }
0x15: {  	[smem:$0x3FB9] =	sst s0;
	s0 =	simm.s32 @!p2 $0x0  }
0x16: {  	s3 =	sld [smem:$0x3FDB];
	s0 =	simm.s32 @p2 $0x1  }
0x17: {  	s4 =	simm.s32 $0x1BF5;
	[smem:$0x3FBB] =	sst s0  }
0x18: {  	s0 =	sld [smem:$0x3F9E];
	_ =	swait.ge [sflag:s4], $0x0  }
0x19: {  	s7 =	sld [smem:$0x3F9F]  }
0x1a: {  	s8 =	sadd.s32 $0xFFFFE003, lr  }
0x1b: {  	s9 =	sadd.s32 $0xFFFFFEF7, lr;
	s5 =	simm.s32 $0xFFFFFFFF;
	p2 =	slt.u32 s8, $0xFFFFF086  }
0x1c: {  	p1 =	slt.u32 s9, $0xF7A;
	s5 =	simm.s32 @!p2 $0x0  }
0x1d: {  	s5 =	simm.s32 @p1 $0x1;
	p0 =	seq.s32 s7, s2  }
0x1e: {  	s7 =	smul.u32 @!p0 $0xF7A, s2;
	p2 =	seq.s32 @!p0 s5, $0x0  }
0x1f: {  	s9 =	smul.u32 $0xF7A, s1;
	s8 =	simm.s32 @!p0 $0x1BF5;
	p2 =	por !p2, p0  }
0x20: {  	[sflag:s8] =	ssyncset.s32 @!p0 $0xFFFFF086;
	s6 =	sadd.s32 @!p0 s3, s7;
	s7 =	simm.s32 @!p0 $0x108  }
0x21: {  	s3 =	sadd.s32 s3, s9;
	s6 =	sadd.s32 @!p0 $0x88, s6;
	s7 =	simm.s32 @p2 $0x1082  }
0x22: {  	[simem:s7], [sflag:s8] =	dma.local @!p0 [hbm:s6], $0xF7A  }
0x23: {  	s9 =	sor.u32 $0xD0000000, s2;
	s6 =	simm.s32 $0x108;
	_ =	swait.ge @!p0 [sflag:s8], $0x0  }
0x24: {  	s3 =	sadd.s32 $0x88, s3;
	s6 =	simm.s32 @!p1 $0x1082;
	[sflag:s4] =	ssyncset.s32 $0xFFFFF086  }
0x25: {  	[simem:s6], [sflag:s4] =	dma.local [hbm:s3], $0xF7A  }
0x26: {  	[smem:$0x3F9F] =	sst s1;
	(tag) =	ssettag s2;
	_ =	strace s9  }
0x27: {  	s1 =	sld [smem:$0x3FAF]  }
0x28: {  	s2 =	sld [smem:$0x3FB0]  }
0x29: {  	s4 =	sld [smem:$0x3FB2]  }
0x2a: {  	p0 =	seq.s32 s5, $0x0;
	s5 =	sld [smem:$0x3FB3]  }
0x2b: {  	s6 =	sld [smem:$0x3FB4]  }
0x2c: {  	s7 =	sld [smem:$0x3FB5]  }
0x2d: {  	s3 =	simm.s32 $0x108;
	s8 =	sld [smem:$0x3FB6]  }
0x2e: {  	s3 =	simm.s32 @!p0 $0x1082;
	s9 =	sld [smem:$0x3FB7]  }
0x2f: {  	lr =	sadd.s32 s0, s3;
	s0 =	sld [smem:$0x3FAE]  }
0x30: {  	s3 =	sld [smem:$0x3FB1]  }
0x31: {  	[smem:$0x3FBA] =	sst s10  }
0x32: {  	s10 =	sld [smem:$0x3FB8];
	_ =	sdelay $0x3  }
0x33: {  	p0 =	seq.s32 s10, $0x1;
	s10 =	sld [smem:$0x3FBA];
	_ =	sdelay $0x3  }
0x34: {  	[smem:$0x3FBA] =	sst s10  }
0x35: {  	s10 =	sld [smem:$0x3FB9];
	_ =	sdelay $0x3  }
0x36: {  	p1 =	seq.s32 s10, $0x1;
	s10 =	sld [smem:$0x3FBA];
	_ =	sdelay $0x3  }
0x37: {  	[smem:$0x3FBA] =	sst s10  }
0x38: {  	s10 =	sld [smem:$0x3FBB]  }
0x39: {  	_ = 	snop;
	(pc) =	sbr.ind lr, $3  }
0x3a: {  	_ = 	snop  }
0x3b: {  	_ = 	snop  }
0x3c: {  	p2 =	seq.s32 s10, $0x1;
	s10 =	sld [smem:$0x3FBA]  }
0x3d: {  	_ =	shalt  }
0x3e: {  	_ =	shalt  }
0x3f: {  	_ =	shalt  }
0x40: {  	_ =	shalt  }
0x41: {  	_ =	shalt  }
0x42: {  	_ =	shalt  }
0x43: {  	_ =	shalt  }
0x44: {  	_ =	shalt  }
0x45: {  	_ =	shalt  }
0x46: {  	_ =	shalt  }
0x47: {  	_ =	shalt  }
0x48: {  	_ =	shalt  }
0x49: {  	_ =	shalt  }
0x4a: {  	_ =	shalt  }
0x4b: {  	_ =	shalt  }
0x4c: {  	_ =	shalt  }
0x4d: {  	_ =	shalt  }
0x4e: {  	_ =	shalt  }
0x4f: {  	_ =	shalt  }
0x50: {  	_ =	shalt  }
0x51: {  	_ =	shalt  }
0x52: {  	_ =	shalt  }
0x53: {  	_ =	shalt  }
0x54: {  	_ =	shalt  }
0x55: {  	_ =	shalt  }
0x56: {  	_ =	shalt  }
0x57: {  	_ =	shalt  }
0x58: {  	_ =	shalt  }
0x59: {  	_ =	shalt  }
0x5a: {  	_ =	shalt  }
0x5b: {  	_ =	shalt  }
0x5c: {  	_ =	shalt  }
0x5d: {  	_ =	shalt  }
0x5e: {  	_ =	shalt  }
0x5f: {  	_ =	shalt  }
0x60: {  	_ =	shalt  }
0x61: {  	_ =	shalt  }
0x62: {  	_ =	shalt  }
0x63: {  	_ =	shalt  }
0x64: {  	_ =	shalt  }
0x65: {  	_ =	shalt  }
0x66: {  	_ =	shalt  }
0x67: {  	_ =	shalt  }
0x68: {  	_ =	shalt  }
0x69: {  	_ =	shalt  }
0x6a: {  	_ =	shalt  }
0x6b: {  	_ =	shalt  }
0x6c: {  	_ =	shalt  }
0x6d: {  	_ =	shalt  }
0x6e: {  	_ =	shalt  }
0x6f: {  	_ =	shalt  }
0x70: {  	_ =	shalt  }
0x71: {  	_ =	shalt  }
0x72: {  	_ =	shalt  }
0x73: {  	_ =	shalt  }
0x74: {  	_ =	shalt  }
0x75: {  	_ =	shalt  }
0x76: {  	_ =	shalt  }
0x77: {  	_ =	shalt  }
0x78: {  	_ =	shalt  }
0x79: {  	_ =	shalt  }
0x7a: {  	_ =	shalt  }
0x7b: {  	_ =	shalt  }
0x7c: {  	_ =	shalt  }
0x7d: {  	_ =	shalt  }
0x7e: {  	_ =	shalt  }
0x7f: {  	_ =	shalt  }
0x80: {  	_ =	shalt  }
0x81: {  	_ =	shalt  }
0x82: {  	_ =	shalt  }
0x83: {  	_ =	shalt  }
0x84: {  	_ =	shalt  }
0x85: {  	_ =	shalt  }
0x86: {  	_ =	shalt  }
0x87: {  	_ =	shalt  }
.Lfunc_end0:
.L_simem_size_0:
called_computation_lowered:
.L_overlay_start_0:
0x88: {  	s2 =	sld [smem:$0x3FD9]  }
0x89: {  	s3 =	sld [smem:$0x3FFE];
	_ =	sdelay $0x1  }
0x8a: {  	s1 =	srdreg.scid  }
0x8b: {  	s0 =	sand.u32 $0x1, s1  }
0x8c: {  	s17 =	sshll.u32 s0, $0xA;
	s2 =	sadd.s32 s3, s2  }
0x8d: {  	s2 =	sadd.s32 s2, s17  }
0x8e: {  	[smem:$0x3FC6] =	sst s2  }
0x8f: {  	_ = 	snop  }
0x90: {  	s2 =	sld [smem:$0x3FC9]  }
0x91: {  	s18 =	sld [smem:$0x3FD0];
	(tm) =	ssettm $0x1  }
0x92: {  	s4 =	sld [smem:$0x3FFB];
	_ =	sdelay $0x3  }
0x93: {  	_ =	strace s4  }
0x94: {  	s4 =	sld [smem:$0x3FFC];
	_ =	sdelay $0x3  }
0x95: {  	_ =	strace s4  }
0x96: {  	s4 =	sld [smem:$0x3FFD];
	_ =	sdelay $0x3  }
0x97: {  	_ =	strace s4  }
0x98: {  	_ =	strace $0x8FFFFFFF  }
0x99: {  	s19 =	sld [smem:$0x3FDB];
	_ =	sdelay $0x1  }
0x9a: {  	s5 =	simm.s32 $_scs_section_size  }
0x9b: {  	s6 =	simm.s32 $_size__tile_overlayer_lowered;
	s7 =	simm.s32 $_tile_overlayer_lowered  }
0x9c: {  	s22 =	simm.s32 $0x1BFF;
	s21 =	sshll.u32 s7, $0x1;
	s4 =	sadd.s32 s5, s19  }
0x9d: {  	s8 =	simm.s32 $0x0;
	s20 =	sshll.u32 s6, $0x1;
	s6 =	sadd.s32 s21, s4  }
0x9e: {  	[timem:s8], [sflag:s22] =	dma.local [hbm:s6], s20  }
0x9f: {  	_ =	swait.ge [sflag:s22], s20  }
0xa0: {  	s5 =	ssub.s32 $0x0, s20;
	[sflag:s22] =	ssyncset.done $0x0  }
0xa1: {  	[sflag:s22] =	ssyncadd.s32 s5;
	_ =	sdelay $0x1  }
0xa2: {  	s23 =	simm.s32 $0x1B8B  }
0xa3: {  	_ =	swait.ge [sflag:s23], $0x1  }
0xa4: {  	[sflag:s23] =	ssyncset.done $0x0  }
0xa5: {  	s25 =	simm.s32 $0x1B8E;
	s24 =	sld [smem:$0x3FFE];
	[sflag:s23] =	ssyncadd.s32 $0xFFFFFFFF  }
0xa6: {  	s26 =	simm.s32 $execute0_lowered;
	[smem:$0x3FD2] =	sst s25  }
0xa7: {  	s6 =	sshll.u32 s26, $0x1;
	_ =	strace $0x80000046;
	[dreg:$0x1] =	wrdreg $0xFFFFFFFF  }
0xa8: {  	s28 =	simm.s32 $_size_execute0_lowered;
	s4 =	sadd.s32 s4, s6;
	[dreg:$0x0] =	wrdreg $0x0  }
0xa9: {  	s6 =	sshll.u32 s28, $0x1;
	[dreg:$0x2] =	wrdreg s4  }
0xaa: {  	[dreg:$0x3] =	wrdreg s6  }
0xab: {  	[dreg:$0x4] =	wrdreg $0xC0  }
0xac: {  	_ =	task [dreg:s8], $0x5FFFF  }
0xad: {  	[dreg:$0x1] =	wrdreg $0xFFFFFFFF  }
0xae: {  	[dreg:$0x0] =	wrdreg $0x60  }
0xaf: {  	[dreg:$0x2] =	wrdreg s2  }
0xb0: {  	[dreg:$0x3] =	wrdreg s24  }
0xb1: {  	[dreg:$0x4] =	wrdreg s18  }
0xb2: {  	[dreg:$0x5] =	wrdreg $0x9  }
0xb3: {  	_ =	task.clear_ibuf [dreg:s8], $0x6FFFF;
	_ =	strace $0x90000046  }
0xb4: {  	s29 =	simm.s32 $0x9;
	_ =	strace $0x80000048  }
0xb5: {  	_ =	swait.ge [sflag:s29], $0x1  }
0xb6: {  	[sflag:s29] =	ssyncadd.s32 $0xFFFFFFFF  }
0xb7: {  	_ =	strace $0x90000048  }
0xb8: {  	_ =	sfence  }
0xb9: {  	s30 =	sld [smem:$0x0];
	_ =	sdelay $0x2  }
0xba: {  	s31 =	sshll.u32 s1, $0xD;
	s1 =	sshrl.u32 s1, $0x2  }
0xbb: {  	s3 =	sand.u32 $0x4000, s31;
	s1 =	sadd.s32 s1, s30  }
0xbc: {  	s0 =	sor.u32 s3, s0;
	s1 =	sshll.u32 s1, $0x11  }
0xbd: {  	s0 =	sor.u32 s1, s0  }
0xbe: {  	s0 =	sadd.s32 $0x8F2B, s0  }
0xbf: {  	[sflag:s0] =	ssyncadd.remote.s32 $0x1  }
0xc0: {  	_ =	sfence.sel $0xFFFF  }
0xc1: {  	[dreg:$0x0] =	wrdreg $0xFFFFFFFF;
	(pc) =	sbr.abs _section_cstart, $3  }
0xc2: {  	[dreg:$0x1] =	wrdreg $0xFFFFFFFF  }
0xc3: {  	_ =	task.clear_ibuf [dreg:s8], $0x2FFFF;
	_ =	strace $0x9FFFFFFF  }
0xc4: {  	(tm) =	ssettm $0x7FFFFFFF  }
0xc5: {  	_ =	shalt  }
tec
execute0_lowered:
.L_overlay_start_1:
0x0: {  	(tag) =	ssettag $0x1  }
0x1: {  	s1 =	rddreg [dreg:$0x0]  }
0x2: {  	s5 =	rddreg [dreg:$0x1]  }
0x3: {  	s2 =	rddreg [dreg:$0x2]  }
0x4: {  	s4 =	srdreg.scid;
	s0 =	rddreg [dreg:$0x3];
	s3 =	simm.s32 $0x0  }
0x5: {  	vm0 =	vmmov $0x1;
	s6 =	sand.u32 $0x1, s4;
	[smem:$0x7FF] =	sst s3;
	s4 =	stileid.u32  }
0x6: {  	vm1 =	vcmask $0x308;
	vm2 =	vcmask $0x70C;
	vm3 =	vcmask $0xB10;
	s5 =	sadd.s32 $0x400, s5;
	s7 =	ssub.s32 $0x2, s6;
	_ =	strace $0x80000047  }
0x7: {  	vm4 =	vcmask $0xF14;
	vm5 =	vcmask $0x1318;
	vm6 =	vcmask $0x171C;
	s31 =	sshll.u32 s4, $0x4;
	s9 =	sshll.u32 s6, $0x3;
	s10 =	sshll.u32 s4, $0x15  }
0x8: {  	vm7 =	vcmask $0x1B20;
	vm8 =	vcmask $0x1F24;
	vm9 =	vcmask $0x2328;
	s11 =	sshll.u32 s6, $0x14;
	s8 =	sshrl.u32 s7, $0x1;
	s6 =	sor.u32 s9, s31  }
0x9: {  	vm10 =	vcmask $0x272C;
	vm11 =	vcmask $0x2B30;
	vm12 =	vcmask $0x2F34;
	s9 =	simm.s32 $0x7;
	s7 =	ssub.s32 s7, s8;
	s8 =	sor.u32 s11, s10  }
0xa: {  	vm13 =	vcmask $0x3338;
	vm14 =	vcmask $0x373C;
	vm15 =	vmmov $0x7fff;
	s10 =	simm.s32 $0x5;
	s11 =	simm.s32 $0x0;
	s7 =	smax.u32 s7, $0x1  }
.LBB2_1:
0xb: {  	[tilespmem:s3], [sflag:$0x7] =	stream.linear.gather [hbm4b:s5+s3], $0x100, $0x38;
	[tilespmem:$0x18100] =	vst v63  }
0xc: {  	_ =	swait.ge [sflag:s9], $0x100  }
0xd: {  	[sflag:s9] =	ssyncset.done $0x0  }
0xe: {  	[sflag:s9] =	ssyncadd.s32 $0xFFFFFF00  }
0xf: {  	v0 =	vld [tilespmem:$0x0];
	_ =	sdelay $0x4  }
0x10: {  	v1 =	vnsel vm0, $0x0, v0  }
0x11: {  	v24 =	vsel vm1, $0x0, v0;
	(xrf0) =	vadd.scan.msk.s32 $0xffff, v1  }
0x12: {  	v25 =	vsel vm2, $0x0, v0;
	(xrf0) =	vadd.scan.msk.s32 $0xffff, v24  }
0x13: {  	v26 =	vsel vm3, $0x0, v0;
	(xrf0) =	vadd.scan.msk.s32 $0xffff, v25  }
0x14: {  	v27 =	vsel vm4, $0x0, v0;
	(xrf0) =	vadd.scan.msk.s32 $0xffff, v26  }
0x15: {  	v28 =	vsel vm5, $0x0, v0;
	(xrf0) =	vadd.scan.msk.s32 $0xffff, v27  }
0x16: {  	v29 =	vsel vm6, $0x0, v0;
	(xrf0) =	vadd.scan.msk.s32 $0xffff, v28  }
0x17: {  	v30 =	vsel vm7, $0x0, v0;
	v2, _, _ =	vpop (xrf0);
	(xrf0) =	vadd.scan.msk.s32 $0xffff, v29  }
0x18: {  	v32 =	vsel vm8, $0x0, v0;
	(v2sf) =	vpush v2, $0xF;
	v31, _, _ =	vpop (xrf0);
	(xrf0) =	vadd.scan.msk.s32 $0xffff, v30  }
0x19: {  	v34 =	vsel vm9, $0x0, v0;
	(v2sf) =	vpush v31, $0xF;
	v33, _, _ =	vpop (xrf0);
	(xrf0) =	vadd.scan.msk.s32 $0xffff, v32  }
0x1a: {  	v36 =	vsel vm10, $0x0, v0;
	(v2sf) =	vpush v33, $0xF;
	v35, _, _ =	vpop (xrf0);
	(xrf0) =	vadd.scan.msk.s32 $0xffff, v34  }
0x1b: {  	v3 =	vld [tilespmem:$0x10];
	v38 =	vsel vm11, $0x0, v0;
	(v2sf) =	vpush v35, $0xF;
	v37, _, _ =	vpop (xrf0);
	(xrf0) =	vadd.scan.msk.s32 $0xffff, v36  }
0x1c: {  	v40 =	vsel vm12, $0x0, v0;
	(v2sf) =	vpush v37, $0xF;
	v39, _, _ =	vpop (xrf0);
	(xrf0) =	vadd.scan.msk.s32 $0xffff, v38  }
0x1d: {  	v42 =	vsel vm13, $0x0, v0;
	(v2sf) =	vpush v39, $0xF;
	v41, _, _ =	vpop (xrf0);
	(xrf0) =	vadd.scan.msk.s32 $0xffff, v40  }
0x1e: {  	v44 =	vsel vm14, $0x0, v0;
	(v2sf) =	vpush v41, $0xF;
	v43, _, _ =	vpop (xrf0);
	(xrf0) =	vadd.scan.msk.s32 $0xffff, v42  }
0x1f: {  	v0 =	vsel vm15, $0x0, v0;
	(v2sf) =	vpush v43, $0xF;
	v45, _, _ =	vpop (xrf0);
	(xrf0) =	vadd.scan.msk.s32 $0xffff, v44  }
0x20: {  	v47 =	vnsel vm0, $0x0, v3;
	(v2sf) =	vpush v45, $0xF;
	v46, _, _ =	vpop (xrf0);
	(xrf0) =	vadd.scan.msk.s32 $0xffff, v0  }
0x21: {  	v49 =	vsel vm1, $0x0, v3;
	(v2sf) =	vpush v46, $0xF;
	v48, _, _ =	vpop (xrf0);
	(xrf0) =	vadd.scan.msk.s32 $0xffff, v47  }
0x22: {  	v51 =	vsel vm2, $0x0, v3;
	(v2sf) =	vpush v48, $0xF;
	v50, _, _ =	vpop (xrf0);
	(xrf0) =	vadd.scan.msk.s32 $0xffff, v49  }
0x23: {  	v53 =	vsel vm3, $0x0, v3;
	(v2sf) =	vpush v50, $0xF;
	v52, _, _ =	vpop (xrf0);
	(xrf0) =	vadd.scan.msk.s32 $0xffff, v51  }
0x24: {  	v55 =	vsel vm4, $0x0, v3;
	(v2sf) =	vpush v52, $0xF;
	v54, _, _ =	vpop (xrf0);
	(xrf0) =	vadd.scan.msk.s32 $0xffff, v53  }
0x25: {  	v57 =	vsel vm5, $0x0, v3;
	(v2sf) =	vpush v54, $0xF;
	v56, _, _ =	vpop (xrf0);
	(xrf0) =	vadd.scan.msk.s32 $0xffff, v55  }
0x26: {  	v59 =	vsel vm6, $0x0, v3;
	(v2sf) =	vpush v56, $0xF;
	v58, _, _ =	vpop (xrf0);
	(xrf0) =	vadd.scan.msk.s32 $0xffff, v57  }
0x27: {  	v61 =	vsel vm7, $0x0, v3;
	s12 =	spop (v2sf);
	(v2sf) =	vpush v58, $0xF;
	v60, _, _ =	vpop (xrf0);
	(xrf0) =	vadd.scan.msk.s32 $0xffff, v59  }
0x28: {  	v63 =	vsel vm8, $0x0, v3;
	[smem:$0x0] =	sst s12;
	s30 =	spop (v2sf);
	(v2sf) =	vpush v60, $0xF;
	v62, _, _ =	vpop (xrf0);
	(xrf0) =	vadd.scan.msk.s32 $0xffff, v61  }
0x29: {  	v5 =	vsel vm9, $0x0, v3;
	[smem:$0x1] =	sst s30;
	s31 =	spop (v2sf);
	(v2sf) =	vpush v62, $0xF;
	v4, _, _ =	vpop (xrf0);
	(xrf0) =	vadd.scan.msk.s32 $0xffff, v63  }
0x2a: {  	v7 =	vsel vm10, $0x0, v3;
	[smem:$0x2] =	sst s31;
	s13 =	spop (v2sf);
	(v2sf) =	vpush v4, $0xF;
	v6, _, _ =	vpop (xrf0);
	(xrf0) =	vadd.scan.msk.s32 $0xffff, v5  }
0x2b: {  	v10 =	vld [tilespmem:$0x20];
	v9 =	vsel vm11, $0x0, v3;
	[smem:$0x3] =	sst s13;
	s14 =	spop (v2sf);
	(v2sf) =	vpush v6, $0xF;
	v8, _, _ =	vpop (xrf0);
	(xrf0) =	vadd.scan.msk.s32 $0xffff, v7  }
0x2c: {  	v12 =	vsel vm12, $0x0, v3;
	[smem:$0x4] =	sst s14;
	s15 =	spop (v2sf);
	(v2sf) =	vpush v8, $0xF;
	v11, _, _ =	vpop (xrf0);
	(xrf0) =	vadd.scan.msk.s32 $0xffff, v9  }
0x2d: {  	v14 =	vsel vm13, $0x0, v3;
	[smem:$0x5] =	sst s15;
	s16 =	spop (v2sf);
	(v2sf) =	vpush v11, $0xF;
	v13, _, _ =	vpop (xrf0);
	(xrf0) =	vadd.scan.msk.s32 $0xffff, v12  }
0x2e: {  	v16 =	vsel vm14, $0x0, v3;
	[smem:$0x6] =	sst s16;
	s17 =	spop (v2sf);
	(v2sf) =	vpush v13, $0xF;
	v15, _, _ =	vpop (xrf0);
	(xrf0) =	vadd.scan.msk.s32 $0xffff, v14  }
0x2f: {  	v18 =	vsel vm15, $0x0, v3;
	[smem:$0x7] =	sst s17;
	s18 =	spop (v2sf);
	(v2sf) =	vpush v15, $0xF;
	v17, _, _ =	vpop (xrf0);
	(xrf0) =	vadd.scan.msk.s32 $0xffff, v16  }
0x30: {  	v20 =	vnsel vm0, $0x0, v10;
	[smem:$0x8] =	sst s18;
	s19 =	spop (v2sf);
	(v2sf) =	vpush v17, $0xF;
	v19, _, _ =	vpop (xrf0);
	(xrf0) =	vadd.scan.msk.s32 $0xffff, v18  }
0x31: {  	v22 =	vsel vm1, $0x0, v10;
	[smem:$0x9] =	sst s19;
	s20 =	spop (v2sf);
	(v2sf) =	vpush v19, $0xF;
	v21, _, _ =	vpop (xrf0);
	(xrf0) =	vadd.scan.msk.s32 $0xffff, v20  }
0x32: {  	v24 =	vsel vm2, $0x0, v10;
	[smem:$0xA] =	sst s20;
	s21 =	spop (v2sf);
	(v2sf) =	vpush v21, $0xF;
	v23, _, _ =	vpop (xrf0);
	(xrf0) =	vadd.scan.msk.s32 $0xffff, v22  }
0x33: {  	v26 =	vsel vm3, $0x0, v10;
	[smem:$0xB] =	sst s21;
	s22 =	spop (v2sf);
	(v2sf) =	vpush v23, $0xF;
	v25, _, _ =	vpop (xrf0);
	(xrf0) =	vadd.scan.msk.s32 $0xffff, v24  }
0x34: {  	v28 =	vsel vm4, $0x0, v10;
	[smem:$0xC] =	sst s22;
	s23 =	spop (v2sf);
	(v2sf) =	vpush v25, $0xF;
	v27, _, _ =	vpop (xrf0);
	(xrf0) =	vadd.scan.msk.s32 $0xffff, v26  }
0x35: {  	v30 =	vsel vm5, $0x0, v10;
	[smem:$0xD] =	sst s23;
	s24 =	spop (v2sf);
	(v2sf) =	vpush v27, $0xF;
	v29, _, _ =	vpop (xrf0);
	(xrf0) =	vadd.scan.msk.s32 $0xffff, v28  }
0x36: {  	v32 =	vsel vm6, $0x0, v10;
	[smem:$0xE] =	sst s24;
	s25 =	spop (v2sf);
	(v2sf) =	vpush v29, $0xF;
	v31, _, _ =	vpop (xrf0);
	(xrf0) =	vadd.scan.msk.s32 $0xffff, v30  }
0x37: {  	v34 =	vsel vm7, $0x0, v10;
	[smem:$0xF] =	sst s25;
	s26 =	spop (v2sf);
	(v2sf) =	vpush v31, $0xF;
	v33, _, _ =	vpop (xrf0);
	(xrf0) =	vadd.scan.msk.s32 $0xffff, v32  }
0x38: {  	v36 =	vsel vm8, $0x0, v10;
	[smem:$0x10] =	sst s26;
	s28 =	spop (v2sf);
	(v2sf) =	vpush v33, $0xF;
	v35, _, _ =	vpop (xrf0);
	(xrf0) =	vadd.scan.msk.s32 $0xffff, v34  }
0x39: {  	v38 =	vsel vm9, $0x0, v10;
	[smem:$0x11] =	sst s28;
	s29 =	spop (v2sf);
	(v2sf) =	vpush v35, $0xF;
	v37, _, _ =	vpop (xrf0);
	(xrf0) =	vadd.scan.msk.s32 $0xffff, v36  }
0x3a: {  	v40 =	vsel vm10, $0x0, v10;
	[smem:$0x12] =	sst s29;
	s30 =	spop (v2sf);
	(v2sf) =	vpush v37, $0xF;
	v39, _, _ =	vpop (xrf0);
	(xrf0) =	vadd.scan.msk.s32 $0xffff, v38  }
0x3b: {  	v42 =	vsel vm11, $0x0, v10;
	v43 =	vld [tilespmem:$0x30];
	[smem:$0x13] =	sst s30;
	s31 =	spop (v2sf);
	(v2sf) =	vpush v39, $0xF;
	v41, _, _ =	vpop (xrf0);
	(xrf0) =	vadd.scan.msk.s32 $0xffff, v40  }
0x3c: {  	v45 =	vsel vm12, $0x0, v10;
	[smem:$0x14] =	sst s31;
	s13 =	spop (v2sf);
	(v2sf) =	vpush v41, $0xF;
	v44, _, _ =	vpop (xrf0);
	(xrf0) =	vadd.scan.msk.s32 $0xffff, v42  }
0x3d: {  	v47 =	vsel vm13, $0x0, v10;
	[smem:$0x15] =	sst s13;
	s14 =	spop (v2sf);
	(v2sf) =	vpush v44, $0xF;
	v46, _, _ =	vpop (xrf0);
	(xrf0) =	vadd.scan.msk.s32 $0xffff, v45  }
0x3e: {  	v49 =	vsel vm14, $0x0, v10;
	[smem:$0x16] =	sst s14;
	s15 =	spop (v2sf);
	(v2sf) =	vpush v46, $0xF;
	v48, _, _ =	vpop (xrf0);
	(xrf0) =	vadd.scan.msk.s32 $0xffff, v47  }
0x3f: {  	v2 =	vsel vm15, $0x0, v10;
	[smem:$0x17] =	sst s15;
	s16 =	spop (v2sf);
	(v2sf) =	vpush v48, $0xF;
	v50, _, _ =	vpop (xrf0);
	(xrf0) =	vadd.scan.msk.s32 $0xffff, v49  }
0x40: {  	v52 =	vnsel vm0, $0x0, v43;
	[smem:$0x18] =	sst s16;
	s17 =	spop (v2sf);
	(v2sf) =	vpush v50, $0xF;
	v51, _, _ =	vpop (xrf0);
	(xrf0) =	vadd.scan.msk.s32 $0xffff, v2  }
0x41: {  	v54 =	vsel vm1, $0x0, v43;
	[smem:$0x19] =	sst s17;
	s18 =	spop (v2sf);
	(v2sf) =	vpush v51, $0xF;
	v53, _, _ =	vpop (xrf0);
	(xrf0) =	vadd.scan.msk.s32 $0xffff, v52  }
0x42: {  	v56 =	vsel vm2, $0x0, v43;
	[smem:$0x1A] =	sst s18;
	s19 =	spop (v2sf);
	(v2sf) =	vpush v53, $0xF;
	v55, _, _ =	vpop (xrf0);
	(xrf0) =	vadd.scan.msk.s32 $0xffff, v54  }
0x43: {  	v58 =	vsel vm3, $0x0, v43;
	[smem:$0x1B] =	sst s19;
	s20 =	spop (v2sf);
	(v2sf) =	vpush v55, $0xF;
	v57, _, _ =	vpop (xrf0);
	(xrf0) =	vadd.scan.msk.s32 $0xffff, v56  }
0x44: {  	v60 =	vsel vm4, $0x0, v43;
	[smem:$0x1C] =	sst s20;
	s21 =	spop (v2sf);
	(v2sf) =	vpush v57, $0xF;
	v59, _, _ =	vpop (xrf0);
	(xrf0) =	vadd.scan.msk.s32 $0xffff, v58  }
0x45: {  	v62 =	vsel vm5, $0x0, v43;
	[smem:$0x1D] =	sst s21;
	s22 =	spop (v2sf);
	(v2sf) =	vpush v59, $0xF;
	v61, _, _ =	vpop (xrf0);
	(xrf0) =	vadd.scan.msk.s32 $0xffff, v60  }
0x46: {  	v4 =	vsel vm6, $0x0, v43;
	[smem:$0x1E] =	sst s22;
	s23 =	spop (v2sf);
	(v2sf) =	vpush v61, $0xF;
	v63, _, _ =	vpop (xrf0);
	(xrf0) =	vadd.scan.msk.s32 $0xffff, v62  }
0x47: {  	v6 =	vsel vm7, $0x0, v43;
	[smem:$0x1F] =	sst s23;
	s24 =	spop (v2sf);
	(v2sf) =	vpush v63, $0xF;
	v5, _, _ =	vpop (xrf0);
	(xrf0) =	vadd.scan.msk.s32 $0xffff, v4  }
0x48: {  	v8 =	vsel vm8, $0x0, v43;
	[smem:$0x20] =	sst s24;
	s25 =	spop (v2sf);
	(v2sf) =	vpush v5, $0xF;
	v7, _, _ =	vpop (xrf0);
	(xrf0) =	vadd.scan.msk.s32 $0xffff, v6  }
0x49: {  	v10 =	vsel vm9, $0x0, v43;
	[smem:$0x21] =	sst s25;
	s26 =	spop (v2sf);
	(v2sf) =	vpush v7, $0xF;
	v9, _, _ =	vpop (xrf0);
	(xrf0) =	vadd.scan.msk.s32 $0xffff, v8  }
0x4a: {  	[smem:$0x22] =	sst s26;
	s28 =	spop (v2sf);
	(v2sf) =	vpush v9, $0xF;
	v11, _, _ =	vpop (xrf0);
	(xrf0) =	vadd.scan.msk.s32 $0xffff, v10  }
0x4b: {  	[smem:$0x23] =	sst s28;
	s29 =	spop (v2sf);
	(v2sf) =	vpush v11, $0xF;
	v12, _, _ =	vpop (xrf0)  }
0x4c: {  	[smem:$0x24] =	sst s29;
	s30 =	spop (v2sf);
	(v2sf) =	vpush v12, $0xF;
	v13, _, _ =	vpop (xrf0)  }
0x4d: {  	[smem:$0x25] =	sst s30;
	s31 =	spop (v2sf);
	(v2sf) =	vpush v13, $0xF;
	v14, _, _ =	vpop (xrf0)  }
0x4e: {  	[smem:$0x26] =	sst s31;
	s13 =	spop (v2sf);
	(v2sf) =	vpush v14, $0xF;
	v15, _, _ =	vpop (xrf0)  }
0x4f: {  	[smem:$0x27] =	sst s13;
	s14 =	spop (v2sf);
	(v2sf) =	vpush v15, $0xF;
	v16, _, _ =	vpop (xrf0)  }
0x50: {  	[smem:$0x28] =	sst s14;
	s15 =	spop (v2sf);
	(v2sf) =	vpush v16, $0xF;
	v17, _, _ =	vpop (xrf0)  }
0x51: {  	[smem:$0x29] =	sst s15;
	s16 =	spop (v2sf);
	(v2sf) =	vpush v17, $0xF  }
0x52: {  	[smem:$0x2A] =	sst s16;
	s17 =	spop (v2sf)  }
0x53: {  	[smem:$0x2B] =	sst s17;
	s18 =	spop (v2sf)  }
0x54: {  	[smem:$0x2C] =	sst s18;
	s19 =	spop (v2sf)  }
0x55: {  	[smem:$0x2D] =	sst s19;
	s20 =	spop (v2sf)  }
0x56: {  	[smem:$0x2E] =	sst s20;
	s21 =	spop (v2sf)  }
0x57: {  	[smem:$0x2F] =	sst s21;
	s22 =	spop (v2sf)  }
0x58: {  	[smem:$0x30] =	sst s22;
	s23 =	spop (v2sf)  }
0x59: {  	[smem:$0x31] =	sst s23;
	s24 =	spop (v2sf)  }
0x5a: {  	v18 =	vsel vm10, $0x0, v43;
	[smem:$0x32] =	sst s24;
	s25 =	spop (v2sf)  }
0x5b: {  	(xrf0) =	vadd.scan.msk.s32 $0xffff, v18;
	[smem:$0x33] =	sst s25;
	s26 =	spop (v2sf)  }
0x5c: {  	[smem:$0x34] =	sst s26;
	s28 =	spop (v2sf)  }
0x5d: {  	[smem:$0x35] =	sst s28;
	s29 =	spop (v2sf)  }
0x5e: {  	[smem:$0x36] =	sst s29;
	s30 =	spop (v2sf)  }
0x5f: {  	[smem:$0x37] =	sst s30;
	s31 =	spop (v2sf)  }
0x60: {  	[smem:$0x38] =	sst s31;
	s13 =	spop (v2sf)  }
0x61: {  	v1, _, _ =	vpop (xrf0);
	[smem:$0x39] =	sst s13  }
0x62: {  	(v2sf) =	vpush v1, $0xF  }
0x63: {  	v19 =	vsel vm11, $0x0, v43;
	v20 =	vld [tilespmem:$0x40]  }
0x64: {  	v21 =	vsel vm12, $0x0, v43;
	(xrf0) =	vadd.scan.msk.s32 $0xffff, v19  }
0x65: {  	v22 =	vsel vm13, $0x0, v43;
	(xrf0) =	vadd.scan.msk.s32 $0xffff, v21  }
0x66: {  	v23 =	vsel vm14, $0x0, v43;
	(xrf0) =	vadd.scan.msk.s32 $0xffff, v22  }
0x67: {  	v0 =	vsel vm15, $0x0, v43;
	(xrf0) =	vadd.scan.msk.s32 $0xffff, v23  }
0x68: {  	(xrf0) =	vadd.scan.msk.s32 $0xffff, v0;
	v24 =	vnsel vm0, $0x0, v20  }
0x69: {  	v25 =	vsel vm1, $0x0, v20;
	(xrf0) =	vadd.scan.msk.s32 $0xffff, v24  }
0x6a: {  	v27 =	vsel vm2, $0x0, v20;
	v26, _, _ =	vpop (xrf0);
	(xrf0) =	vadd.scan.msk.s32 $0xffff, v25  }
0x6b: {  	v29 =	vsel vm3, $0x0, v20;
	(v2sf) =	vpush v26, $0xF;
	v28, _, _ =	vpop (xrf0);
	(xrf0) =	vadd.scan.msk.s32 $0xffff, v27  }
0x6c: {  	v31 =	vsel vm4, $0x0, v20;
	(v2sf) =	vpush v28, $0xF;
	v30, _, _ =	vpop (xrf0);
	(xrf0) =	vadd.scan.msk.s32 $0xffff, v29  }
0x6d: {  	v33 =	vsel vm5, $0x0, v20;
	(v2sf) =	vpush v30, $0xF;
	v32, _, _ =	vpop (xrf0);
	(xrf0) =	vadd.scan.msk.s32 $0xffff, v31  }
0x6e: {  	v35 =	vsel vm6, $0x0, v20;
	(v2sf) =	vpush v32, $0xF;
	v34, _, _ =	vpop (xrf0);
	(xrf0) =	vadd.scan.msk.s32 $0xffff, v33  }
0x6f: {  	v37 =	vsel vm7, $0x0, v20;
	(v2sf) =	vpush v34, $0xF;
	v36, _, _ =	vpop (xrf0);
	(xrf0) =	vadd.scan.msk.s32 $0xffff, v35  }
0x70: {  	v39 =	vsel vm8, $0x0, v20;
	(v2sf) =	vpush v36, $0xF;
	v38, _, _ =	vpop (xrf0);
	(xrf0) =	vadd.scan.msk.s32 $0xffff, v37  }
0x71: {  	v41 =	vsel vm9, $0x0, v20;
	(v2sf) =	vpush v38, $0xF;
	v40, _, _ =	vpop (xrf0);
	(xrf0) =	vadd.scan.msk.s32 $0xffff, v39  }
0x72: {  	v43 =	vsel vm10, $0x0, v20;
	(v2sf) =	vpush v40, $0xF;
	v42, _, _ =	vpop (xrf0);
	(xrf0) =	vadd.scan.msk.s32 $0xffff, v41  }
0x73: {  	v46 =	vld [tilespmem:$0x50];
	v45 =	vsel vm11, $0x0, v20;
	(v2sf) =	vpush v42, $0xF;
	v44, _, _ =	vpop (xrf0);
	(xrf0) =	vadd.scan.msk.s32 $0xffff, v43  }
0x74: {  	v48 =	vsel vm12, $0x0, v20;
	(v2sf) =	vpush v44, $0xF;
	v47, _, _ =	vpop (xrf0);
	(xrf0) =	vadd.scan.msk.s32 $0xffff, v45  }
0x75: {  	v50 =	vsel vm13, $0x0, v20;
	(v2sf) =	vpush v47, $0xF;
	v49, _, _ =	vpop (xrf0);
	(xrf0) =	vadd.scan.msk.s32 $0xffff, v48  }
0x76: {  	v52 =	vsel vm14, $0x0, v20;
	(v2sf) =	vpush v49, $0xF;
	v51, _, _ =	vpop (xrf0);
	(xrf0) =	vadd.scan.msk.s32 $0xffff, v50  }
0x77: {  	v54 =	vsel vm15, $0x0, v20;
	(v2sf) =	vpush v51, $0xF;
	v53, _, _ =	vpop (xrf0);
	(xrf0) =	vadd.scan.msk.s32 $0xffff, v52  }
0x78: {  	v56 =	vnsel vm0, $0x0, v46;
	(v2sf) =	vpush v53, $0xF;
	v55, _, _ =	vpop (xrf0);
	(xrf0) =	vadd.scan.msk.s32 $0xffff, v54  }
0x79: {  	v58 =	vsel vm1, $0x0, v46;
	s14 =	spop (v2sf);
	(v2sf) =	vpush v55, $0xF;
	v57, _, _ =	vpop (xrf0);
	(xrf0) =	vadd.scan.msk.s32 $0xffff, v56  }
0x7a: {  	v60 =	vsel vm2, $0x0, v46;
	[smem:$0x3A] =	sst s14;
	s15 =	spop (v2sf);
	(v2sf) =	vpush v57, $0xF;
	v59, _, _ =	vpop (xrf0);
	(xrf0) =	vadd.scan.msk.s32 $0xffff, v58  }
0x7b: {  	v62 =	vsel vm3, $0x0, v46;
	[smem:$0x3B] =	sst s15;
	s16 =	spop (v2sf);
	(v2sf) =	vpush v59, $0xF;
	v61, _, _ =	vpop (xrf0);
	(xrf0) =	vadd.scan.msk.s32 $0xffff, v60  }
0x7c: {  	v4 =	vsel vm4, $0x0, v46;
	[smem:$0x3C] =	sst s16;
	s17 =	spop (v2sf);
	(v2sf) =	vpush v61, $0xF;
	v63, _, _ =	vpop (xrf0);
	(xrf0) =	vadd.scan.msk.s32 $0xffff, v62  }
0x7d: {  	v6 =	vsel vm5, $0x0, v46;
	[smem:$0x3D] =	sst s17;
	s18 =	spop (v2sf);
	(v2sf) =	vpush v63, $0xF;
	v5, _, _ =	vpop (xrf0);
	(xrf0) =	vadd.scan.msk.s32 $0xffff, v4  }
0x7e: {  	v8 =	vsel vm6, $0x0, v46;
	[smem:$0x3E] =	sst s18;
	s19 =	spop (v2sf);
	(v2sf) =	vpush v5, $0xF;
	v7, _, _ =	vpop (xrf0);
	(xrf0) =	vadd.scan.msk.s32 $0xffff, v6  }
0x7f: {  	v10 =	vsel vm7, $0x0, v46;
	[smem:$0x3F] =	sst s19;
	s20 =	spop (v2sf);
	(v2sf) =	vpush v7, $0xF;
	v9, _, _ =	vpop (xrf0);
	(xrf0) =	vadd.scan.msk.s32 $0xffff, v8  }
0x80: {  	v12 =	vsel vm8, $0x0, v46;
	[smem:$0x40] =	sst s20;
	s21 =	spop (v2sf);
	(v2sf) =	vpush v9, $0xF;
	v11, _, _ =	vpop (xrf0);
	(xrf0) =	vadd.scan.msk.s32 $0xffff, v10  }
0x81: {  	v14 =	vsel vm9, $0x0, v46;
	[smem:$0x41] =	sst s21;
	s22 =	spop (v2sf);
	(v2sf) =	vpush v11, $0xF;
	v13, _, _ =	vpop (xrf0);
	(xrf0) =	vadd.scan.msk.s32 $0xffff, v12  }
0x82: {  	v16 =	vsel vm10, $0x0, v46;
	[smem:$0x42] =	sst s22;
	s23 =	spop (v2sf);
	(v2sf) =	vpush v13, $0xF;
	v15, _, _ =	vpop (xrf0);
	(xrf0) =	vadd.scan.msk.s32 $0xffff, v14  }
0x83: {  	v19 =	vld [tilespmem:$0x60];
	v18 =	vsel vm11, $0x0, v46;
	[smem:$0x43] =	sst s23;
	s24 =	spop (v2sf);
	(v2sf) =	vpush v15, $0xF;
	v17, _, _ =	vpop (xrf0);
	(xrf0) =	vadd.scan.msk.s32 $0xffff, v16  }
0x84: {  	v21 =	vsel vm12, $0x0, v46;
	[smem:$0x44] =	sst s24;
	s25 =	spop (v2sf);
	(v2sf) =	vpush v17, $0xF;
	v20, _, _ =	vpop (xrf0);
	(xrf0) =	vadd.scan.msk.s32 $0xffff, v18  }
0x85: {  	v23 =	vsel vm13, $0x0, v46;
	[smem:$0x45] =	sst s25;
	s26 =	spop (v2sf);
	(v2sf) =	vpush v20, $0xF;
	v22, _, _ =	vpop (xrf0);
	(xrf0) =	vadd.scan.msk.s32 $0xffff, v21  }
0x86: {  	v25 =	vsel vm14, $0x0, v46;
	[smem:$0x46] =	sst s26;
	s28 =	spop (v2sf);
	(v2sf) =	vpush v22, $0xF;
	v24, _, _ =	vpop (xrf0);
	(xrf0) =	vadd.scan.msk.s32 $0xffff, v23  }
0x87: {  	v27 =	vsel vm15, $0x0, v46;
	[smem:$0x47] =	sst s28;
	s29 =	spop (v2sf);
	(v2sf) =	vpush v24, $0xF;
	v26, _, _ =	vpop (xrf0);
	(xrf0) =	vadd.scan.msk.s32 $0xffff, v25  }
0x88: {  	v29 =	vnsel vm0, $0x0, v19;
	[smem:$0x48] =	sst s29;
	s30 =	spop (v2sf);
	(v2sf) =	vpush v26, $0xF;
	v28, _, _ =	vpop (xrf0);
	(xrf0) =	vadd.scan.msk.s32 $0xffff, v27  }
0x89: {  	v31 =	vsel vm1, $0x0, v19;
	[smem:$0x49] =	sst s30;
	s31 =	spop (v2sf);
	(v2sf) =	vpush v28, $0xF;
	v30, _, _ =	vpop (xrf0);
	(xrf0) =	vadd.scan.msk.s32 $0xffff, v29  }
0x8a: {  	v33 =	vsel vm2, $0x0, v19;
	[smem:$0x4A] =	sst s31;
	s13 =	spop (v2sf);
	(v2sf) =	vpush v30, $0xF;
	v32, _, _ =	vpop (xrf0);
	(xrf0) =	vadd.scan.msk.s32 $0xffff, v31  }
0x8b: {  	v35 =	vsel vm3, $0x0, v19;
	[smem:$0x4B] =	sst s13;
	s14 =	spop (v2sf);
	(v2sf) =	vpush v32, $0xF;
	v34, _, _ =	vpop (xrf0);
	(xrf0) =	vadd.scan.msk.s32 $0xffff, v33  }
0x8c: {  	v37 =	vsel vm4, $0x0, v19;
	[smem:$0x4C] =	sst s14;
	s15 =	spop (v2sf);
	(v2sf) =	vpush v34, $0xF;
	v36, _, _ =	vpop (xrf0);
	(xrf0) =	vadd.scan.msk.s32 $0xffff, v35  }
0x8d: {  	v39 =	vsel vm5, $0x0, v19;
	[smem:$0x4D] =	sst s15;
	s16 =	spop (v2sf);
	(v2sf) =	vpush v36, $0xF;
	v38, _, _ =	vpop (xrf0);
	(xrf0) =	vadd.scan.msk.s32 $0xffff, v37  }
0x8e: {  	v41 =	vsel vm6, $0x0, v19;
	[smem:$0x4E] =	sst s16;
	s17 =	spop (v2sf);
	(v2sf) =	vpush v38, $0xF;
	v40, _, _ =	vpop (xrf0);
	(xrf0) =	vadd.scan.msk.s32 $0xffff, v39  }
0x8f: {  	v43 =	vsel vm7, $0x0, v19;
	[smem:$0x4F] =	sst s17;
	s18 =	spop (v2sf);
	(v2sf) =	vpush v40, $0xF;
	v42, _, _ =	vpop (xrf0);
	(xrf0) =	vadd.scan.msk.s32 $0xffff, v41  }
0x90: {  	v45 =	vsel vm8, $0x0, v19;
	[smem:$0x50] =	sst s18;
	s19 =	spop (v2sf);
	(v2sf) =	vpush v42, $0xF;
	v44, _, _ =	vpop (xrf0);
	(xrf0) =	vadd.scan.msk.s32 $0xffff, v43  }
0x91: {  	v47 =	vsel vm9, $0x0, v19;
	[smem:$0x51] =	sst s19;
	s20 =	spop (v2sf);
	(v2sf) =	vpush v44, $0xF;
	v46, _, _ =	vpop (xrf0);
	(xrf0) =	vadd.scan.msk.s32 $0xffff, v45  }
0x92: {  	v49 =	vsel vm10, $0x0, v19;
	[smem:$0x52] =	sst s20;
	s21 =	spop (v2sf);
	(v2sf) =	vpush v46, $0xF;
	v48, _, _ =	vpop (xrf0);
	(xrf0) =	vadd.scan.msk.s32 $0xffff, v47  }
0x93: {  	v51 =	vsel vm11, $0x0, v19;
	v52 =	vld [tilespmem:$0x70];
	[smem:$0x53] =	sst s21;
	s22 =	spop (v2sf);
	(v2sf) =	vpush v48, $0xF;
	v50, _, _ =	vpop (xrf0);
	(xrf0) =	vadd.scan.msk.s32 $0xffff, v49  }
0x94: {  	v54 =	vsel vm12, $0x0, v19;
	[smem:$0x54] =	sst s22;
	s23 =	spop (v2sf);
	(v2sf) =	vpush v50, $0xF;
	v53, _, _ =	vpop (xrf0);
	(xrf0) =	vadd.scan.msk.s32 $0xffff, v51  }
0x95: {  	v56 =	vsel vm13, $0x0, v19;
	[smem:$0x55] =	sst s23;
	s24 =	spop (v2sf);
	(v2sf) =	vpush v53, $0xF;
	v55, _, _ =	vpop (xrf0);
	(xrf0) =	vadd.scan.msk.s32 $0xffff, v54  }
0x96: {  	v58 =	vsel vm14, $0x0, v19;
	[smem:$0x56] =	sst s24;
	s25 =	spop (v2sf);
	(v2sf) =	vpush v55, $0xF;
	v57, _, _ =	vpop (xrf0);
	(xrf0) =	vadd.scan.msk.s32 $0xffff, v56  }
0x97: {  	v60 =	vsel vm15, $0x0, v19;
	[smem:$0x57] =	sst s25;
	s26 =	spop (v2sf);
	(v2sf) =	vpush v57, $0xF;
	v59, _, _ =	vpop (xrf0);
	(xrf0) =	vadd.scan.msk.s32 $0xffff, v58  }
0x98: {  	v62 =	vnsel vm0, $0x0, v52;
	[smem:$0x58] =	sst s26;
	s28 =	spop (v2sf);
	(v2sf) =	vpush v59, $0xF;
	v61, _, _ =	vpop (xrf0);
	(xrf0) =	vadd.scan.msk.s32 $0xffff, v60  }
0x99: {  	v4 =	vsel vm1, $0x0, v52;
	[smem:$0x59] =	sst s28;
	s29 =	spop (v2sf);
	(v2sf) =	vpush v61, $0xF;
	v63, _, _ =	vpop (xrf0);
	(xrf0) =	vadd.scan.msk.s32 $0xffff, v62  }
0x9a: {  	v6 =	vsel vm2, $0x0, v52;
	[smem:$0x5A] =	sst s29;
	s30 =	spop (v2sf);
	(v2sf) =	vpush v63, $0xF;
	v5, _, _ =	vpop (xrf0);
	(xrf0) =	vadd.scan.msk.s32 $0xffff, v4  }
0x9b: {  	v8 =	vsel vm3, $0x0, v52;
	[smem:$0x5B] =	sst s30;
	s31 =	spop (v2sf);
	(v2sf) =	vpush v5, $0xF;
	v7, _, _ =	vpop (xrf0);
	(xrf0) =	vadd.scan.msk.s32 $0xffff, v6  }
0x9c: {  	v10 =	vsel vm4, $0x0, v52;
	[smem:$0x5C] =	sst s31;
	s13 =	spop (v2sf);
	(v2sf) =	vpush v7, $0xF;
	v9, _, _ =	vpop (xrf0);
	(xrf0) =	vadd.scan.msk.s32 $0xffff, v8  }
0x9d: {  	v12 =	vsel vm5, $0x0, v52;
	[smem:$0x5D] =	sst s13;
	s14 =	spop (v2sf);
	(v2sf) =	vpush v9, $0xF;
	v11, _, _ =	vpop (xrf0);
	(xrf0) =	vadd.scan.msk.s32 $0xffff, v10  }
0x9e: {  	v14 =	vsel vm6, $0x0, v52;
	[smem:$0x5E] =	sst s14;
	s15 =	spop (v2sf);
	(v2sf) =	vpush v11, $0xF;
	v13, _, _ =	vpop (xrf0);
	(xrf0) =	vadd.scan.msk.s32 $0xffff, v12  }
0x9f: {  	v16 =	vsel vm7, $0x0, v52;
	[smem:$0x5F] =	sst s15;
	s16 =	spop (v2sf);
	(v2sf) =	vpush v13, $0xF;
	v15, _, _ =	vpop (xrf0);
	(xrf0) =	vadd.scan.msk.s32 $0xffff, v14  }
0xa0: {  	v18 =	vsel vm8, $0x0, v52;
	[smem:$0x60] =	sst s16;
	s17 =	spop (v2sf);
	(v2sf) =	vpush v15, $0xF;
	v17, _, _ =	vpop (xrf0);
	(xrf0) =	vadd.scan.msk.s32 $0xffff, v16  }
0xa1: {  	v20 =	vsel vm9, $0x0, v52;
	[smem:$0x61] =	sst s17;
	s18 =	spop (v2sf);
	(v2sf) =	vpush v17, $0xF;
	v19, _, _ =	vpop (xrf0);
	(xrf0) =	vadd.scan.msk.s32 $0xffff, v18  }
0xa2: {  	v22 =	vsel vm10, $0x0, v52;
	[smem:$0x62] =	sst s18;
	s19 =	spop (v2sf);
	(v2sf) =	vpush v19, $0xF;
	v21, _, _ =	vpop (xrf0);
	(xrf0) =	vadd.scan.msk.s32 $0xffff, v20  }
0xa3: {  	v24 =	vsel vm11, $0x0, v52;
	v25 =	vld [tilespmem:$0x80];
	[smem:$0x63] =	sst s19;
	s20 =	spop (v2sf);
	(v2sf) =	vpush v21, $0xF;
	v23, _, _ =	vpop (xrf0);
	(xrf0) =	vadd.scan.msk.s32 $0xffff, v22  }
0xa4: {  	v27 =	vsel vm12, $0x0, v52;
	[smem:$0x64] =	sst s20;
	s21 =	spop (v2sf);
	(v2sf) =	vpush v23, $0xF;
	v26, _, _ =	vpop (xrf0);
	(xrf0) =	vadd.scan.msk.s32 $0xffff, v24  }
0xa5: {  	v29 =	vsel vm13, $0x0, v52;
	[smem:$0x65] =	sst s21;
	s22 =	spop (v2sf);
	(v2sf) =	vpush v26, $0xF;
	v28, _, _ =	vpop (xrf0);
	(xrf0) =	vadd.scan.msk.s32 $0xffff, v27  }
0xa6: {  	v31 =	vsel vm14, $0x0, v52;
	[smem:$0x66] =	sst s22;
	s23 =	spop (v2sf);
	(v2sf) =	vpush v28, $0xF;
	v30, _, _ =	vpop (xrf0);
	(xrf0) =	vadd.scan.msk.s32 $0xffff, v29  }
0xa7: {  	v33 =	vsel vm15, $0x0, v52;
	[smem:$0x67] =	sst s23;
	s24 =	spop (v2sf);
	(v2sf) =	vpush v30, $0xF;
	v32, _, _ =	vpop (xrf0);
	(xrf0) =	vadd.scan.msk.s32 $0xffff, v31  }
0xa8: {  	v35 =	vnsel vm0, $0x0, v25;
	[smem:$0x68] =	sst s24;
	s25 =	spop (v2sf);
	(v2sf) =	vpush v32, $0xF;
	v34, _, _ =	vpop (xrf0);
	(xrf0) =	vadd.scan.msk.s32 $0xffff, v33  }
0xa9: {  	v37 =	vsel vm1, $0x0, v25;
	[smem:$0x69] =	sst s25;
	s26 =	spop (v2sf);
	(v2sf) =	vpush v34, $0xF;
	v36, _, _ =	vpop (xrf0);
	(xrf0) =	vadd.scan.msk.s32 $0xffff, v35  }
0xaa: {  	v39 =	vsel vm2, $0x0, v25;
	[smem:$0x6A] =	sst s26;
	s28 =	spop (v2sf);
	(v2sf) =	vpush v36, $0xF;
	v38, _, _ =	vpop (xrf0);
	(xrf0) =	vadd.scan.msk.s32 $0xffff, v37  }
0xab: {  	v41 =	vsel vm3, $0x0, v25;
	[smem:$0x6B] =	sst s28;
	s29 =	spop (v2sf);
	(v2sf) =	vpush v38, $0xF;
	v40, _, _ =	vpop (xrf0);
	(xrf0) =	vadd.scan.msk.s32 $0xffff, v39  }
0xac: {  	v43 =	vsel vm4, $0x0, v25;
	[smem:$0x6C] =	sst s29;
	s30 =	spop (v2sf);
	(v2sf) =	vpush v40, $0xF;
	v42, _, _ =	vpop (xrf0);
	(xrf0) =	vadd.scan.msk.s32 $0xffff, v41  }
0xad: {  	v45 =	vsel vm5, $0x0, v25;
	[smem:$0x6D] =	sst s30;
	s31 =	spop (v2sf);
	(v2sf) =	vpush v42, $0xF;
	v44, _, _ =	vpop (xrf0);
	(xrf0) =	vadd.scan.msk.s32 $0xffff, v43  }
0xae: {  	v47 =	vsel vm6, $0x0, v25;
	[smem:$0x6E] =	sst s31;
	s13 =	spop (v2sf);
	(v2sf) =	vpush v44, $0xF;
	v46, _, _ =	vpop (xrf0);
	(xrf0) =	vadd.scan.msk.s32 $0xffff, v45  }
0xaf: {  	v49 =	vsel vm7, $0x0, v25;
	[smem:$0x6F] =	sst s13;
	s14 =	spop (v2sf);
	(v2sf) =	vpush v46, $0xF;
	v48, _, _ =	vpop (xrf0);
	(xrf0) =	vadd.scan.msk.s32 $0xffff, v47  }
0xb0: {  	v51 =	vsel vm8, $0x0, v25;
	[smem:$0x70] =	sst s14;
	s15 =	spop (v2sf);
	(v2sf) =	vpush v48, $0xF;
	v50, _, _ =	vpop (xrf0);
	(xrf0) =	vadd.scan.msk.s32 $0xffff, v49  }
0xb1: {  	v53 =	vsel vm9, $0x0, v25;
	[smem:$0x71] =	sst s15;
	s16 =	spop (v2sf);
	(v2sf) =	vpush v50, $0xF;
	v52, _, _ =	vpop (xrf0);
	(xrf0) =	vadd.scan.msk.s32 $0xffff, v51  }
0xb2: {  	v55 =	vsel vm10, $0x0, v25;
	[smem:$0x72] =	sst s16;
	s17 =	spop (v2sf);
	(v2sf) =	vpush v52, $0xF;
	v54, _, _ =	vpop (xrf0);
	(xrf0) =	vadd.scan.msk.s32 $0xffff, v53  }
0xb3: {  	v57 =	vsel vm11, $0x0, v25;
	v58 =	vld [tilespmem:$0x90];
	[smem:$0x73] =	sst s17;
	s18 =	spop (v2sf);
	(v2sf) =	vpush v54, $0xF;
	v56, _, _ =	vpop (xrf0);
	(xrf0) =	vadd.scan.msk.s32 $0xffff, v55  }
0xb4: {  	v60 =	vsel vm12, $0x0, v25;
	[smem:$0x74] =	sst s18;
	s19 =	spop (v2sf);
	(v2sf) =	vpush v56, $0xF;
	v59, _, _ =	vpop (xrf0);
	(xrf0) =	vadd.scan.msk.s32 $0xffff, v57  }
0xb5: {  	v62 =	vsel vm13, $0x0, v25;
	[smem:$0x75] =	sst s19;
	s20 =	spop (v2sf);
	(v2sf) =	vpush v59, $0xF;
	v61, _, _ =	vpop (xrf0);
	(xrf0) =	vadd.scan.msk.s32 $0xffff, v60  }
0xb6: {  	v6 =	vsel vm14, $0x0, v25;
	[smem:$0x76] =	sst s20;
	s21 =	spop (v2sf);
	(v2sf) =	vpush v61, $0xF;
	v63, _, _ =	vpop (xrf0);
	(xrf0) =	vadd.scan.msk.s32 $0xffff, v62  }
0xb7: {  	v2 =	vsel vm15, $0x0, v25;
	[smem:$0x77] =	sst s21;
	s22 =	spop (v2sf);
	(v2sf) =	vpush v63, $0xF;
	v7, _, _ =	vpop (xrf0);
	(xrf0) =	vadd.scan.msk.s32 $0xffff, v6  }
0xb8: {  	v9 =	vnsel vm0, $0x0, v58;
	[smem:$0x78] =	sst s22;
	s23 =	spop (v2sf);
	(v2sf) =	vpush v7, $0xF;
	v8, _, _ =	vpop (xrf0);
	(xrf0) =	vadd.scan.msk.s32 $0xffff, v2  }
0xb9: {  	v11 =	vsel vm1, $0x0, v58;
	[smem:$0x79] =	sst s23;
	s24 =	spop (v2sf);
	(v2sf) =	vpush v8, $0xF;
	v10, _, _ =	vpop (xrf0);
	(xrf0) =	vadd.scan.msk.s32 $0xffff, v9  }
0xba: {  	v13 =	vsel vm2, $0x0, v58;
	[smem:$0x7A] =	sst s24;
	s25 =	spop (v2sf);
	(v2sf) =	vpush v10, $0xF;
	v12, _, _ =	vpop (xrf0);
	(xrf0) =	vadd.scan.msk.s32 $0xffff, v11  }
0xbb: {  	v15 =	vsel vm3, $0x0, v58;
	[smem:$0x7B] =	sst s25;
	s26 =	spop (v2sf);
	(v2sf) =	vpush v12, $0xF;
	v14, _, _ =	vpop (xrf0);
	(xrf0) =	vadd.scan.msk.s32 $0xffff, v13  }
0xbc: {  	v17 =	vsel vm4, $0x0, v58;
	[smem:$0x7C] =	sst s26;
	s28 =	spop (v2sf);
	(v2sf) =	vpush v14, $0xF;
	v16, _, _ =	vpop (xrf0);
	(xrf0) =	vadd.scan.msk.s32 $0xffff, v15  }
0xbd: {  	v19 =	vsel vm5, $0x0, v58;
	[smem:$0x7D] =	sst s28;
	s29 =	spop (v2sf);
	(v2sf) =	vpush v16, $0xF;
	v18, _, _ =	vpop (xrf0);
	(xrf0) =	vadd.scan.msk.s32 $0xffff, v17  }
0xbe: {  	v21 =	vsel vm6, $0x0, v58;
	[smem:$0x7E] =	sst s29;
	s30 =	spop (v2sf);
	(v2sf) =	vpush v18, $0xF;
	v20, _, _ =	vpop (xrf0);
	(xrf0) =	vadd.scan.msk.s32 $0xffff, v19  }
0xbf: {  	v23 =	vsel vm7, $0x0, v58;
	[smem:$0x7F] =	sst s30;
	s31 =	spop (v2sf);
	(v2sf) =	vpush v20, $0xF;
	v22, _, _ =	vpop (xrf0);
	(xrf0) =	vadd.scan.msk.s32 $0xffff, v21  }
0xc0: {  	v25 =	vsel vm8, $0x0, v58;
	[smem:$0x80] =	sst s31;
	s13 =	spop (v2sf);
	(v2sf) =	vpush v22, $0xF;
	v24, _, _ =	vpop (xrf0);
	(xrf0) =	vadd.scan.msk.s32 $0xffff, v23  }
0xc1: {  	v27 =	vsel vm9, $0x0, v58;
	[smem:$0x81] =	sst s13;
	s14 =	spop (v2sf);
	(v2sf) =	vpush v24, $0xF;
	v26, _, _ =	vpop (xrf0);
	(xrf0) =	vadd.scan.msk.s32 $0xffff, v25  }
0xc2: {  	v29 =	vsel vm10, $0x0, v58;
	[smem:$0x82] =	sst s14;
	s15 =	spop (v2sf);
	(v2sf) =	vpush v26, $0xF;
	v28, _, _ =	vpop (xrf0);
	(xrf0) =	vadd.scan.msk.s32 $0xffff, v27  }
0xc3: {  	v31 =	vsel vm11, $0x0, v58;
	[smem:$0x83] =	sst s15;
	s16 =	spop (v2sf);
	(v2sf) =	vpush v28, $0xF;
	v30, _, _ =	vpop (xrf0);
	(xrf0) =	vadd.scan.msk.s32 $0xffff, v29  }
0xc4: {  	v33 =	vsel vm12, $0x0, v58;
	[smem:$0x84] =	sst s16;
	s17 =	spop (v2sf);
	(v2sf) =	vpush v30, $0xF;
	v32, _, _ =	vpop (xrf0);
	(xrf0) =	vadd.scan.msk.s32 $0xffff, v31  }
0xc5: {  	[smem:$0x85] =	sst s17;
	s18 =	spop (v2sf);
	(v2sf) =	vpush v32, $0xF;
	v34, _, _ =	vpop (xrf0);
	(xrf0) =	vadd.scan.msk.s32 $0xffff, v33  }
0xc6: {  	[smem:$0x86] =	sst s18;
	s19 =	spop (v2sf);
	(v2sf) =	vpush v34, $0xF;
	v35, _, _ =	vpop (xrf0)  }
0xc7: {  	[smem:$0x87] =	sst s19;
	s20 =	spop (v2sf);
	(v2sf) =	vpush v35, $0xF;
	v36, _, _ =	vpop (xrf0)  }
0xc8: {  	[smem:$0x88] =	sst s20;
	s21 =	spop (v2sf);
	(v2sf) =	vpush v36, $0xF;
	v37, _, _ =	vpop (xrf0)  }
0xc9: {  	[smem:$0x89] =	sst s21;
	s22 =	spop (v2sf);
	(v2sf) =	vpush v37, $0xF;
	v38, _, _ =	vpop (xrf0)  }
0xca: {  	[smem:$0x8A] =	sst s22;
	s23 =	spop (v2sf);
	(v2sf) =	vpush v38, $0xF;
	v39, _, _ =	vpop (xrf0)  }
0xcb: {  	[smem:$0x8B] =	sst s23;
	s24 =	spop (v2sf);
	(v2sf) =	vpush v39, $0xF;
	v40, _, _ =	vpop (xrf0)  }
0xcc: {  	[smem:$0x8C] =	sst s24;
	s25 =	spop (v2sf);
	(v2sf) =	vpush v40, $0xF  }
0xcd: {  	[smem:$0x8D] =	sst s25;
	s26 =	spop (v2sf)  }
0xce: {  	[smem:$0x8E] =	sst s26;
	s28 =	spop (v2sf)  }
0xcf: {  	[smem:$0x8F] =	sst s28;
	s29 =	spop (v2sf)  }
0xd0: {  	[smem:$0x90] =	sst s29;
	s30 =	spop (v2sf)  }
0xd1: {  	[smem:$0x91] =	sst s30;
	s31 =	spop (v2sf)  }
0xd2: {  	[smem:$0x92] =	sst s31;
	s13 =	spop (v2sf)  }
0xd3: {  	[smem:$0x93] =	sst s13;
	s14 =	spop (v2sf)  }
0xd4: {  	[smem:$0x94] =	sst s14;
	s15 =	spop (v2sf)  }
0xd5: {  	[smem:$0x95] =	sst s15;
	s16 =	spop (v2sf)  }
0xd6: {  	v41 =	vsel vm13, $0x0, v58;
	[smem:$0x96] =	sst s16;
	s17 =	spop (v2sf)  }
0xd7: {  	(xrf0) =	vadd.scan.msk.s32 $0xffff, v41;
	[smem:$0x97] =	sst s17;
	s18 =	spop (v2sf)  }
0xd8: {  	[smem:$0x98] =	sst s18;
	s19 =	spop (v2sf)  }
0xd9: {  	[smem:$0x99] =	sst s19;
	s20 =	spop (v2sf)  }
0xda: {  	[smem:$0x9A] =	sst s20;
	s21 =	spop (v2sf)  }
0xdb: {  	[smem:$0x9B] =	sst s21;
	s22 =	spop (v2sf)  }
0xdc: {  	[smem:$0x9C] =	sst s22  }
0xdd: {  	v1, _, _ =	vpop (xrf0)  }
0xde: {  	v42 =	vld [tilespmem:$0xA0];
	_ =	sdelay $0x2  }
0xdf: {  	v43 =	vsel vm14, $0x0, v58  }
0xe0: {  	v0 =	vsel vm15, $0x0, v58;
	(xrf0) =	vadd.scan.msk.s32 $0xffff, v43  }
0xe1: {  	(xrf0) =	vadd.scan.msk.s32 $0xffff, v0;
	v44 =	vnsel vm0, $0x0, v42  }
0xe2: {  	v45 =	vsel vm1, $0x0, v42;
	(xrf0) =	vadd.scan.msk.s32 $0xffff, v44  }
0xe3: {  	v46 =	vsel vm2, $0x0, v42;
	(xrf0) =	vadd.scan.msk.s32 $0xffff, v45  }
0xe4: {  	v47 =	vsel vm3, $0x0, v42;
	(xrf0) =	vadd.scan.msk.s32 $0xffff, v46  }
0xe5: {  	v48 =	vsel vm4, $0x0, v42;
	(xrf0) =	vadd.scan.msk.s32 $0xffff, v47  }
0xe6: {  	(v2sf) =	vpush v1, $0xF;
	v50 =	vsel vm5, $0x0, v42;
	v49, _, _ =	vpop (xrf0);
	(xrf0) =	vadd.scan.msk.s32 $0xffff, v48  }
0xe7: {  	v52 =	vsel vm6, $0x0, v42;
	(v2sf) =	vpush v49, $0xF;
	v51, _, _ =	vpop (xrf0);
	(xrf0) =	vadd.scan.msk.s32 $0xffff, v50  }
0xe8: {  	v54 =	vsel vm7, $0x0, v42;
	(v2sf) =	vpush v51, $0xF;
	v53, _, _ =	vpop (xrf0);
	(xrf0) =	vadd.scan.msk.s32 $0xffff, v52  }
0xe9: {  	v56 =	vsel vm8, $0x0, v42;
	(v2sf) =	vpush v53, $0xF;
	v55, _, _ =	vpop (xrf0);
	(xrf0) =	vadd.scan.msk.s32 $0xffff, v54  }
0xea: {  	v58 =	vsel vm9, $0x0, v42;
	(v2sf) =	vpush v55, $0xF;
	v57, _, _ =	vpop (xrf0);
	(xrf0) =	vadd.scan.msk.s32 $0xffff, v56  }
0xeb: {  	v60 =	vsel vm10, $0x0, v42;
	(v2sf) =	vpush v57, $0xF;
	v59, _, _ =	vpop (xrf0);
	(xrf0) =	vadd.scan.msk.s32 $0xffff, v58  }
0xec: {  	v63 =	vld [tilespmem:$0xB0];
	v62 =	vsel vm11, $0x0, v42;
	(v2sf) =	vpush v59, $0xF;
	v61, _, _ =	vpop (xrf0);
	(xrf0) =	vadd.scan.msk.s32 $0xffff, v60  }
0xed: {  	v6 =	vsel vm12, $0x0, v42;
	(v2sf) =	vpush v61, $0xF;
	v5, _, _ =	vpop (xrf0);
	(xrf0) =	vadd.scan.msk.s32 $0xffff, v62  }
0xee: {  	v8 =	vsel vm13, $0x0, v42;
	(v2sf) =	vpush v5, $0xF;
	v7, _, _ =	vpop (xrf0);
	(xrf0) =	vadd.scan.msk.s32 $0xffff, v6  }
0xef: {  	v10 =	vsel vm14, $0x0, v42;
	(v2sf) =	vpush v7, $0xF;
	v9, _, _ =	vpop (xrf0);
	(xrf0) =	vadd.scan.msk.s32 $0xffff, v8  }
0xf0: {  	v12 =	vsel vm15, $0x0, v42;
	(v2sf) =	vpush v9, $0xF;
	v11, _, _ =	vpop (xrf0);
	(xrf0) =	vadd.scan.msk.s32 $0xffff, v10  }
0xf1: {  	v14 =	vnsel vm0, $0x0, v63;
	(v2sf) =	vpush v11, $0xF;
	v13, _, _ =	vpop (xrf0);
	(xrf0) =	vadd.scan.msk.s32 $0xffff, v12  }
0xf2: {  	v16 =	vsel vm1, $0x0, v63;
	(v2sf) =	vpush v13, $0xF;
	v15, _, _ =	vpop (xrf0);
	(xrf0) =	vadd.scan.msk.s32 $0xffff, v14  }
0xf3: {  	v18 =	vsel vm2, $0x0, v63;
	(v2sf) =	vpush v15, $0xF;
	v17, _, _ =	vpop (xrf0);
	(xrf0) =	vadd.scan.msk.s32 $0xffff, v16  }
0xf4: {  	v20 =	vsel vm3, $0x0, v63;
	(v2sf) =	vpush v17, $0xF;
	v19, _, _ =	vpop (xrf0);
	(xrf0) =	vadd.scan.msk.s32 $0xffff, v18  }
0xf5: {  	v22 =	vsel vm4, $0x0, v63;
	s23 =	spop (v2sf);
	(v2sf) =	vpush v19, $0xF;
	v21, _, _ =	vpop (xrf0);
	(xrf0) =	vadd.scan.msk.s32 $0xffff, v20  }
0xf6: {  	v24 =	vsel vm5, $0x0, v63;
	[smem:$0x9D] =	sst s23;
	s24 =	spop (v2sf);
	(v2sf) =	vpush v21, $0xF;
	v23, _, _ =	vpop (xrf0);
	(xrf0) =	vadd.scan.msk.s32 $0xffff, v22  }
0xf7: {  	v26 =	vsel vm6, $0x0, v63;
	[smem:$0x9E] =	sst s24;
	s25 =	spop (v2sf);
	(v2sf) =	vpush v23, $0xF;
	v25, _, _ =	vpop (xrf0);
	(xrf0) =	vadd.scan.msk.s32 $0xffff, v24  }
0xf8: {  	v28 =	vsel vm7, $0x0, v63;
	[smem:$0x9F] =	sst s25;
	s26 =	spop (v2sf);
	(v2sf) =	vpush v25, $0xF;
	v27, _, _ =	vpop (xrf0);
	(xrf0) =	vadd.scan.msk.s32 $0xffff, v26  }
0xf9: {  	v30 =	vsel vm8, $0x0, v63;
	[smem:$0xA0] =	sst s26;
	s28 =	spop (v2sf);
	(v2sf) =	vpush v27, $0xF;
	v29, _, _ =	vpop (xrf0);
	(xrf0) =	vadd.scan.msk.s32 $0xffff, v28  }
0xfa: {  	v32 =	vsel vm9, $0x0, v63;
	[smem:$0xA1] =	sst s28;
	s29 =	spop (v2sf);
	(v2sf) =	vpush v29, $0xF;
	v31, _, _ =	vpop (xrf0);
	(xrf0) =	vadd.scan.msk.s32 $0xffff, v30  }
0xfb: {  	v34 =	vsel vm10, $0x0, v63;
	[smem:$0xA2] =	sst s29;
	s30 =	spop (v2sf);
	(v2sf) =	vpush v31, $0xF;
	v33, _, _ =	vpop (xrf0);
	(xrf0) =	vadd.scan.msk.s32 $0xffff, v32  }
0xfc: {  	v37 =	vld [tilespmem:$0xC0];
	v36 =	vsel vm11, $0x0, v63;
	[smem:$0xA3] =	sst s30;
	s31 =	spop (v2sf);
	(v2sf) =	vpush v33, $0xF;
	v35, _, _ =	vpop (xrf0);
	(xrf0) =	vadd.scan.msk.s32 $0xffff, v34  }
0xfd: {  	v39 =	vsel vm12, $0x0, v63;
	[smem:$0xA4] =	sst s31;
	s13 =	spop (v2sf);
	(v2sf) =	vpush v35, $0xF;
	v38, _, _ =	vpop (xrf0);
	(xrf0) =	vadd.scan.msk.s32 $0xffff, v36  }
0xfe: {  	v41 =	vsel vm13, $0x0, v63;
	[smem:$0xA5] =	sst s13;
	s14 =	spop (v2sf);
	(v2sf) =	vpush v38, $0xF;
	v40, _, _ =	vpop (xrf0);
	(xrf0) =	vadd.scan.msk.s32 $0xffff, v39  }
0xff: {  	v43 =	vsel vm14, $0x0, v63;
	[smem:$0xA6] =	sst s14;
	s15 =	spop (v2sf);
	(v2sf) =	vpush v40, $0xF;
	v42, _, _ =	vpop (xrf0);
	(xrf0) =	vadd.scan.msk.s32 $0xffff, v41  }
0x100: {  	v45 =	vsel vm15, $0x0, v63;
	[smem:$0xA7] =	sst s15;
	s16 =	spop (v2sf);
	(v2sf) =	vpush v42, $0xF;
	v44, _, _ =	vpop (xrf0);
	(xrf0) =	vadd.scan.msk.s32 $0xffff, v43  }
0x101: {  	v47 =	vnsel vm0, $0x0, v37;
	[smem:$0xA8] =	sst s16;
	s17 =	spop (v2sf);
	(v2sf) =	vpush v44, $0xF;
	v46, _, _ =	vpop (xrf0);
	(xrf0) =	vadd.scan.msk.s32 $0xffff, v45  }
0x102: {  	v49 =	vsel vm1, $0x0, v37;
	[smem:$0xA9] =	sst s17;
	s18 =	spop (v2sf);
	(v2sf) =	vpush v46, $0xF;
	v48, _, _ =	vpop (xrf0);
	(xrf0) =	vadd.scan.msk.s32 $0xffff, v47  }
0x103: {  	v51 =	vsel vm2, $0x0, v37;
	[smem:$0xAA] =	sst s18;
	s19 =	spop (v2sf);
	(v2sf) =	vpush v48, $0xF;
	v50, _, _ =	vpop (xrf0);
	(xrf0) =	vadd.scan.msk.s32 $0xffff, v49  }
0x104: {  	v53 =	vsel vm3, $0x0, v37;
	[smem:$0xAB] =	sst s19;
	s20 =	spop (v2sf);
	(v2sf) =	vpush v50, $0xF;
	v52, _, _ =	vpop (xrf0);
	(xrf0) =	vadd.scan.msk.s32 $0xffff, v51  }
0x105: {  	v55 =	vsel vm4, $0x0, v37;
	[smem:$0xAC] =	sst s20;
	s21 =	spop (v2sf);
	(v2sf) =	vpush v52, $0xF;
	v54, _, _ =	vpop (xrf0);
	(xrf0) =	vadd.scan.msk.s32 $0xffff, v53  }
0x106: {  	v57 =	vsel vm5, $0x0, v37;
	[smem:$0xAD] =	sst s21;
	s22 =	spop (v2sf);
	(v2sf) =	vpush v54, $0xF;
	v56, _, _ =	vpop (xrf0);
	(xrf0) =	vadd.scan.msk.s32 $0xffff, v55  }
0x107: {  	v59 =	vsel vm6, $0x0, v37;
	[smem:$0xAE] =	sst s22;
	s23 =	spop (v2sf);
	(v2sf) =	vpush v56, $0xF;
	v58, _, _ =	vpop (xrf0);
	(xrf0) =	vadd.scan.msk.s32 $0xffff, v57  }
0x108: {  	v61 =	vsel vm7, $0x0, v37;
	[smem:$0xAF] =	sst s23;
	s24 =	spop (v2sf);
	(v2sf) =	vpush v58, $0xF;
	v60, _, _ =	vpop (xrf0);
	(xrf0) =	vadd.scan.msk.s32 $0xffff, v59  }
0x109: {  	v63 =	vsel vm8, $0x0, v37;
	[smem:$0xB0] =	sst s24;
	s25 =	spop (v2sf);
	(v2sf) =	vpush v60, $0xF;
	v62, _, _ =	vpop (xrf0);
	(xrf0) =	vadd.scan.msk.s32 $0xffff, v61  }
0x10a: {  	v5 =	vsel vm9, $0x0, v37;
	[smem:$0xB1] =	sst s25;
	s26 =	spop (v2sf);
	(v2sf) =	vpush v62, $0xF;
	v4, _, _ =	vpop (xrf0);
	(xrf0) =	vadd.scan.msk.s32 $0xffff, v63  }
0x10b: {  	v7 =	vsel vm10, $0x0, v37;
	[smem:$0xB2] =	sst s26;
	s28 =	spop (v2sf);
	(v2sf) =	vpush v4, $0xF;
	v6, _, _ =	vpop (xrf0);
	(xrf0) =	vadd.scan.msk.s32 $0xffff, v5  }
0x10c: {  	v9 =	vsel vm11, $0x0, v37;
	v10 =	vld [tilespmem:$0xD0];
	[smem:$0xB3] =	sst s28;
	s29 =	spop (v2sf);
	(v2sf) =	vpush v6, $0xF;
	v8, _, _ =	vpop (xrf0);
	(xrf0) =	vadd.scan.msk.s32 $0xffff, v7  }
0x10d: {  	v12 =	vsel vm12, $0x0, v37;
	[smem:$0xB4] =	sst s29;
	s30 =	spop (v2sf);
	(v2sf) =	vpush v8, $0xF;
	v11, _, _ =	vpop (xrf0);
	(xrf0) =	vadd.scan.msk.s32 $0xffff, v9  }
0x10e: {  	v14 =	vsel vm13, $0x0, v37;
	[smem:$0xB5] =	sst s30;
	s31 =	spop (v2sf);
	(v2sf) =	vpush v11, $0xF;
	v13, _, _ =	vpop (xrf0);
	(xrf0) =	vadd.scan.msk.s32 $0xffff, v12  }
0x10f: {  	v16 =	vsel vm14, $0x0, v37;
	[smem:$0xB6] =	sst s31;
	s13 =	spop (v2sf);
	(v2sf) =	vpush v13, $0xF;
	v15, _, _ =	vpop (xrf0);
	(xrf0) =	vadd.scan.msk.s32 $0xffff, v14  }
0x110: {  	v18 =	vsel vm15, $0x0, v37;
	[smem:$0xB7] =	sst s13;
	s14 =	spop (v2sf);
	(v2sf) =	vpush v15, $0xF;
	v17, _, _ =	vpop (xrf0);
	(xrf0) =	vadd.scan.msk.s32 $0xffff, v16  }
0x111: {  	v20 =	vnsel vm0, $0x0, v10;
	[smem:$0xB8] =	sst s14;
	s15 =	spop (v2sf);
	(v2sf) =	vpush v17, $0xF;
	v19, _, _ =	vpop (xrf0);
	(xrf0) =	vadd.scan.msk.s32 $0xffff, v18  }
0x112: {  	v22 =	vsel vm1, $0x0, v10;
	[smem:$0xB9] =	sst s15;
	s16 =	spop (v2sf);
	(v2sf) =	vpush v19, $0xF;
	v21, _, _ =	vpop (xrf0);
	(xrf0) =	vadd.scan.msk.s32 $0xffff, v20  }
0x113: {  	v24 =	vsel vm2, $0x0, v10;
	[smem:$0xBA] =	sst s16;
	s17 =	spop (v2sf);
	(v2sf) =	vpush v21, $0xF;
	v23, _, _ =	vpop (xrf0);
	(xrf0) =	vadd.scan.msk.s32 $0xffff, v22  }
0x114: {  	v26 =	vsel vm3, $0x0, v10;
	[smem:$0xBB] =	sst s17;
	s18 =	spop (v2sf);
	(v2sf) =	vpush v23, $0xF;
	v25, _, _ =	vpop (xrf0);
	(xrf0) =	vadd.scan.msk.s32 $0xffff, v24  }
0x115: {  	v28 =	vsel vm4, $0x0, v10;
	[smem:$0xBC] =	sst s18;
	s19 =	spop (v2sf);
	(v2sf) =	vpush v25, $0xF;
	v27, _, _ =	vpop (xrf0);
	(xrf0) =	vadd.scan.msk.s32 $0xffff, v26  }
0x116: {  	v30 =	vsel vm5, $0x0, v10;
	[smem:$0xBD] =	sst s19;
	s20 =	spop (v2sf);
	(v2sf) =	vpush v27, $0xF;
	v29, _, _ =	vpop (xrf0);
	(xrf0) =	vadd.scan.msk.s32 $0xffff, v28  }
0x117: {  	v32 =	vsel vm6, $0x0, v10;
	[smem:$0xBE] =	sst s20;
	s21 =	spop (v2sf);
	(v2sf) =	vpush v29, $0xF;
	v31, _, _ =	vpop (xrf0);
	(xrf0) =	vadd.scan.msk.s32 $0xffff, v30  }
0x118: {  	v34 =	vsel vm7, $0x0, v10;
	[smem:$0xBF] =	sst s21;
	s22 =	spop (v2sf);
	(v2sf) =	vpush v31, $0xF;
	v33, _, _ =	vpop (xrf0);
	(xrf0) =	vadd.scan.msk.s32 $0xffff, v32  }
0x119: {  	v36 =	vsel vm8, $0x0, v10;
	[smem:$0xC0] =	sst s22;
	s23 =	spop (v2sf);
	(v2sf) =	vpush v33, $0xF;
	v35, _, _ =	vpop (xrf0);
	(xrf0) =	vadd.scan.msk.s32 $0xffff, v34  }
0x11a: {  	v38 =	vsel vm9, $0x0, v10;
	[smem:$0xC1] =	sst s23;
	s24 =	spop (v2sf);
	(v2sf) =	vpush v35, $0xF;
	v37, _, _ =	vpop (xrf0);
	(xrf0) =	vadd.scan.msk.s32 $0xffff, v36  }
0x11b: {  	v40 =	vsel vm10, $0x0, v10;
	[smem:$0xC2] =	sst s24;
	s25 =	spop (v2sf);
	(v2sf) =	vpush v37, $0xF;
	v39, _, _ =	vpop (xrf0);
	(xrf0) =	vadd.scan.msk.s32 $0xffff, v38  }
0x11c: {  	v42 =	vsel vm11, $0x0, v10;
	v43 =	vld [tilespmem:$0xE0];
	[smem:$0xC3] =	sst s25;
	s26 =	spop (v2sf);
	(v2sf) =	vpush v39, $0xF;
	v41, _, _ =	vpop (xrf0);
	(xrf0) =	vadd.scan.msk.s32 $0xffff, v40  }
0x11d: {  	v45 =	vsel vm12, $0x0, v10;
	[smem:$0xC4] =	sst s26;
	s28 =	spop (v2sf);
	(v2sf) =	vpush v41, $0xF;
	v44, _, _ =	vpop (xrf0);
	(xrf0) =	vadd.scan.msk.s32 $0xffff, v42  }
0x11e: {  	v47 =	vsel vm13, $0x0, v10;
	[smem:$0xC5] =	sst s28;
	s29 =	spop (v2sf);
	(v2sf) =	vpush v44, $0xF;
	v46, _, _ =	vpop (xrf0);
	(xrf0) =	vadd.scan.msk.s32 $0xffff, v45  }
0x11f: {  	v49 =	vsel vm14, $0x0, v10;
	[smem:$0xC6] =	sst s29;
	s30 =	spop (v2sf);
	(v2sf) =	vpush v46, $0xF;
	v48, _, _ =	vpop (xrf0);
	(xrf0) =	vadd.scan.msk.s32 $0xffff, v47  }
0x120: {  	v51 =	vsel vm15, $0x0, v10;
	[smem:$0xC7] =	sst s30;
	s31 =	spop (v2sf);
	(v2sf) =	vpush v48, $0xF;
	v50, _, _ =	vpop (xrf0);
	(xrf0) =	vadd.scan.msk.s32 $0xffff, v49  }
0x121: {  	v53 =	vnsel vm0, $0x0, v43;
	[smem:$0xC8] =	sst s31;
	s13 =	spop (v2sf);
	(v2sf) =	vpush v50, $0xF;
	v52, _, _ =	vpop (xrf0);
	(xrf0) =	vadd.scan.msk.s32 $0xffff, v51  }
0x122: {  	v55 =	vsel vm1, $0x0, v43;
	[smem:$0xC9] =	sst s13;
	s14 =	spop (v2sf);
	(v2sf) =	vpush v52, $0xF;
	v54, _, _ =	vpop (xrf0);
	(xrf0) =	vadd.scan.msk.s32 $0xffff, v53  }
0x123: {  	v57 =	vsel vm2, $0x0, v43;
	[smem:$0xCA] =	sst s14;
	s15 =	spop (v2sf);
	(v2sf) =	vpush v54, $0xF;
	v56, _, _ =	vpop (xrf0);
	(xrf0) =	vadd.scan.msk.s32 $0xffff, v55  }
0x124: {  	v59 =	vsel vm3, $0x0, v43;
	[smem:$0xCB] =	sst s15;
	s16 =	spop (v2sf);
	(v2sf) =	vpush v56, $0xF;
	v58, _, _ =	vpop (xrf0);
	(xrf0) =	vadd.scan.msk.s32 $0xffff, v57  }
0x125: {  	v61 =	vsel vm4, $0x0, v43;
	[smem:$0xCC] =	sst s16;
	s17 =	spop (v2sf);
	(v2sf) =	vpush v58, $0xF;
	v60, _, _ =	vpop (xrf0);
	(xrf0) =	vadd.scan.msk.s32 $0xffff, v59  }
0x126: {  	v63 =	vsel vm5, $0x0, v43;
	[smem:$0xCD] =	sst s17;
	s18 =	spop (v2sf);
	(v2sf) =	vpush v60, $0xF;
	v62, _, _ =	vpop (xrf0);
	(xrf0) =	vadd.scan.msk.s32 $0xffff, v61  }
0x127: {  	v5 =	vsel vm6, $0x0, v43;
	[smem:$0xCE] =	sst s18;
	s19 =	spop (v2sf);
	(v2sf) =	vpush v62, $0xF;
	v4, _, _ =	vpop (xrf0);
	(xrf0) =	vadd.scan.msk.s32 $0xffff, v63  }
0x128: {  	v7 =	vsel vm7, $0x0, v43;
	[smem:$0xCF] =	sst s19;
	s20 =	spop (v2sf);
	(v2sf) =	vpush v4, $0xF;
	v6, _, _ =	vpop (xrf0);
	(xrf0) =	vadd.scan.msk.s32 $0xffff, v5  }
0x129: {  	v9 =	vsel vm8, $0x0, v43;
	[smem:$0xD0] =	sst s20;
	s21 =	spop (v2sf);
	(v2sf) =	vpush v6, $0xF;
	v8, _, _ =	vpop (xrf0);
	(xrf0) =	vadd.scan.msk.s32 $0xffff, v7  }
0x12a: {  	v11 =	vsel vm9, $0x0, v43;
	[smem:$0xD1] =	sst s21;
	s22 =	spop (v2sf);
	(v2sf) =	vpush v8, $0xF;
	v10, _, _ =	vpop (xrf0);
	(xrf0) =	vadd.scan.msk.s32 $0xffff, v9  }
0x12b: {  	v13 =	vsel vm10, $0x0, v43;
	[smem:$0xD2] =	sst s22;
	s23 =	spop (v2sf);
	(v2sf) =	vpush v10, $0xF;
	v12, _, _ =	vpop (xrf0);
	(xrf0) =	vadd.scan.msk.s32 $0xffff, v11  }
0x12c: {  	v15 =	vsel vm11, $0x0, v43;
	v16 =	vld [tilespmem:$0xF0];
	[smem:$0xD3] =	sst s23;
	s24 =	spop (v2sf);
	(v2sf) =	vpush v12, $0xF;
	v14, _, _ =	vpop (xrf0);
	(xrf0) =	vadd.scan.msk.s32 $0xffff, v13  }
0x12d: {  	v18 =	vsel vm12, $0x0, v43;
	[smem:$0xD4] =	sst s24;
	s25 =	spop (v2sf);
	(v2sf) =	vpush v14, $0xF;
	v17, _, _ =	vpop (xrf0);
	(xrf0) =	vadd.scan.msk.s32 $0xffff, v15  }
0x12e: {  	v20 =	vsel vm13, $0x0, v43;
	[smem:$0xD5] =	sst s25;
	s26 =	spop (v2sf);
	(v2sf) =	vpush v17, $0xF;
	v19, _, _ =	vpop (xrf0);
	(xrf0) =	vadd.scan.msk.s32 $0xffff, v18  }
0x12f: {  	v22 =	vsel vm14, $0x0, v43;
	[smem:$0xD6] =	sst s26;
	s28 =	spop (v2sf);
	(v2sf) =	vpush v19, $0xF;
	v21, _, _ =	vpop (xrf0);
	(xrf0) =	vadd.scan.msk.s32 $0xffff, v20  }
0x130: {  	v24 =	vsel vm15, $0x0, v43;
	(v2sf) =	vpush v21, $0xF;
	v23, _, _ =	vpop (xrf0);
	(xrf0) =	vadd.scan.msk.s32 $0xffff, v22;
	[smem:$0xD7] =	sst s28;
	s29 =	spop (v2sf)  }
0x131: {  	v26 =	vnsel vm0, $0x0, v16;
	[smem:$0xD8] =	sst s29;
	s30 =	spop (v2sf);
	(v2sf) =	vpush v23, $0xF;
	v25, _, _ =	vpop (xrf0);
	(xrf0) =	vadd.scan.msk.s32 $0xffff, v24  }
0x132: {  	v28 =	vsel vm1, $0x0, v16;
	[smem:$0xD9] =	sst s30;
	s31 =	spop (v2sf);
	(v2sf) =	vpush v25, $0xF;
	v27, _, _ =	vpop (xrf0);
	(xrf0) =	vadd.scan.msk.s32 $0xffff, v26  }
0x133: {  	v30 =	vsel vm2, $0x0, v16;
	[smem:$0xDA] =	sst s31;
	s13 =	spop (v2sf);
	(v2sf) =	vpush v27, $0xF;
	v29, _, _ =	vpop (xrf0);
	(xrf0) =	vadd.scan.msk.s32 $0xffff, v28  }
0x134: {  	v32 =	vsel vm3, $0x0, v16;
	[smem:$0xDB] =	sst s13;
	s14 =	spop (v2sf);
	(v2sf) =	vpush v29, $0xF;
	v31, _, _ =	vpop (xrf0);
	(xrf0) =	vadd.scan.msk.s32 $0xffff, v30  }
0x135: {  	v34 =	vsel vm4, $0x0, v16;
	[smem:$0xDC] =	sst s14;
	s15 =	spop (v2sf);
	(v2sf) =	vpush v31, $0xF;
	v33, _, _ =	vpop (xrf0);
	(xrf0) =	vadd.scan.msk.s32 $0xffff, v32  }
0x136: {  	v36 =	vsel vm5, $0x0, v16;
	[smem:$0xDD] =	sst s15;
	s16 =	spop (v2sf);
	(v2sf) =	vpush v33, $0xF;
	v35, _, _ =	vpop (xrf0);
	(xrf0) =	vadd.scan.msk.s32 $0xffff, v34  }
0x137: {  	v38 =	vsel vm6, $0x0, v16;
	[smem:$0xDE] =	sst s16;
	s17 =	spop (v2sf);
	(v2sf) =	vpush v35, $0xF;
	v37, _, _ =	vpop (xrf0);
	(xrf0) =	vadd.scan.msk.s32 $0xffff, v36  }
0x138: {  	v40 =	vsel vm7, $0x0, v16;
	[smem:$0xDF] =	sst s17;
	s18 =	spop (v2sf);
	(v2sf) =	vpush v37, $0xF;
	v39, _, _ =	vpop (xrf0);
	(xrf0) =	vadd.scan.msk.s32 $0xffff, v38  }
0x139: {  	v42 =	vsel vm8, $0x0, v16;
	[smem:$0xE0] =	sst s18;
	s19 =	spop (v2sf);
	(v2sf) =	vpush v39, $0xF;
	v41, _, _ =	vpop (xrf0);
	(xrf0) =	vadd.scan.msk.s32 $0xffff, v40  }
0x13a: {  	v44 =	vsel vm9, $0x0, v16;
	[smem:$0xE1] =	sst s19;
	s20 =	spop (v2sf);
	(v2sf) =	vpush v41, $0xF;
	v43, _, _ =	vpop (xrf0);
	(xrf0) =	vadd.scan.msk.s32 $0xffff, v42  }
0x13b: {  	v46 =	vsel vm10, $0x0, v16;
	[smem:$0xE2] =	sst s20;
	s21 =	spop (v2sf);
	(v2sf) =	vpush v43, $0xF;
	v45, _, _ =	vpop (xrf0);
	(xrf0) =	vadd.scan.msk.s32 $0xffff, v44  }
0x13c: {  	v48 =	vsel vm11, $0x0, v16;
	[smem:$0xE3] =	sst s21;
	s22 =	spop (v2sf);
	(v2sf) =	vpush v45, $0xF;
	v47, _, _ =	vpop (xrf0);
	(xrf0) =	vadd.scan.msk.s32 $0xffff, v46  }
0x13d: {  	v50 =	vsel vm12, $0x0, v16;
	[smem:$0xE4] =	sst s22;
	s23 =	spop (v2sf);
	(v2sf) =	vpush v47, $0xF;
	v49, _, _ =	vpop (xrf0);
	(xrf0) =	vadd.scan.msk.s32 $0xffff, v48  }
0x13e: {  	v52 =	vsel vm13, $0x0, v16;
	[smem:$0xE5] =	sst s23;
	s24 =	spop (v2sf);
	(v2sf) =	vpush v49, $0xF;
	v51, _, _ =	vpop (xrf0);
	(xrf0) =	vadd.scan.msk.s32 $0xffff, v50  }
0x13f: {  	v54 =	vsel vm14, $0x0, v16;
	[smem:$0xE6] =	sst s24;
	s25 =	spop (v2sf);
	(v2sf) =	vpush v51, $0xF;
	v53, _, _ =	vpop (xrf0);
	(xrf0) =	vadd.scan.msk.s32 $0xffff, v52  }
0x140: {  	v56 =	vsel vm15, $0x0, v16;
	(v2sf) =	vpush v53, $0xF;
	v55, _, _ =	vpop (xrf0);
	(xrf0) =	vadd.scan.msk.s32 $0xffff, v54;
	s13 =	spop (v2sf);
	[smem:$0xE7] =	sst s25  }
0x141: {  	[smem:$0xE8] =	sst s13;
	s26 =	spop (v2sf);
	(v2sf) =	vpush v55, $0xF;
	v57, _, _ =	vpop (xrf0);
	(xrf0) =	vadd.scan.msk.s32 $0xffff, v56  }
0x142: {  	v58, _, _ =	vpop (xrf0);
	[smem:$0xE9] =	sst s26;
	s28 =	spop (v2sf);
	(v2sf) =	vpush v57, $0xF  }
0x143: {  	v59, _, _ =	vpop (xrf0);
	[smem:$0xEA] =	sst s28;
	s29 =	spop (v2sf);
	(v2sf) =	vpush v58, $0xF  }
0x144: {  	v60, _, _ =	vpop (xrf0);
	[smem:$0xEB] =	sst s29;
	s30 =	spop (v2sf);
	(v2sf) =	vpush v59, $0xF  }
0x145: {  	v61, _, _ =	vpop (xrf0);
	[smem:$0xEC] =	sst s30;
	s31 =	spop (v2sf);
	(v2sf) =	vpush v60, $0xF  }
0x146: {  	v62, _, _ =	vpop (xrf0);
	[smem:$0xED] =	sst s31;
	s13 =	spop (v2sf);
	(v2sf) =	vpush v61, $0xF  }
0x147: {  	[smem:$0xEE] =	sst s13;
	s14 =	spop (v2sf);
	(v2sf) =	vpush v62, $0xF;
	v63, _, _ =	vpop (xrf0)  }
0x148: {  	[smem:$0xEF] =	sst s14;
	s15 =	spop (v2sf);
	(v2sf) =	vpush v63, $0xF  }
0x149: {  	s16 =	spop (v2sf);
	[smem:$0xF0] =	sst s15  }
0x14a: {  	s17 =	spop (v2sf);
	[smem:$0xF1] =	sst s16  }
0x14b: {  	s18 =	spop (v2sf);
	[smem:$0xF2] =	sst s17  }
0x14c: {  	s19 =	spop (v2sf);
	[smem:$0xF3] =	sst s18  }
0x14d: {  	s20 =	spop (v2sf);
	[smem:$0xF4] =	sst s19  }
0x14e: {  	s21 =	spop (v2sf);
	[smem:$0xF5] =	sst s20  }
0x14f: {  	s22 =	spop (v2sf);
	[smem:$0xF6] =	sst s21  }
0x150: {  	s23 =	spop (v2sf);
	[smem:$0xF7] =	sst s22  }
0x151: {  	s24 =	spop (v2sf);
	[smem:$0xF8] =	sst s23  }
0x152: {  	s25 =	spop (v2sf);
	[smem:$0xF9] =	sst s24  }
0x153: {  	s26 =	spop (v2sf);
	[smem:$0xFA] =	sst s25  }
0x154: {  	s28 =	spop (v2sf);
	[smem:$0xFB] =	sst s26  }
0x155: {  	s29 =	spop (v2sf);
	[smem:$0xFC] =	sst s28  }
0x156: {  	s30 =	spop (v2sf);
	[smem:$0xFD] =	sst s29  }
0x157: {  	[smem:$0xFE] =	sst s30;
	s31 =	spop (v2sf)  }
0x158: {  	s12 =	simm.s32 $0xFFFF0000;
	s14 =	simm.s32 $0x0;
	[smem:$0xFF] =	sst s31  }
.LBB2_2:
0x159: {  	s13 =	smul.u32 $0xAB, s14;
	_ =	sdelay $0x1  }
0x15a: {  	s15 =	sshrl.u32 s13, $0x9  }
0x15b: {  	s15 =	sand.u32 $0x7F, s15  }
0x15c: {  	s15 =	smul.u32 $0x3, s15;
	_ =	sdelay $0x1  }
0x15d: {  	s15 =	ssub.s32 s14, s15  }
0x15e: {  	p1 =	slt.u32 s14, $0x3;
	s15 =	sand.u32 $0xFF, s15  }
0x15f: {  	s16 =	sadd.s32 @!p1 $0x4, s15  }
0x160: {  	p0 =	sgt.u32 @!p1 s14, $0x1F;
	_ =	swait.ge @!p1 [sflag:s16], $0x8000  }
0x161: {  	p0 =	por p1, !p0;
	[sflag:s16] =	ssyncset.done @!p1 $0x0  }
0x162: {  	[sflag:s16] =	ssyncadd.s32 @!p1 $0xFFFF8000;
	s16 =	sshrl.u32 @p0 s14, $0x2  }
0x163: {  	s16 =	sld @p0 [smem:s6+s16];
	_ =	sdelay $0x1  }
0x164: {  	s17 =	sshll.u32 @p0 s14, $0xF  }
0x165: {  	s18 =	sadd.s32 @p0 $0x10000, s12;
	s17 =	sand.u32 @p0 $0x60000, s17;
	s16 =	sshll.u32 @p0 s16, $0x13  }
0x166: {  	s16 =	sor.u32 @p0 s17, s16;
	s17 =	sand.u32 @p0 $0x18000, s18  }
0x167: {  	p1 =	slt.u32 @p0 s14, $0x2;
	s16 =	sor.u32 @p0 s17, s16  }
0x168: {  	s18 =	simm.s32 @p0 $0x0;
	s17 =	sshll.u32 @p0 s15, $0xF;
	s16 =	sshrl.u32 @p0 s16, $0x3  }
0x169: {  	s15 =	sadd.s32 @p0 $0x1, s15;
	s17 =	sor.u32 @p0 $0x100, s17;
	s16 =	sadd.s32 @p0 s1, s16  }
0x16a: {  	[tilespmem:s17], [sflag:s15] =	stream.linear.gather @p0 [hbm4b:s16+s18], $0x8000, $0x38;
	[tilespmem:$0x18100] =	vst v63  }
0x16b: {  	p0 =	por !p0, !p1  }
0x16c: {  	s13 =	sadd.s32 @p0 $0xAB, s13  }
0x16d: {  	s13 =	sshrl.u32 @p0 s13, $0x9  }
0x16e: {  	s13 =	sand.u32 @p0 $0x7F, s13  }
0x16f: {  	s13 =	smul.u32 @p0 $0x3, s13  }
0x170: {  	s14 =	sadd.s32 $0x1, s14  }
0x171: {  	s13 =	ssub.s32 @p0 s14, s13  }
0x172: {  	s13 =	sand.u32 @p0 $0xFF, s13  }
0x173: {  	s16 =	sadd.s32 @p0 s12, s8;
	s15 =	sadd.s32 @p0 $0x1, s13  }
0x174: {  	s17 =	sand.u32 @p0 $0x78000, s12;
	s16 =	sand.u32 @p0 $0xFFF80000, s16;
	_ =	swait.ge @p0 [sflag:s15], $0x8000  }
0x175: {  	s16 =	sor.u32 @p0 s16, s17;
	[sflag:s15] =	ssyncset.done @p0 $0x0  }
0x176: {  	s16 =	sshrl.u32 @p0 s16, $0x3;
	[sflag:s15] =	ssyncadd.s32 @p0 $0xFFFF8000;
	s15 =	sshll.u32 @p0 s13, $0xF  }
0x177: {  	s16 =	sadd.s32 @p0 s2, s16;
	s13 =	sadd.s32 @p0 $0x4, s13;
	s15 =	sor.u32 @p0 $0x100, s15  }
0x178: {  	[hbm4b:s16+s3] =	stream.linear.scatter @p0 [tilespmem:s15], [sflag:s13], $0x8000, $0x38;
	[tilespmem:$0x18100] =	vst v63  }
0x179: {  	p0 =	sne.s32 s14, $0x22  }
.Ltmp0:
0x17a: {  	_ = 	snop;
	(pc) =	sbr.rel @p0 .LBB2_2-.Ltmp0, $2  }
0x17b: {  	_ =	sdelay $0x2  }
0x17c: {  	s12 =	sadd.s32 $0x8000, s12  }
0x17d: {  	s11 =	sadd.s32 $0x1, s11  }
0x17e: {  	p0 =	sne.s32 s11, s7  }
.Ltmp1:
0x17f: {  	_ = 	snop;
	(pc) =	sbr.rel @p0 .LBB2_1-.Ltmp1, $4  }
0x180: {  	_ = 	snop  }
0x181: {  	_ =	swait.ge [sflag:s10], $0x8000  }
0x182: {  	[sflag:s10] =	ssyncset.done $0x0  }
0x183: {  	[sflag:s10] =	ssyncadd.s32 $0xFFFF8000  }
0x184: {  	_ =	sfence.sel $0x180000  }
0x185: {  	[bflag:$0x0] =	sbarrier.arrive $0xFFFF  }
0x186: {  	p0 =	sne.s32 s4, $0x0;
	_ =	strace $0x90000047  }
0x187: {  	s0 =	sadd.s32 @!p0 $0x100000, s0;
	[bflag:$0x2] =	sbarrier.arrive $0xFFFF  }
0x188: {  	[sflag:s0] =	ssyncadd.tile.s32 @!p0 $0x1;
	_ =	shalt  }
.Lfunc_end2:
_tile_overlayer_lowered:
.L_overlay_start_2:
0x189: {  	(tag) =	ssettag $0x2  }
0x18a: {  	s0 =	rddreg [dreg:$0x0];
	s2 =	stileid.u32  }
0x18b: {  	s1 =	rddreg [dreg:$0x1];
	p0 =	sne.s32 s2, $0x0  }
0x18c: {  	s3 =	rddreg [dreg:$0x2];
	[bflag:$0x3] =	sbarrier.arrive $0xFFFF;
	s2 =	simm.s32 @!p0 $0x1C07  }
0x18d: {  	[timem:s3], [sflag:s2] =	dma.local @!p0 [hbm:s0], s1  }
0x18e: {  	s0 =	simm.s32 @!p0 $0x7  }
0x18f: {  	_ =	swait.ge @!p0 [sflag:s0], s1  }
0x190: {  	s1 =	ssub.s32 @!p0 $0x0, s1;
	[sflag:s0] =	ssyncset.done @!p0 $0x0  }
0x191: {  	[sflag:s0] =	ssyncadd.s32 @!p0 s1  }
0x192: {  	[bflag:$0x3] =	sbarrier.arrive $0xFFFF  }
0x193: {  	_ =	shalt  }

</sc_bundles>
